<compile_context>
chip_gen: v7x
topology: tpu7x:2x2x1
jax: 0.10.2.dev20260603
libtpu: 0.0.44.dev20260713+nightly
codegen_flags: <defaults>
</compile_context>

<pallas_src>
import functools

import jax
import jax.numpy as jnp
from jax import lax
from jax.experimental import pallas as pl
from jax.experimental.pallas import tpu as pltpu
from jax.experimental.pallas import tpu_sc as plsc


@functools.lru_cache(maxsize=None)
def _make_embed(B, D, V):
    info = plsc.get_sparse_core_info()
    NC, NS = info.num_cores, info.num_subcores
    L = info.num_lanes
    NW = NC * NS
    b_per_w = B // NW
    C = 32
    n_chunks = b_per_w // C
    SEC = 128
    NG = SEC // L
    mesh = plsc.VectorSubcoreMesh(core_axis_name="c", subcore_axis_name="s")

    @functools.partial(
        pl.kernel,
        mesh=mesh,
        compiler_params=pltpu.CompilerParams(needs_layout_passes=False),
        out_type=jax.ShapeDtypeStruct((B, D), jnp.float32),
        scratch_types=[
            pltpu.VMEM((V * D,), jnp.float32),
            pltpu.VMEM((b_per_w,), jnp.int32),
            pltpu.VMEM((2, C, D), jnp.float32),
            pltpu.VMEM((C * 16,), jnp.int32),
            pltpu.SemaphoreType.DMA,
            pltpu.SemaphoreType.DMA,
        ],
    )
    def k(flat_hbm, idx_hbm, out_hbm, tbl_v, idx_v, rows_v, spl_v, w0, w1):
        wid = lax.axis_index("s") * NC + lax.axis_index("c")
        base = wid * b_per_w
        wsem = [w0, w1]
        pltpu.sync_copy(flat_hbm, tbl_v)
        pltpu.sync_copy(idx_hbm.at[pl.ds(base, b_per_w)], idx_v)

        def assemble(i, b):
            @plsc.parallel_loop(0, C, step=1, unroll=4)
            def splat_body(j):
                spl_v[pl.ds(j * L, L)] = plsc.load_gather(
                    idx_v, [jnp.full((L,), i * C + j, jnp.int32)]
                )

            for sec in range(D // SEC):
                tsec = [
                    [
                        tbl_v[pl.ds(r * D + sec * SEC + g * L, L)]
                        for g in range(NG)
                    ]
                    for r in range(V)
                ]

                @plsc.parallel_loop(0, C, step=1, unroll=2)
                def row_body(j):
                    spl = spl_v[pl.ds(j * L, L)]
                    for g in range(NG):
                        v = tsec[V - 1][g]
                        for r in range(V - 2, -1, -1):
                            v = jnp.where(spl == r, tsec[r][g], v)
                        rows_v[b, j, pl.ds(sec * SEC + g * L, L)] = v

        @pl.loop(0, n_chunks, step=2)
        def chunk_loop(i0):
            for b in range(2):
                i = i0 + b

                @pl.when(i >= 2)
                def _():
                    pltpu.make_async_copy(
                        rows_v.at[b], out_hbm.at[pl.ds(0, C)], wsem[b]
                    ).wait()

                assemble(i, b)
                pltpu.async_copy(
                    rows_v.at[b],
                    out_hbm.at[pl.ds(base + i * C, C)],
                    wsem[b],
                )

        for b in range(2):
            pltpu.make_async_copy(
                rows_v.at[b], out_hbm.at[pl.ds(0, C)], wsem[b]
            ).wait()

    return k


def kernel(segment_ids, table):
    B = segment_ids.shape[0] * segment_ids.shape[1]
    V, D = table.shape
    idx_flat = segment_ids.reshape(B).astype(jnp.int32)
    out = _make_embed(B, D, V)(table.reshape(V * D), idx_flat)
    return out.reshape(segment_ids.shape + (D,))

# --- scband reference (transcript-rebuilt; emitter-appended) ---
"""Pipeline reference for scband-segment-embedding-76364518522989 (READ-ONLY COPY).

The authoritative reference and input builder live on the scoring server;
editing this copy changes nothing except your own understanding.
"""

import jax, jax.numpy as jnp
import numpy as np

NUM_SEGMENTS = 4
D_MODEL = 1024

def setup_inputs(seed: int = 0) -> dict:
    key = jax.random.key(seed)
    k1, k2 = jax.random.split(key)
    segment_ids = jax.random.randint(k1, (4, 4096), 0, NUM_SEGMENTS, dtype=jnp.int64 if jax.config.jax_enable_x64 else jnp.int32)
    table = jax.random.normal(k2, (NUM_SEGMENTS, D_MODEL), dtype=jnp.float32)
    return {"segment_ids": segment_ids, "table": table}

def reference(segment_ids, table):
    # nn.Embedding forward: row gather from the embedding table
    return jnp.take(table, segment_ids, axis=0)

if __name__ == "__main__":
    import jax
    _d = setup_inputs()
    print(jax.jit(kernel)(*tuple(_d.values())))

</pallas_src>

<mosaic_0001>
#map = affine_map<(d0, d1) -> (0)>
#map1 = affine_map<(d0, d1) -> (0, 0)>
module attributes {stable_mosaic.version = 14 : i64} {
  func.func @k(%arg0: i32, %arg1: i32, %arg2: memref<4096xf32, #tpu.memory_space<hbm>>, %arg3: memref<16384xi32, #tpu.memory_space<hbm>>, %arg4: memref<16384x1024xf32, #tpu.memory_space<hbm>>, %arg5: memref<4096xf32, #tpu.memory_space<vmem>>, %arg6: memref<512xi32, #tpu.memory_space<vmem>>, %arg7: memref<2x32x1024xf32, #tpu.memory_space<vmem>>, %arg8: memref<512xi32, #tpu.memory_space<vmem>>, %arg9: memref<!tpu.dma_semaphore, #tpu.memory_space<semaphore_mem>>, %arg10: memref<!tpu.dma_semaphore, #tpu.memory_space<semaphore_mem>>) attributes {dimension_semantics = [#tpu.dimension_semantics<core_parallel>, #tpu.dimension_semantics<subcore_parallel>], iteration_bounds = array<i64: 2, 16>, scalar_prefetch = 0 : i64, scratch_operands = 6 : i64, tpu.core_type = #tpu.core_type<sc_vector_subcore>, window_params = [{transform_indices = #map}, {transform_indices = #map}, {transform_indices = #map1}]} {
    %mul3A = arith.constant 2 : i32
    %mul3A_0 = arith.muli %arg1, %mul3A : i32
    %add3A = arith.addi %mul3A_0, %arg0 : i32
    %mul3A_1 = arith.constant 512 : i32
    %mul3A_2 = arith.muli %add3A, %mul3A_1 : i32
    "tpu.region"() ({
      %run_scoped3A = tpu.sem_alloc : memref<!tpu.dma_semaphore, #tpu.memory_space<semaphore_mem>>
      tpu.enqueue_dma source(%arg2 : memref<4096xf32, #tpu.memory_space<hbm>>) target(%arg5 : memref<4096xf32, #tpu.memory_space<vmem>>) target_semaphore(%run_scoped3A : memref<!tpu.dma_semaphore, #tpu.memory_space<semaphore_mem>>)
      tpu.wait_dma2 semaphore(%run_scoped3A : memref<!tpu.dma_semaphore, #tpu.memory_space<semaphore_mem>>) src(%arg2 : memref<4096xf32, #tpu.memory_space<hbm>>) dst(%arg5 : memref<4096xf32, #tpu.memory_space<vmem>>)
      tpu.yield
    }) : () -> ()
    "tpu.region"() ({
      %run_scoped3A = tpu.sem_alloc : memref<!tpu.dma_semaphore, #tpu.memory_space<semaphore_mem>>
      %dma_start3A = tpu.memref_slice %arg3[%mul3A_2] : memref<16384xi32, #tpu.memory_space<hbm>> -> memref<512xi32, #tpu.memory_space<hbm>>
      %dma_start3A_36 = tpu.memref_slice %arg3[%mul3A_2] : memref<16384xi32, #tpu.memory_space<hbm>> -> memref<512xi32, #tpu.memory_space<hbm>>
      tpu.enqueue_dma source(%dma_start3A_36 : memref<512xi32, #tpu.memory_space<hbm>>) target(%arg6 : memref<512xi32, #tpu.memory_space<vmem>>) target_semaphore(%run_scoped3A : memref<!tpu.dma_semaphore, #tpu.memory_space<semaphore_mem>>)
      %dma_wait3A_37 = tpu.memref_slice %arg3[%mul3A_2] : memref<16384xi32, #tpu.memory_space<hbm>> -> memref<512xi32, #tpu.memory_space<hbm>>
      %dma_wait3A_38 = tpu.memref_slice %arg3[%mul3A_2] : memref<16384xi32, #tpu.memory_space<hbm>> -> memref<512xi32, #tpu.memory_space<hbm>>
      tpu.wait_dma2 semaphore(%run_scoped3A : memref<!tpu.dma_semaphore, #tpu.memory_space<semaphore_mem>>) src(%dma_wait3A_38 : memref<512xi32, #tpu.memory_space<hbm>>) dst(%arg6 : memref<512xi32, #tpu.memory_space<vmem>>)
      tpu.yield
    }) : () -> ()
    %scan3A = arith.constant 0 : i32
    %scan3A_3 = arith.constant 8 : i32
    %scan3A_4 = arith.addi %scan3A, %scan3A_3 : i32
    %scan3A_5 = arith.constant 1 : i32
    scf.for %scan3A_36 = %scan3A to %scan3A_4 step %scan3A_5  : i32 {
      %mul3A_37 = arith.constant 2 : i32
      %mul3A_38 = arith.muli %scan3A_36, %mul3A_37 : i32
      %add3A_39 = arith.constant 0 : i32
      %add3A_40 = arith.addi %add3A_39, %mul3A_38 : i32
      %add3A_41 = arith.constant 0 : i32
      %add3A_42 = arith.addi %add3A_40, %add3A_41 : i32
      %ge3A = arith.constant 2 : i32
      %ge3A_43 = arith.cmpi sge, %add3A_42, %ge3A : i32
      %convert_element_type3A = arith.extui %ge3A_43 : i1 to i32
      %cond3A = arith.constant 0 : i32
      %cond3A_44 = arith.cmpi ne, %convert_element_type3A, %cond3A : i32
      scf.if %cond3A_44 {
        %dma_wait3A_1159 = arith.constant 0 : i32
        %dma_wait3A_1160 = arith.constant 0 : i32
        %dma_wait3A_1161 = arith.constant 0 : i32
        %dma_wait3A_1162 = tpu.memref_slice %arg7[%dma_wait3A_1159, %dma_wait3A_1160, %dma_wait3A_1161] : memref<2x32x1024xf32, #tpu.memory_space<vmem>> -> memref<1x32x1024xf32, #tpu.memory_space<vmem>>
        %dma_wait3A_1163 = tpu.memref_squeeze %dma_wait3A_1162 : memref<1x32x1024xf32, #tpu.memory_space<vmem>> -> memref<32x1024xf32, #tpu.memory_space<vmem>>
        %dma_wait3A_1164 = arith.constant 0 : i32
        %dma_wait3A_1165 = arith.constant 0 : i32
        %dma_wait3A_1166 = tpu.memref_slice %arg4[%dma_wait3A_1164, %dma_wait3A_1165] : memref<16384x1024xf32, #tpu.memory_space<hbm>> -> memref<32x1024xf32, #tpu.memory_space<hbm>>
        %dma_wait3A_1167 = arith.constant 0 : i32
        %dma_wait3A_1168 = arith.constant 0 : i32
        %dma_wait3A_1169 = tpu.memref_slice %arg4[%dma_wait3A_1167, %dma_wait3A_1168] : memref<16384x1024xf32, #tpu.memory_space<hbm>> -> memref<32x1024xf32, #tpu.memory_space<hbm>>
        %dma_wait3A_1170 = arith.constant 0 : i32
        %dma_wait3A_1171 = arith.constant 0 : i32
        %dma_wait3A_1172 = tpu.memref_slice %arg7[%dma_wait3A_1159, %dma_wait3A_1170, %dma_wait3A_1171] : memref<2x32x1024xf32, #tpu.memory_space<vmem>> -> memref<1x32x1024xf32, #tpu.memory_space<vmem>>
        %dma_wait3A_1173 = tpu.memref_squeeze %dma_wait3A_1172 : memref<1x32x1024xf32, #tpu.memory_space<vmem>> -> memref<32x1024xf32, #tpu.memory_space<vmem>>
        tpu.wait_dma2 semaphore(%arg9 : memref<!tpu.dma_semaphore, #tpu.memory_space<semaphore_mem>>) src(%dma_wait3A_1173 : memref<32x1024xf32, #tpu.memory_space<vmem>>) dst(%dma_wait3A_1169 : memref<32x1024xf32, #tpu.memory_space<hbm>>)
      } else {
      }
      %parallel_loop3A = arith.constant 0 : i32
      %parallel_loop3A_45 = arith.constant 32 : i32
      %parallel_loop3A_46 = arith.constant 1 : i32
      scf.for %parallel_loop3A_1159 = %parallel_loop3A to %parallel_loop3A_45 step %parallel_loop3A_46  : i32 {
        %parallel_loop3A_1160 = arith.constant 32 : i32
        %parallel_loop3A_1161 = arith.muli %add3A_42, %parallel_loop3A_1160 : i32
        %parallel_loop3A_1162 = arith.addi %parallel_loop3A_1161, %parallel_loop3A_1159 : i32
        %parallel_loop3A_1163 = vector.broadcast %parallel_loop3A_1162 : i32 to vector<16xi32>
        %parallel_loop3A_1164 = tpu.vector_load_idx %arg6[%parallel_loop3A_1163] : memref<512xi32, #tpu.memory_space<vmem>>[vector<16xi32>], vector<16xi32>,
        %parallel_loop3A_1165 = arith.constant 16 : i32
        %parallel_loop3A_1166 = arith.muli %parallel_loop3A_1159, %parallel_loop3A_1165 : i32
        %parallel_loop3A_1167 = arith.index_cast %parallel_loop3A_1166 : i32 to index
        %parallel_loop3A_1168 = tpu.vector_load %arg8[%parallel_loop3A_1167] {strides = array<i32>} : memref<512xi32, #tpu.memory_space<vmem>>, vector<16xi32>,
        tpu.vector_store %arg8[%parallel_loop3A_1167], %parallel_loop3A_1164 {strides = array<i32>} : memref<512xi32, #tpu.memory_space<vmem>>, vector<16xi32>,
      } {sc.loop_unroll_factor = 4 : i64, sc.parallel_access}
      %get3A = arith.constant 0 : index
      %get3A_47 = tpu.vector_load %arg5[%get3A] {strides = array<i32>} : memref<4096xf32, #tpu.memory_space<vmem>>, vector<16xf32>,
      %get3A_48 = arith.constant 16 : index
      %get3A_49 = tpu.vector_load %arg5[%get3A_48] {strides = array<i32>} : memref<4096xf32, #tpu.memory_space<vmem>>, vector<16xf32>,
      %get3A_50 = arith.constant 32 : index
      %get3A_51 = tpu.vector_load %arg5[%get3A_50] {strides = array<i32>} : memref<4096xf32, #tpu.memory_space<vmem>>, vector<16xf32>,
      %get3A_52 = arith.constant 48 : index
      %get3A_53 = tpu.vector_load %arg5[%get3A_52] {strides = array<i32>} : memref<4096xf32, #tpu.memory_space<vmem>>, vector<16xf32>,
      %get3A_54 = arith.constant 64 : index
      %get3A_55 = tpu.vector_load %arg5[%get3A_54] {strides = array<i32>} : memref<4096xf32, #tpu.memory_space<vmem>>, vector<16xf32>,
      %get3A_56 = arith.constant 80 : index
      %get3A_57 = tpu.vector_load %arg5[%get3A_56] {strides = array<i32>} : memref<4096xf32, #tpu.memory_space<vmem>>, vector<16xf32>,
      %get3A_58 = arith.constant 96 : index
      %get3A_59 = tpu.vector_load %arg5[%get3A_58] {strides = array<i32>} : memref<4096xf32, #tpu.memory_space<vmem>>, vector<16xf32>,
      %get3A_60 = arith.constant 112 : index
      %get3A_61 = tpu.vector_load %arg5[%get3A_60] {strides = array<i32>} : memref<4096xf32, #tpu.memory_space<vmem>>, vector<16xf32>,
      %get3A_62 = arith.constant 1024 : index
      %get3A_63 = tpu.vector_load %arg5[%get3A_62] {strides = array<i32>} : memref<4096xf32, #tpu.memory_space<vmem>>, vector<16xf32>,
      %get3A_64 = arith.constant 1040 : index
      %get3A_65 = tpu.vector_load %arg5[%get3A_64] {strides = array<i32>} : memref<4096xf32, #tpu.memory_space<vmem>>, vector<16xf32>,
      %get3A_66 = arith.constant 1056 : index
      %get3A_67 = tpu.vector_load %arg5[%get3A_66] {strides = array<i32>} : memref<4096xf32, #tpu.memory_space<vmem>>, vector<16xf32>,
      %get3A_68 = arith.constant 1072 : index
      %get3A_69 = tpu.vector_load %arg5[%get3A_68] {strides = array<i32>} : memref<4096xf32, #tpu.memory_space<vmem>>, vector<16xf32>,
      %get3A_70 = arith.constant 1088 : index
      %get3A_71 = tpu.vector_load %arg5[%get3A_70] {strides = array<i32>} : memref<4096xf32, #tpu.memory_space<vmem>>, vector<16xf32>,
      %get3A_72 = arith.constant 1104 : index
      %get3A_73 = tpu.vector_load %arg5[%get3A_72] {strides = array<i32>} : memref<4096xf32, #tpu.memory_space<vmem>>, vector<16xf32>,
      %get3A_74 = arith.constant 1120 : index
      %get3A_75 = tpu.vector_load %arg5[%get3A_74] {strides = array<i32>} : memref<4096xf32, #tpu.memory_space<vmem>>, vector<16xf32>,
      %get3A_76 = arith.constant 1136 : index
      %get3A_77 = tpu.vector_load %arg5[%get3A_76] {strides = array<i32>} : memref<4096xf32, #tpu.memory_space<vmem>>, vector<16xf32>,
      %get3A_78 = arith.constant 2048 : index
      %get3A_79 = tpu.vector_load %arg5[%get3A_78] {strides = array<i32>} : memref<4096xf32, #tpu.memory_space<vmem>>, vector<16xf32>,
      %get3A_80 = arith.constant 2064 : index
      %get3A_81 = tpu.vector_load %arg5[%get3A_80] {strides = array<i32>} : memref<4096xf32, #tpu.memory_space<vmem>>, vector<16xf32>,
      %get3A_82 = arith.constant 2080 : index
      %get3A_83 = tpu.vector_load %arg5[%get3A_82] {strides = array<i32>} : memref<4096xf32, #tpu.memory_space<vmem>>, vector<16xf32>,
      %get3A_84 = arith.constant 2096 : index
      %get3A_85 = tpu.vector_load %arg5[%get3A_84] {strides = array<i32>} : memref<4096xf32, #tpu.memory_space<vmem>>, vector<16xf32>,
      %get3A_86 = arith.constant 2112 : index
      %get3A_87 = tpu.vector_load %arg5[%get3A_86] {strides = array<i32>} : memref<4096xf32, #tpu.memory_space<vmem>>, vector<16xf32>,
      %get3A_88 = arith.constant 2128 : index
      %get3A_89 = tpu.vector_load %arg5[%get3A_88] {strides = array<i32>} : memref<4096xf32, #tpu.memory_space<vmem>>, vector<16xf32>,
      %get3A_90 = arith.constant 2144 : index
      %get3A_91 = tpu.vector_load %arg5[%get3A_90] {strides = array<i32>} : memref<4096xf32, #tpu.memory_space<vmem>>, vector<16xf32>,
      %get3A_92 = arith.constant 2160 : index
      %get3A_93 = tpu.vector_load %arg5[%get3A_92] {strides = array<i32>} : memref<4096xf32, #tpu.memory_space<vmem>>, vector<16xf32>,
      %get3A_94 = arith.constant 3072 : index
      %get3A_95 = tpu.vector_load %arg5[%get3A_94] {strides = array<i32>} : memref<4096xf32, #tpu.memory_space<vmem>>, vector<16xf32>,
      %get3A_96 = arith.constant 3088 : index
      %get3A_97 = tpu.vector_load %arg5[%get3A_96] {strides = array<i32>} : memref<4096xf32, #tpu.memory_space<vmem>>, vector<16xf32>,
      %get3A_98 = arith.constant 3104 : index
      %get3A_99 = tpu.vector_load %arg5[%get3A_98] {strides = array<i32>} : memref<4096xf32, #tpu.memory_space<vmem>>, vector<16xf32>,
      %get3A_100 = arith.constant 3120 : index
      %get3A_101 = tpu.vector_load %arg5[%get3A_100] {strides = array<i32>} : memref<4096xf32, #tpu.memory_space<vmem>>, vector<16xf32>,
      %get3A_102 = arith.constant 3136 : index
      %get3A_103 = tpu.vector_load %arg5[%get3A_102] {strides = array<i32>} : memref<4096xf32, #tpu.memory_space<vmem>>, vector<16xf32>,
      %get3A_104 = arith.constant 3152 : index
      %get3A_105 = tpu.vector_load %arg5[%get3A_104] {strides = array<i32>} : memref<4096xf32, #tpu.memory_space<vmem>>, vector<16xf32>,
      %get3A_106 = arith.constant 3168 : index
      %get3A_107 = tpu.vector_load %arg5[%get3A_106] {strides = array<i32>} : memref<4096xf32, #tpu.memory_space<vmem>>, vector<16xf32>,
      %get3A_108 = arith.constant 3184 : index
      %get3A_109 = tpu.vector_load %arg5[%get3A_108] {strides = array<i32>} : memref<4096xf32, #tpu.memory_space<vmem>>, vector<16xf32>,
      %parallel_loop3A_110 = arith.constant 0 : i32
      %parallel_loop3A_111 = arith.constant 32 : i32
      %parallel_loop3A_112 = arith.constant 1 : i32
      scf.for %parallel_loop3A_1159 = %parallel_loop3A_110 to %parallel_loop3A_111 step %parallel_loop3A_112  : i32 {
        %parallel_loop3A_1160 = arith.constant 16 : i32
        %parallel_loop3A_1161 = arith.muli %parallel_loop3A_1159, %parallel_loop3A_1160 : i32
        %parallel_loop3A_1162 = arith.index_cast %parallel_loop3A_1161 : i32 to index
        %parallel_loop3A_1163 = tpu.vector_load %arg8[%parallel_loop3A_1162] {strides = array<i32>} : memref<512xi32, #tpu.memory_space<vmem>>, vector<16xi32>,
        %parallel_loop3A_1164 = arith.constant 2 : i32
        %parallel_loop3A_1165 = vector.broadcast %parallel_loop3A_1164 : i32 to vector<16xi32>
        %parallel_loop3A_1166 = arith.cmpi eq, %parallel_loop3A_1163, %parallel_loop3A_1165 : vector<16xi32>
        %parallel_loop3A_1167 = arith.select %parallel_loop3A_1166, %get3A_79, %get3A_95 : vector<16xi1>, vector<16xf32>
        %parallel_loop3A_1168 = arith.constant 1 : i32
        %parallel_loop3A_1169 = vector.broadcast %parallel_loop3A_1168 : i32 to vector<16xi32>
        %parallel_loop3A_1170 = arith.cmpi eq, %parallel_loop3A_1163, %parallel_loop3A_1169 : vector<16xi32>
        %parallel_loop3A_1171 = arith.select %parallel_loop3A_1170, %get3A_63, %parallel_loop3A_1167 : vector<16xi1>, vector<16xf32>
        %parallel_loop3A_1172 = arith.constant 0 : i32
        %parallel_loop3A_1173 = vector.broadcast %parallel_loop3A_1172 : i32 to vector<16xi32>
        %parallel_loop3A_1174 = arith.cmpi eq, %parallel_loop3A_1163, %parallel_loop3A_1173 : vector<16xi32>
        %parallel_loop3A_1175 = arith.select %parallel_loop3A_1174, %get3A_47, %parallel_loop3A_1171 : vector<16xi1>, vector<16xf32>
        %parallel_loop3A_1176 = arith.constant 0 : i32
        %parallel_loop3A_1177 = arith.index_cast %parallel_loop3A_1176 : i32 to index
        %parallel_loop3A_1178 = arith.index_cast %parallel_loop3A_1159 : i32 to index
        %parallel_loop3A_1179 = arith.constant 0 : index
        %parallel_loop3A_1180 = tpu.vector_load %arg7[%parallel_loop3A_1177, %parallel_loop3A_1178, %parallel_loop3A_1179] {strides = array<i32>} : memref<2x32x1024xf32, #tpu.memory_space<vmem>>, vector<16xf32>,
        tpu.vector_store %arg7[%parallel_loop3A_1177, %parallel_loop3A_1178, %parallel_loop3A_1179], %parallel_loop3A_1175 {strides = array<i32>} : memref<2x32x1024xf32, #tpu.memory_space<vmem>>, vector<16xf32>,
        %parallel_loop3A_1181 = arith.constant 2 : i32
        %parallel_loop3A_1182 = vector.broadcast %parallel_loop3A_1181 : i32 to vector<16xi32>
        %parallel_loop3A_1183 = arith.cmpi eq, %parallel_loop3A_1163, %parallel_loop3A_1182 : vector<16xi32>
        %parallel_loop3A_1184 = arith.select %parallel_loop3A_1183, %get3A_81, %get3A_97 : vector<16xi1>, vector<16xf32>
        %parallel_loop3A_1185 = arith.constant 1 : i32
        %parallel_loop3A_1186 = vector.broadcast %parallel_loop3A_1185 : i32 to vector<16xi32>
        %parallel_loop3A_1187 = arith.cmpi eq, %parallel_loop3A_1163, %parallel_loop3A_1186 : vector<16xi32>
        %parallel_loop3A_1188 = arith.select %parallel_loop3A_1187, %get3A_65, %parallel_loop3A_1184 : vector<16xi1>, vector<16xf32>
        %parallel_loop3A_1189 = arith.constant 0 : i32
        %parallel_loop3A_1190 = vector.broadcast %parallel_loop3A_1189 : i32 to vector<16xi32>
        %parallel_loop3A_1191 = arith.cmpi eq, %parallel_loop3A_1163, %parallel_loop3A_1190 : vector<16xi32>
        %parallel_loop3A_1192 = arith.select %parallel_loop3A_1191, %get3A_49, %parallel_loop3A_1188 : vector<16xi1>, vector<16xf32>
        %parallel_loop3A_1193 = arith.constant 0 : i32
        %parallel_loop3A_1194 = arith.index_cast %parallel_loop3A_1193 : i32 to index
        %parallel_loop3A_1195 = arith.index_cast %parallel_loop3A_1159 : i32 to index
        %parallel_loop3A_1196 = arith.constant 16 : index
        %parallel_loop3A_1197 = tpu.vector_load %arg7[%parallel_loop3A_1194, %parallel_loop3A_1195, %parallel_loop3A_1196] {strides = array<i32>} : memref<2x32x1024xf32, #tpu.memory_space<vmem>>, vector<16xf32>,
        tpu.vector_store %arg7[%parallel_loop3A_1194, %parallel_loop3A_1195, %parallel_loop3A_1196], %parallel_loop3A_1192 {strides = array<i32>} : memref<2x32x1024xf32, #tpu.memory_space<vmem>>, vector<16xf32>,
        %parallel_loop3A_1198 = arith.constant 2 : i32
        %parallel_loop3A_1199 = vector.broadcast %parallel_loop3A_1198 : i32 to vector<16xi32>
        %parallel_loop3A_1200 = arith.cmpi eq, %parallel_loop3A_1163, %parallel_loop3A_1199 : vector<16xi32>
        %parallel_loop3A_1201 = arith.select %parallel_loop3A_1200, %get3A_83, %get3A_99 : vector<16xi1>, vector<16xf32>
        %parallel_loop3A_1202 = arith.constant 1 : i32
        %parallel_loop3A_1203 = vector.broadcast %parallel_loop3A_1202 : i32 to vector<16xi32>
        %parallel_loop3A_1204 = arith.cmpi eq, %parallel_loop3A_1163, %parallel_loop3A_1203 : vector<16xi32>
        %parallel_loop3A_1205 = arith.select %parallel_loop3A_1204, %get3A_67, %parallel_loop3A_1201 : vector<16xi1>, vector<16xf32>
        %parallel_loop3A_1206 = arith.constant 0 : i32
        %parallel_loop3A_1207 = vector.broadcast %parallel_loop3A_1206 : i32 to vector<16xi32>
        %parallel_loop3A_1208 = arith.cmpi eq, %parallel_loop3A_1163, %parallel_loop3A_1207 : vector<16xi32>
        %parallel_loop3A_1209 = arith.select %parallel_loop3A_1208, %get3A_51, %parallel_loop3A_1205 : vector<16xi1>, vector<16xf32>
        %parallel_loop3A_1210 = arith.constant 0 : i32
        %parallel_loop3A_1211 = arith.index_cast %parallel_loop3A_1210 : i32 to index
        %parallel_loop3A_1212 = arith.index_cast %parallel_loop3A_1159 : i32 to index
        %parallel_loop3A_1213 = arith.constant 32 : index
        %parallel_loop3A_1214 = tpu.vector_load %arg7[%parallel_loop3A_1211, %parallel_loop3A_1212, %parallel_loop3A_1213] {strides = array<i32>} : memref<2x32x1024xf32, #tpu.memory_space<vmem>>, vector<16xf32>,
        tpu.vector_store %arg7[%parallel_loop3A_1211, %parallel_loop3A_1212, %parallel_loop3A_1213], %parallel_loop3A_1209 {strides = array<i32>} : memref<2x32x1024xf32, #tpu.memory_space<vmem>>, vector<16xf32>,
        %parallel_loop3A_1215 = arith.constant 2 : i32
        %parallel_loop3A_1216 = vector.broadcast %parallel_loop3A_1215 : i32 to vector<16xi32>
        %parallel_loop3A_1217 = arith.cmpi eq, %parallel_loop3A_1163, %parallel_loop3A_1216 : vector<16xi32>
        %parallel_loop3A_1218 = arith.select %parallel_loop3A_1217, %get3A_85, %get3A_101 : vector<16xi1>, vector<16xf32>
        %parallel_loop3A_1219 = arith.constant 1 : i32
        %parallel_loop3A_1220 = vector.broadcast %parallel_loop3A_1219 : i32 to vector<16xi32>
        %parallel_loop3A_1221 = arith.cmpi eq, %parallel_loop3A_1163, %parallel_loop3A_1220 : vector<16xi32>
        %parallel_loop3A_1222 = arith.select %parallel_loop3A_1221, %get3A_69, %parallel_loop3A_1218 : vector<16xi1>, vector<16xf32>
        %parallel_loop3A_1223 = arith.constant 0 : i32
        %parallel_loop3A_1224 = vector.broadcast %parallel_loop3A_1223 : i32 to vector<16xi32>
        %parallel_loop3A_1225 = arith.cmpi eq, %parallel_loop3A_1163, %parallel_loop3A_1224 : vector<16xi32>
        %parallel_loop3A_1226 = arith.select %parallel_loop3A_1225, %get3A_53, %parallel_loop3A_1222 : vector<16xi1>, vector<16xf32>
        %parallel_loop3A_1227 = arith.constant 0 : i32
        %parallel_loop3A_1228 = arith.index_cast %parallel_loop3A_1227 : i32 to index
        %parallel_loop3A_1229 = arith.index_cast %parallel_loop3A_1159 : i32 to index
        %parallel_loop3A_1230 = arith.constant 48 : index
        %parallel_loop3A_1231 = tpu.vector_load %arg7[%parallel_loop3A_1228, %parallel_loop3A_1229, %parallel_loop3A_1230] {strides = array<i32>} : memref<2x32x1024xf32, #tpu.memory_space<vmem>>, vector<16xf32>,
        tpu.vector_store %arg7[%parallel_loop3A_1228, %parallel_loop3A_1229, %parallel_loop3A_1230], %parallel_loop3A_1226 {strides = array<i32>} : memref<2x32x1024xf32, #tpu.memory_space<vmem>>, vector<16xf32>,
        %parallel_loop3A_1232 = arith.constant 2 : i32
        %parallel_loop3A_1233 = vector.broadcast %parallel_loop3A_1232 : i32 to vector<16xi32>
        %parallel_loop3A_1234 = arith.cmpi eq, %parallel_loop3A_1163, %parallel_loop3A_1233 : vector<16xi32>
        %parallel_loop3A_1235 = arith.select %parallel_loop3A_1234, %get3A_87, %get3A_103 : vector<16xi1>, vector<16xf32>
        %parallel_loop3A_1236 = arith.constant 1 : i32
        %parallel_loop3A_1237 = vector.broadcast %parallel_loop3A_1236 : i32 to vector<16xi32>
        %parallel_loop3A_1238 = arith.cmpi eq, %parallel_loop3A_1163, %parallel_loop3A_1237 : vector<16xi32>
        %parallel_loop3A_1239 = arith.select %parallel_loop3A_1238, %get3A_71, %parallel_loop3A_1235 : vector<16xi1>, vector<16xf32>
        %parallel_loop3A_1240 = arith.constant 0 : i32
        %parallel_loop3A_1241 = vector.broadcast %parallel_loop3A_1240 : i32 to vector<16xi32>
        %parallel_loop3A_1242 = arith.cmpi eq, %parallel_loop3A_1163, %parallel_loop3A_1241 : vector<16xi32>
        %parallel_loop3A_1243 = arith.select %parallel_loop3A_1242, %get3A_55, %parallel_loop3A_1239 : vector<16xi1>, vector<16xf32>
        %parallel_loop3A_1244 = arith.constant 0 : i32
        %parallel_loop3A_1245 = arith.index_cast %parallel_loop3A_1244 : i32 to index
        %parallel_loop3A_1246 = arith.index_cast %parallel_loop3A_1159 : i32 to index
        %parallel_loop3A_1247 = arith.constant 64 : index
        %parallel_loop3A_1248 = tpu.vector_load %arg7[%parallel_loop3A_1245, %parallel_loop3A_1246, %parallel_loop3A_1247] {strides = array<i32>} : memref<2x32x1024xf32, #tpu.memory_space<vmem>>, vector<16xf32>,
        tpu.vector_store %arg7[%parallel_loop3A_1245, %parallel_loop3A_1246, %parallel_loop3A_1247], %parallel_loop3A_1243 {strides = array<i32>} : memref<2x32x1024xf32, #tpu.memory_space<vmem>>, vector<16xf32>,
        %parallel_loop3A_1249 = arith.constant 2 : i32
        %parallel_loop3A_1250 = vector.broadcast %parallel_loop3A_1249 : i32 to vector<16xi32>
        %parallel_loop3A_1251 = arith.cmpi eq, %parallel_loop3A_1163, %parallel_loop3A_1250 : vector<16xi32>
        %parallel_loop3A_1252 = arith.select %parallel_loop3A_1251, %get3A_89, %get3A_105 : vector<16xi1>, vector<16xf32>
        %parallel_loop3A_1253 = arith.constant 1 : i32
        %parallel_loop3A_1254 = vector.broadcast %parallel_loop3A_1253 : i32 to vector<16xi32>
        %parallel_loop3A_1255 = arith.cmpi eq, %parallel_loop3A_1163, %parallel_loop3A_1254 : vector<16xi32>
        %parallel_loop3A_1256 = arith.select %parallel_loop3A_1255, %get3A_73, %parallel_loop3A_1252 : vector<16xi1>, vector<16xf32>
        %parallel_loop3A_1257 = arith.constant 0 : i32
        %parallel_loop3A_1258 = vector.broadcast %parallel_loop3A_1257 : i32 to vector<16xi32>
        %parallel_loop3A_1259 = arith.cmpi eq, %parallel_loop3A_1163, %parallel_loop3A_1258 : vector<16xi32>
        %parallel_loop3A_1260 = arith.select %parallel_loop3A_1259, %get3A_57, %parallel_loop3A_1256 : vector<16xi1>, vector<16xf32>
        %parallel_loop3A_1261 = arith.constant 0 : i32
        %parallel_loop3A_1262 = arith.index_cast %parallel_loop3A_1261 : i32 to index
        %parallel_loop3A_1263 = arith.index_cast %parallel_loop3A_1159 : i32 to index
        %parallel_loop3A_1264 = arith.constant 80 : index
        %parallel_loop3A_1265 = tpu.vector_load %arg7[%parallel_loop3A_1262, %parallel_loop3A_1263, %parallel_loop3A_1264] {strides = array<i32>} : memref<2x32x1024xf32, #tpu.memory_space<vmem>>, vector<16xf32>,
        tpu.vector_store %arg7[%parallel_loop3A_1262, %parallel_loop3A_1263, %parallel_loop3A_1264], %parallel_loop3A_1260 {strides = array<i32>} : memref<2x32x1024xf32, #tpu.memory_space<vmem>>, vector<16xf32>,
        %parallel_loop3A_1266 = arith.constant 2 : i32
        %parallel_loop3A_1267 = vector.broadcast %parallel_loop3A_1266 : i32 to vector<16xi32>
        %parallel_loop3A_1268 = arith.cmpi eq, %parallel_loop3A_1163, %parallel_loop3A_1267 : vector<16xi32>
        %parallel_loop3A_1269 = arith.select %parallel_loop3A_1268, %get3A_91, %get3A_107 : vector<16xi1>, vector<16xf32>
        %parallel_loop3A_1270 = arith.constant 1 : i32
        %parallel_loop3A_1271 = vector.broadcast %parallel_loop3A_1270 : i32 to vector<16xi32>
        %parallel_loop3A_1272 = arith.cmpi eq, %parallel_loop3A_1163, %parallel_loop3A_1271 : vector<16xi32>
        %parallel_loop3A_1273 = arith.select %parallel_loop3A_1272, %get3A_75, %parallel_loop3A_1269 : vector<16xi1>, vector<16xf32>
        %parallel_loop3A_1274 = arith.constant 0 : i32
        %parallel_loop3A_1275 = vector.broadcast %parallel_loop3A_1274 : i32 to vector<16xi32>
        %parallel_loop3A_1276 = arith.cmpi eq, %parallel_loop3A_1163, %parallel_loop3A_1275 : vector<16xi32>
        %parallel_loop3A_1277 = arith.select %parallel_loop3A_1276, %get3A_59, %parallel_loop3A_1273 : vector<16xi1>, vector<16xf32>
        %parallel_loop3A_1278 = arith.constant 0 : i32
        %parallel_loop3A_1279 = arith.index_cast %parallel_loop3A_1278 : i32 to index
        %parallel_loop3A_1280 = arith.index_cast %parallel_loop3A_1159 : i32 to index
        %parallel_loop3A_1281 = arith.constant 96 : index
        %parallel_loop3A_1282 = tpu.vector_load %arg7[%parallel_loop3A_1279, %parallel_loop3A_1280, %parallel_loop3A_1281] {strides = array<i32>} : memref<2x32x1024xf32, #tpu.memory_space<vmem>>, vector<16xf32>,
        tpu.vector_store %arg7[%parallel_loop3A_1279, %parallel_loop3A_1280, %parallel_loop3A_1281], %parallel_loop3A_1277 {strides = array<i32>} : memref<2x32x1024xf32, #tpu.memory_space<vmem>>, vector<16xf32>,
        %parallel_loop3A_1283 = arith.constant 2 : i32
        %parallel_loop3A_1284 = vector.broadcast %parallel_loop3A_1283 : i32 to vector<16xi32>
        %parallel_loop3A_1285 = arith.cmpi eq, %parallel_loop3A_1163, %parallel_loop3A_1284 : vector<16xi32>
        %parallel_loop3A_1286 = arith.select %parallel_loop3A_1285, %get3A_93, %get3A_109 : vector<16xi1>, vector<16xf32>
        %parallel_loop3A_1287 = arith.constant 1 : i32
        %parallel_loop3A_1288 = vector.broadcast %parallel_loop3A_1287 : i32 to vector<16xi32>
        %parallel_loop3A_1289 = arith.cmpi eq, %parallel_loop3A_1163, %parallel_loop3A_1288 : vector<16xi32>
        %parallel_loop3A_1290 = arith.select %parallel_loop3A_1289, %get3A_77, %parallel_loop3A_1286 : vector<16xi1>, vector<16xf32>
        %parallel_loop3A_1291 = arith.constant 0 : i32
        %parallel_loop3A_1292 = vector.broadcast %parallel_loop3A_1291 : i32 to vector<16xi32>
        %parallel_loop3A_1293 = arith.cmpi eq, %parallel_loop3A_1163, %parallel_loop3A_1292 : vector<16xi32>
        %parallel_loop3A_1294 = arith.select %parallel_loop3A_1293, %get3A_61, %parallel_loop3A_1290 : vector<16xi1>, vector<16xf32>
        %parallel_loop3A_1295 = arith.constant 0 : i32
        %parallel_loop3A_1296 = arith.index_cast %parallel_loop3A_1295 : i32 to index
        %parallel_loop3A_1297 = arith.index_cast %parallel_loop3A_1159 : i32 to index
        %parallel_loop3A_1298 = arith.constant 112 : index
        %parallel_loop3A_1299 = tpu.vector_load %arg7[%parallel_loop3A_1296, %parallel_loop3A_1297, %parallel_loop3A_1298] {strides = array<i32>} : memref<2x32x1024xf32, #tpu.memory_space<vmem>>, vector<16xf32>,
        tpu.vector_store %arg7[%parallel_loop3A_1296, %parallel_loop3A_1297, %parallel_loop3A_1298], %parallel_loop3A_1294 {strides = array<i32>} : memref<2x32x1024xf32, #tpu.memory_space<vmem>>, vector<16xf32>,
      } {sc.loop_unroll_factor = 2 : i64, sc.parallel_access}
      %get3A_113 = arith.constant 128 : index
      %get3A_114 = tpu.vector_load %arg5[%get3A_113] {strides = array<i32>} : memref<4096xf32, #tpu.memory_space<vmem>>, vector<16xf32>,
      %get3A_115 = arith.constant 144 : index
      %get3A_116 = tpu.vector_load %arg5[%get3A_115] {strides = array<i32>} : memref<4096xf32, #tpu.memory_space<vmem>>, vector<16xf32>,
      %get3A_117 = arith.constant 160 : index
      %get3A_118 = tpu.vector_load %arg5[%get3A_117] {strides = array<i32>} : memref<4096xf32, #tpu.memory_space<vmem>>, vector<16xf32>,
      %get3A_119 = arith.constant 176 : index
      %get3A_120 = tpu.vector_load %arg5[%get3A_119] {strides = array<i32>} : memref<4096xf32, #tpu.memory_space<vmem>>, vector<16xf32>,
      %get3A_121 = arith.constant 192 : index
      %get3A_122 = tpu.vector_load %arg5[%get3A_121] {strides = array<i32>} : memref<4096xf32, #tpu.memory_space<vmem>>, vector<16xf32>,
      %get3A_123 = arith.constant 208 : index
      %get3A_124 = tpu.vector_load %arg5[%get3A_123] {strides = array<i32>} : memref<4096xf32, #tpu.memory_space<vmem>>, vector<16xf32>,
      %get3A_125 = arith.constant 224 : index
      %get3A_126 = tpu.vector_load %arg5[%get3A_125] {strides = array<i32>} : memref<4096xf32, #tpu.memory_space<vmem>>, vector<16xf32>,
      %get3A_127 = arith.constant 240 : index
      %get3A_128 = tpu.vector_load %arg5[%get3A_127] {strides = array<i32>} : memref<4096xf32, #tpu.memory_space<vmem>>, vector<16xf32>,
      %get3A_129 = arith.constant 1152 : index
      %get3A_130 = tpu.vector_load %arg5[%get3A_129] {strides = array<i32>} : memref<4096xf32, #tpu.memory_space<vmem>>, vector<16xf32>,
      %get3A_131 = arith.constant 1168 : index
      %get3A_132 = tpu.vector_load %arg5[%get3A_131] {strides = array<i32>} : memref<4096xf32, #tpu.memory_space<vmem>>, vector<16xf32>,
      %get3A_133 = arith.constant 1184 : index
      %get3A_134 = tpu.vector_load %arg5[%get3A_133] {strides = array<i32>} : memref<4096xf32, #tpu.memory_space<vmem>>, vector<16xf32>,
      %get3A_135 = arith.constant 1200 : index
      %get3A_136 = tpu.vector_load %arg5[%get3A_135] {strides = array<i32>} : memref<4096xf32, #tpu.memory_space<vmem>>, vector<16xf32>,
      %get3A_137 = arith.constant 1216 : index
      %get3A_138 = tpu.vector_load %arg5[%get3A_137] {strides = array<i32>} : memref<4096xf32, #tpu.memory_space<vmem>>, vector<16xf32>,
      %get3A_139 = arith.constant 1232 : index
      %get3A_140 = tpu.vector_load %arg5[%get3A_139] {strides = array<i32>} : memref<4096xf32, #tpu.memory_space<vmem>>, vector<16xf32>,
      %get3A_141 = arith.constant 1248 : index
      %get3A_142 = tpu.vector_load %arg5[%get3A_141] {strides = array<i32>} : memref<4096xf32, #tpu.memory_space<vmem>>, vector<16xf32>,
      %get3A_143 = arith.constant 1264 : index
      %get3A_144 = tpu.vector_load %arg5[%get3A_143] {strides = array<i32>} : memref<4096xf32, #tpu.memory_space<vmem>>, vector<16xf32>,
      %get3A_145 = arith.constant 2176 : index
      %get3A_146 = tpu.vector_load %arg5[%get3A_145] {strides = array<i32>} : memref<4096xf32, #tpu.memory_space<vmem>>, vector<16xf32>,
      %get3A_147 = arith.constant 2192 : index
      %get3A_148 = tpu.vector_load %arg5[%get3A_147] {strides = array<i32>} : memref<4096xf32, #tpu.memory_space<vmem>>, vector<16xf32>,
      %get3A_149 = arith.constant 2208 : index
      %get3A_150 = tpu.vector_load %arg5[%get3A_149] {strides = array<i32>} : memref<4096xf32, #tpu.memory_space<vmem>>, vector<16xf32>,
      %get3A_151 = arith.constant 2224 : index
      %get3A_152 = tpu.vector_load %arg5[%get3A_151] {strides = array<i32>} : memref<4096xf32, #tpu.memory_space<vmem>>, vector<16xf32>,
      %get3A_153 = arith.constant 2240 : index
      %get3A_154 = tpu.vector_load %arg5[%get3A_153] {strides = array<i32>} : memref<4096xf32, #tpu.memory_space<vmem>>, vector<16xf32>,
      %get3A_155 = arith.constant 2256 : index
      %get3A_156 = tpu.vector_load %arg5[%get3A_155] {strides = array<i32>} : memref<4096xf32, #tpu.memory_space<vmem>>, vector<16xf32>,
      %get3A_157 = arith.constant 2272 : index
      %get3A_158 = tpu.vector_load %arg5[%get3A_157] {strides = array<i32>} : memref<4096xf32, #tpu.memory_space<vmem>>, vector<16xf32>,
      %get3A_159 = arith.constant 2288 : index
      %get3A_160 = tpu.vector_load %arg5[%get3A_159] {strides = array<i32>} : memref<4096xf32, #tpu.memory_space<vmem>>, vector<16xf32>,
      %get3A_161 = arith.constant 3200 : index
      %get3A_162 = tpu.vector_load %arg5[%get3A_161] {strides = array<i32>} : memref<4096xf32, #tpu.memory_space<vmem>>, vector<16xf32>,
      %get3A_163 = arith.constant 3216 : index
      %get3A_164 = tpu.vector_load %arg5[%get3A_163] {strides = array<i32>} : memref<4096xf32, #tpu.memory_space<vmem>>, vector<16xf32>,
      %get3A_165 = arith.constant 3232 : index
      %get3A_166 = tpu.vector_load %arg5[%get3A_165] {strides = array<i32>} : memref<4096xf32, #tpu.memory_space<vmem>>, vector<16xf32>,
      %get3A_167 = arith.constant 3248 : index
      %get3A_168 = tpu.vector_load %arg5[%get3A_167] {strides = array<i32>} : memref<4096xf32, #tpu.memory_space<vmem>>, vector<16xf32>,
      %get3A_169 = arith.constant 3264 : index
      %get3A_170 = tpu.vector_load %arg5[%get3A_169] {strides = array<i32>} : memref<4096xf32, #tpu.memory_space<vmem>>, vector<16xf32>,
      %get3A_171 = arith.constant 3280 : index
      %get3A_172 = tpu.vector_load %arg5[%get3A_171] {strides = array<i32>} : memref<4096xf32, #tpu.memory_space<vmem>>, vector<16xf32>,
      %get3A_173 = arith.constant 3296 : index
      %get3A_174 = tpu.vector_load %arg5[%get3A_173] {strides = array<i32>} : memref<4096xf32, #tpu.memory_space<vmem>>, vector<16xf32>,
      %get3A_175 = arith.constant 3312 : index
      %get3A_176 = tpu.vector_load %arg5[%get3A_175] {strides = array<i32>} : memref<4096xf32, #tpu.memory_space<vmem>>, vector<16xf32>,
      %parallel_loop3A_177 = arith.constant 0 : i32
      %parallel_loop3A_178 = arith.constant 32 : i32
      %parallel_loop3A_179 = arith.constant 1 : i32
      scf.for %parallel_loop3A_1159 = %parallel_loop3A_177 to %parallel_loop3A_178 step %parallel_loop3A_179  : i32 {
        %parallel_loop3A_1160 = arith.constant 16 : i32
        %parallel_loop3A_1161 = arith.muli %parallel_loop3A_1159, %parallel_loop3A_1160 : i32
        %parallel_loop3A_1162 = arith.index_cast %parallel_loop3A_1161 : i32 to index
        %parallel_loop3A_1163 = tpu.vector_load %arg8[%parallel_loop3A_1162] {strides = array<i32>} : memref<512xi32, #tpu.memory_space<vmem>>, vector<16xi32>,
        %parallel_loop3A_1164 = arith.constant 2 : i32
        %parallel_loop3A_1165 = vector.broadcast %parallel_loop3A_1164 : i32 to vector<16xi32>
        %parallel_loop3A_1166 = arith.cmpi eq, %parallel_loop3A_1163, %parallel_loop3A_1165 : vector<16xi32>
        %parallel_loop3A_1167 = arith.select %parallel_loop3A_1166, %get3A_146, %get3A_162 : vector<16xi1>, vector<16xf32>
        %parallel_loop3A_1168 = arith.constant 1 : i32
        %parallel_loop3A_1169 = vector.broadcast %parallel_loop3A_1168 : i32 to vector<16xi32>
        %parallel_loop3A_1170 = arith.cmpi eq, %parallel_loop3A_1163, %parallel_loop3A_1169 : vector<16xi32>
        %parallel_loop3A_1171 = arith.select %parallel_loop3A_1170, %get3A_130, %parallel_loop3A_1167 : vector<16xi1>, vector<16xf32>
        %parallel_loop3A_1172 = arith.constant 0 : i32
        %parallel_loop3A_1173 = vector.broadcast %parallel_loop3A_1172 : i32 to vector<16xi32>
        %parallel_loop3A_1174 = arith.cmpi eq, %parallel_loop3A_1163, %parallel_loop3A_1173 : vector<16xi32>
        %parallel_loop3A_1175 = arith.select %parallel_loop3A_1174, %get3A_114, %parallel_loop3A_1171 : vector<16xi1>, vector<16xf32>
        %parallel_loop3A_1176 = arith.constant 0 : i32
        %parallel_loop3A_1177 = arith.index_cast %parallel_loop3A_1176 : i32 to index
        %parallel_loop3A_1178 = arith.index_cast %parallel_loop3A_1159 : i32 to index
        %parallel_loop3A_1179 = arith.constant 128 : index
        %parallel_loop3A_1180 = tpu.vector_load %arg7[%parallel_loop3A_1177, %parallel_loop3A_1178, %parallel_loop3A_1179] {strides = array<i32>} : memref<2x32x1024xf32, #tpu.memory_space<vmem>>, vector<16xf32>,
        tpu.vector_store %arg7[%parallel_loop3A_1177, %parallel_loop3A_1178, %parallel_loop3A_1179], %parallel_loop3A_1175 {strides = array<i32>} : memref<2x32x1024xf32, #tpu.memory_space<vmem>>, vector<16xf32>,
        %parallel_loop3A_1181 = arith.constant 2 : i32
        %parallel_loop3A_1182 = vector.broadcast %parallel_loop3A_1181 : i32 to vector<16xi32>
        %parallel_loop3A_1183 = arith.cmpi eq, %parallel_loop3A_1163, %parallel_loop3A_1182 : vector<16xi32>
        %parallel_loop3A_1184 = arith.select %parallel_loop3A_1183, %get3A_148, %get3A_164 : vector<16xi1>, vector<16xf32>
        %parallel_loop3A_1185 = arith.constant 1 : i32
        %parallel_loop3A_1186 = vector.broadcast %parallel_loop3A_1185 : i32 to vector<16xi32>
        %parallel_loop3A_1187 = arith.cmpi eq, %parallel_loop3A_1163, %parallel_loop3A_1186 : vector<16xi32>
        %parallel_loop3A_1188 = arith.select %parallel_loop3A_1187, %get3A_132, %parallel_loop3A_1184 : vector<16xi1>, vector<16xf32>
        %parallel_loop3A_1189 = arith.constant 0 : i32
        %parallel_loop3A_1190 = vector.broadcast %parallel_loop3A_1189 : i32 to vector<16xi32>
        %parallel_loop3A_1191 = arith.cmpi eq, %parallel_loop3A_1163, %parallel_loop3A_1190 : vector<16xi32>
        %parallel_loop3A_1192 = arith.select %parallel_loop3A_1191, %get3A_116, %parallel_loop3A_1188 : vector<16xi1>, vector<16xf32>
        %parallel_loop3A_1193 = arith.constant 0 : i32
        %parallel_loop3A_1194 = arith.index_cast %parallel_loop3A_1193 : i32 to index
        %parallel_loop3A_1195 = arith.index_cast %parallel_loop3A_1159 : i32 to index
        %parallel_loop3A_1196 = arith.constant 144 : index
        %parallel_loop3A_1197 = tpu.vector_load %arg7[%parallel_loop3A_1194, %parallel_loop3A_1195, %parallel_loop3A_1196] {strides = array<i32>} : memref<2x32x1024xf32, #tpu.memory_space<vmem>>, vector<16xf32>,
        tpu.vector_store %arg7[%parallel_loop3A_1194, %parallel_loop3A_1195, %parallel_loop3A_1196], %parallel_loop3A_1192 {strides = array<i32>} : memref<2x32x1024xf32, #tpu.memory_space<vmem>>, vector<16xf32>,
        %parallel_loop3A_1198 = arith.constant 2 : i32
        %parallel_loop3A_1199 = vector.broadcast %parallel_loop3A_1198 : i32 to vector<16xi32>
        %parallel_loop3A_1200 = arith.cmpi eq, %parallel_loop3A_1163, %parallel_loop3A_1199 : vector<16xi32>
        %parallel_loop3A_1201 = arith.select %parallel_loop3A_1200, %get3A_150, %get3A_166 : vector<16xi1>, vector<16xf32>
        %parallel_loop3A_1202 = arith.constant 1 : i32
        %parallel_loop3A_1203 = vector.broadcast %parallel_loop3A_1202 : i32 to vector<16xi32>
        %parallel_loop3A_1204 = arith.cmpi eq, %parallel_loop3A_1163, %parallel_loop3A_1203 : vector<16xi32>
        %parallel_loop3A_1205 = arith.select %parallel_loop3A_1204, %get3A_134, %parallel_loop3A_1201 : vector<16xi1>, vector<16xf32>
        %parallel_loop3A_1206 = arith.constant 0 : i32
        %parallel_loop3A_1207 = vector.broadcast %parallel_loop3A_1206 : i32 to vector<16xi32>
        %parallel_loop3A_1208 = arith.cmpi eq, %parallel_loop3A_1163, %parallel_loop3A_1207 : vector<16xi32>
        %parallel_loop3A_1209 = arith.select %parallel_loop3A_1208, %get3A_118, %parallel_loop3A_1205 : vector<16xi1>, vector<16xf32>
        %parallel_loop3A_1210 = arith.constant 0 : i32
        %parallel_loop3A_1211 = arith.index_cast %parallel_loop3A_1210 : i32 to index
        %parallel_loop3A_1212 = arith.index_cast %parallel_loop3A_1159 : i32 to index
        %parallel_loop3A_1213 = arith.constant 160 : index
        %parallel_loop3A_1214 = tpu.vector_load %arg7[%parallel_loop3A_1211, %parallel_loop3A_1212, %parallel_loop3A_1213] {strides = array<i32>} : memref<2x32x1024xf32, #tpu.memory_space<vmem>>, vector<16xf32>,
        tpu.vector_store %arg7[%parallel_loop3A_1211, %parallel_loop3A_1212, %parallel_loop3A_1213], %parallel_loop3A_1209 {strides = array<i32>} : memref<2x32x1024xf32, #tpu.memory_space<vmem>>, vector<16xf32>,
        %parallel_loop3A_1215 = arith.constant 2 : i32
        %parallel_loop3A_1216 = vector.broadcast %parallel_loop3A_1215 : i32 to vector<16xi32>
        %parallel_loop3A_1217 = arith.cmpi eq, %parallel_loop3A_1163, %parallel_loop3A_1216 : vector<16xi32>
        %parallel_loop3A_1218 = arith.select %parallel_loop3A_1217, %get3A_152, %get3A_168 : vector<16xi1>, vector<16xf32>
        %parallel_loop3A_1219 = arith.constant 1 : i32
        %parallel_loop3A_1220 = vector.broadcast %parallel_loop3A_1219 : i32 to vector<16xi32>
        %parallel_loop3A_1221 = arith.cmpi eq, %parallel_loop3A_1163, %parallel_loop3A_1220 : vector<16xi32>
        %parallel_loop3A_1222 = arith.select %parallel_loop3A_1221, %get3A_136, %parallel_loop3A_1218 : vector<16xi1>, vector<16xf32>
        %parallel_loop3A_1223 = arith.constant 0 : i32
        %parallel_loop3A_1224 = vector.broadcast %parallel_loop3A_1223 : i32 to vector<16xi32>
        %parallel_loop3A_1225 = arith.cmpi eq, %parallel_loop3A_1163, %parallel_loop3A_1224 : vector<16xi32>
        %parallel_loop3A_1226 = arith.select %parallel_loop3A_1225, %get3A_120, %parallel_loop3A_1222 : vector<16xi1>, vector<16xf32>
        %parallel_loop3A_1227 = arith.constant 0 : i32
        %parallel_loop3A_1228 = arith.index_cast %parallel_loop3A_1227 : i32 to index
        %parallel_loop3A_1229 = arith.index_cast %parallel_loop3A_1159 : i32 to index
        %parallel_loop3A_1230 = arith.constant 176 : index
        %parallel_loop3A_1231 = tpu.vector_load %arg7[%parallel_loop3A_1228, %parallel_loop3A_1229, %parallel_loop3A_1230] {strides = array<i32>} : memref<2x32x1024xf32, #tpu.memory_space<vmem>>, vector<16xf32>,
        tpu.vector_store %arg7[%parallel_loop3A_1228, %parallel_loop3A_1229, %parallel_loop3A_1230], %parallel_loop3A_1226 {strides = array<i32>} : memref<2x32x1024xf32, #tpu.memory_space<vmem>>, vector<16xf32>,
        %parallel_loop3A_1232 = arith.constant 2 : i32
        %parallel_loop3A_1233 = vector.broadcast %parallel_loop3A_1232 : i32 to vector<16xi32>
        %parallel_loop3A_1234 = arith.cmpi eq, %parallel_loop3A_1163, %parallel_loop3A_1233 : vector<16xi32>
        %parallel_loop3A_1235 = arith.select %parallel_loop3A_1234, %get3A_154, %get3A_170 : vector<16xi1>, vector<16xf32>
        %parallel_loop3A_1236 = arith.constant 1 : i32
        %parallel_loop3A_1237 = vector.broadcast %parallel_loop3A_1236 : i32 to vector<16xi32>
        %parallel_loop3A_1238 = arith.cmpi eq, %parallel_loop3A_1163, %parallel_loop3A_1237 : vector<16xi32>
        %parallel_loop3A_1239 = arith.select %parallel_loop3A_1238, %get3A_138, %parallel_loop3A_1235 : vector<16xi1>, vector<16xf32>
        %parallel_loop3A_1240 = arith.constant 0 : i32
        %parallel_loop3A_1241 = vector.broadcast %parallel_loop3A_1240 : i32 to vector<16xi32>
        %parallel_loop3A_1242 = arith.cmpi eq, %parallel_loop3A_1163, %parallel_loop3A_1241 : vector<16xi32>
        %parallel_loop3A_1243 = arith.select %parallel_loop3A_1242, %get3A_122, %parallel_loop3A_1239 : vector<16xi1>, vector<16xf32>
        %parallel_loop3A_1244 = arith.constant 0 : i32
        %parallel_loop3A_1245 = arith.index_cast %parallel_loop3A_1244 : i32 to index
        %parallel_loop3A_1246 = arith.index_cast %parallel_loop3A_1159 : i32 to index
        %parallel_loop3A_1247 = arith.constant 192 : index
        %parallel_loop3A_1248 = tpu.vector_load %arg7[%parallel_loop3A_1245, %parallel_loop3A_1246, %parallel_loop3A_1247] {strides = array<i32>} : memref<2x32x1024xf32, #tpu.memory_space<vmem>>, vector<16xf32>,
        tpu.vector_store %arg7[%parallel_loop3A_1245, %parallel_loop3A_1246, %parallel_loop3A_1247], %parallel_loop3A_1243 {strides = array<i32>} : memref<2x32x1024xf32, #tpu.memory_space<vmem>>, vector<16xf32>,
        %parallel_loop3A_1249 = arith.constant 2 : i32
        %parallel_loop3A_1250 = vector.broadcast %parallel_loop3A_1249 : i32 to vector<16xi32>
        %parallel_loop3A_1251 = arith.cmpi eq, %parallel_loop3A_1163, %parallel_loop3A_1250 : vector<16xi32>
        %parallel_loop3A_1252 = arith.select %parallel_loop3A_1251, %get3A_156, %get3A_172 : vector<16xi1>, vector<16xf32>
        %parallel_loop3A_1253 = arith.constant 1 : i32
        %parallel_loop3A_1254 = vector.broadcast %parallel_loop3A_1253 : i32 to vector<16xi32>
        %parallel_loop3A_1255 = arith.cmpi eq, %parallel_loop3A_1163, %parallel_loop3A_1254 : vector<16xi32>
        %parallel_loop3A_1256 = arith.select %parallel_loop3A_1255, %get3A_140, %parallel_loop3A_1252 : vector<16xi1>, vector<16xf32>
        %parallel_loop3A_1257 = arith.constant 0 : i32
        %parallel_loop3A_1258 = vector.broadcast %parallel_loop3A_1257 : i32 to vector<16xi32>
        %parallel_loop3A_1259 = arith.cmpi eq, %parallel_loop3A_1163, %parallel_loop3A_1258 : vector<16xi32>
        %parallel_loop3A_1260 = arith.select %parallel_loop3A_1259, %get3A_124, %parallel_loop3A_1256 : vector<16xi1>, vector<16xf32>
        %parallel_loop3A_1261 = arith.constant 0 : i32
        %parallel_loop3A_1262 = arith.index_cast %parallel_loop3A_1261 : i32 to index
        %parallel_loop3A_1263 = arith.index_cast %parallel_loop3A_1159 : i32 to index
        %parallel_loop3A_1264 = arith.constant 208 : index
        %parallel_loop3A_1265 = tpu.vector_load %arg7[%parallel_loop3A_1262, %parallel_loop3A_1263, %parallel_loop3A_1264] {strides = array<i32>} : memref<2x32x1024xf32, #tpu.memory_space<vmem>>, vector<16xf32>,
        tpu.vector_store %arg7[%parallel_loop3A_1262, %parallel_loop3A_1263, %parallel_loop3A_1264], %parallel_loop3A_1260 {strides = array<i32>} : memref<2x32x1024xf32, #tpu.memory_space<vmem>>, vector<16xf32>,
        %parallel_loop3A_1266 = arith.constant 2 : i32
        %parallel_loop3A_1267 = vector.broadcast %parallel_loop3A_1266 : i32 to vector<16xi32>
        %parallel_loop3A_1268 = arith.cmpi eq, %parallel_loop3A_1163, %parallel_loop3A_1267 : vector<16xi32>
        %parallel_loop3A_1269 = arith.select %parallel_loop3A_1268, %get3A_158, %get3A_174 : vector<16xi1>, vector<16xf32>
        %parallel_loop3A_1270 = arith.constant 1 : i32
        %parallel_loop3A_1271 = vector.broadcast %parallel_loop3A_1270 : i32 to vector<16xi32>
        %parallel_loop3A_1272 = arith.cmpi eq, %parallel_loop3A_1163, %parallel_loop3A_1271 : vector<16xi32>
        %parallel_loop3A_1273 = arith.select %parallel_loop3A_1272, %get3A_142, %parallel_loop3A_1269 : vector<16xi1>, vector<16xf32>
        %parallel_loop3A_1274 = arith.constant 0 : i32
        %parallel_loop3A_1275 = vector.broadcast %parallel_loop3A_1274 : i32 to vector<16xi32>
        %parallel_loop3A_1276 = arith.cmpi eq, %parallel_loop3A_1163, %parallel_loop3A_1275 : vector<16xi32>
        %parallel_loop3A_1277 = arith.select %parallel_loop3A_1276, %get3A_126, %parallel_loop3A_1273 : vector<16xi1>, vector<16xf32>
        %parallel_loop3A_1278 = arith.constant 0 : i32
        %parallel_loop3A_1279 = arith.index_cast %parallel_loop3A_1278 : i32 to index
        %parallel_loop3A_1280 = arith.index_cast %parallel_loop3A_1159 : i32 to index
        %parallel_loop3A_1281 = arith.constant 224 : index
        %parallel_loop3A_1282 = tpu.vector_load %arg7[%parallel_loop3A_1279, %parallel_loop3A_1280, %parallel_loop3A_1281] {strides = array<i32>} : memref<2x32x1024xf32, #tpu.memory_space<vmem>>, vector<16xf32>,
        tpu.vector_store %arg7[%parallel_loop3A_1279, %parallel_loop3A_1280, %parallel_loop3A_1281], %parallel_loop3A_1277 {strides = array<i32>} : memref<2x32x1024xf32, #tpu.memory_space<vmem>>, vector<16xf32>,
        %parallel_loop3A_1283 = arith.constant 2 : i32
        %parallel_loop3A_1284 = vector.broadcast %parallel_loop3A_1283 : i32 to vector<16xi32>
        %parallel_loop3A_1285 = arith.cmpi eq, %parallel_loop3A_1163, %parallel_loop3A_1284 : vector<16xi32>
        %parallel_loop3A_1286 = arith.select %parallel_loop3A_1285, %get3A_160, %get3A_176 : vector<16xi1>, vector<16xf32>
        %parallel_loop3A_1287 = arith.constant 1 : i32
        %parallel_loop3A_1288 = vector.broadcast %parallel_loop3A_1287 : i32 to vector<16xi32>
        %parallel_loop3A_1289 = arith.cmpi eq, %parallel_loop3A_1163, %parallel_loop3A_1288 : vector<16xi32>
        %parallel_loop3A_1290 = arith.select %parallel_loop3A_1289, %get3A_144, %parallel_loop3A_1286 : vector<16xi1>, vector<16xf32>
        %parallel_loop3A_1291 = arith.constant 0 : i32
        %parallel_loop3A_1292 = vector.broadcast %parallel_loop3A_1291 : i32 to vector<16xi32>
        %parallel_loop3A_1293 = arith.cmpi eq, %parallel_loop3A_1163, %parallel_loop3A_1292 : vector<16xi32>
        %parallel_loop3A_1294 = arith.select %parallel_loop3A_1293, %get3A_128, %parallel_loop3A_1290 : vector<16xi1>, vector<16xf32>
        %parallel_loop3A_1295 = arith.constant 0 : i32
        %parallel_loop3A_1296 = arith.index_cast %parallel_loop3A_1295 : i32 to index
        %parallel_loop3A_1297 = arith.index_cast %parallel_loop3A_1159 : i32 to index
        %parallel_loop3A_1298 = arith.constant 240 : index
        %parallel_loop3A_1299 = tpu.vector_load %arg7[%parallel_loop3A_1296, %parallel_loop3A_1297, %parallel_loop3A_1298] {strides = array<i32>} : memref<2x32x1024xf32, #tpu.memory_space<vmem>>, vector<16xf32>,
        tpu.vector_store %arg7[%parallel_loop3A_1296, %parallel_loop3A_1297, %parallel_loop3A_1298], %parallel_loop3A_1294 {strides = array<i32>} : memref<2x32x1024xf32, #tpu.memory_space<vmem>>, vector<16xf32>,
      } {sc.loop_unroll_factor = 2 : i64, sc.parallel_access}
      %get3A_180 = arith.constant 256 : index
      %get3A_181 = tpu.vector_load %arg5[%get3A_180] {strides = array<i32>} : memref<4096xf32, #tpu.memory_space<vmem>>, vector<16xf32>,
      %get3A_182 = arith.constant 272 : index
      %get3A_183 = tpu.vector_load %arg5[%get3A_182] {strides = array<i32>} : memref<4096xf32, #tpu.memory_space<vmem>>, vector<16xf32>,
      %get3A_184 = arith.constant 288 : index
      %get3A_185 = tpu.vector_load %arg5[%get3A_184] {strides = array<i32>} : memref<4096xf32, #tpu.memory_space<vmem>>, vector<16xf32>,
      %get3A_186 = arith.constant 304 : index
      %get3A_187 = tpu.vector_load %arg5[%get3A_186] {strides = array<i32>} : memref<4096xf32, #tpu.memory_space<vmem>>, vector<16xf32>,
      %get3A_188 = arith.constant 320 : index
      %get3A_189 = tpu.vector_load %arg5[%get3A_188] {strides = array<i32>} : memref<4096xf32, #tpu.memory_space<vmem>>, vector<16xf32>,
      %get3A_190 = arith.constant 336 : index
      %get3A_191 = tpu.vector_load %arg5[%get3A_190] {strides = array<i32>} : memref<4096xf32, #tpu.memory_space<vmem>>, vector<16xf32>,
      %get3A_192 = arith.constant 352 : index
      %get3A_193 = tpu.vector_load %arg5[%get3A_192] {strides = array<i32>} : memref<4096xf32, #tpu.memory_space<vmem>>, vector<16xf32>,
      %get3A_194 = arith.constant 368 : index
      %get3A_195 = tpu.vector_load %arg5[%get3A_194] {strides = array<i32>} : memref<4096xf32, #tpu.memory_space<vmem>>, vector<16xf32>,
      %get3A_196 = arith.constant 1280 : index
      %get3A_197 = tpu.vector_load %arg5[%get3A_196] {strides = array<i32>} : memref<4096xf32, #tpu.memory_space<vmem>>, vector<16xf32>,
      %get3A_198 = arith.constant 1296 : index
      %get3A_199 = tpu.vector_load %arg5[%get3A_198] {strides = array<i32>} : memref<4096xf32, #tpu.memory_space<vmem>>, vector<16xf32>,
      %get3A_200 = arith.constant 1312 : index
      %get3A_201 = tpu.vector_load %arg5[%get3A_200] {strides = array<i32>} : memref<4096xf32, #tpu.memory_space<vmem>>, vector<16xf32>,
      %get3A_202 = arith.constant 1328 : index
      %get3A_203 = tpu.vector_load %arg5[%get3A_202] {strides = array<i32>} : memref<4096xf32, #tpu.memory_space<vmem>>, vector<16xf32>,
      %get3A_204 = arith.constant 1344 : index
      %get3A_205 = tpu.vector_load %arg5[%get3A_204] {strides = array<i32>} : memref<4096xf32, #tpu.memory_space<vmem>>, vector<16xf32>,
      %get3A_206 = arith.constant 1360 : index
      %get3A_207 = tpu.vector_load %arg5[%get3A_206] {strides = array<i32>} : memref<4096xf32, #tpu.memory_space<vmem>>, vector<16xf32>,
      %get3A_208 = arith.constant 1376 : index
      %get3A_209 = tpu.vector_load %arg5[%get3A_208] {strides = array<i32>} : memref<4096xf32, #tpu.memory_space<vmem>>, vector<16xf32>,
      %get3A_210 = arith.constant 1392 : index
      %get3A_211 = tpu.vector_load %arg5[%get3A_210] {strides = array<i32>} : memref<4096xf32, #tpu.memory_space<vmem>>, vector<16xf32>,
      %get3A_212 = arith.constant 2304 : index
      %get3A_213 = tpu.vector_load %arg5[%get3A_212] {strides = array<i32>} : memref<4096xf32, #tpu.memory_space<vmem>>, vector<16xf32>,
      %get3A_214 = arith.constant 2320 : index
      %get3A_215 = tpu.vector_load %arg5[%get3A_214] {strides = array<i32>} : memref<4096xf32, #tpu.memory_space<vmem>>, vector<16xf32>,
      %get3A_216 = arith.constant 2336 : index
      %get3A_217 = tpu.vector_load %arg5[%get3A_216] {strides = array<i32>} : memref<4096xf32, #tpu.memory_space<vmem>>, vector<16xf32>,
      %get3A_218 = arith.constant 2352 : index
      %get3A_219 = tpu.vector_load %arg5[%get3A_218] {strides = array<i32>} : memref<4096xf32, #tpu.memory_space<vmem>>, vector<16xf32>,
      %get3A_220 = arith.constant 2368 : index
      %get3A_221 = tpu.vector_load %arg5[%get3A_220] {strides = array<i32>} : memref<4096xf32, #tpu.memory_space<vmem>>, vector<16xf32>,
      %get3A_222 = arith.constant 2384 : index
      %get3A_223 = tpu.vector_load %arg5[%get3A_222] {strides = array<i32>} : memref<4096xf32, #tpu.memory_space<vmem>>, vector<16xf32>,
      %get3A_224 = arith.constant 2400 : index
      %get3A_225 = tpu.vector_load %arg5[%get3A_224] {strides = array<i32>} : memref<4096xf32, #tpu.memory_space<vmem>>, vector<16xf32>,
      %get3A_226 = arith.constant 2416 : index
      %get3A_227 = tpu.vector_load %arg5[%get3A_226] {strides = array<i32>} : memref<4096xf32, #tpu.memory_space<vmem>>, vector<16xf32>,
      %get3A_228 = arith.constant 3328 : index
      %get3A_229 = tpu.vector_load %arg5[%get3A_228] {strides = array<i32>} : memref<4096xf32, #tpu.memory_space<vmem>>, vector<16xf32>,
      %get3A_230 = arith.constant 3344 : index
      %get3A_231 = tpu.vector_load %arg5[%get3A_230] {strides = array<i32>} : memref<4096xf32, #tpu.memory_space<vmem>>, vector<16xf32>,
      %get3A_232 = arith.constant 3360 : index
      %get3A_233 = tpu.vector_load %arg5[%get3A_232] {strides = array<i32>} : memref<4096xf32, #tpu.memory_space<vmem>>, vector<16xf32>,
      %get3A_234 = arith.constant 3376 : index
      %get3A_235 = tpu.vector_load %arg5[%get3A_234] {strides = array<i32>} : memref<4096xf32, #tpu.memory_space<vmem>>, vector<16xf32>,
      %get3A_236 = arith.constant 3392 : index
      %get3A_237 = tpu.vector_load %arg5[%get3A_236] {strides = array<i32>} : memref<4096xf32, #tpu.memory_space<vmem>>, vector<16xf32>,
      %get3A_238 = arith.constant 3408 : index
      %get3A_239 = tpu.vector_load %arg5[%get3A_238] {strides = array<i32>} : memref<4096xf32, #tpu.memory_space<vmem>>, vector<16xf32>,
      %get3A_240 = arith.constant 3424 : index
      %get3A_241 = tpu.vector_load %arg5[%get3A_240] {strides = array<i32>} : memref<4096xf32, #tpu.memory_space<vmem>>, vector<16xf32>,
      %get3A_242 = arith.constant 3440 : index
      %get3A_243 = tpu.vector_load %arg5[%get3A_242] {strides = array<i32>} : memref<4096xf32, #tpu.memory_space<vmem>>, vector<16xf32>,
      %parallel_loop3A_244 = arith.constant 0 : i32
      %parallel_loop3A_245 = arith.constant 32 : i32
      %parallel_loop3A_246 = arith.constant 1 : i32
      scf.for %parallel_loop3A_1159 = %parallel_loop3A_244 to %parallel_loop3A_245 step %parallel_loop3A_246  : i32 {
        %parallel_loop3A_1160 = arith.constant 16 : i32
        %parallel_loop3A_1161 = arith.muli %parallel_loop3A_1159, %parallel_loop3A_1160 : i32
        %parallel_loop3A_1162 = arith.index_cast %parallel_loop3A_1161 : i32 to index
        %parallel_loop3A_1163 = tpu.vector_load %arg8[%parallel_loop3A_1162] {strides = array<i32>} : memref<512xi32, #tpu.memory_space<vmem>>, vector<16xi32>,
        %parallel_loop3A_1164 = arith.constant 2 : i32
        %parallel_loop3A_1165 = vector.broadcast %parallel_loop3A_1164 : i32 to vector<16xi32>
        %parallel_loop3A_1166 = arith.cmpi eq, %parallel_loop3A_1163, %parallel_loop3A_1165 : vector<16xi32>
        %parallel_loop3A_1167 = arith.select %parallel_loop3A_1166, %get3A_213, %get3A_229 : vector<16xi1>, vector<16xf32>
        %parallel_loop3A_1168 = arith.constant 1 : i32
        %parallel_loop3A_1169 = vector.broadcast %parallel_loop3A_1168 : i32 to vector<16xi32>
        %parallel_loop3A_1170 = arith.cmpi eq, %parallel_loop3A_1163, %parallel_loop3A_1169 : vector<16xi32>
        %parallel_loop3A_1171 = arith.select %parallel_loop3A_1170, %get3A_197, %parallel_loop3A_1167 : vector<16xi1>, vector<16xf32>
        %parallel_loop3A_1172 = arith.constant 0 : i32
        %parallel_loop3A_1173 = vector.broadcast %parallel_loop3A_1172 : i32 to vector<16xi32>
        %parallel_loop3A_1174 = arith.cmpi eq, %parallel_loop3A_1163, %parallel_loop3A_1173 : vector<16xi32>
        %parallel_loop3A_1175 = arith.select %parallel_loop3A_1174, %get3A_181, %parallel_loop3A_1171 : vector<16xi1>, vector<16xf32>
        %parallel_loop3A_1176 = arith.constant 0 : i32
        %parallel_loop3A_1177 = arith.index_cast %parallel_loop3A_1176 : i32 to index
        %parallel_loop3A_1178 = arith.index_cast %parallel_loop3A_1159 : i32 to index
        %parallel_loop3A_1179 = arith.constant 256 : index
        %parallel_loop3A_1180 = tpu.vector_load %arg7[%parallel_loop3A_1177, %parallel_loop3A_1178, %parallel_loop3A_1179] {strides = array<i32>} : memref<2x32x1024xf32, #tpu.memory_space<vmem>>, vector<16xf32>,
        tpu.vector_store %arg7[%parallel_loop3A_1177, %parallel_loop3A_1178, %parallel_loop3A_1179], %parallel_loop3A_1175 {strides = array<i32>} : memref<2x32x1024xf32, #tpu.memory_space<vmem>>, vector<16xf32>,
        %parallel_loop3A_1181 = arith.constant 2 : i32
        %parallel_loop3A_1182 = vector.broadcast %parallel_loop3A_1181 : i32 to vector<16xi32>
        %parallel_loop3A_1183 = arith.cmpi eq, %parallel_loop3A_1163, %parallel_loop3A_1182 : vector<16xi32>
        %parallel_loop3A_1184 = arith.select %parallel_loop3A_1183, %get3A_215, %get3A_231 : vector<16xi1>, vector<16xf32>
        %parallel_loop3A_1185 = arith.constant 1 : i32
        %parallel_loop3A_1186 = vector.broadcast %parallel_loop3A_1185 : i32 to vector<16xi32>
        %parallel_loop3A_1187 = arith.cmpi eq, %parallel_loop3A_1163, %parallel_loop3A_1186 : vector<16xi32>
        %parallel_loop3A_1188 = arith.select %parallel_loop3A_1187, %get3A_199, %parallel_loop3A_1184 : vector<16xi1>, vector<16xf32>
        %parallel_loop3A_1189 = arith.constant 0 : i32
        %parallel_loop3A_1190 = vector.broadcast %parallel_loop3A_1189 : i32 to vector<16xi32>
        %parallel_loop3A_1191 = arith.cmpi eq, %parallel_loop3A_1163, %parallel_loop3A_1190 : vector<16xi32>
        %parallel_loop3A_1192 = arith.select %parallel_loop3A_1191, %get3A_183, %parallel_loop3A_1188 : vector<16xi1>, vector<16xf32>
        %parallel_loop3A_1193 = arith.constant 0 : i32
        %parallel_loop3A_1194 = arith.index_cast %parallel_loop3A_1193 : i32 to index
        %parallel_loop3A_1195 = arith.index_cast %parallel_loop3A_1159 : i32 to index
        %parallel_loop3A_1196 = arith.constant 272 : index
        %parallel_loop3A_1197 = tpu.vector_load %arg7[%parallel_loop3A_1194, %parallel_loop3A_1195, %parallel_loop3A_1196] {strides = array<i32>} : memref<2x32x1024xf32, #tpu.memory_space<vmem>>, vector<16xf32>,
        tpu.vector_store %arg7[%parallel_loop3A_1194, %parallel_loop3A_1195, %parallel_loop3A_1196], %parallel_loop3A_1192 {strides = array<i32>} : memref<2x32x1024xf32, #tpu.memory_space<vmem>>, vector<16xf32>,
        %parallel_loop3A_1198 = arith.constant 2 : i32
        %parallel_loop3A_1199 = vector.broadcast %parallel_loop3A_1198 : i32 to vector<16xi32>
        %parallel_loop3A_1200 = arith.cmpi eq, %parallel_loop3A_1163, %parallel_loop3A_1199 : vector<16xi32>
        %parallel_loop3A_1201 = arith.select %parallel_loop3A_1200, %get3A_217, %get3A_233 : vector<16xi1>, vector<16xf32>
        %parallel_loop3A_1202 = arith.constant 1 : i32
        %parallel_loop3A_1203 = vector.broadcast %parallel_loop3A_1202 : i32 to vector<16xi32>
        %parallel_loop3A_1204 = arith.cmpi eq, %parallel_loop3A_1163, %parallel_loop3A_1203 : vector<16xi32>
        %parallel_loop3A_1205 = arith.select %parallel_loop3A_1204, %get3A_201, %parallel_loop3A_1201 : vector<16xi1>, vector<16xf32>
        %parallel_loop3A_1206 = arith.constant 0 : i32
        %parallel_loop3A_1207 = vector.broadcast %parallel_loop3A_1206 : i32 to vector<16xi32>
        %parallel_loop3A_1208 = arith.cmpi eq, %parallel_loop3A_1163, %parallel_loop3A_1207 : vector<16xi32>
        %parallel_loop3A_1209 = arith.select %parallel_loop3A_1208, %get3A_185, %parallel_loop3A_1205 : vector<16xi1>, vector<16xf32>
        %parallel_loop3A_1210 = arith.constant 0 : i32
        %parallel_loop3A_1211 = arith.index_cast %parallel_loop3A_1210 : i32 to index
        %parallel_loop3A_1212 = arith.index_cast %parallel_loop3A_1159 : i32 to index
        %parallel_loop3A_1213 = arith.constant 288 : index
        %parallel_loop3A_1214 = tpu.vector_load %arg7[%parallel_loop3A_1211, %parallel_loop3A_1212, %parallel_loop3A_1213] {strides = array<i32>} : memref<2x32x1024xf32, #tpu.memory_space<vmem>>, vector<16xf32>,
        tpu.vector_store %arg7[%parallel_loop3A_1211, %parallel_loop3A_1212, %parallel_loop3A_1213], %parallel_loop3A_1209 {strides = array<i32>} : memref<2x32x1024xf32, #tpu.memory_space<vmem>>, vector<16xf32>,
        %parallel_loop3A_1215 = arith.constant 2 : i32
        %parallel_loop3A_1216 = vector.broadcast %parallel_loop3A_1215 : i32 to vector<16xi32>
        %parallel_loop3A_1217 = arith.cmpi eq, %parallel_loop3A_1163, %parallel_loop3A_1216 : vector<16xi32>
        %parallel_loop3A_1218 = arith.select %parallel_loop3A_1217, %get3A_219, %get3A_235 : vector<16xi1>, vector<16xf32>
        %parallel_loop3A_1219 = arith.constant 1 : i32
        %parallel_loop3A_1220 = vector.broadcast %parallel_loop3A_1219 : i32 to vector<16xi32>
        %parallel_loop3A_1221 = arith.cmpi eq, %parallel_loop3A_1163, %parallel_loop3A_1220 : vector<16xi32>
        %parallel_loop3A_1222 = arith.select %parallel_loop3A_1221, %get3A_203, %parallel_loop3A_1218 : vector<16xi1>, vector<16xf32>
        %parallel_loop3A_1223 = arith.constant 0 : i32
        %parallel_loop3A_1224 = vector.broadcast %parallel_loop3A_1223 : i32 to vector<16xi32>
        %parallel_loop3A_1225 = arith.cmpi eq, %parallel_loop3A_1163, %parallel_loop3A_1224 : vector<16xi32>
        %parallel_loop3A_1226 = arith.select %parallel_loop3A_1225, %get3A_187, %parallel_loop3A_1222 : vector<16xi1>, vector<16xf32>
        %parallel_loop3A_1227 = arith.constant 0 : i32
        %parallel_loop3A_1228 = arith.index_cast %parallel_loop3A_1227 : i32 to index
        %parallel_loop3A_1229 = arith.index_cast %parallel_loop3A_1159 : i32 to index
        %parallel_loop3A_1230 = arith.constant 304 : index
        %parallel_loop3A_1231 = tpu.vector_load %arg7[%parallel_loop3A_1228, %parallel_loop3A_1229, %parallel_loop3A_1230] {strides = array<i32>} : memref<2x32x1024xf32, #tpu.memory_space<vmem>>, vector<16xf32>,
        tpu.vector_store %arg7[%parallel_loop3A_1228, %parallel_loop3A_1229, %parallel_loop3A_1230], %parallel_loop3A_1226 {strides = array<i32>} : memref<2x32x1024xf32, #tpu.memory_space<vmem>>, vector<16xf32>,
        %parallel_loop3A_1232 = arith.constant 2 : i32
        %parallel_loop3A_1233 = vector.broadcast %parallel_loop3A_1232 : i32 to vector<16xi32>
        %parallel_loop3A_1234 = arith.cmpi eq, %parallel_loop3A_1163, %parallel_loop3A_1233 : vector<16xi32>
        %parallel_loop3A_1235 = arith.select %parallel_loop3A_1234, %get3A_221, %get3A_237 : vector<16xi1>, vector<16xf32>
        %parallel_loop3A_1236 = arith.constant 1 : i32
        %parallel_loop3A_1237 = vector.broadcast %parallel_loop3A_1236 : i32 to vector<16xi32>
        %parallel_loop3A_1238 = arith.cmpi eq, %parallel_loop3A_1163, %parallel_loop3A_1237 : vector<16xi32>
        %parallel_loop3A_1239 = arith.select %parallel_loop3A_1238, %get3A_205, %parallel_loop3A_1235 : vector<16xi1>, vector<16xf32>
        %parallel_loop3A_1240 = arith.constant 0 : i32
        %parallel_loop3A_1241 = vector.broadcast %parallel_loop3A_1240 : i32 to vector<16xi32>
        %parallel_loop3A_1242 = arith.cmpi eq, %parallel_loop3A_1163, %parallel_loop3A_1241 : vector<16xi32>
        %parallel_loop3A_1243 = arith.select %parallel_loop3A_1242, %get3A_189, %parallel_loop3A_1239 : vector<16xi1>, vector<16xf32>
        %parallel_loop3A_1244 = arith.constant 0 : i32
        %parallel_loop3A_1245 = arith.index_cast %parallel_loop3A_1244 : i32 to index
        %parallel_loop3A_1246 = arith.index_cast %parallel_loop3A_1159 : i32 to index
        %parallel_loop3A_1247 = arith.constant 320 : index
        %parallel_loop3A_1248 = tpu.vector_load %arg7[%parallel_loop3A_1245, %parallel_loop3A_1246, %parallel_loop3A_1247] {strides = array<i32>} : memref<2x32x1024xf32, #tpu.memory_space<vmem>>, vector<16xf32>,
        tpu.vector_store %arg7[%parallel_loop3A_1245, %parallel_loop3A_1246, %parallel_loop3A_1247], %parallel_loop3A_1243 {strides = array<i32>} : memref<2x32x1024xf32, #tpu.memory_space<vmem>>, vector<16xf32>,
        %parallel_loop3A_1249 = arith.constant 2 : i32
        %parallel_loop3A_1250 = vector.broadcast %parallel_loop3A_1249 : i32 to vector<16xi32>
        %parallel_loop3A_1251 = arith.cmpi eq, %parallel_loop3A_1163, %parallel_loop3A_1250 : vector<16xi32>
        %parallel_loop3A_1252 = arith.select %parallel_loop3A_1251, %get3A_223, %get3A_239 : vector<16xi1>, vector<16xf32>
        %parallel_loop3A_1253 = arith.constant 1 : i32
        %parallel_loop3A_1254 = vector.broadcast %parallel_loop3A_1253 : i32 to vector<16xi32>
        %parallel_loop3A_1255 = arith.cmpi eq, %parallel_loop3A_1163, %parallel_loop3A_1254 : vector<16xi32>
        %parallel_loop3A_1256 = arith.select %parallel_loop3A_1255, %get3A_207, %parallel_loop3A_1252 : vector<16xi1>, vector<16xf32>
        %parallel_loop3A_1257 = arith.constant 0 : i32
        %parallel_loop3A_1258 = vector.broadcast %parallel_loop3A_1257 : i32 to vector<16xi32>
        %parallel_loop3A_1259 = arith.cmpi eq, %parallel_loop3A_1163, %parallel_loop3A_1258 : vector<16xi32>
        %parallel_loop3A_1260 = arith.select %parallel_loop3A_1259, %get3A_191, %parallel_loop3A_1256 : vector<16xi1>, vector<16xf32>
        %parallel_loop3A_1261 = arith.constant 0 : i32
        %parallel_loop3A_1262 = arith.index_cast %parallel_loop3A_1261 : i32 to index
        %parallel_loop3A_1263 = arith.index_cast %parallel_loop3A_1159 : i32 to index
        %parallel_loop3A_1264 = arith.constant 336 : index
        %parallel_loop3A_1265 = tpu.vector_load %arg7[%parallel_loop3A_1262, %parallel_loop3A_1263, %parallel_loop3A_1264] {strides = array<i32>} : memref<2x32x1024xf32, #tpu.memory_space<vmem>>, vector<16xf32>,
        tpu.vector_store %arg7[%parallel_loop3A_1262, %parallel_loop3A_1263, %parallel_loop3A_1264], %parallel_loop3A_1260 {strides = array<i32>} : memref<2x32x1024xf32, #tpu.memory_space<vmem>>, vector<16xf32>,
        %parallel_loop3A_1266 = arith.constant 2 : i32
        %parallel_loop3A_1267 = vector.broadcast %parallel_loop3A_1266 : i32 to vector<16xi32>
        %parallel_loop3A_1268 = arith.cmpi eq, %parallel_loop3A_1163, %parallel_loop3A_1267 : vector<16xi32>
        %parallel_loop3A_1269 = arith.select %parallel_loop3A_1268, %get3A_225, %get3A_241 : vector<16xi1>, vector<16xf32>
        %parallel_loop3A_1270 = arith.constant 1 : i32
        %parallel_loop3A_1271 = vector.broadcast %parallel_loop3A_1270 : i32 to vector<16xi32>
        %parallel_loop3A_1272 = arith.cmpi eq, %parallel_loop3A_1163, %parallel_loop3A_1271 : vector<16xi32>
        %parallel_loop3A_1273 = arith.select %parallel_loop3A_1272, %get3A_209, %parallel_loop3A_1269 : vector<16xi1>, vector<16xf32>
        %parallel_loop3A_1274 = arith.constant 0 : i32
        %parallel_loop3A_1275 = vector.broadcast %parallel_loop3A_1274 : i32 to vector<16xi32>
        %parallel_loop3A_1276 = arith.cmpi eq, %parallel_loop3A_1163, %parallel_loop3A_1275 : vector<16xi32>
        %parallel_loop3A_1277 = arith.select %parallel_loop3A_1276, %get3A_193, %parallel_loop3A_1273 : vector<16xi1>, vector<16xf32>
        %parallel_loop3A_1278 = arith.constant 0 : i32
        %parallel_loop3A_1279 = arith.index_cast %parallel_loop3A_1278 : i32 to index
        %parallel_loop3A_1280 = arith.index_cast %parallel_loop3A_1159 : i32 to index
        %parallel_loop3A_1281 = arith.constant 352 : index
        %parallel_loop3A_1282 = tpu.vector_load %arg7[%parallel_loop3A_1279, %parallel_loop3A_1280, %parallel_loop3A_1281] {strides = array<i32>} : memref<2x32x1024xf32, #tpu.memory_space<vmem>>, vector<16xf32>,
        tpu.vector_store %arg7[%parallel_loop3A_1279, %parallel_loop3A_1280, %parallel_loop3A_1281], %parallel_loop3A_1277 {strides = array<i32>} : memref<2x32x1024xf32, #tpu.memory_space<vmem>>, vector<16xf32>,
        %parallel_loop3A_1283 = arith.constant 2 : i32
        %parallel_loop3A_1284 = vector.broadcast %parallel_loop3A_1283 : i32 to vector<16xi32>
        %parallel_loop3A_1285 = arith.cmpi eq, %parallel_loop3A_1163, %parallel_loop3A_1284 : vector<16xi32>
        %parallel_loop3A_1286 = arith.select %parallel_loop3A_1285, %get3A_227, %get3A_243 : vector<16xi1>, vector<16xf32>
        %parallel_loop3A_1287 = arith.constant 1 : i32
        %parallel_loop3A_1288 = vector.broadcast %parallel_loop3A_1287 : i32 to vector<16xi32>
        %parallel_loop3A_1289 = arith.cmpi eq, %parallel_loop3A_1163, %parallel_loop3A_1288 : vector<16xi32>
        %parallel_loop3A_1290 = arith.select %parallel_loop3A_1289, %get3A_211, %parallel_loop3A_1286 : vector<16xi1>, vector<16xf32>
        %parallel_loop3A_1291 = arith.constant 0 : i32
        %parallel_loop3A_1292 = vector.broadcast %parallel_loop3A_1291 : i32 to vector<16xi32>
        %parallel_loop3A_1293 = arith.cmpi eq, %parallel_loop3A_1163, %parallel_loop3A_1292 : vector<16xi32>
        %parallel_loop3A_1294 = arith.select %parallel_loop3A_1293, %get3A_195, %parallel_loop3A_1290 : vector<16xi1>, vector<16xf32>
        %parallel_loop3A_1295 = arith.constant 0 : i32
        %parallel_loop3A_1296 = arith.index_cast %parallel_loop3A_1295 : i32 to index
        %parallel_loop3A_1297 = arith.index_cast %parallel_loop3A_1159 : i32 to index
        %parallel_loop3A_1298 = arith.constant 368 : index
        %parallel_loop3A_1299 = tpu.vector_load %arg7[%parallel_loop3A_1296, %parallel_loop3A_1297, %parallel_loop3A_1298] {strides = array<i32>} : memref<2x32x1024xf32, #tpu.memory_space<vmem>>, vector<16xf32>,
        tpu.vector_store %arg7[%parallel_loop3A_1296, %parallel_loop3A_1297, %parallel_loop3A_1298], %parallel_loop3A_1294 {strides = array<i32>} : memref<2x32x1024xf32, #tpu.memory_space<vmem>>, vector<16xf32>,
      } {sc.loop_unroll_factor = 2 : i64, sc.parallel_access}
      %get3A_247 = arith.constant 384 : index
      %get3A_248 = tpu.vector_load %arg5[%get3A_247] {strides = array<i32>} : memref<4096xf32, #tpu.memory_space<vmem>>, vector<16xf32>,
      %get3A_249 = arith.constant 400 : index
      %get3A_250 = tpu.vector_load %arg5[%get3A_249] {strides = array<i32>} : memref<4096xf32, #tpu.memory_space<vmem>>, vector<16xf32>,
      %get3A_251 = arith.constant 416 : index
      %get3A_252 = tpu.vector_load %arg5[%get3A_251] {strides = array<i32>} : memref<4096xf32, #tpu.memory_space<vmem>>, vector<16xf32>,
      %get3A_253 = arith.constant 432 : index
      %get3A_254 = tpu.vector_load %arg5[%get3A_253] {strides = array<i32>} : memref<4096xf32, #tpu.memory_space<vmem>>, vector<16xf32>,
      %get3A_255 = arith.constant 448 : index
      %get3A_256 = tpu.vector_load %arg5[%get3A_255] {strides = array<i32>} : memref<4096xf32, #tpu.memory_space<vmem>>, vector<16xf32>,
      %get3A_257 = arith.constant 464 : index
      %get3A_258 = tpu.vector_load %arg5[%get3A_257] {strides = array<i32>} : memref<4096xf32, #tpu.memory_space<vmem>>, vector<16xf32>,
      %get3A_259 = arith.constant 480 : index
      %get3A_260 = tpu.vector_load %arg5[%get3A_259] {strides = array<i32>} : memref<4096xf32, #tpu.memory_space<vmem>>, vector<16xf32>,
      %get3A_261 = arith.constant 496 : index
      %get3A_262 = tpu.vector_load %arg5[%get3A_261] {strides = array<i32>} : memref<4096xf32, #tpu.memory_space<vmem>>, vector<16xf32>,
      %get3A_263 = arith.constant 1408 : index
      %get3A_264 = tpu.vector_load %arg5[%get3A_263] {strides = array<i32>} : memref<4096xf32, #tpu.memory_space<vmem>>, vector<16xf32>,
      %get3A_265 = arith.constant 1424 : index
      %get3A_266 = tpu.vector_load %arg5[%get3A_265] {strides = array<i32>} : memref<4096xf32, #tpu.memory_space<vmem>>, vector<16xf32>,
      %get3A_267 = arith.constant 1440 : index
      %get3A_268 = tpu.vector_load %arg5[%get3A_267] {strides = array<i32>} : memref<4096xf32, #tpu.memory_space<vmem>>, vector<16xf32>,
      %get3A_269 = arith.constant 1456 : index
      %get3A_270 = tpu.vector_load %arg5[%get3A_269] {strides = array<i32>} : memref<4096xf32, #tpu.memory_space<vmem>>, vector<16xf32>,
      %get3A_271 = arith.constant 1472 : index
      %get3A_272 = tpu.vector_load %arg5[%get3A_271] {strides = array<i32>} : memref<4096xf32, #tpu.memory_space<vmem>>, vector<16xf32>,
      %get3A_273 = arith.constant 1488 : index
      %get3A_274 = tpu.vector_load %arg5[%get3A_273] {strides = array<i32>} : memref<4096xf32, #tpu.memory_space<vmem>>, vector<16xf32>,
      %get3A_275 = arith.constant 1504 : index
      %get3A_276 = tpu.vector_load %arg5[%get3A_275] {strides = array<i32>} : memref<4096xf32, #tpu.memory_space<vmem>>, vector<16xf32>,
      %get3A_277 = arith.constant 1520 : index
      %get3A_278 = tpu.vector_load %arg5[%get3A_277] {strides = array<i32>} : memref<4096xf32, #tpu.memory_space<vmem>>, vector<16xf32>,
      %get3A_279 = arith.constant 2432 : index
      %get3A_280 = tpu.vector_load %arg5[%get3A_279] {strides = array<i32>} : memref<4096xf32, #tpu.memory_space<vmem>>, vector<16xf32>,
      %get3A_281 = arith.constant 2448 : index
      %get3A_282 = tpu.vector_load %arg5[%get3A_281] {strides = array<i32>} : memref<4096xf32, #tpu.memory_space<vmem>>, vector<16xf32>,
      %get3A_283 = arith.constant 2464 : index
      %get3A_284 = tpu.vector_load %arg5[%get3A_283] {strides = array<i32>} : memref<4096xf32, #tpu.memory_space<vmem>>, vector<16xf32>,
      %get3A_285 = arith.constant 2480 : index
      %get3A_286 = tpu.vector_load %arg5[%get3A_285] {strides = array<i32>} : memref<4096xf32, #tpu.memory_space<vmem>>, vector<16xf32>,
      %get3A_287 = arith.constant 2496 : index
      %get3A_288 = tpu.vector_load %arg5[%get3A_287] {strides = array<i32>} : memref<4096xf32, #tpu.memory_space<vmem>>, vector<16xf32>,
      %get3A_289 = arith.constant 2512 : index
      %get3A_290 = tpu.vector_load %arg5[%get3A_289] {strides = array<i32>} : memref<4096xf32, #tpu.memory_space<vmem>>, vector<16xf32>,
      %get3A_291 = arith.constant 2528 : index
      %get3A_292 = tpu.vector_load %arg5[%get3A_291] {strides = array<i32>} : memref<4096xf32, #tpu.memory_space<vmem>>, vector<16xf32>,
      %get3A_293 = arith.constant 2544 : index
      %get3A_294 = tpu.vector_load %arg5[%get3A_293] {strides = array<i32>} : memref<4096xf32, #tpu.memory_space<vmem>>, vector<16xf32>,
      %get3A_295 = arith.constant 3456 : index
      %get3A_296 = tpu.vector_load %arg5[%get3A_295] {strides = array<i32>} : memref<4096xf32, #tpu.memory_space<vmem>>, vector<16xf32>,
      %get3A_297 = arith.constant 3472 : index
      %get3A_298 = tpu.vector_load %arg5[%get3A_297] {strides = array<i32>} : memref<4096xf32, #tpu.memory_space<vmem>>, vector<16xf32>,
      %get3A_299 = arith.constant 3488 : index
      %get3A_300 = tpu.vector_load %arg5[%get3A_299] {strides = array<i32>} : memref<4096xf32, #tpu.memory_space<vmem>>, vector<16xf32>,
      %get3A_301 = arith.constant 3504 : index
      %get3A_302 = tpu.vector_load %arg5[%get3A_301] {strides = array<i32>} : memref<4096xf32, #tpu.memory_space<vmem>>, vector<16xf32>,
      %get3A_303 = arith.constant 3520 : index
      %get3A_304 = tpu.vector_load %arg5[%get3A_303] {strides = array<i32>} : memref<4096xf32, #tpu.memory_space<vmem>>, vector<16xf32>,
      %get3A_305 = arith.constant 3536 : index
      %get3A_306 = tpu.vector_load %arg5[%get3A_305] {strides = array<i32>} : memref<4096xf32, #tpu.memory_space<vmem>>, vector<16xf32>,
      %get3A_307 = arith.constant 3552 : index
      %get3A_308 = tpu.vector_load %arg5[%get3A_307] {strides = array<i32>} : memref<4096xf32, #tpu.memory_space<vmem>>, vector<16xf32>,
      %get3A_309 = arith.constant 3568 : index
      %get3A_310 = tpu.vector_load %arg5[%get3A_309] {strides = array<i32>} : memref<4096xf32, #tpu.memory_space<vmem>>, vector<16xf32>,
      %parallel_loop3A_311 = arith.constant 0 : i32
      %parallel_loop3A_312 = arith.constant 32 : i32
      %parallel_loop3A_313 = arith.constant 1 : i32
      scf.for %parallel_loop3A_1159 = %parallel_loop3A_311 to %parallel_loop3A_312 step %parallel_loop3A_313  : i32 {
        %parallel_loop3A_1160 = arith.constant 16 : i32
        %parallel_loop3A_1161 = arith.muli %parallel_loop3A_1159, %parallel_loop3A_1160 : i32
        %parallel_loop3A_1162 = arith.index_cast %parallel_loop3A_1161 : i32 to index
        %parallel_loop3A_1163 = tpu.vector_load %arg8[%parallel_loop3A_1162] {strides = array<i32>} : memref<512xi32, #tpu.memory_space<vmem>>, vector<16xi32>,
        %parallel_loop3A_1164 = arith.constant 2 : i32
        %parallel_loop3A_1165 = vector.broadcast %parallel_loop3A_1164 : i32 to vector<16xi32>
        %parallel_loop3A_1166 = arith.cmpi eq, %parallel_loop3A_1163, %parallel_loop3A_1165 : vector<16xi32>
        %parallel_loop3A_1167 = arith.select %parallel_loop3A_1166, %get3A_280, %get3A_296 : vector<16xi1>, vector<16xf32>
        %parallel_loop3A_1168 = arith.constant 1 : i32
        %parallel_loop3A_1169 = vector.broadcast %parallel_loop3A_1168 : i32 to vector<16xi32>
        %parallel_loop3A_1170 = arith.cmpi eq, %parallel_loop3A_1163, %parallel_loop3A_1169 : vector<16xi32>
        %parallel_loop3A_1171 = arith.select %parallel_loop3A_1170, %get3A_264, %parallel_loop3A_1167 : vector<16xi1>, vector<16xf32>
        %parallel_loop3A_1172 = arith.constant 0 : i32
        %parallel_loop3A_1173 = vector.broadcast %parallel_loop3A_1172 : i32 to vector<16xi32>
        %parallel_loop3A_1174 = arith.cmpi eq, %parallel_loop3A_1163, %parallel_loop3A_1173 : vector<16xi32>
        %parallel_loop3A_1175 = arith.select %parallel_loop3A_1174, %get3A_248, %parallel_loop3A_1171 : vector<16xi1>, vector<16xf32>
        %parallel_loop3A_1176 = arith.constant 0 : i32
        %parallel_loop3A_1177 = arith.index_cast %parallel_loop3A_1176 : i32 to index
        %parallel_loop3A_1178 = arith.index_cast %parallel_loop3A_1159 : i32 to index
        %parallel_loop3A_1179 = arith.constant 384 : index
        %parallel_loop3A_1180 = tpu.vector_load %arg7[%parallel_loop3A_1177, %parallel_loop3A_1178, %parallel_loop3A_1179] {strides = array<i32>} : memref<2x32x1024xf32, #tpu.memory_space<vmem>>, vector<16xf32>,
        tpu.vector_store %arg7[%parallel_loop3A_1177, %parallel_loop3A_1178, %parallel_loop3A_1179], %parallel_loop3A_1175 {strides = array<i32>} : memref<2x32x1024xf32, #tpu.memory_space<vmem>>, vector<16xf32>,
        %parallel_loop3A_1181 = arith.constant 2 : i32
        %parallel_loop3A_1182 = vector.broadcast %parallel_loop3A_1181 : i32 to vector<16xi32>
        %parallel_loop3A_1183 = arith.cmpi eq, %parallel_loop3A_1163, %parallel_loop3A_1182 : vector<16xi32>
        %parallel_loop3A_1184 = arith.select %parallel_loop3A_1183, %get3A_282, %get3A_298 : vector<16xi1>, vector<16xf32>
        %parallel_loop3A_1185 = arith.constant 1 : i32
        %parallel_loop3A_1186 = vector.broadcast %parallel_loop3A_1185 : i32 to vector<16xi32>
        %parallel_loop3A_1187 = arith.cmpi eq, %parallel_loop3A_1163, %parallel_loop3A_1186 : vector<16xi32>
        %parallel_loop3A_1188 = arith.select %parallel_loop3A_1187, %get3A_266, %parallel_loop3A_1184 : vector<16xi1>, vector<16xf32>
        %parallel_loop3A_1189 = arith.constant 0 : i32
        %parallel_loop3A_1190 = vector.broadcast %parallel_loop3A_1189 : i32 to vector<16xi32>
        %parallel_loop3A_1191 = arith.cmpi eq, %parallel_loop3A_1163, %parallel_loop3A_1190 : vector<16xi32>
        %parallel_loop3A_1192 = arith.select %parallel_loop3A_1191, %get3A_250, %parallel_loop3A_1188 : vector<16xi1>, vector<16xf32>
        %parallel_loop3A_1193 = arith.constant 0 : i32
        %parallel_loop3A_1194 = arith.index_cast %parallel_loop3A_1193 : i32 to index
        %parallel_loop3A_1195 = arith.index_cast %parallel_loop3A_1159 : i32 to index
        %parallel_loop3A_1196 = arith.constant 400 : index
        %parallel_loop3A_1197 = tpu.vector_load %arg7[%parallel_loop3A_1194, %parallel_loop3A_1195, %parallel_loop3A_1196] {strides = array<i32>} : memref<2x32x1024xf32, #tpu.memory_space<vmem>>, vector<16xf32>,
        tpu.vector_store %arg7[%parallel_loop3A_1194, %parallel_loop3A_1195, %parallel_loop3A_1196], %parallel_loop3A_1192 {strides = array<i32>} : memref<2x32x1024xf32, #tpu.memory_space<vmem>>, vector<16xf32>,
        %parallel_loop3A_1198 = arith.constant 2 : i32
        %parallel_loop3A_1199 = vector.broadcast %parallel_loop3A_1198 : i32 to vector<16xi32>
        %parallel_loop3A_1200 = arith.cmpi eq, %parallel_loop3A_1163, %parallel_loop3A_1199 : vector<16xi32>
        %parallel_loop3A_1201 = arith.select %parallel_loop3A_1200, %get3A_284, %get3A_300 : vector<16xi1>, vector<16xf32>
        %parallel_loop3A_1202 = arith.constant 1 : i32
        %parallel_loop3A_1203 = vector.broadcast %parallel_loop3A_1202 : i32 to vector<16xi32>
        %parallel_loop3A_1204 = arith.cmpi eq, %parallel_loop3A_1163, %parallel_loop3A_1203 : vector<16xi32>
        %parallel_loop3A_1205 = arith.select %parallel_loop3A_1204, %get3A_268, %parallel_loop3A_1201 : vector<16xi1>, vector<16xf32>
        %parallel_loop3A_1206 = arith.constant 0 : i32
        %parallel_loop3A_1207 = vector.broadcast %parallel_loop3A_1206 : i32 to vector<16xi32>
        %parallel_loop3A_1208 = arith.cmpi eq, %parallel_loop3A_1163, %parallel_loop3A_1207 : vector<16xi32>
        %parallel_loop3A_1209 = arith.select %parallel_loop3A_1208, %get3A_252, %parallel_loop3A_1205 : vector<16xi1>, vector<16xf32>
        %parallel_loop3A_1210 = arith.constant 0 : i32
        %parallel_loop3A_1211 = arith.index_cast %parallel_loop3A_1210 : i32 to index
        %parallel_loop3A_1212 = arith.index_cast %parallel_loop3A_1159 : i32 to index
        %parallel_loop3A_1213 = arith.constant 416 : index
        %parallel_loop3A_1214 = tpu.vector_load %arg7[%parallel_loop3A_1211, %parallel_loop3A_1212, %parallel_loop3A_1213] {strides = array<i32>} : memref<2x32x1024xf32, #tpu.memory_space<vmem>>, vector<16xf32>,
        tpu.vector_store %arg7[%parallel_loop3A_1211, %parallel_loop3A_1212, %parallel_loop3A_1213], %parallel_loop3A_1209 {strides = array<i32>} : memref<2x32x1024xf32, #tpu.memory_space<vmem>>, vector<16xf32>,
        %parallel_loop3A_1215 = arith.constant 2 : i32
        %parallel_loop3A_1216 = vector.broadcast %parallel_loop3A_1215 : i32 to vector<16xi32>
        %parallel_loop3A_1217 = arith.cmpi eq, %parallel_loop3A_1163, %parallel_loop3A_1216 : vector<16xi32>
        %parallel_loop3A_1218 = arith.select %parallel_loop3A_1217, %get3A_286, %get3A_302 : vector<16xi1>, vector<16xf32>
        %parallel_loop3A_1219 = arith.constant 1 : i32
        %parallel_loop3A_1220 = vector.broadcast %parallel_loop3A_1219 : i32 to vector<16xi32>
        %parallel_loop3A_1221 = arith.cmpi eq, %parallel_loop3A_1163, %parallel_loop3A_1220 : vector<16xi32>
        %parallel_loop3A_1222 = arith.select %parallel_loop3A_1221, %get3A_270, %parallel_loop3A_1218 : vector<16xi1>, vector<16xf32>
        %parallel_loop3A_1223 = arith.constant 0 : i32
        %parallel_loop3A_1224 = vector.broadcast %parallel_loop3A_1223 : i32 to vector<16xi32>
        %parallel_loop3A_1225 = arith.cmpi eq, %parallel_loop3A_1163, %parallel_loop3A_1224 : vector<16xi32>
        %parallel_loop3A_1226 = arith.select %parallel_loop3A_1225, %get3A_254, %parallel_loop3A_1222 : vector<16xi1>, vector<16xf32>
        %parallel_loop3A_1227 = arith.constant 0 : i32
        %parallel_loop3A_1228 = arith.index_cast %parallel_loop3A_1227 : i32 to index
        %parallel_loop3A_1229 = arith.index_cast %parallel_loop3A_1159 : i32 to index
        %parallel_loop3A_1230 = arith.constant 432 : index
        %parallel_loop3A_1231 = tpu.vector_load %arg7[%parallel_loop3A_1228, %parallel_loop3A_1229, %parallel_loop3A_1230] {strides = array<i32>} : memref<2x32x1024xf32, #tpu.memory_space<vmem>>, vector<16xf32>,
        tpu.vector_store %arg7[%parallel_loop3A_1228, %parallel_loop3A_1229, %parallel_loop3A_1230], %parallel_loop3A_1226 {strides = array<i32>} : memref<2x32x1024xf32, #tpu.memory_space<vmem>>, vector<16xf32>,
        %parallel_loop3A_1232 = arith.constant 2 : i32
        %parallel_loop3A_1233 = vector.broadcast %parallel_loop3A_1232 : i32 to vector<16xi32>
        %parallel_loop3A_1234 = arith.cmpi eq, %parallel_loop3A_1163, %parallel_loop3A_1233 : vector<16xi32>
        %parallel_loop3A_1235 = arith.select %parallel_loop3A_1234, %get3A_288, %get3A_304 : vector<16xi1>, vector<16xf32>
        %parallel_loop3A_1236 = arith.constant 1 : i32
        %parallel_loop3A_1237 = vector.broadcast %parallel_loop3A_1236 : i32 to vector<16xi32>
        %parallel_loop3A_1238 = arith.cmpi eq, %parallel_loop3A_1163, %parallel_loop3A_1237 : vector<16xi32>
        %parallel_loop3A_1239 = arith.select %parallel_loop3A_1238, %get3A_272, %parallel_loop3A_1235 : vector<16xi1>, vector<16xf32>
        %parallel_loop3A_1240 = arith.constant 0 : i32
        %parallel_loop3A_1241 = vector.broadcast %parallel_loop3A_1240 : i32 to vector<16xi32>
        %parallel_loop3A_1242 = arith.cmpi eq, %parallel_loop3A_1163, %parallel_loop3A_1241 : vector<16xi32>
        %parallel_loop3A_1243 = arith.select %parallel_loop3A_1242, %get3A_256, %parallel_loop3A_1239 : vector<16xi1>, vector<16xf32>
        %parallel_loop3A_1244 = arith.constant 0 : i32
        %parallel_loop3A_1245 = arith.index_cast %parallel_loop3A_1244 : i32 to index
        %parallel_loop3A_1246 = arith.index_cast %parallel_loop3A_1159 : i32 to index
        %parallel_loop3A_1247 = arith.constant 448 : index
        %parallel_loop3A_1248 = tpu.vector_load %arg7[%parallel_loop3A_1245, %parallel_loop3A_1246, %parallel_loop3A_1247] {strides = array<i32>} : memref<2x32x1024xf32, #tpu.memory_space<vmem>>, vector<16xf32>,
        tpu.vector_store %arg7[%parallel_loop3A_1245, %parallel_loop3A_1246, %parallel_loop3A_1247], %parallel_loop3A_1243 {strides = array<i32>} : memref<2x32x1024xf32, #tpu.memory_space<vmem>>, vector<16xf32>,
        %parallel_loop3A_1249 = arith.constant 2 : i32
        %parallel_loop3A_1250 = vector.broadcast %parallel_loop3A_1249 : i32 to vector<16xi32>
        %parallel_loop3A_1251 = arith.cmpi eq, %parallel_loop3A_1163, %parallel_loop3A_1250 : vector<16xi32>
        %parallel_loop3A_1252 = arith.select %parallel_loop3A_1251, %get3A_290, %get3A_306 : vector<16xi1>, vector<16xf32>
        %parallel_loop3A_1253 = arith.constant 1 : i32
        %parallel_loop3A_1254 = vector.broadcast %parallel_loop3A_1253 : i32 to vector<16xi32>
        %parallel_loop3A_1255 = arith.cmpi eq, %parallel_loop3A_1163, %parallel_loop3A_1254 : vector<16xi32>
        %parallel_loop3A_1256 = arith.select %parallel_loop3A_1255, %get3A_274, %parallel_loop3A_1252 : vector<16xi1>, vector<16xf32>
        %parallel_loop3A_1257 = arith.constant 0 : i32
        %parallel_loop3A_1258 = vector.broadcast %parallel_loop3A_1257 : i32 to vector<16xi32>
        %parallel_loop3A_1259 = arith.cmpi eq, %parallel_loop3A_1163, %parallel_loop3A_1258 : vector<16xi32>
        %parallel_loop3A_1260 = arith.select %parallel_loop3A_1259, %get3A_258, %parallel_loop3A_1256 : vector<16xi1>, vector<16xf32>
        %parallel_loop3A_1261 = arith.constant 0 : i32
        %parallel_loop3A_1262 = arith.index_cast %parallel_loop3A_1261 : i32 to index
        %parallel_loop3A_1263 = arith.index_cast %parallel_loop3A_1159 : i32 to index
        %parallel_loop3A_1264 = arith.constant 464 : index
        %parallel_loop3A_1265 = tpu.vector_load %arg7[%parallel_loop3A_1262, %parallel_loop3A_1263, %parallel_loop3A_1264] {strides = array<i32>} : memref<2x32x1024xf32, #tpu.memory_space<vmem>>, vector<16xf32>,
        tpu.vector_store %arg7[%parallel_loop3A_1262, %parallel_loop3A_1263, %parallel_loop3A_1264], %parallel_loop3A_1260 {strides = array<i32>} : memref<2x32x1024xf32, #tpu.memory_space<vmem>>, vector<16xf32>,
        %parallel_loop3A_1266 = arith.constant 2 : i32
        %parallel_loop3A_1267 = vector.broadcast %parallel_loop3A_1266 : i32 to vector<16xi32>
        %parallel_loop3A_1268 = arith.cmpi eq, %parallel_loop3A_1163, %parallel_loop3A_1267 : vector<16xi32>
        %parallel_loop3A_1269 = arith.select %parallel_loop3A_1268, %get3A_292, %get3A_308 : vector<16xi1>, vector<16xf32>
        %parallel_loop3A_1270 = arith.constant 1 : i32
        %parallel_loop3A_1271 = vector.broadcast %parallel_loop3A_1270 : i32 to vector<16xi32>
        %parallel_loop3A_1272 = arith.cmpi eq, %parallel_loop3A_1163, %parallel_loop3A_1271 : vector<16xi32>
        %parallel_loop3A_1273 = arith.select %parallel_loop3A_1272, %get3A_276, %parallel_loop3A_1269 : vector<16xi1>, vector<16xf32>
        %parallel_loop3A_1274 = arith.constant 0 : i32
        %parallel_loop3A_1275 = vector.broadcast %parallel_loop3A_1274 : i32 to vector<16xi32>
        %parallel_loop3A_1276 = arith.cmpi eq, %parallel_loop3A_1163, %parallel_loop3A_1275 : vector<16xi32>
        %parallel_loop3A_1277 = arith.select %parallel_loop3A_1276, %get3A_260, %parallel_loop3A_1273 : vector<16xi1>, vector<16xf32>
        %parallel_loop3A_1278 = arith.constant 0 : i32
        %parallel_loop3A_1279 = arith.index_cast %parallel_loop3A_1278 : i32 to index
        %parallel_loop3A_1280 = arith.index_cast %parallel_loop3A_1159 : i32 to index
        %parallel_loop3A_1281 = arith.constant 480 : index
        %parallel_loop3A_1282 = tpu.vector_load %arg7[%parallel_loop3A_1279, %parallel_loop3A_1280, %parallel_loop3A_1281] {strides = array<i32>} : memref<2x32x1024xf32, #tpu.memory_space<vmem>>, vector<16xf32>,
        tpu.vector_store %arg7[%parallel_loop3A_1279, %parallel_loop3A_1280, %parallel_loop3A_1281], %parallel_loop3A_1277 {strides = array<i32>} : memref<2x32x1024xf32, #tpu.memory_space<vmem>>, vector<16xf32>,
        %parallel_loop3A_1283 = arith.constant 2 : i32
        %parallel_loop3A_1284 = vector.broadcast %parallel_loop3A_1283 : i32 to vector<16xi32>
        %parallel_loop3A_1285 = arith.cmpi eq, %parallel_loop3A_1163, %parallel_loop3A_1284 : vector<16xi32>
        %parallel_loop3A_1286 = arith.select %parallel_loop3A_1285, %get3A_294, %get3A_310 : vector<16xi1>, vector<16xf32>
        %parallel_loop3A_1287 = arith.constant 1 : i32
        %parallel_loop3A_1288 = vector.broadcast %parallel_loop3A_1287 : i32 to vector<16xi32>
        %parallel_loop3A_1289 = arith.cmpi eq, %parallel_loop3A_1163, %parallel_loop3A_1288 : vector<16xi32>
        %parallel_loop3A_1290 = arith.select %parallel_loop3A_1289, %get3A_278, %parallel_loop3A_1286 : vector<16xi1>, vector<16xf32>
        %parallel_loop3A_1291 = arith.constant 0 : i32
        %parallel_loop3A_1292 = vector.broadcast %parallel_loop3A_1291 : i32 to vector<16xi32>
        %parallel_loop3A_1293 = arith.cmpi eq, %parallel_loop3A_1163, %parallel_loop3A_1292 : vector<16xi32>
        %parallel_loop3A_1294 = arith.select %parallel_loop3A_1293, %get3A_262, %parallel_loop3A_1290 : vector<16xi1>, vector<16xf32>
        %parallel_loop3A_1295 = arith.constant 0 : i32
        %parallel_loop3A_1296 = arith.index_cast %parallel_loop3A_1295 : i32 to index
        %parallel_loop3A_1297 = arith.index_cast %parallel_loop3A_1159 : i32 to index
        %parallel_loop3A_1298 = arith.constant 496 : index
        %parallel_loop3A_1299 = tpu.vector_load %arg7[%parallel_loop3A_1296, %parallel_loop3A_1297, %parallel_loop3A_1298] {strides = array<i32>} : memref<2x32x1024xf32, #tpu.memory_space<vmem>>, vector<16xf32>,
        tpu.vector_store %arg7[%parallel_loop3A_1296, %parallel_loop3A_1297, %parallel_loop3A_1298], %parallel_loop3A_1294 {strides = array<i32>} : memref<2x32x1024xf32, #tpu.memory_space<vmem>>, vector<16xf32>,
      } {sc.loop_unroll_factor = 2 : i64, sc.parallel_access}
      %get3A_314 = arith.constant 512 : index
      %get3A_315 = tpu.vector_load %arg5[%get3A_314] {strides = array<i32>} : memref<4096xf32, #tpu.memory_space<vmem>>, vector<16xf32>,
      %get3A_316 = arith.constant 528 : index
      %get3A_317 = tpu.vector_load %arg5[%get3A_316] {strides = array<i32>} : memref<4096xf32, #tpu.memory_space<vmem>>, vector<16xf32>,
      %get3A_318 = arith.constant 544 : index
      %get3A_319 = tpu.vector_load %arg5[%get3A_318] {strides = array<i32>} : memref<4096xf32, #tpu.memory_space<vmem>>, vector<16xf32>,
      %get3A_320 = arith.constant 560 : index
      %get3A_321 = tpu.vector_load %arg5[%get3A_320] {strides = array<i32>} : memref<4096xf32, #tpu.memory_space<vmem>>, vector<16xf32>,
      %get3A_322 = arith.constant 576 : index
      %get3A_323 = tpu.vector_load %arg5[%get3A_322] {strides = array<i32>} : memref<4096xf32, #tpu.memory_space<vmem>>, vector<16xf32>,
      %get3A_324 = arith.constant 592 : index
      %get3A_325 = tpu.vector_load %arg5[%get3A_324] {strides = array<i32>} : memref<4096xf32, #tpu.memory_space<vmem>>, vector<16xf32>,
      %get3A_326 = arith.constant 608 : index
      %get3A_327 = tpu.vector_load %arg5[%get3A_326] {strides = array<i32>} : memref<4096xf32, #tpu.memory_space<vmem>>, vector<16xf32>,
      %get3A_328 = arith.constant 624 : index
      %get3A_329 = tpu.vector_load %arg5[%get3A_328] {strides = array<i32>} : memref<4096xf32, #tpu.memory_space<vmem>>, vector<16xf32>,
      %get3A_330 = arith.constant 1536 : index
      %get3A_331 = tpu.vector_load %arg5[%get3A_330] {strides = array<i32>} : memref<4096xf32, #tpu.memory_space<vmem>>, vector<16xf32>,
      %get3A_332 = arith.constant 1552 : index
      %get3A_333 = tpu.vector_load %arg5[%get3A_332] {strides = array<i32>} : memref<4096xf32, #tpu.memory_space<vmem>>, vector<16xf32>,
      %get3A_334 = arith.constant 1568 : index
      %get3A_335 = tpu.vector_load %arg5[%get3A_334] {strides = array<i32>} : memref<4096xf32, #tpu.memory_space<vmem>>, vector<16xf32>,
      %get3A_336 = arith.constant 1584 : index
      %get3A_337 = tpu.vector_load %arg5[%get3A_336] {strides = array<i32>} : memref<4096xf32, #tpu.memory_space<vmem>>, vector<16xf32>,
      %get3A_338 = arith.constant 1600 : index
      %get3A_339 = tpu.vector_load %arg5[%get3A_338] {strides = array<i32>} : memref<4096xf32, #tpu.memory_space<vmem>>, vector<16xf32>,
      %get3A_340 = arith.constant 1616 : index
      %get3A_341 = tpu.vector_load %arg5[%get3A_340] {strides = array<i32>} : memref<4096xf32, #tpu.memory_space<vmem>>, vector<16xf32>,
      %get3A_342 = arith.constant 1632 : index
      %get3A_343 = tpu.vector_load %arg5[%get3A_342] {strides = array<i32>} : memref<4096xf32, #tpu.memory_space<vmem>>, vector<16xf32>,
      %get3A_344 = arith.constant 1648 : index
      %get3A_345 = tpu.vector_load %arg5[%get3A_344] {strides = array<i32>} : memref<4096xf32, #tpu.memory_space<vmem>>, vector<16xf32>,
      %get3A_346 = arith.constant 2560 : index
      %get3A_347 = tpu.vector_load %arg5[%get3A_346] {strides = array<i32>} : memref<4096xf32, #tpu.memory_space<vmem>>, vector<16xf32>,
      %get3A_348 = arith.constant 2576 : index
      %get3A_349 = tpu.vector_load %arg5[%get3A_348] {strides = array<i32>} : memref<4096xf32, #tpu.memory_space<vmem>>, vector<16xf32>,
      %get3A_350 = arith.constant 2592 : index
      %get3A_351 = tpu.vector_load %arg5[%get3A_350] {strides = array<i32>} : memref<4096xf32, #tpu.memory_space<vmem>>, vector<16xf32>,
      %get3A_352 = arith.constant 2608 : index
      %get3A_353 = tpu.vector_load %arg5[%get3A_352] {strides = array<i32>} : memref<4096xf32, #tpu.memory_space<vmem>>, vector<16xf32>,
      %get3A_354 = arith.constant 2624 : index
      %get3A_355 = tpu.vector_load %arg5[%get3A_354] {strides = array<i32>} : memref<4096xf32, #tpu.memory_space<vmem>>, vector<16xf32>,
      %get3A_356 = arith.constant 2640 : index
      %get3A_357 = tpu.vector_load %arg5[%get3A_356] {strides = array<i32>} : memref<4096xf32, #tpu.memory_space<vmem>>, vector<16xf32>,
      %get3A_358 = arith.constant 2656 : index
      %get3A_359 = tpu.vector_load %arg5[%get3A_358] {strides = array<i32>} : memref<4096xf32, #tpu.memory_space<vmem>>, vector<16xf32>,
      %get3A_360 = arith.constant 2672 : index
      %get3A_361 = tpu.vector_load %arg5[%get3A_360] {strides = array<i32>} : memref<4096xf32, #tpu.memory_space<vmem>>, vector<16xf32>,
      %get3A_362 = arith.constant 3584 : index
      %get3A_363 = tpu.vector_load %arg5[%get3A_362] {strides = array<i32>} : memref<4096xf32, #tpu.memory_space<vmem>>, vector<16xf32>,
      %get3A_364 = arith.constant 3600 : index
      %get3A_365 = tpu.vector_load %arg5[%get3A_364] {strides = array<i32>} : memref<4096xf32, #tpu.memory_space<vmem>>, vector<16xf32>,
      %get3A_366 = arith.constant 3616 : index
      %get3A_367 = tpu.vector_load %arg5[%get3A_366] {strides = array<i32>} : memref<4096xf32, #tpu.memory_space<vmem>>, vector<16xf32>,
      %get3A_368 = arith.constant 3632 : index
      %get3A_369 = tpu.vector_load %arg5[%get3A_368] {strides = array<i32>} : memref<4096xf32, #tpu.memory_space<vmem>>, vector<16xf32>,
      %get3A_370 = arith.constant 3648 : index
      %get3A_371 = tpu.vector_load %arg5[%get3A_370] {strides = array<i32>} : memref<4096xf32, #tpu.memory_space<vmem>>, vector<16xf32>,
      %get3A_372 = arith.constant 3664 : index
      %get3A_373 = tpu.vector_load %arg5[%get3A_372] {strides = array<i32>} : memref<4096xf32, #tpu.memory_space<vmem>>, vector<16xf32>,
      %get3A_374 = arith.constant 3680 : index
      %get3A_375 = tpu.vector_load %arg5[%get3A_374] {strides = array<i32>} : memref<4096xf32, #tpu.memory_space<vmem>>, vector<16xf32>,
      %get3A_376 = arith.constant 3696 : index
      %get3A_377 = tpu.vector_load %arg5[%get3A_376] {strides = array<i32>} : memref<4096xf32, #tpu.memory_space<vmem>>, vector<16xf32>,
      %parallel_loop3A_378 = arith.constant 0 : i32
      %parallel_loop3A_379 = arith.constant 32 : i32
      %parallel_loop3A_380 = arith.constant 1 : i32
      scf.for %parallel_loop3A_1159 = %parallel_loop3A_378 to %parallel_loop3A_379 step %parallel_loop3A_380  : i32 {
        %parallel_loop3A_1160 = arith.constant 16 : i32
        %parallel_loop3A_1161 = arith.muli %parallel_loop3A_1159, %parallel_loop3A_1160 : i32
        %parallel_loop3A_1162 = arith.index_cast %parallel_loop3A_1161 : i32 to index
        %parallel_loop3A_1163 = tpu.vector_load %arg8[%parallel_loop3A_1162] {strides = array<i32>} : memref<512xi32, #tpu.memory_space<vmem>>, vector<16xi32>,
        %parallel_loop3A_1164 = arith.constant 2 : i32
        %parallel_loop3A_1165 = vector.broadcast %parallel_loop3A_1164 : i32 to vector<16xi32>
        %parallel_loop3A_1166 = arith.cmpi eq, %parallel_loop3A_1163, %parallel_loop3A_1165 : vector<16xi32>
        %parallel_loop3A_1167 = arith.select %parallel_loop3A_1166, %get3A_347, %get3A_363 : vector<16xi1>, vector<16xf32>
        %parallel_loop3A_1168 = arith.constant 1 : i32
        %parallel_loop3A_1169 = vector.broadcast %parallel_loop3A_1168 : i32 to vector<16xi32>
        %parallel_loop3A_1170 = arith.cmpi eq, %parallel_loop3A_1163, %parallel_loop3A_1169 : vector<16xi32>
        %parallel_loop3A_1171 = arith.select %parallel_loop3A_1170, %get3A_331, %parallel_loop3A_1167 : vector<16xi1>, vector<16xf32>
        %parallel_loop3A_1172 = arith.constant 0 : i32
        %parallel_loop3A_1173 = vector.broadcast %parallel_loop3A_1172 : i32 to vector<16xi32>
        %parallel_loop3A_1174 = arith.cmpi eq, %parallel_loop3A_1163, %parallel_loop3A_1173 : vector<16xi32>
        %parallel_loop3A_1175 = arith.select %parallel_loop3A_1174, %get3A_315, %parallel_loop3A_1171 : vector<16xi1>, vector<16xf32>
        %parallel_loop3A_1176 = arith.constant 0 : i32
        %parallel_loop3A_1177 = arith.index_cast %parallel_loop3A_1176 : i32 to index
        %parallel_loop3A_1178 = arith.index_cast %parallel_loop3A_1159 : i32 to index
        %parallel_loop3A_1179 = arith.constant 512 : index
        %parallel_loop3A_1180 = tpu.vector_load %arg7[%parallel_loop3A_1177, %parallel_loop3A_1178, %parallel_loop3A_1179] {strides = array<i32>} : memref<2x32x1024xf32, #tpu.memory_space<vmem>>, vector<16xf32>,
        tpu.vector_store %arg7[%parallel_loop3A_1177, %parallel_loop3A_1178, %parallel_loop3A_1179], %parallel_loop3A_1175 {strides = array<i32>} : memref<2x32x1024xf32, #tpu.memory_space<vmem>>, vector<16xf32>,
        %parallel_loop3A_1181 = arith.constant 2 : i32
        %parallel_loop3A_1182 = vector.broadcast %parallel_loop3A_1181 : i32 to vector<16xi32>
        %parallel_loop3A_1183 = arith.cmpi eq, %parallel_loop3A_1163, %parallel_loop3A_1182 : vector<16xi32>
        %parallel_loop3A_1184 = arith.select %parallel_loop3A_1183, %get3A_349, %get3A_365 : vector<16xi1>, vector<16xf32>
        %parallel_loop3A_1185 = arith.constant 1 : i32
        %parallel_loop3A_1186 = vector.broadcast %parallel_loop3A_1185 : i32 to vector<16xi32>
        %parallel_loop3A_1187 = arith.cmpi eq, %parallel_loop3A_1163, %parallel_loop3A_1186 : vector<16xi32>
        %parallel_loop3A_1188 = arith.select %parallel_loop3A_1187, %get3A_333, %parallel_loop3A_1184 : vector<16xi1>, vector<16xf32>
        %parallel_loop3A_1189 = arith.constant 0 : i32
        %parallel_loop3A_1190 = vector.broadcast %parallel_loop3A_1189 : i32 to vector<16xi32>
        %parallel_loop3A_1191 = arith.cmpi eq, %parallel_loop3A_1163, %parallel_loop3A_1190 : vector<16xi32>
        %parallel_loop3A_1192 = arith.select %parallel_loop3A_1191, %get3A_317, %parallel_loop3A_1188 : vector<16xi1>, vector<16xf32>
        %parallel_loop3A_1193 = arith.constant 0 : i32
        %parallel_loop3A_1194 = arith.index_cast %parallel_loop3A_1193 : i32 to index
        %parallel_loop3A_1195 = arith.index_cast %parallel_loop3A_1159 : i32 to index
        %parallel_loop3A_1196 = arith.constant 528 : index
        %parallel_loop3A_1197 = tpu.vector_load %arg7[%parallel_loop3A_1194, %parallel_loop3A_1195, %parallel_loop3A_1196] {strides = array<i32>} : memref<2x32x1024xf32, #tpu.memory_space<vmem>>, vector<16xf32>,
        tpu.vector_store %arg7[%parallel_loop3A_1194, %parallel_loop3A_1195, %parallel_loop3A_1196], %parallel_loop3A_1192 {strides = array<i32>} : memref<2x32x1024xf32, #tpu.memory_space<vmem>>, vector<16xf32>,
        %parallel_loop3A_1198 = arith.constant 2 : i32
        %parallel_loop3A_1199 = vector.broadcast %parallel_loop3A_1198 : i32 to vector<16xi32>
        %parallel_loop3A_1200 = arith.cmpi eq, %parallel_loop3A_1163, %parallel_loop3A_1199 : vector<16xi32>
        %parallel_loop3A_1201 = arith.select %parallel_loop3A_1200, %get3A_351, %get3A_367 : vector<16xi1>, vector<16xf32>
        %parallel_loop3A_1202 = arith.constant 1 : i32
        %parallel_loop3A_1203 = vector.broadcast %parallel_loop3A_1202 : i32 to vector<16xi32>
        %parallel_loop3A_1204 = arith.cmpi eq, %parallel_loop3A_1163, %parallel_loop3A_1203 : vector<16xi32>
        %parallel_loop3A_1205 = arith.select %parallel_loop3A_1204, %get3A_335, %parallel_loop3A_1201 : vector<16xi1>, vector<16xf32>
        %parallel_loop3A_1206 = arith.constant 0 : i32
        %parallel_loop3A_1207 = vector.broadcast %parallel_loop3A_1206 : i32 to vector<16xi32>
        %parallel_loop3A_1208 = arith.cmpi eq, %parallel_loop3A_1163, %parallel_loop3A_1207 : vector<16xi32>
        %parallel_loop3A_1209 = arith.select %parallel_loop3A_1208, %get3A_319, %parallel_loop3A_1205 : vector<16xi1>, vector<16xf32>
        %parallel_loop3A_1210 = arith.constant 0 : i32
        %parallel_loop3A_1211 = arith.index_cast %parallel_loop3A_1210 : i32 to index
        %parallel_loop3A_1212 = arith.index_cast %parallel_loop3A_1159 : i32 to index
        %parallel_loop3A_1213 = arith.constant 544 : index
        %parallel_loop3A_1214 = tpu.vector_load %arg7[%parallel_loop3A_1211, %parallel_loop3A_1212, %parallel_loop3A_1213] {strides = array<i32>} : memref<2x32x1024xf32, #tpu.memory_space<vmem>>, vector<16xf32>,
        tpu.vector_store %arg7[%parallel_loop3A_1211, %parallel_loop3A_1212, %parallel_loop3A_1213], %parallel_loop3A_1209 {strides = array<i32>} : memref<2x32x1024xf32, #tpu.memory_space<vmem>>, vector<16xf32>,
        %parallel_loop3A_1215 = arith.constant 2 : i32
        %parallel_loop3A_1216 = vector.broadcast %parallel_loop3A_1215 : i32 to vector<16xi32>
        %parallel_loop3A_1217 = arith.cmpi eq, %parallel_loop3A_1163, %parallel_loop3A_1216 : vector<16xi32>
        %parallel_loop3A_1218 = arith.select %parallel_loop3A_1217, %get3A_353, %get3A_369 : vector<16xi1>, vector<16xf32>
        %parallel_loop3A_1219 = arith.constant 1 : i32
        %parallel_loop3A_1220 = vector.broadcast %parallel_loop3A_1219 : i32 to vector<16xi32>
        %parallel_loop3A_1221 = arith.cmpi eq, %parallel_loop3A_1163, %parallel_loop3A_1220 : vector<16xi32>
        %parallel_loop3A_1222 = arith.select %parallel_loop3A_1221, %get3A_337, %parallel_loop3A_1218 : vector<16xi1>, vector<16xf32>
        %parallel_loop3A_1223 = arith.constant 0 : i32
        %parallel_loop3A_1224 = vector.broadcast %parallel_loop3A_1223 : i32 to vector<16xi32>
        %parallel_loop3A_1225 = arith.cmpi eq, %parallel_loop3A_1163, %parallel_loop3A_1224 : vector<16xi32>
        %parallel_loop3A_1226 = arith.select %parallel_loop3A_1225, %get3A_321, %parallel_loop3A_1222 : vector<16xi1>, vector<16xf32>
        %parallel_loop3A_1227 = arith.constant 0 : i32
        %parallel_loop3A_1228 = arith.index_cast %parallel_loop3A_1227 : i32 to index
        %parallel_loop3A_1229 = arith.index_cast %parallel_loop3A_1159 : i32 to index
        %parallel_loop3A_1230 = arith.constant 560 : index
        %parallel_loop3A_1231 = tpu.vector_load %arg7[%parallel_loop3A_1228, %parallel_loop3A_1229, %parallel_loop3A_1230] {strides = array<i32>} : memref<2x32x1024xf32, #tpu.memory_space<vmem>>, vector<16xf32>,
        tpu.vector_store %arg7[%parallel_loop3A_1228, %parallel_loop3A_1229, %parallel_loop3A_1230], %parallel_loop3A_1226 {strides = array<i32>} : memref<2x32x1024xf32, #tpu.memory_space<vmem>>, vector<16xf32>,
        %parallel_loop3A_1232 = arith.constant 2 : i32
        %parallel_loop3A_1233 = vector.broadcast %parallel_loop3A_1232 : i32 to vector<16xi32>
        %parallel_loop3A_1234 = arith.cmpi eq, %parallel_loop3A_1163, %parallel_loop3A_1233 : vector<16xi32>
        %parallel_loop3A_1235 = arith.select %parallel_loop3A_1234, %get3A_355, %get3A_371 : vector<16xi1>, vector<16xf32>
        %parallel_loop3A_1236 = arith.constant 1 : i32
        %parallel_loop3A_1237 = vector.broadcast %parallel_loop3A_1236 : i32 to vector<16xi32>
        %parallel_loop3A_1238 = arith.cmpi eq, %parallel_loop3A_1163, %parallel_loop3A_1237 : vector<16xi32>
        %parallel_loop3A_1239 = arith.select %parallel_loop3A_1238, %get3A_339, %parallel_loop3A_1235 : vector<16xi1>, vector<16xf32>
        %parallel_loop3A_1240 = arith.constant 0 : i32
        %parallel_loop3A_1241 = vector.broadcast %parallel_loop3A_1240 : i32 to vector<16xi32>
        %parallel_loop3A_1242 = arith.cmpi eq, %parallel_loop3A_1163, %parallel_loop3A_1241 : vector<16xi32>
        %parallel_loop3A_1243 = arith.select %parallel_loop3A_1242, %get3A_323, %parallel_loop3A_1239 : vector<16xi1>, vector<16xf32>
        %parallel_loop3A_1244 = arith.constant 0 : i32
        %parallel_loop3A_1245 = arith.index_cast %parallel_loop3A_1244 : i32 to index
        %parallel_loop3A_1246 = arith.index_cast %parallel_loop3A_1159 : i32 to index
        %parallel_loop3A_1247 = arith.constant 576 : index
        %parallel_loop3A_1248 = tpu.vector_load %arg7[%parallel_loop3A_1245, %parallel_loop3A_1246, %parallel_loop3A_1247] {strides = array<i32>} : memref<2x32x1024xf32, #tpu.memory_space<vmem>>, vector<16xf32>,
        tpu.vector_store %arg7[%parallel_loop3A_1245, %parallel_loop3A_1246, %parallel_loop3A_1247], %parallel_loop3A_1243 {strides = array<i32>} : memref<2x32x1024xf32, #tpu.memory_space<vmem>>, vector<16xf32>,
        %parallel_loop3A_1249 = arith.constant 2 : i32
        %parallel_loop3A_1250 = vector.broadcast %parallel_loop3A_1249 : i32 to vector<16xi32>
        %parallel_loop3A_1251 = arith.cmpi eq, %parallel_loop3A_1163, %parallel_loop3A_1250 : vector<16xi32>
        %parallel_loop3A_1252 = arith.select %parallel_loop3A_1251, %get3A_357, %get3A_373 : vector<16xi1>, vector<16xf32>
        %parallel_loop3A_1253 = arith.constant 1 : i32
        %parallel_loop3A_1254 = vector.broadcast %parallel_loop3A_1253 : i32 to vector<16xi32>
        %parallel_loop3A_1255 = arith.cmpi eq, %parallel_loop3A_1163, %parallel_loop3A_1254 : vector<16xi32>
        %parallel_loop3A_1256 = arith.select %parallel_loop3A_1255, %get3A_341, %parallel_loop3A_1252 : vector<16xi1>, vector<16xf32>
        %parallel_loop3A_1257 = arith.constant 0 : i32
        %parallel_loop3A_1258 = vector.broadcast %parallel_loop3A_1257 : i32 to vector<16xi32>
        %parallel_loop3A_1259 = arith.cmpi eq, %parallel_loop3A_1163, %parallel_loop3A_1258 : vector<16xi32>
        %parallel_loop3A_1260 = arith.select %parallel_loop3A_1259, %get3A_325, %parallel_loop3A_1256 : vector<16xi1>, vector<16xf32>
        %parallel_loop3A_1261 = arith.constant 0 : i32
        %parallel_loop3A_1262 = arith.index_cast %parallel_loop3A_1261 : i32 to index
        %parallel_loop3A_1263 = arith.index_cast %parallel_loop3A_1159 : i32 to index
        %parallel_loop3A_1264 = arith.constant 592 : index
        %parallel_loop3A_1265 = tpu.vector_load %arg7[%parallel_loop3A_1262, %parallel_loop3A_1263, %parallel_loop3A_1264] {strides = array<i32>} : memref<2x32x1024xf32, #tpu.memory_space<vmem>>, vector<16xf32>,
        tpu.vector_store %arg7[%parallel_loop3A_1262, %parallel_loop3A_1263, %parallel_loop3A_1264], %parallel_loop3A_1260 {strides = array<i32>} : memref<2x32x1024xf32, #tpu.memory_space<vmem>>, vector<16xf32>,
        %parallel_loop3A_1266 = arith.constant 2 : i32
        %parallel_loop3A_1267 = vector.broadcast %parallel_loop3A_1266 : i32 to vector<16xi32>
        %parallel_loop3A_1268 = arith.cmpi eq, %parallel_loop3A_1163, %parallel_loop3A_1267 : vector<16xi32>
        %parallel_loop3A_1269 = arith.select %parallel_loop3A_1268, %get3A_359, %get3A_375 : vector<16xi1>, vector<16xf32>
        %parallel_loop3A_1270 = arith.constant 1 : i32
        %parallel_loop3A_1271 = vector.broadcast %parallel_loop3A_1270 : i32 to vector<16xi32>
        %parallel_loop3A_1272 = arith.cmpi eq, %parallel_loop3A_1163, %parallel_loop3A_1271 : vector<16xi32>
        %parallel_loop3A_1273 = arith.select %parallel_loop3A_1272, %get3A_343, %parallel_loop3A_1269 : vector<16xi1>, vector<16xf32>
        %parallel_loop3A_1274 = arith.constant 0 : i32
        %parallel_loop3A_1275 = vector.broadcast %parallel_loop3A_1274 : i32 to vector<16xi32>
        %parallel_loop3A_1276 = arith.cmpi eq, %parallel_loop3A_1163, %parallel_loop3A_1275 : vector<16xi32>
        %parallel_loop3A_1277 = arith.select %parallel_loop3A_1276, %get3A_327, %parallel_loop3A_1273 : vector<16xi1>, vector<16xf32>
        %parallel_loop3A_1278 = arith.constant 0 : i32
        %parallel_loop3A_1279 = arith.index_cast %parallel_loop3A_1278 : i32 to index
        %parallel_loop3A_1280 = arith.index_cast %parallel_loop3A_1159 : i32 to index
        %parallel_loop3A_1281 = arith.constant 608 : index
        %parallel_loop3A_1282 = tpu.vector_load %arg7[%parallel_loop3A_1279, %parallel_loop3A_1280, %parallel_loop3A_1281] {strides = array<i32>} : memref<2x32x1024xf32, #tpu.memory_space<vmem>>, vector<16xf32>,
        tpu.vector_store %arg7[%parallel_loop3A_1279, %parallel_loop3A_1280, %parallel_loop3A_1281], %parallel_loop3A_1277 {strides = array<i32>} : memref<2x32x1024xf32, #tpu.memory_space<vmem>>, vector<16xf32>,
        %parallel_loop3A_1283 = arith.constant 2 : i32
        %parallel_loop3A_1284 = vector.broadcast %parallel_loop3A_1283 : i32 to vector<16xi32>
        %parallel_loop3A_1285 = arith.cmpi eq, %parallel_loop3A_1163, %parallel_loop3A_1284 : vector<16xi32>
        %parallel_loop3A_1286 = arith.select %parallel_loop3A_1285, %get3A_361, %get3A_377 : vector<16xi1>, vector<16xf32>
        %parallel_loop3A_1287 = arith.constant 1 : i32
        %parallel_loop3A_1288 = vector.broadcast %parallel_loop3A_1287 : i32 to vector<16xi32>
        %parallel_loop3A_1289 = arith.cmpi eq, %parallel_loop3A_1163, %parallel_loop3A_1288 : vector<16xi32>
        %parallel_loop3A_1290 = arith.select %parallel_loop3A_1289, %get3A_345, %parallel_loop3A_1286 : vector<16xi1>, vector<16xf32>
        %parallel_loop3A_1291 = arith.constant 0 : i32
        %parallel_loop3A_1292 = vector.broadcast %parallel_loop3A_1291 : i32 to vector<16xi32>
        %parallel_loop3A_1293 = arith.cmpi eq, %parallel_loop3A_1163, %parallel_loop3A_1292 : vector<16xi32>
        %parallel_loop3A_1294 = arith.select %parallel_loop3A_1293, %get3A_329, %parallel_loop3A_1290 : vector<16xi1>, vector<16xf32>
        %parallel_loop3A_1295 = arith.constant 0 : i32
        %parallel_loop3A_1296 = arith.index_cast %parallel_loop3A_1295 : i32 to index
        %parallel_loop3A_1297 = arith.index_cast %parallel_loop3A_1159 : i32 to index
        %parallel_loop3A_1298 = arith.constant 624 : index
        %parallel_loop3A_1299 = tpu.vector_load %arg7[%parallel_loop3A_1296, %parallel_loop3A_1297, %parallel_loop3A_1298] {strides = array<i32>} : memref<2x32x1024xf32, #tpu.memory_space<vmem>>, vector<16xf32>,
        tpu.vector_store %arg7[%parallel_loop3A_1296, %parallel_loop3A_1297, %parallel_loop3A_1298], %parallel_loop3A_1294 {strides = array<i32>} : memref<2x32x1024xf32, #tpu.memory_space<vmem>>, vector<16xf32>,
      } {sc.loop_unroll_factor = 2 : i64, sc.parallel_access}
      %get3A_381 = arith.constant 640 : index
      %get3A_382 = tpu.vector_load %arg5[%get3A_381] {strides = array<i32>} : memref<4096xf32, #tpu.memory_space<vmem>>, vector<16xf32>,
      %get3A_383 = arith.constant 656 : index
      %get3A_384 = tpu.vector_load %arg5[%get3A_383] {strides = array<i32>} : memref<4096xf32, #tpu.memory_space<vmem>>, vector<16xf32>,
      %get3A_385 = arith.constant 672 : index
      %get3A_386 = tpu.vector_load %arg5[%get3A_385] {strides = array<i32>} : memref<4096xf32, #tpu.memory_space<vmem>>, vector<16xf32>,
      %get3A_387 = arith.constant 688 : index
      %get3A_388 = tpu.vector_load %arg5[%get3A_387] {strides = array<i32>} : memref<4096xf32, #tpu.memory_space<vmem>>, vector<16xf32>,
      %get3A_389 = arith.constant 704 : index
      %get3A_390 = tpu.vector_load %arg5[%get3A_389] {strides = array<i32>} : memref<4096xf32, #tpu.memory_space<vmem>>, vector<16xf32>,
      %get3A_391 = arith.constant 720 : index
      %get3A_392 = tpu.vector_load %arg5[%get3A_391] {strides = array<i32>} : memref<4096xf32, #tpu.memory_space<vmem>>, vector<16xf32>,
      %get3A_393 = arith.constant 736 : index
      %get3A_394 = tpu.vector_load %arg5[%get3A_393] {strides = array<i32>} : memref<4096xf32, #tpu.memory_space<vmem>>, vector<16xf32>,
      %get3A_395 = arith.constant 752 : index
      %get3A_396 = tpu.vector_load %arg5[%get3A_395] {strides = array<i32>} : memref<4096xf32, #tpu.memory_space<vmem>>, vector<16xf32>,
      %get3A_397 = arith.constant 1664 : index
      %get3A_398 = tpu.vector_load %arg5[%get3A_397] {strides = array<i32>} : memref<4096xf32, #tpu.memory_space<vmem>>, vector<16xf32>,
      %get3A_399 = arith.constant 1680 : index
      %get3A_400 = tpu.vector_load %arg5[%get3A_399] {strides = array<i32>} : memref<4096xf32, #tpu.memory_space<vmem>>, vector<16xf32>,
      %get3A_401 = arith.constant 1696 : index
      %get3A_402 = tpu.vector_load %arg5[%get3A_401] {strides = array<i32>} : memref<4096xf32, #tpu.memory_space<vmem>>, vector<16xf32>,
      %get3A_403 = arith.constant 1712 : index
      %get3A_404 = tpu.vector_load %arg5[%get3A_403] {strides = array<i32>} : memref<4096xf32, #tpu.memory_space<vmem>>, vector<16xf32>,
      %get3A_405 = arith.constant 1728 : index
      %get3A_406 = tpu.vector_load %arg5[%get3A_405] {strides = array<i32>} : memref<4096xf32, #tpu.memory_space<vmem>>, vector<16xf32>,
      %get3A_407 = arith.constant 1744 : index
      %get3A_408 = tpu.vector_load %arg5[%get3A_407] {strides = array<i32>} : memref<4096xf32, #tpu.memory_space<vmem>>, vector<16xf32>,
      %get3A_409 = arith.constant 1760 : index
      %get3A_410 = tpu.vector_load %arg5[%get3A_409] {strides = array<i32>} : memref<4096xf32, #tpu.memory_space<vmem>>, vector<16xf32>,
      %get3A_411 = arith.constant 1776 : index
      %get3A_412 = tpu.vector_load %arg5[%get3A_411] {strides = array<i32>} : memref<4096xf32, #tpu.memory_space<vmem>>, vector<16xf32>,
      %get3A_413 = arith.constant 2688 : index
      %get3A_414 = tpu.vector_load %arg5[%get3A_413] {strides = array<i32>} : memref<4096xf32, #tpu.memory_space<vmem>>, vector<16xf32>,
      %get3A_415 = arith.constant 2704 : index
      %get3A_416 = tpu.vector_load %arg5[%get3A_415] {strides = array<i32>} : memref<4096xf32, #tpu.memory_space<vmem>>, vector<16xf32>,
      %get3A_417 = arith.constant 2720 : index
      %get3A_418 = tpu.vector_load %arg5[%get3A_417] {strides = array<i32>} : memref<4096xf32, #tpu.memory_space<vmem>>, vector<16xf32>,
      %get3A_419 = arith.constant 2736 : index
      %get3A_420 = tpu.vector_load %arg5[%get3A_419] {strides = array<i32>} : memref<4096xf32, #tpu.memory_space<vmem>>, vector<16xf32>,
      %get3A_421 = arith.constant 2752 : index
      %get3A_422 = tpu.vector_load %arg5[%get3A_421] {strides = array<i32>} : memref<4096xf32, #tpu.memory_space<vmem>>, vector<16xf32>,
      %get3A_423 = arith.constant 2768 : index
      %get3A_424 = tpu.vector_load %arg5[%get3A_423] {strides = array<i32>} : memref<4096xf32, #tpu.memory_space<vmem>>, vector<16xf32>,
      %get3A_425 = arith.constant 2784 : index
      %get3A_426 = tpu.vector_load %arg5[%get3A_425] {strides = array<i32>} : memref<4096xf32, #tpu.memory_space<vmem>>, vector<16xf32>,
      %get3A_427 = arith.constant 2800 : index
      %get3A_428 = tpu.vector_load %arg5[%get3A_427] {strides = array<i32>} : memref<4096xf32, #tpu.memory_space<vmem>>, vector<16xf32>,
      %get3A_429 = arith.constant 3712 : index
      %get3A_430 = tpu.vector_load %arg5[%get3A_429] {strides = array<i32>} : memref<4096xf32, #tpu.memory_space<vmem>>, vector<16xf32>,
      %get3A_431 = arith.constant 3728 : index
      %get3A_432 = tpu.vector_load %arg5[%get3A_431] {strides = array<i32>} : memref<4096xf32, #tpu.memory_space<vmem>>, vector<16xf32>,
      %get3A_433 = arith.constant 3744 : index
      %get3A_434 = tpu.vector_load %arg5[%get3A_433] {strides = array<i32>} : memref<4096xf32, #tpu.memory_space<vmem>>, vector<16xf32>,
      %get3A_435 = arith.constant 3760 : index
      %get3A_436 = tpu.vector_load %arg5[%get3A_435] {strides = array<i32>} : memref<4096xf32, #tpu.memory_space<vmem>>, vector<16xf32>,
      %get3A_437 = arith.constant 3776 : index
      %get3A_438 = tpu.vector_load %arg5[%get3A_437] {strides = array<i32>} : memref<4096xf32, #tpu.memory_space<vmem>>, vector<16xf32>,
      %get3A_439 = arith.constant 3792 : index
      %get3A_440 = tpu.vector_load %arg5[%get3A_439] {strides = array<i32>} : memref<4096xf32, #tpu.memory_space<vmem>>, vector<16xf32>,
      %get3A_441 = arith.constant 3808 : index
      %get3A_442 = tpu.vector_load %arg5[%get3A_441] {strides = array<i32>} : memref<4096xf32, #tpu.memory_space<vmem>>, vector<16xf32>,
      %get3A_443 = arith.constant 3824 : index
      %get3A_444 = tpu.vector_load %arg5[%get3A_443] {strides = array<i32>} : memref<4096xf32, #tpu.memory_space<vmem>>, vector<16xf32>,
      %parallel_loop3A_445 = arith.constant 0 : i32
      %parallel_loop3A_446 = arith.constant 32 : i32
      %parallel_loop3A_447 = arith.constant 1 : i32
      scf.for %parallel_loop3A_1159 = %parallel_loop3A_445 to %parallel_loop3A_446 step %parallel_loop3A_447  : i32 {
        %parallel_loop3A_1160 = arith.constant 16 : i32
        %parallel_loop3A_1161 = arith.muli %parallel_loop3A_1159, %parallel_loop3A_1160 : i32
        %parallel_loop3A_1162 = arith.index_cast %parallel_loop3A_1161 : i32 to index
        %parallel_loop3A_1163 = tpu.vector_load %arg8[%parallel_loop3A_1162] {strides = array<i32>} : memref<512xi32, #tpu.memory_space<vmem>>, vector<16xi32>,
        %parallel_loop3A_1164 = arith.constant 2 : i32
        %parallel_loop3A_1165 = vector.broadcast %parallel_loop3A_1164 : i32 to vector<16xi32>
        %parallel_loop3A_1166 = arith.cmpi eq, %parallel_loop3A_1163, %parallel_loop3A_1165 : vector<16xi32>
        %parallel_loop3A_1167 = arith.select %parallel_loop3A_1166, %get3A_414, %get3A_430 : vector<16xi1>, vector<16xf32>
        %parallel_loop3A_1168 = arith.constant 1 : i32
        %parallel_loop3A_1169 = vector.broadcast %parallel_loop3A_1168 : i32 to vector<16xi32>
        %parallel_loop3A_1170 = arith.cmpi eq, %parallel_loop3A_1163, %parallel_loop3A_1169 : vector<16xi32>
        %parallel_loop3A_1171 = arith.select %parallel_loop3A_1170, %get3A_398, %parallel_loop3A_1167 : vector<16xi1>, vector<16xf32>
        %parallel_loop3A_1172 = arith.constant 0 : i32
        %parallel_loop3A_1173 = vector.broadcast %parallel_loop3A_1172 : i32 to vector<16xi32>
        %parallel_loop3A_1174 = arith.cmpi eq, %parallel_loop3A_1163, %parallel_loop3A_1173 : vector<16xi32>
        %parallel_loop3A_1175 = arith.select %parallel_loop3A_1174, %get3A_382, %parallel_loop3A_1171 : vector<16xi1>, vector<16xf32>
        %parallel_loop3A_1176 = arith.constant 0 : i32
        %parallel_loop3A_1177 = arith.index_cast %parallel_loop3A_1176 : i32 to index
        %parallel_loop3A_1178 = arith.index_cast %parallel_loop3A_1159 : i32 to index
        %parallel_loop3A_1179 = arith.constant 640 : index
        %parallel_loop3A_1180 = tpu.vector_load %arg7[%parallel_loop3A_1177, %parallel_loop3A_1178, %parallel_loop3A_1179] {strides = array<i32>} : memref<2x32x1024xf32, #tpu.memory_space<vmem>>, vector<16xf32>,
        tpu.vector_store %arg7[%parallel_loop3A_1177, %parallel_loop3A_1178, %parallel_loop3A_1179], %parallel_loop3A_1175 {strides = array<i32>} : memref<2x32x1024xf32, #tpu.memory_space<vmem>>, vector<16xf32>,
        %parallel_loop3A_1181 = arith.constant 2 : i32
        %parallel_loop3A_1182 = vector.broadcast %parallel_loop3A_1181 : i32 to vector<16xi32>
        %parallel_loop3A_1183 = arith.cmpi eq, %parallel_loop3A_1163, %parallel_loop3A_1182 : vector<16xi32>
        %parallel_loop3A_1184 = arith.select %parallel_loop3A_1183, %get3A_416, %get3A_432 : vector<16xi1>, vector<16xf32>
        %parallel_loop3A_1185 = arith.constant 1 : i32
        %parallel_loop3A_1186 = vector.broadcast %parallel_loop3A_1185 : i32 to vector<16xi32>
        %parallel_loop3A_1187 = arith.cmpi eq, %parallel_loop3A_1163, %parallel_loop3A_1186 : vector<16xi32>
        %parallel_loop3A_1188 = arith.select %parallel_loop3A_1187, %get3A_400, %parallel_loop3A_1184 : vector<16xi1>, vector<16xf32>
        %parallel_loop3A_1189 = arith.constant 0 : i32
        %parallel_loop3A_1190 = vector.broadcast %parallel_loop3A_1189 : i32 to vector<16xi32>
        %parallel_loop3A_1191 = arith.cmpi eq, %parallel_loop3A_1163, %parallel_loop3A_1190 : vector<16xi32>
        %parallel_loop3A_1192 = arith.select %parallel_loop3A_1191, %get3A_384, %parallel_loop3A_1188 : vector<16xi1>, vector<16xf32>
        %parallel_loop3A_1193 = arith.constant 0 : i32
        %parallel_loop3A_1194 = arith.index_cast %parallel_loop3A_1193 : i32 to index
        %parallel_loop3A_1195 = arith.index_cast %parallel_loop3A_1159 : i32 to index
        %parallel_loop3A_1196 = arith.constant 656 : index
        %parallel_loop3A_1197 = tpu.vector_load %arg7[%parallel_loop3A_1194, %parallel_loop3A_1195, %parallel_loop3A_1196] {strides = array<i32>} : memref<2x32x1024xf32, #tpu.memory_space<vmem>>, vector<16xf32>,
        tpu.vector_store %arg7[%parallel_loop3A_1194, %parallel_loop3A_1195, %parallel_loop3A_1196], %parallel_loop3A_1192 {strides = array<i32>} : memref<2x32x1024xf32, #tpu.memory_space<vmem>>, vector<16xf32>,
        %parallel_loop3A_1198 = arith.constant 2 : i32
        %parallel_loop3A_1199 = vector.broadcast %parallel_loop3A_1198 : i32 to vector<16xi32>
        %parallel_loop3A_1200 = arith.cmpi eq, %parallel_loop3A_1163, %parallel_loop3A_1199 : vector<16xi32>
        %parallel_loop3A_1201 = arith.select %parallel_loop3A_1200, %get3A_418, %get3A_434 : vector<16xi1>, vector<16xf32>
        %parallel_loop3A_1202 = arith.constant 1 : i32
        %parallel_loop3A_1203 = vector.broadcast %parallel_loop3A_1202 : i32 to vector<16xi32>
        %parallel_loop3A_1204 = arith.cmpi eq, %parallel_loop3A_1163, %parallel_loop3A_1203 : vector<16xi32>
        %parallel_loop3A_1205 = arith.select %parallel_loop3A_1204, %get3A_402, %parallel_loop3A_1201 : vector<16xi1>, vector<16xf32>
        %parallel_loop3A_1206 = arith.constant 0 : i32
        %parallel_loop3A_1207 = vector.broadcast %parallel_loop3A_1206 : i32 to vector<16xi32>
        %parallel_loop3A_1208 = arith.cmpi eq, %parallel_loop3A_1163, %parallel_loop3A_1207 : vector<16xi32>
        %parallel_loop3A_1209 = arith.select %parallel_loop3A_1208, %get3A_386, %parallel_loop3A_1205 : vector<16xi1>, vector<16xf32>
        %parallel_loop3A_1210 = arith.constant 0 : i32
        %parallel_loop3A_1211 = arith.index_cast %parallel_loop3A_1210 : i32 to index
        %parallel_loop3A_1212 = arith.index_cast %parallel_loop3A_1159 : i32 to index
        %parallel_loop3A_1213 = arith.constant 672 : index
        %parallel_loop3A_1214 = tpu.vector_load %arg7[%parallel_loop3A_1211, %parallel_loop3A_1212, %parallel_loop3A_1213] {strides = array<i32>} : memref<2x32x1024xf32, #tpu.memory_space<vmem>>, vector<16xf32>,
        tpu.vector_store %arg7[%parallel_loop3A_1211, %parallel_loop3A_1212, %parallel_loop3A_1213], %parallel_loop3A_1209 {strides = array<i32>} : memref<2x32x1024xf32, #tpu.memory_space<vmem>>, vector<16xf32>,
        %parallel_loop3A_1215 = arith.constant 2 : i32
        %parallel_loop3A_1216 = vector.broadcast %parallel_loop3A_1215 : i32 to vector<16xi32>
        %parallel_loop3A_1217 = arith.cmpi eq, %parallel_loop3A_1163, %parallel_loop3A_1216 : vector<16xi32>
        %parallel_loop3A_1218 = arith.select %parallel_loop3A_1217, %get3A_420, %get3A_436 : vector<16xi1>, vector<16xf32>
        %parallel_loop3A_1219 = arith.constant 1 : i32
        %parallel_loop3A_1220 = vector.broadcast %parallel_loop3A_1219 : i32 to vector<16xi32>
        %parallel_loop3A_1221 = arith.cmpi eq, %parallel_loop3A_1163, %parallel_loop3A_1220 : vector<16xi32>
        %parallel_loop3A_1222 = arith.select %parallel_loop3A_1221, %get3A_404, %parallel_loop3A_1218 : vector<16xi1>, vector<16xf32>
        %parallel_loop3A_1223 = arith.constant 0 : i32
        %parallel_loop3A_1224 = vector.broadcast %parallel_loop3A_1223 : i32 to vector<16xi32>
        %parallel_loop3A_1225 = arith.cmpi eq, %parallel_loop3A_1163, %parallel_loop3A_1224 : vector<16xi32>
        %parallel_loop3A_1226 = arith.select %parallel_loop3A_1225, %get3A_388, %parallel_loop3A_1222 : vector<16xi1>, vector<16xf32>
        %parallel_loop3A_1227 = arith.constant 0 : i32
        %parallel_loop3A_1228 = arith.index_cast %parallel_loop3A_1227 : i32 to index
        %parallel_loop3A_1229 = arith.index_cast %parallel_loop3A_1159 : i32 to index
        %parallel_loop3A_1230 = arith.constant 688 : index
        %parallel_loop3A_1231 = tpu.vector_load %arg7[%parallel_loop3A_1228, %parallel_loop3A_1229, %parallel_loop3A_1230] {strides = array<i32>} : memref<2x32x1024xf32, #tpu.memory_space<vmem>>, vector<16xf32>,
        tpu.vector_store %arg7[%parallel_loop3A_1228, %parallel_loop3A_1229, %parallel_loop3A_1230], %parallel_loop3A_1226 {strides = array<i32>} : memref<2x32x1024xf32, #tpu.memory_space<vmem>>, vector<16xf32>,
        %parallel_loop3A_1232 = arith.constant 2 : i32
        %parallel_loop3A_1233 = vector.broadcast %parallel_loop3A_1232 : i32 to vector<16xi32>
        %parallel_loop3A_1234 = arith.cmpi eq, %parallel_loop3A_1163, %parallel_loop3A_1233 : vector<16xi32>
        %parallel_loop3A_1235 = arith.select %parallel_loop3A_1234, %get3A_422, %get3A_438 : vector<16xi1>, vector<16xf32>
        %parallel_loop3A_1236 = arith.constant 1 : i32
        %parallel_loop3A_1237 = vector.broadcast %parallel_loop3A_1236 : i32 to vector<16xi32>
        %parallel_loop3A_1238 = arith.cmpi eq, %parallel_loop3A_1163, %parallel_loop3A_1237 : vector<16xi32>
        %parallel_loop3A_1239 = arith.select %parallel_loop3A_1238, %get3A_406, %parallel_loop3A_1235 : vector<16xi1>, vector<16xf32>
        %parallel_loop3A_1240 = arith.constant 0 : i32
        %parallel_loop3A_1241 = vector.broadcast %parallel_loop3A_1240 : i32 to vector<16xi32>
        %parallel_loop3A_1242 = arith.cmpi eq, %parallel_loop3A_1163, %parallel_loop3A_1241 : vector<16xi32>
        %parallel_loop3A_1243 = arith.select %parallel_loop3A_1242, %get3A_390, %parallel_loop3A_1239 : vector<16xi1>, vector<16xf32>
        %parallel_loop3A_1244 = arith.constant 0 : i32
        %parallel_loop3A_1245 = arith.index_cast %parallel_loop3A_1244 : i32 to index
        %parallel_loop3A_1246 = arith.index_cast %parallel_loop3A_1159 : i32 to index
        %parallel_loop3A_1247 = arith.constant 704 : index
        %parallel_loop3A_1248 = tpu.vector_load %arg7[%parallel_loop3A_1245, %parallel_loop3A_1246, %parallel_loop3A_1247] {strides = array<i32>} : memref<2x32x1024xf32, #tpu.memory_space<vmem>>, vector<16xf32>,
        tpu.vector_store %arg7[%parallel_loop3A_1245, %parallel_loop3A_1246, %parallel_loop3A_1247], %parallel_loop3A_1243 {strides = array<i32>} : memref<2x32x1024xf32, #tpu.memory_space<vmem>>, vector<16xf32>,
        %parallel_loop3A_1249 = arith.constant 2 : i32
        %parallel_loop3A_1250 = vector.broadcast %parallel_loop3A_1249 : i32 to vector<16xi32>
        %parallel_loop3A_1251 = arith.cmpi eq, %parallel_loop3A_1163, %parallel_loop3A_1250 : vector<16xi32>
        %parallel_loop3A_1252 = arith.select %parallel_loop3A_1251, %get3A_424, %get3A_440 : vector<16xi1>, vector<16xf32>
        %parallel_loop3A_1253 = arith.constant 1 : i32
        %parallel_loop3A_1254 = vector.broadcast %parallel_loop3A_1253 : i32 to vector<16xi32>
        %parallel_loop3A_1255 = arith.cmpi eq, %parallel_loop3A_1163, %parallel_loop3A_1254 : vector<16xi32>
        %parallel_loop3A_1256 = arith.select %parallel_loop3A_1255, %get3A_408, %parallel_loop3A_1252 : vector<16xi1>, vector<16xf32>
        %parallel_loop3A_1257 = arith.constant 0 : i32
        %parallel_loop3A_1258 = vector.broadcast %parallel_loop3A_1257 : i32 to vector<16xi32>
        %parallel_loop3A_1259 = arith.cmpi eq, %parallel_loop3A_1163, %parallel_loop3A_1258 : vector<16xi32>
        %parallel_loop3A_1260 = arith.select %parallel_loop3A_1259, %get3A_392, %parallel_loop3A_1256 : vector<16xi1>, vector<16xf32>
        %parallel_loop3A_1261 = arith.constant 0 : i32
        %parallel_loop3A_1262 = arith.index_cast %parallel_loop3A_1261 : i32 to index
        %parallel_loop3A_1263 = arith.index_cast %parallel_loop3A_1159 : i32 to index
        %parallel_loop3A_1264 = arith.constant 720 : index
        %parallel_loop3A_1265 = tpu.vector_load %arg7[%parallel_loop3A_1262, %parallel_loop3A_1263, %parallel_loop3A_1264] {strides = array<i32>} : memref<2x32x1024xf32, #tpu.memory_space<vmem>>, vector<16xf32>,
        tpu.vector_store %arg7[%parallel_loop3A_1262, %parallel_loop3A_1263, %parallel_loop3A_1264], %parallel_loop3A_1260 {strides = array<i32>} : memref<2x32x1024xf32, #tpu.memory_space<vmem>>, vector<16xf32>,
        %parallel_loop3A_1266 = arith.constant 2 : i32
        %parallel_loop3A_1267 = vector.broadcast %parallel_loop3A_1266 : i32 to vector<16xi32>
        %parallel_loop3A_1268 = arith.cmpi eq, %parallel_loop3A_1163, %parallel_loop3A_1267 : vector<16xi32>
        %parallel_loop3A_1269 = arith.select %parallel_loop3A_1268, %get3A_426, %get3A_442 : vector<16xi1>, vector<16xf32>
        %parallel_loop3A_1270 = arith.constant 1 : i32
        %parallel_loop3A_1271 = vector.broadcast %parallel_loop3A_1270 : i32 to vector<16xi32>
        %parallel_loop3A_1272 = arith.cmpi eq, %parallel_loop3A_1163, %parallel_loop3A_1271 : vector<16xi32>
        %parallel_loop3A_1273 = arith.select %parallel_loop3A_1272, %get3A_410, %parallel_loop3A_1269 : vector<16xi1>, vector<16xf32>
        %parallel_loop3A_1274 = arith.constant 0 : i32
        %parallel_loop3A_1275 = vector.broadcast %parallel_loop3A_1274 : i32 to vector<16xi32>
        %parallel_loop3A_1276 = arith.cmpi eq, %parallel_loop3A_1163, %parallel_loop3A_1275 : vector<16xi32>
        %parallel_loop3A_1277 = arith.select %parallel_loop3A_1276, %get3A_394, %parallel_loop3A_1273 : vector<16xi1>, vector<16xf32>
        %parallel_loop3A_1278 = arith.constant 0 : i32
        %parallel_loop3A_1279 = arith.index_cast %parallel_loop3A_1278 : i32 to index
        %parallel_loop3A_1280 = arith.index_cast %parallel_loop3A_1159 : i32 to index
        %parallel_loop3A_1281 = arith.constant 736 : index
        %parallel_loop3A_1282 = tpu.vector_load %arg7[%parallel_loop3A_1279, %parallel_loop3A_1280, %parallel_loop3A_1281] {strides = array<i32>} : memref<2x32x1024xf32, #tpu.memory_space<vmem>>, vector<16xf32>,
        tpu.vector_store %arg7[%parallel_loop3A_1279, %parallel_loop3A_1280, %parallel_loop3A_1281], %parallel_loop3A_1277 {strides = array<i32>} : memref<2x32x1024xf32, #tpu.memory_space<vmem>>, vector<16xf32>,
        %parallel_loop3A_1283 = arith.constant 2 : i32
        %parallel_loop3A_1284 = vector.broadcast %parallel_loop3A_1283 : i32 to vector<16xi32>
        %parallel_loop3A_1285 = arith.cmpi eq, %parallel_loop3A_1163, %parallel_loop3A_1284 : vector<16xi32>
        %parallel_loop3A_1286 = arith.select %parallel_loop3A_1285, %get3A_428, %get3A_444 : vector<16xi1>, vector<16xf32>
        %parallel_loop3A_1287 = arith.constant 1 : i32
        %parallel_loop3A_1288 = vector.broadcast %parallel_loop3A_1287 : i32 to vector<16xi32>
        %parallel_loop3A_1289 = arith.cmpi eq, %parallel_loop3A_1163, %parallel_loop3A_1288 : vector<16xi32>
        %parallel_loop3A_1290 = arith.select %parallel_loop3A_1289, %get3A_412, %parallel_loop3A_1286 : vector<16xi1>, vector<16xf32>
        %parallel_loop3A_1291 = arith.constant 0 : i32
        %parallel_loop3A_1292 = vector.broadcast %parallel_loop3A_1291 : i32 to vector<16xi32>
        %parallel_loop3A_1293 = arith.cmpi eq, %parallel_loop3A_1163, %parallel_loop3A_1292 : vector<16xi32>
        %parallel_loop3A_1294 = arith.select %parallel_loop3A_1293, %get3A_396, %parallel_loop3A_1290 : vector<16xi1>, vector<16xf32>
        %parallel_loop3A_1295 = arith.constant 0 : i32
        %parallel_loop3A_1296 = arith.index_cast %parallel_loop3A_1295 : i32 to index
        %parallel_loop3A_1297 = arith.index_cast %parallel_loop3A_1159 : i32 to index
        %parallel_loop3A_1298 = arith.constant 752 : index
        %parallel_loop3A_1299 = tpu.vector_load %arg7[%parallel_loop3A_1296, %parallel_loop3A_1297, %parallel_loop3A_1298] {strides = array<i32>} : memref<2x32x1024xf32, #tpu.memory_space<vmem>>, vector<16xf32>,
        tpu.vector_store %arg7[%parallel_loop3A_1296, %parallel_loop3A_1297, %parallel_loop3A_1298], %parallel_loop3A_1294 {strides = array<i32>} : memref<2x32x1024xf32, #tpu.memory_space<vmem>>, vector<16xf32>,
      } {sc.loop_unroll_factor = 2 : i64, sc.parallel_access}
      %get3A_448 = arith.constant 768 : index
      %get3A_449 = tpu.vector_load %arg5[%get3A_448] {strides = array<i32>} : memref<4096xf32, #tpu.memory_space<vmem>>, vector<16xf32>,
      %get3A_450 = arith.constant 784 : index
      %get3A_451 = tpu.vector_load %arg5[%get3A_450] {strides = array<i32>} : memref<4096xf32, #tpu.memory_space<vmem>>, vector<16xf32>,
      %get3A_452 = arith.constant 800 : index
      %get3A_453 = tpu.vector_load %arg5[%get3A_452] {strides = array<i32>} : memref<4096xf32, #tpu.memory_space<vmem>>, vector<16xf32>,
      %get3A_454 = arith.constant 816 : index
      %get3A_455 = tpu.vector_load %arg5[%get3A_454] {strides = array<i32>} : memref<4096xf32, #tpu.memory_space<vmem>>, vector<16xf32>,
      %get3A_456 = arith.constant 832 : index
      %get3A_457 = tpu.vector_load %arg5[%get3A_456] {strides = array<i32>} : memref<4096xf32, #tpu.memory_space<vmem>>, vector<16xf32>,
      %get3A_458 = arith.constant 848 : index
      %get3A_459 = tpu.vector_load %arg5[%get3A_458] {strides = array<i32>} : memref<4096xf32, #tpu.memory_space<vmem>>, vector<16xf32>,
      %get3A_460 = arith.constant 864 : index
      %get3A_461 = tpu.vector_load %arg5[%get3A_460] {strides = array<i32>} : memref<4096xf32, #tpu.memory_space<vmem>>, vector<16xf32>,
      %get3A_462 = arith.constant 880 : index
      %get3A_463 = tpu.vector_load %arg5[%get3A_462] {strides = array<i32>} : memref<4096xf32, #tpu.memory_space<vmem>>, vector<16xf32>,
      %get3A_464 = arith.constant 1792 : index
      %get3A_465 = tpu.vector_load %arg5[%get3A_464] {strides = array<i32>} : memref<4096xf32, #tpu.memory_space<vmem>>, vector<16xf32>,
      %get3A_466 = arith.constant 1808 : index
      %get3A_467 = tpu.vector_load %arg5[%get3A_466] {strides = array<i32>} : memref<4096xf32, #tpu.memory_space<vmem>>, vector<16xf32>,
      %get3A_468 = arith.constant 1824 : index
      %get3A_469 = tpu.vector_load %arg5[%get3A_468] {strides = array<i32>} : memref<4096xf32, #tpu.memory_space<vmem>>, vector<16xf32>,
      %get3A_470 = arith.constant 1840 : index
      %get3A_471 = tpu.vector_load %arg5[%get3A_470] {strides = array<i32>} : memref<4096xf32, #tpu.memory_space<vmem>>, vector<16xf32>,
      %get3A_472 = arith.constant 1856 : index
      %get3A_473 = tpu.vector_load %arg5[%get3A_472] {strides = array<i32>} : memref<4096xf32, #tpu.memory_space<vmem>>, vector<16xf32>,
      %get3A_474 = arith.constant 1872 : index
      %get3A_475 = tpu.vector_load %arg5[%get3A_474] {strides = array<i32>} : memref<4096xf32, #tpu.memory_space<vmem>>, vector<16xf32>,
      %get3A_476 = arith.constant 1888 : index
      %get3A_477 = tpu.vector_load %arg5[%get3A_476] {strides = array<i32>} : memref<4096xf32, #tpu.memory_space<vmem>>, vector<16xf32>,
      %get3A_478 = arith.constant 1904 : index
      %get3A_479 = tpu.vector_load %arg5[%get3A_478] {strides = array<i32>} : memref<4096xf32, #tpu.memory_space<vmem>>, vector<16xf32>,
      %get3A_480 = arith.constant 2816 : index
      %get3A_481 = tpu.vector_load %arg5[%get3A_480] {strides = array<i32>} : memref<4096xf32, #tpu.memory_space<vmem>>, vector<16xf32>,
      %get3A_482 = arith.constant 2832 : index
      %get3A_483 = tpu.vector_load %arg5[%get3A_482] {strides = array<i32>} : memref<4096xf32, #tpu.memory_space<vmem>>, vector<16xf32>,
      %get3A_484 = arith.constant 2848 : index
      %get3A_485 = tpu.vector_load %arg5[%get3A_484] {strides = array<i32>} : memref<4096xf32, #tpu.memory_space<vmem>>, vector<16xf32>,
      %get3A_486 = arith.constant 2864 : index
      %get3A_487 = tpu.vector_load %arg5[%get3A_486] {strides = array<i32>} : memref<4096xf32, #tpu.memory_space<vmem>>, vector<16xf32>,
      %get3A_488 = arith.constant 2880 : index
      %get3A_489 = tpu.vector_load %arg5[%get3A_488] {strides = array<i32>} : memref<4096xf32, #tpu.memory_space<vmem>>, vector<16xf32>,
      %get3A_490 = arith.constant 2896 : index
      %get3A_491 = tpu.vector_load %arg5[%get3A_490] {strides = array<i32>} : memref<4096xf32, #tpu.memory_space<vmem>>, vector<16xf32>,
      %get3A_492 = arith.constant 2912 : index
      %get3A_493 = tpu.vector_load %arg5[%get3A_492] {strides = array<i32>} : memref<4096xf32, #tpu.memory_space<vmem>>, vector<16xf32>,
      %get3A_494 = arith.constant 2928 : index
      %get3A_495 = tpu.vector_load %arg5[%get3A_494] {strides = array<i32>} : memref<4096xf32, #tpu.memory_space<vmem>>, vector<16xf32>,
      %get3A_496 = arith.constant 3840 : index
      %get3A_497 = tpu.vector_load %arg5[%get3A_496] {strides = array<i32>} : memref<4096xf32, #tpu.memory_space<vmem>>, vector<16xf32>,
      %get3A_498 = arith.constant 3856 : index
      %get3A_499 = tpu.vector_load %arg5[%get3A_498] {strides = array<i32>} : memref<4096xf32, #tpu.memory_space<vmem>>, vector<16xf32>,
      %get3A_500 = arith.constant 3872 : index
      %get3A_501 = tpu.vector_load %arg5[%get3A_500] {strides = array<i32>} : memref<4096xf32, #tpu.memory_space<vmem>>, vector<16xf32>,
      %get3A_502 = arith.constant 3888 : index
      %get3A_503 = tpu.vector_load %arg5[%get3A_502] {strides = array<i32>} : memref<4096xf32, #tpu.memory_space<vmem>>, vector<16xf32>,
      %get3A_504 = arith.constant 3904 : index
      %get3A_505 = tpu.vector_load %arg5[%get3A_504] {strides = array<i32>} : memref<4096xf32, #tpu.memory_space<vmem>>, vector<16xf32>,
      %get3A_506 = arith.constant 3920 : index
      %get3A_507 = tpu.vector_load %arg5[%get3A_506] {strides = array<i32>} : memref<4096xf32, #tpu.memory_space<vmem>>, vector<16xf32>,
      %get3A_508 = arith.constant 3936 : index
      %get3A_509 = tpu.vector_load %arg5[%get3A_508] {strides = array<i32>} : memref<4096xf32, #tpu.memory_space<vmem>>, vector<16xf32>,
      %get3A_510 = arith.constant 3952 : index
      %get3A_511 = tpu.vector_load %arg5[%get3A_510] {strides = array<i32>} : memref<4096xf32, #tpu.memory_space<vmem>>, vector<16xf32>,
      %parallel_loop3A_512 = arith.constant 0 : i32
      %parallel_loop3A_513 = arith.constant 32 : i32
      %parallel_loop3A_514 = arith.constant 1 : i32
      scf.for %parallel_loop3A_1159 = %parallel_loop3A_512 to %parallel_loop3A_513 step %parallel_loop3A_514  : i32 {
        %parallel_loop3A_1160 = arith.constant 16 : i32
        %parallel_loop3A_1161 = arith.muli %parallel_loop3A_1159, %parallel_loop3A_1160 : i32
        %parallel_loop3A_1162 = arith.index_cast %parallel_loop3A_1161 : i32 to index
        %parallel_loop3A_1163 = tpu.vector_load %arg8[%parallel_loop3A_1162] {strides = array<i32>} : memref<512xi32, #tpu.memory_space<vmem>>, vector<16xi32>,
        %parallel_loop3A_1164 = arith.constant 2 : i32
        %parallel_loop3A_1165 = vector.broadcast %parallel_loop3A_1164 : i32 to vector<16xi32>
        %parallel_loop3A_1166 = arith.cmpi eq, %parallel_loop3A_1163, %parallel_loop3A_1165 : vector<16xi32>
        %parallel_loop3A_1167 = arith.select %parallel_loop3A_1166, %get3A_481, %get3A_497 : vector<16xi1>, vector<16xf32>
        %parallel_loop3A_1168 = arith.constant 1 : i32
        %parallel_loop3A_1169 = vector.broadcast %parallel_loop3A_1168 : i32 to vector<16xi32>
        %parallel_loop3A_1170 = arith.cmpi eq, %parallel_loop3A_1163, %parallel_loop3A_1169 : vector<16xi32>
        %parallel_loop3A_1171 = arith.select %parallel_loop3A_1170, %get3A_465, %parallel_loop3A_1167 : vector<16xi1>, vector<16xf32>
        %parallel_loop3A_1172 = arith.constant 0 : i32
        %parallel_loop3A_1173 = vector.broadcast %parallel_loop3A_1172 : i32 to vector<16xi32>
        %parallel_loop3A_1174 = arith.cmpi eq, %parallel_loop3A_1163, %parallel_loop3A_1173 : vector<16xi32>
        %parallel_loop3A_1175 = arith.select %parallel_loop3A_1174, %get3A_449, %parallel_loop3A_1171 : vector<16xi1>, vector<16xf32>
        %parallel_loop3A_1176 = arith.constant 0 : i32
        %parallel_loop3A_1177 = arith.index_cast %parallel_loop3A_1176 : i32 to index
        %parallel_loop3A_1178 = arith.index_cast %parallel_loop3A_1159 : i32 to index
        %parallel_loop3A_1179 = arith.constant 768 : index
        %parallel_loop3A_1180 = tpu.vector_load %arg7[%parallel_loop3A_1177, %parallel_loop3A_1178, %parallel_loop3A_1179] {strides = array<i32>} : memref<2x32x1024xf32, #tpu.memory_space<vmem>>, vector<16xf32>,
        tpu.vector_store %arg7[%parallel_loop3A_1177, %parallel_loop3A_1178, %parallel_loop3A_1179], %parallel_loop3A_1175 {strides = array<i32>} : memref<2x32x1024xf32, #tpu.memory_space<vmem>>, vector<16xf32>,
        %parallel_loop3A_1181 = arith.constant 2 : i32
        %parallel_loop3A_1182 = vector.broadcast %parallel_loop3A_1181 : i32 to vector<16xi32>
        %parallel_loop3A_1183 = arith.cmpi eq, %parallel_loop3A_1163, %parallel_loop3A_1182 : vector<16xi32>
        %parallel_loop3A_1184 = arith.select %parallel_loop3A_1183, %get3A_483, %get3A_499 : vector<16xi1>, vector<16xf32>
        %parallel_loop3A_1185 = arith.constant 1 : i32
        %parallel_loop3A_1186 = vector.broadcast %parallel_loop3A_1185 : i32 to vector<16xi32>
        %parallel_loop3A_1187 = arith.cmpi eq, %parallel_loop3A_1163, %parallel_loop3A_1186 : vector<16xi32>
        %parallel_loop3A_1188 = arith.select %parallel_loop3A_1187, %get3A_467, %parallel_loop3A_1184 : vector<16xi1>, vector<16xf32>
        %parallel_loop3A_1189 = arith.constant 0 : i32
        %parallel_loop3A_1190 = vector.broadcast %parallel_loop3A_1189 : i32 to vector<16xi32>
        %parallel_loop3A_1191 = arith.cmpi eq, %parallel_loop3A_1163, %parallel_loop3A_1190 : vector<16xi32>
        %parallel_loop3A_1192 = arith.select %parallel_loop3A_1191, %get3A_451, %parallel_loop3A_1188 : vector<16xi1>, vector<16xf32>
        %parallel_loop3A_1193 = arith.constant 0 : i32
        %parallel_loop3A_1194 = arith.index_cast %parallel_loop3A_1193 : i32 to index
        %parallel_loop3A_1195 = arith.index_cast %parallel_loop3A_1159 : i32 to index
        %parallel_loop3A_1196 = arith.constant 784 : index
        %parallel_loop3A_1197 = tpu.vector_load %arg7[%parallel_loop3A_1194, %parallel_loop3A_1195, %parallel_loop3A_1196] {strides = array<i32>} : memref<2x32x1024xf32, #tpu.memory_space<vmem>>, vector<16xf32>,
        tpu.vector_store %arg7[%parallel_loop3A_1194, %parallel_loop3A_1195, %parallel_loop3A_1196], %parallel_loop3A_1192 {strides = array<i32>} : memref<2x32x1024xf32, #tpu.memory_space<vmem>>, vector<16xf32>,
        %parallel_loop3A_1198 = arith.constant 2 : i32
        %parallel_loop3A_1199 = vector.broadcast %parallel_loop3A_1198 : i32 to vector<16xi32>
        %parallel_loop3A_1200 = arith.cmpi eq, %parallel_loop3A_1163, %parallel_loop3A_1199 : vector<16xi32>
        %parallel_loop3A_1201 = arith.select %parallel_loop3A_1200, %get3A_485, %get3A_501 : vector<16xi1>, vector<16xf32>
        %parallel_loop3A_1202 = arith.constant 1 : i32
        %parallel_loop3A_1203 = vector.broadcast %parallel_loop3A_1202 : i32 to vector<16xi32>
        %parallel_loop3A_1204 = arith.cmpi eq, %parallel_loop3A_1163, %parallel_loop3A_1203 : vector<16xi32>
        %parallel_loop3A_1205 = arith.select %parallel_loop3A_1204, %get3A_469, %parallel_loop3A_1201 : vector<16xi1>, vector<16xf32>
        %parallel_loop3A_1206 = arith.constant 0 : i32
        %parallel_loop3A_1207 = vector.broadcast %parallel_loop3A_1206 : i32 to vector<16xi32>
        %parallel_loop3A_1208 = arith.cmpi eq, %parallel_loop3A_1163, %parallel_loop3A_1207 : vector<16xi32>
        %parallel_loop3A_1209 = arith.select %parallel_loop3A_1208, %get3A_453, %parallel_loop3A_1205 : vector<16xi1>, vector<16xf32>
        %parallel_loop3A_1210 = arith.constant 0 : i32
        %parallel_loop3A_1211 = arith.index_cast %parallel_loop3A_1210 : i32 to index
        %parallel_loop3A_1212 = arith.index_cast %parallel_loop3A_1159 : i32 to index
        %parallel_loop3A_1213 = arith.constant 800 : index
        %parallel_loop3A_1214 = tpu.vector_load %arg7[%parallel_loop3A_1211, %parallel_loop3A_1212, %parallel_loop3A_1213] {strides = array<i32>} : memref<2x32x1024xf32, #tpu.memory_space<vmem>>, vector<16xf32>,
        tpu.vector_store %arg7[%parallel_loop3A_1211, %parallel_loop3A_1212, %parallel_loop3A_1213], %parallel_loop3A_1209 {strides = array<i32>} : memref<2x32x1024xf32, #tpu.memory_space<vmem>>, vector<16xf32>,
        %parallel_loop3A_1215 = arith.constant 2 : i32
        %parallel_loop3A_1216 = vector.broadcast %parallel_loop3A_1215 : i32 to vector<16xi32>
        %parallel_loop3A_1217 = arith.cmpi eq, %parallel_loop3A_1163, %parallel_loop3A_1216 : vector<16xi32>
        %parallel_loop3A_1218 = arith.select %parallel_loop3A_1217, %get3A_487, %get3A_503 : vector<16xi1>, vector<16xf32>
        %parallel_loop3A_1219 = arith.constant 1 : i32
        %parallel_loop3A_1220 = vector.broadcast %parallel_loop3A_1219 : i32 to vector<16xi32>
        %parallel_loop3A_1221 = arith.cmpi eq, %parallel_loop3A_1163, %parallel_loop3A_1220 : vector<16xi32>
        %parallel_loop3A_1222 = arith.select %parallel_loop3A_1221, %get3A_471, %parallel_loop3A_1218 : vector<16xi1>, vector<16xf32>
        %parallel_loop3A_1223 = arith.constant 0 : i32
        %parallel_loop3A_1224 = vector.broadcast %parallel_loop3A_1223 : i32 to vector<16xi32>
        %parallel_loop3A_1225 = arith.cmpi eq, %parallel_loop3A_1163, %parallel_loop3A_1224 : vector<16xi32>
        %parallel_loop3A_1226 = arith.select %parallel_loop3A_1225, %get3A_455, %parallel_loop3A_1222 : vector<16xi1>, vector<16xf32>
        %parallel_loop3A_1227 = arith.constant 0 : i32
        %parallel_loop3A_1228 = arith.index_cast %parallel_loop3A_1227 : i32 to index
        %parallel_loop3A_1229 = arith.index_cast %parallel_loop3A_1159 : i32 to index
        %parallel_loop3A_1230 = arith.constant 816 : index
        %parallel_loop3A_1231 = tpu.vector_load %arg7[%parallel_loop3A_1228, %parallel_loop3A_1229, %parallel_loop3A_1230] {strides = array<i32>} : memref<2x32x1024xf32, #tpu.memory_space<vmem>>, vector<16xf32>,
        tpu.vector_store %arg7[%parallel_loop3A_1228, %parallel_loop3A_1229, %parallel_loop3A_1230], %parallel_loop3A_1226 {strides = array<i32>} : memref<2x32x1024xf32, #tpu.memory_space<vmem>>, vector<16xf32>,
        %parallel_loop3A_1232 = arith.constant 2 : i32
        %parallel_loop3A_1233 = vector.broadcast %parallel_loop3A_1232 : i32 to vector<16xi32>
        %parallel_loop3A_1234 = arith.cmpi eq, %parallel_loop3A_1163, %parallel_loop3A_1233 : vector<16xi32>
        %parallel_loop3A_1235 = arith.select %parallel_loop3A_1234, %get3A_489, %get3A_505 : vector<16xi1>, vector<16xf32>
        %parallel_loop3A_1236 = arith.constant 1 : i32
        %parallel_loop3A_1237 = vector.broadcast %parallel_loop3A_1236 : i32 to vector<16xi32>
        %parallel_loop3A_1238 = arith.cmpi eq, %parallel_loop3A_1163, %parallel_loop3A_1237 : vector<16xi32>
        %parallel_loop3A_1239 = arith.select %parallel_loop3A_1238, %get3A_473, %parallel_loop3A_1235 : vector<16xi1>, vector<16xf32>
        %parallel_loop3A_1240 = arith.constant 0 : i32
        %parallel_loop3A_1241 = vector.broadcast %parallel_loop3A_1240 : i32 to vector<16xi32>
        %parallel_loop3A_1242 = arith.cmpi eq, %parallel_loop3A_1163, %parallel_loop3A_1241 : vector<16xi32>
        %parallel_loop3A_1243 = arith.select %parallel_loop3A_1242, %get3A_457, %parallel_loop3A_1239 : vector<16xi1>, vector<16xf32>
        %parallel_loop3A_1244 = arith.constant 0 : i32
        %parallel_loop3A_1245 = arith.index_cast %parallel_loop3A_1244 : i32 to index
        %parallel_loop3A_1246 = arith.index_cast %parallel_loop3A_1159 : i32 to index
        %parallel_loop3A_1247 = arith.constant 832 : index
        %parallel_loop3A_1248 = tpu.vector_load %arg7[%parallel_loop3A_1245, %parallel_loop3A_1246, %parallel_loop3A_1247] {strides = array<i32>} : memref<2x32x1024xf32, #tpu.memory_space<vmem>>, vector<16xf32>,
        tpu.vector_store %arg7[%parallel_loop3A_1245, %parallel_loop3A_1246, %parallel_loop3A_1247], %parallel_loop3A_1243 {strides = array<i32>} : memref<2x32x1024xf32, #tpu.memory_space<vmem>>, vector<16xf32>,
        %parallel_loop3A_1249 = arith.constant 2 : i32
        %parallel_loop3A_1250 = vector.broadcast %parallel_loop3A_1249 : i32 to vector<16xi32>
        %parallel_loop3A_1251 = arith.cmpi eq, %parallel_loop3A_1163, %parallel_loop3A_1250 : vector<16xi32>
        %parallel_loop3A_1252 = arith.select %parallel_loop3A_1251, %get3A_491, %get3A_507 : vector<16xi1>, vector<16xf32>
        %parallel_loop3A_1253 = arith.constant 1 : i32
        %parallel_loop3A_1254 = vector.broadcast %parallel_loop3A_1253 : i32 to vector<16xi32>
        %parallel_loop3A_1255 = arith.cmpi eq, %parallel_loop3A_1163, %parallel_loop3A_1254 : vector<16xi32>
        %parallel_loop3A_1256 = arith.select %parallel_loop3A_1255, %get3A_475, %parallel_loop3A_1252 : vector<16xi1>, vector<16xf32>
        %parallel_loop3A_1257 = arith.constant 0 : i32
        %parallel_loop3A_1258 = vector.broadcast %parallel_loop3A_1257 : i32 to vector<16xi32>
        %parallel_loop3A_1259 = arith.cmpi eq, %parallel_loop3A_1163, %parallel_loop3A_1258 : vector<16xi32>
        %parallel_loop3A_1260 = arith.select %parallel_loop3A_1259, %get3A_459, %parallel_loop3A_1256 : vector<16xi1>, vector<16xf32>
        %parallel_loop3A_1261 = arith.constant 0 : i32
        %parallel_loop3A_1262 = arith.index_cast %parallel_loop3A_1261 : i32 to index
        %parallel_loop3A_1263 = arith.index_cast %parallel_loop3A_1159 : i32 to index
        %parallel_loop3A_1264 = arith.constant 848 : index
        %parallel_loop3A_1265 = tpu.vector_load %arg7[%parallel_loop3A_1262, %parallel_loop3A_1263, %parallel_loop3A_1264] {strides = array<i32>} : memref<2x32x1024xf32, #tpu.memory_space<vmem>>, vector<16xf32>,
        tpu.vector_store %arg7[%parallel_loop3A_1262, %parallel_loop3A_1263, %parallel_loop3A_1264], %parallel_loop3A_1260 {strides = array<i32>} : memref<2x32x1024xf32, #tpu.memory_space<vmem>>, vector<16xf32>,
        %parallel_loop3A_1266 = arith.constant 2 : i32
        %parallel_loop3A_1267 = vector.broadcast %parallel_loop3A_1266 : i32 to vector<16xi32>
        %parallel_loop3A_1268 = arith.cmpi eq, %parallel_loop3A_1163, %parallel_loop3A_1267 : vector<16xi32>
        %parallel_loop3A_1269 = arith.select %parallel_loop3A_1268, %get3A_493, %get3A_509 : vector<16xi1>, vector<16xf32>
        %parallel_loop3A_1270 = arith.constant 1 : i32
        %parallel_loop3A_1271 = vector.broadcast %parallel_loop3A_1270 : i32 to vector<16xi32>
        %parallel_loop3A_1272 = arith.cmpi eq, %parallel_loop3A_1163, %parallel_loop3A_1271 : vector<16xi32>
        %parallel_loop3A_1273 = arith.select %parallel_loop3A_1272, %get3A_477, %parallel_loop3A_1269 : vector<16xi1>, vector<16xf32>
        %parallel_loop3A_1274 = arith.constant 0 : i32
        %parallel_loop3A_1275 = vector.broadcast %parallel_loop3A_1274 : i32 to vector<16xi32>
        %parallel_loop3A_1276 = arith.cmpi eq, %parallel_loop3A_1163, %parallel_loop3A_1275 : vector<16xi32>
        %parallel_loop3A_1277 = arith.select %parallel_loop3A_1276, %get3A_461, %parallel_loop3A_1273 : vector<16xi1>, vector<16xf32>
        %parallel_loop3A_1278 = arith.constant 0 : i32
        %parallel_loop3A_1279 = arith.index_cast %parallel_loop3A_1278 : i32 to index
        %parallel_loop3A_1280 = arith.index_cast %parallel_loop3A_1159 : i32 to index
        %parallel_loop3A_1281 = arith.constant 864 : index
        %parallel_loop3A_1282 = tpu.vector_load %arg7[%parallel_loop3A_1279, %parallel_loop3A_1280, %parallel_loop3A_1281] {strides = array<i32>} : memref<2x32x1024xf32, #tpu.memory_space<vmem>>, vector<16xf32>,
        tpu.vector_store %arg7[%parallel_loop3A_1279, %parallel_loop3A_1280, %parallel_loop3A_1281], %parallel_loop3A_1277 {strides = array<i32>} : memref<2x32x1024xf32, #tpu.memory_space<vmem>>, vector<16xf32>,
        %parallel_loop3A_1283 = arith.constant 2 : i32
        %parallel_loop3A_1284 = vector.broadcast %parallel_loop3A_1283 : i32 to vector<16xi32>
        %parallel_loop3A_1285 = arith.cmpi eq, %parallel_loop3A_1163, %parallel_loop3A_1284 : vector<16xi32>
        %parallel_loop3A_1286 = arith.select %parallel_loop3A_1285, %get3A_495, %get3A_511 : vector<16xi1>, vector<16xf32>
        %parallel_loop3A_1287 = arith.constant 1 : i32
        %parallel_loop3A_1288 = vector.broadcast %parallel_loop3A_1287 : i32 to vector<16xi32>
        %parallel_loop3A_1289 = arith.cmpi eq, %parallel_loop3A_1163, %parallel_loop3A_1288 : vector<16xi32>
        %parallel_loop3A_1290 = arith.select %parallel_loop3A_1289, %get3A_479, %parallel_loop3A_1286 : vector<16xi1>, vector<16xf32>
        %parallel_loop3A_1291 = arith.constant 0 : i32
        %parallel_loop3A_1292 = vector.broadcast %parallel_loop3A_1291 : i32 to vector<16xi32>
        %parallel_loop3A_1293 = arith.cmpi eq, %parallel_loop3A_1163, %parallel_loop3A_1292 : vector<16xi32>
        %parallel_loop3A_1294 = arith.select %parallel_loop3A_1293, %get3A_463, %parallel_loop3A_1290 : vector<16xi1>, vector<16xf32>
        %parallel_loop3A_1295 = arith.constant 0 : i32
        %parallel_loop3A_1296 = arith.index_cast %parallel_loop3A_1295 : i32 to index
        %parallel_loop3A_1297 = arith.index_cast %parallel_loop3A_1159 : i32 to index
        %parallel_loop3A_1298 = arith.constant 880 : index
        %parallel_loop3A_1299 = tpu.vector_load %arg7[%parallel_loop3A_1296, %parallel_loop3A_1297, %parallel_loop3A_1298] {strides = array<i32>} : memref<2x32x1024xf32, #tpu.memory_space<vmem>>, vector<16xf32>,
        tpu.vector_store %arg7[%parallel_loop3A_1296, %parallel_loop3A_1297, %parallel_loop3A_1298], %parallel_loop3A_1294 {strides = array<i32>} : memref<2x32x1024xf32, #tpu.memory_space<vmem>>, vector<16xf32>,
      } {sc.loop_unroll_factor = 2 : i64, sc.parallel_access}
      %get3A_515 = arith.constant 896 : index
      %get3A_516 = tpu.vector_load %arg5[%get3A_515] {strides = array<i32>} : memref<4096xf32, #tpu.memory_space<vmem>>, vector<16xf32>,
      %get3A_517 = arith.constant 912 : index
      %get3A_518 = tpu.vector_load %arg5[%get3A_517] {strides = array<i32>} : memref<4096xf32, #tpu.memory_space<vmem>>, vector<16xf32>,
      %get3A_519 = arith.constant 928 : index
      %get3A_520 = tpu.vector_load %arg5[%get3A_519] {strides = array<i32>} : memref<4096xf32, #tpu.memory_space<vmem>>, vector<16xf32>,
      %get3A_521 = arith.constant 944 : index
      %get3A_522 = tpu.vector_load %arg5[%get3A_521] {strides = array<i32>} : memref<4096xf32, #tpu.memory_space<vmem>>, vector<16xf32>,
      %get3A_523 = arith.constant 960 : index
      %get3A_524 = tpu.vector_load %arg5[%get3A_523] {strides = array<i32>} : memref<4096xf32, #tpu.memory_space<vmem>>, vector<16xf32>,
      %get3A_525 = arith.constant 976 : index
      %get3A_526 = tpu.vector_load %arg5[%get3A_525] {strides = array<i32>} : memref<4096xf32, #tpu.memory_space<vmem>>, vector<16xf32>,
      %get3A_527 = arith.constant 992 : index
      %get3A_528 = tpu.vector_load %arg5[%get3A_527] {strides = array<i32>} : memref<4096xf32, #tpu.memory_space<vmem>>, vector<16xf32>,
      %get3A_529 = arith.constant 1008 : index
      %get3A_530 = tpu.vector_load %arg5[%get3A_529] {strides = array<i32>} : memref<4096xf32, #tpu.memory_space<vmem>>, vector<16xf32>,
      %get3A_531 = arith.constant 1920 : index
      %get3A_532 = tpu.vector_load %arg5[%get3A_531] {strides = array<i32>} : memref<4096xf32, #tpu.memory_space<vmem>>, vector<16xf32>,
      %get3A_533 = arith.constant 1936 : index
      %get3A_534 = tpu.vector_load %arg5[%get3A_533] {strides = array<i32>} : memref<4096xf32, #tpu.memory_space<vmem>>, vector<16xf32>,
      %get3A_535 = arith.constant 1952 : index
      %get3A_536 = tpu.vector_load %arg5[%get3A_535] {strides = array<i32>} : memref<4096xf32, #tpu.memory_space<vmem>>, vector<16xf32>,
      %get3A_537 = arith.constant 1968 : index
      %get3A_538 = tpu.vector_load %arg5[%get3A_537] {strides = array<i32>} : memref<4096xf32, #tpu.memory_space<vmem>>, vector<16xf32>,
      %get3A_539 = arith.constant 1984 : index
      %get3A_540 = tpu.vector_load %arg5[%get3A_539] {strides = array<i32>} : memref<4096xf32, #tpu.memory_space<vmem>>, vector<16xf32>,
      %get3A_541 = arith.constant 2000 : index
      %get3A_542 = tpu.vector_load %arg5[%get3A_541] {strides = array<i32>} : memref<4096xf32, #tpu.memory_space<vmem>>, vector<16xf32>,
      %get3A_543 = arith.constant 2016 : index
      %get3A_544 = tpu.vector_load %arg5[%get3A_543] {strides = array<i32>} : memref<4096xf32, #tpu.memory_space<vmem>>, vector<16xf32>,
      %get3A_545 = arith.constant 2032 : index
      %get3A_546 = tpu.vector_load %arg5[%get3A_545] {strides = array<i32>} : memref<4096xf32, #tpu.memory_space<vmem>>, vector<16xf32>,
      %get3A_547 = arith.constant 2944 : index
      %get3A_548 = tpu.vector_load %arg5[%get3A_547] {strides = array<i32>} : memref<4096xf32, #tpu.memory_space<vmem>>, vector<16xf32>,
      %get3A_549 = arith.constant 2960 : index
      %get3A_550 = tpu.vector_load %arg5[%get3A_549] {strides = array<i32>} : memref<4096xf32, #tpu.memory_space<vmem>>, vector<16xf32>,
      %get3A_551 = arith.constant 2976 : index
      %get3A_552 = tpu.vector_load %arg5[%get3A_551] {strides = array<i32>} : memref<4096xf32, #tpu.memory_space<vmem>>, vector<16xf32>,
      %get3A_553 = arith.constant 2992 : index
      %get3A_554 = tpu.vector_load %arg5[%get3A_553] {strides = array<i32>} : memref<4096xf32, #tpu.memory_space<vmem>>, vector<16xf32>,
      %get3A_555 = arith.constant 3008 : index
      %get3A_556 = tpu.vector_load %arg5[%get3A_555] {strides = array<i32>} : memref<4096xf32, #tpu.memory_space<vmem>>, vector<16xf32>,
      %get3A_557 = arith.constant 3024 : index
      %get3A_558 = tpu.vector_load %arg5[%get3A_557] {strides = array<i32>} : memref<4096xf32, #tpu.memory_space<vmem>>, vector<16xf32>,
      %get3A_559 = arith.constant 3040 : index
      %get3A_560 = tpu.vector_load %arg5[%get3A_559] {strides = array<i32>} : memref<4096xf32, #tpu.memory_space<vmem>>, vector<16xf32>,
      %get3A_561 = arith.constant 3056 : index
      %get3A_562 = tpu.vector_load %arg5[%get3A_561] {strides = array<i32>} : memref<4096xf32, #tpu.memory_space<vmem>>, vector<16xf32>,
      %get3A_563 = arith.constant 3968 : index
      %get3A_564 = tpu.vector_load %arg5[%get3A_563] {strides = array<i32>} : memref<4096xf32, #tpu.memory_space<vmem>>, vector<16xf32>,
      %get3A_565 = arith.constant 3984 : index
      %get3A_566 = tpu.vector_load %arg5[%get3A_565] {strides = array<i32>} : memref<4096xf32, #tpu.memory_space<vmem>>, vector<16xf32>,
      %get3A_567 = arith.constant 4000 : index
      %get3A_568 = tpu.vector_load %arg5[%get3A_567] {strides = array<i32>} : memref<4096xf32, #tpu.memory_space<vmem>>, vector<16xf32>,
      %get3A_569 = arith.constant 4016 : index
      %get3A_570 = tpu.vector_load %arg5[%get3A_569] {strides = array<i32>} : memref<4096xf32, #tpu.memory_space<vmem>>, vector<16xf32>,
      %get3A_571 = arith.constant 4032 : index
      %get3A_572 = tpu.vector_load %arg5[%get3A_571] {strides = array<i32>} : memref<4096xf32, #tpu.memory_space<vmem>>, vector<16xf32>,
      %get3A_573 = arith.constant 4048 : index
      %get3A_574 = tpu.vector_load %arg5[%get3A_573] {strides = array<i32>} : memref<4096xf32, #tpu.memory_space<vmem>>, vector<16xf32>,
      %get3A_575 = arith.constant 4064 : index
      %get3A_576 = tpu.vector_load %arg5[%get3A_575] {strides = array<i32>} : memref<4096xf32, #tpu.memory_space<vmem>>, vector<16xf32>,
      %get3A_577 = arith.constant 4080 : index
      %get3A_578 = tpu.vector_load %arg5[%get3A_577] {strides = array<i32>} : memref<4096xf32, #tpu.memory_space<vmem>>, vector<16xf32>,
      %parallel_loop3A_579 = arith.constant 0 : i32
      %parallel_loop3A_580 = arith.constant 32 : i32
      %parallel_loop3A_581 = arith.constant 1 : i32
      scf.for %parallel_loop3A_1159 = %parallel_loop3A_579 to %parallel_loop3A_580 step %parallel_loop3A_581  : i32 {
        %parallel_loop3A_1160 = arith.constant 16 : i32
        %parallel_loop3A_1161 = arith.muli %parallel_loop3A_1159, %parallel_loop3A_1160 : i32
        %parallel_loop3A_1162 = arith.index_cast %parallel_loop3A_1161 : i32 to index
        %parallel_loop3A_1163 = tpu.vector_load %arg8[%parallel_loop3A_1162] {strides = array<i32>} : memref<512xi32, #tpu.memory_space<vmem>>, vector<16xi32>,
        %parallel_loop3A_1164 = arith.constant 2 : i32
        %parallel_loop3A_1165 = vector.broadcast %parallel_loop3A_1164 : i32 to vector<16xi32>
        %parallel_loop3A_1166 = arith.cmpi eq, %parallel_loop3A_1163, %parallel_loop3A_1165 : vector<16xi32>
        %parallel_loop3A_1167 = arith.select %parallel_loop3A_1166, %get3A_548, %get3A_564 : vector<16xi1>, vector<16xf32>
        %parallel_loop3A_1168 = arith.constant 1 : i32
        %parallel_loop3A_1169 = vector.broadcast %parallel_loop3A_1168 : i32 to vector<16xi32>
        %parallel_loop3A_1170 = arith.cmpi eq, %parallel_loop3A_1163, %parallel_loop3A_1169 : vector<16xi32>
        %parallel_loop3A_1171 = arith.select %parallel_loop3A_1170, %get3A_532, %parallel_loop3A_1167 : vector<16xi1>, vector<16xf32>
        %parallel_loop3A_1172 = arith.constant 0 : i32
        %parallel_loop3A_1173 = vector.broadcast %parallel_loop3A_1172 : i32 to vector<16xi32>
        %parallel_loop3A_1174 = arith.cmpi eq, %parallel_loop3A_1163, %parallel_loop3A_1173 : vector<16xi32>
        %parallel_loop3A_1175 = arith.select %parallel_loop3A_1174, %get3A_516, %parallel_loop3A_1171 : vector<16xi1>, vector<16xf32>
        %parallel_loop3A_1176 = arith.constant 0 : i32
        %parallel_loop3A_1177 = arith.index_cast %parallel_loop3A_1176 : i32 to index
        %parallel_loop3A_1178 = arith.index_cast %parallel_loop3A_1159 : i32 to index
        %parallel_loop3A_1179 = arith.constant 896 : index
        %parallel_loop3A_1180 = tpu.vector_load %arg7[%parallel_loop3A_1177, %parallel_loop3A_1178, %parallel_loop3A_1179] {strides = array<i32>} : memref<2x32x1024xf32, #tpu.memory_space<vmem>>, vector<16xf32>,
        tpu.vector_store %arg7[%parallel_loop3A_1177, %parallel_loop3A_1178, %parallel_loop3A_1179], %parallel_loop3A_1175 {strides = array<i32>} : memref<2x32x1024xf32, #tpu.memory_space<vmem>>, vector<16xf32>,
        %parallel_loop3A_1181 = arith.constant 2 : i32
        %parallel_loop3A_1182 = vector.broadcast %parallel_loop3A_1181 : i32 to vector<16xi32>
        %parallel_loop3A_1183 = arith.cmpi eq, %parallel_loop3A_1163, %parallel_loop3A_1182 : vector<16xi32>
        %parallel_loop3A_1184 = arith.select %parallel_loop3A_1183, %get3A_550, %get3A_566 : vector<16xi1>, vector<16xf32>
        %parallel_loop3A_1185 = arith.constant 1 : i32
        %parallel_loop3A_1186 = vector.broadcast %parallel_loop3A_1185 : i32 to vector<16xi32>
        %parallel_loop3A_1187 = arith.cmpi eq, %parallel_loop3A_1163, %parallel_loop3A_1186 : vector<16xi32>
        %parallel_loop3A_1188 = arith.select %parallel_loop3A_1187, %get3A_534, %parallel_loop3A_1184 : vector<16xi1>, vector<16xf32>
        %parallel_loop3A_1189 = arith.constant 0 : i32
        %parallel_loop3A_1190 = vector.broadcast %parallel_loop3A_1189 : i32 to vector<16xi32>
        %parallel_loop3A_1191 = arith.cmpi eq, %parallel_loop3A_1163, %parallel_loop3A_1190 : vector<16xi32>
        %parallel_loop3A_1192 = arith.select %parallel_loop3A_1191, %get3A_518, %parallel_loop3A_1188 : vector<16xi1>, vector<16xf32>
        %parallel_loop3A_1193 = arith.constant 0 : i32
        %parallel_loop3A_1194 = arith.index_cast %parallel_loop3A_1193 : i32 to index
        %parallel_loop3A_1195 = arith.index_cast %parallel_loop3A_1159 : i32 to index
        %parallel_loop3A_1196 = arith.constant 912 : index
        %parallel_loop3A_1197 = tpu.vector_load %arg7[%parallel_loop3A_1194, %parallel_loop3A_1195, %parallel_loop3A_1196] {strides = array<i32>} : memref<2x32x1024xf32, #tpu.memory_space<vmem>>, vector<16xf32>,
        tpu.vector_store %arg7[%parallel_loop3A_1194, %parallel_loop3A_1195, %parallel_loop3A_1196], %parallel_loop3A_1192 {strides = array<i32>} : memref<2x32x1024xf32, #tpu.memory_space<vmem>>, vector<16xf32>,
        %parallel_loop3A_1198 = arith.constant 2 : i32
        %parallel_loop3A_1199 = vector.broadcast %parallel_loop3A_1198 : i32 to vector<16xi32>
        %parallel_loop3A_1200 = arith.cmpi eq, %parallel_loop3A_1163, %parallel_loop3A_1199 : vector<16xi32>
        %parallel_loop3A_1201 = arith.select %parallel_loop3A_1200, %get3A_552, %get3A_568 : vector<16xi1>, vector<16xf32>
        %parallel_loop3A_1202 = arith.constant 1 : i32
        %parallel_loop3A_1203 = vector.broadcast %parallel_loop3A_1202 : i32 to vector<16xi32>
        %parallel_loop3A_1204 = arith.cmpi eq, %parallel_loop3A_1163, %parallel_loop3A_1203 : vector<16xi32>
        %parallel_loop3A_1205 = arith.select %parallel_loop3A_1204, %get3A_536, %parallel_loop3A_1201 : vector<16xi1>, vector<16xf32>
        %parallel_loop3A_1206 = arith.constant 0 : i32
        %parallel_loop3A_1207 = vector.broadcast %parallel_loop3A_1206 : i32 to vector<16xi32>
        %parallel_loop3A_1208 = arith.cmpi eq, %parallel_loop3A_1163, %parallel_loop3A_1207 : vector<16xi32>
        %parallel_loop3A_1209 = arith.select %parallel_loop3A_1208, %get3A_520, %parallel_loop3A_1205 : vector<16xi1>, vector<16xf32>
        %parallel_loop3A_1210 = arith.constant 0 : i32
        %parallel_loop3A_1211 = arith.index_cast %parallel_loop3A_1210 : i32 to index
        %parallel_loop3A_1212 = arith.index_cast %parallel_loop3A_1159 : i32 to index
        %parallel_loop3A_1213 = arith.constant 928 : index
        %parallel_loop3A_1214 = tpu.vector_load %arg7[%parallel_loop3A_1211, %parallel_loop3A_1212, %parallel_loop3A_1213] {strides = array<i32>} : memref<2x32x1024xf32, #tpu.memory_space<vmem>>, vector<16xf32>,
        tpu.vector_store %arg7[%parallel_loop3A_1211, %parallel_loop3A_1212, %parallel_loop3A_1213], %parallel_loop3A_1209 {strides = array<i32>} : memref<2x32x1024xf32, #tpu.memory_space<vmem>>, vector<16xf32>,
        %parallel_loop3A_1215 = arith.constant 2 : i32
        %parallel_loop3A_1216 = vector.broadcast %parallel_loop3A_1215 : i32 to vector<16xi32>
        %parallel_loop3A_1217 = arith.cmpi eq, %parallel_loop3A_1163, %parallel_loop3A_1216 : vector<16xi32>
        %parallel_loop3A_1218 = arith.select %parallel_loop3A_1217, %get3A_554, %get3A_570 : vector<16xi1>, vector<16xf32>
        %parallel_loop3A_1219 = arith.constant 1 : i32
        %parallel_loop3A_1220 = vector.broadcast %parallel_loop3A_1219 : i32 to vector<16xi32>
        %parallel_loop3A_1221 = arith.cmpi eq, %parallel_loop3A_1163, %parallel_loop3A_1220 : vector<16xi32>
        %parallel_loop3A_1222 = arith.select %parallel_loop3A_1221, %get3A_538, %parallel_loop3A_1218 : vector<16xi1>, vector<16xf32>
        %parallel_loop3A_1223 = arith.constant 0 : i32
        %parallel_loop3A_1224 = vector.broadcast %parallel_loop3A_1223 : i32 to vector<16xi32>
        %parallel_loop3A_1225 = arith.cmpi eq, %parallel_loop3A_1163, %parallel_loop3A_1224 : vector<16xi32>
        %parallel_loop3A_1226 = arith.select %parallel_loop3A_1225, %get3A_522, %parallel_loop3A_1222 : vector<16xi1>, vector<16xf32>
        %parallel_loop3A_1227 = arith.constant 0 : i32
        %parallel_loop3A_1228 = arith.index_cast %parallel_loop3A_1227 : i32 to index
        %parallel_loop3A_1229 = arith.index_cast %parallel_loop3A_1159 : i32 to index
        %parallel_loop3A_1230 = arith.constant 944 : index
        %parallel_loop3A_1231 = tpu.vector_load %arg7[%parallel_loop3A_1228, %parallel_loop3A_1229, %parallel_loop3A_1230] {strides = array<i32>} : memref<2x32x1024xf32, #tpu.memory_space<vmem>>, vector<16xf32>,
        tpu.vector_store %arg7[%parallel_loop3A_1228, %parallel_loop3A_1229, %parallel_loop3A_1230], %parallel_loop3A_1226 {strides = array<i32>} : memref<2x32x1024xf32, #tpu.memory_space<vmem>>, vector<16xf32>,
        %parallel_loop3A_1232 = arith.constant 2 : i32
        %parallel_loop3A_1233 = vector.broadcast %parallel_loop3A_1232 : i32 to vector<16xi32>
        %parallel_loop3A_1234 = arith.cmpi eq, %parallel_loop3A_1163, %parallel_loop3A_1233 : vector<16xi32>
        %parallel_loop3A_1235 = arith.select %parallel_loop3A_1234, %get3A_556, %get3A_572 : vector<16xi1>, vector<16xf32>
        %parallel_loop3A_1236 = arith.constant 1 : i32
        %parallel_loop3A_1237 = vector.broadcast %parallel_loop3A_1236 : i32 to vector<16xi32>
        %parallel_loop3A_1238 = arith.cmpi eq, %parallel_loop3A_1163, %parallel_loop3A_1237 : vector<16xi32>
        %parallel_loop3A_1239 = arith.select %parallel_loop3A_1238, %get3A_540, %parallel_loop3A_1235 : vector<16xi1>, vector<16xf32>
        %parallel_loop3A_1240 = arith.constant 0 : i32
        %parallel_loop3A_1241 = vector.broadcast %parallel_loop3A_1240 : i32 to vector<16xi32>
        %parallel_loop3A_1242 = arith.cmpi eq, %parallel_loop3A_1163, %parallel_loop3A_1241 : vector<16xi32>
        %parallel_loop3A_1243 = arith.select %parallel_loop3A_1242, %get3A_524, %parallel_loop3A_1239 : vector<16xi1>, vector<16xf32>
        %parallel_loop3A_1244 = arith.constant 0 : i32
        %parallel_loop3A_1245 = arith.index_cast %parallel_loop3A_1244 : i32 to index
        %parallel_loop3A_1246 = arith.index_cast %parallel_loop3A_1159 : i32 to index
        %parallel_loop3A_1247 = arith.constant 960 : index
        %parallel_loop3A_1248 = tpu.vector_load %arg7[%parallel_loop3A_1245, %parallel_loop3A_1246, %parallel_loop3A_1247] {strides = array<i32>} : memref<2x32x1024xf32, #tpu.memory_space<vmem>>, vector<16xf32>,
        tpu.vector_store %arg7[%parallel_loop3A_1245, %parallel_loop3A_1246, %parallel_loop3A_1247], %parallel_loop3A_1243 {strides = array<i32>} : memref<2x32x1024xf32, #tpu.memory_space<vmem>>, vector<16xf32>,
        %parallel_loop3A_1249 = arith.constant 2 : i32
        %parallel_loop3A_1250 = vector.broadcast %parallel_loop3A_1249 : i32 to vector<16xi32>
        %parallel_loop3A_1251 = arith.cmpi eq, %parallel_loop3A_1163, %parallel_loop3A_1250 : vector<16xi32>
        %parallel_loop3A_1252 = arith.select %parallel_loop3A_1251, %get3A_558, %get3A_574 : vector<16xi1>, vector<16xf32>
        %parallel_loop3A_1253 = arith.constant 1 : i32
        %parallel_loop3A_1254 = vector.broadcast %parallel_loop3A_1253 : i32 to vector<16xi32>
        %parallel_loop3A_1255 = arith.cmpi eq, %parallel_loop3A_1163, %parallel_loop3A_1254 : vector<16xi32>
        %parallel_loop3A_1256 = arith.select %parallel_loop3A_1255, %get3A_542, %parallel_loop3A_1252 : vector<16xi1>, vector<16xf32>
        %parallel_loop3A_1257 = arith.constant 0 : i32
        %parallel_loop3A_1258 = vector.broadcast %parallel_loop3A_1257 : i32 to vector<16xi32>
        %parallel_loop3A_1259 = arith.cmpi eq, %parallel_loop3A_1163, %parallel_loop3A_1258 : vector<16xi32>
        %parallel_loop3A_1260 = arith.select %parallel_loop3A_1259, %get3A_526, %parallel_loop3A_1256 : vector<16xi1>, vector<16xf32>
        %parallel_loop3A_1261 = arith.constant 0 : i32
        %parallel_loop3A_1262 = arith.index_cast %parallel_loop3A_1261 : i32 to index
        %parallel_loop3A_1263 = arith.index_cast %parallel_loop3A_1159 : i32 to index
        %parallel_loop3A_1264 = arith.constant 976 : index
        %parallel_loop3A_1265 = tpu.vector_load %arg7[%parallel_loop3A_1262, %parallel_loop3A_1263, %parallel_loop3A_1264] {strides = array<i32>} : memref<2x32x1024xf32, #tpu.memory_space<vmem>>, vector<16xf32>,
        tpu.vector_store %arg7[%parallel_loop3A_1262, %parallel_loop3A_1263, %parallel_loop3A_1264], %parallel_loop3A_1260 {strides = array<i32>} : memref<2x32x1024xf32, #tpu.memory_space<vmem>>, vector<16xf32>,
        %parallel_loop3A_1266 = arith.constant 2 : i32
        %parallel_loop3A_1267 = vector.broadcast %parallel_loop3A_1266 : i32 to vector<16xi32>
        %parallel_loop3A_1268 = arith.cmpi eq, %parallel_loop3A_1163, %parallel_loop3A_1267 : vector<16xi32>
        %parallel_loop3A_1269 = arith.select %parallel_loop3A_1268, %get3A_560, %get3A_576 : vector<16xi1>, vector<16xf32>
        %parallel_loop3A_1270 = arith.constant 1 : i32
        %parallel_loop3A_1271 = vector.broadcast %parallel_loop3A_1270 : i32 to vector<16xi32>
        %parallel_loop3A_1272 = arith.cmpi eq, %parallel_loop3A_1163, %parallel_loop3A_1271 : vector<16xi32>
        %parallel_loop3A_1273 = arith.select %parallel_loop3A_1272, %get3A_544, %parallel_loop3A_1269 : vector<16xi1>, vector<16xf32>
        %parallel_loop3A_1274 = arith.constant 0 : i32
        %parallel_loop3A_1275 = vector.broadcast %parallel_loop3A_1274 : i32 to vector<16xi32>
        %parallel_loop3A_1276 = arith.cmpi eq, %parallel_loop3A_1163, %parallel_loop3A_1275 : vector<16xi32>
        %parallel_loop3A_1277 = arith.select %parallel_loop3A_1276, %get3A_528, %parallel_loop3A_1273 : vector<16xi1>, vector<16xf32>
        %parallel_loop3A_1278 = arith.constant 0 : i32
        %parallel_loop3A_1279 = arith.index_cast %parallel_loop3A_1278 : i32 to index
        %parallel_loop3A_1280 = arith.index_cast %parallel_loop3A_1159 : i32 to index
        %parallel_loop3A_1281 = arith.constant 992 : index
        %parallel_loop3A_1282 = tpu.vector_load %arg7[%parallel_loop3A_1279, %parallel_loop3A_1280, %parallel_loop3A_1281] {strides = array<i32>} : memref<2x32x1024xf32, #tpu.memory_space<vmem>>, vector<16xf32>,
        tpu.vector_store %arg7[%parallel_loop3A_1279, %parallel_loop3A_1280, %parallel_loop3A_1281], %parallel_loop3A_1277 {strides = array<i32>} : memref<2x32x1024xf32, #tpu.memory_space<vmem>>, vector<16xf32>,
        %parallel_loop3A_1283 = arith.constant 2 : i32
        %parallel_loop3A_1284 = vector.broadcast %parallel_loop3A_1283 : i32 to vector<16xi32>
        %parallel_loop3A_1285 = arith.cmpi eq, %parallel_loop3A_1163, %parallel_loop3A_1284 : vector<16xi32>
        %parallel_loop3A_1286 = arith.select %parallel_loop3A_1285, %get3A_562, %get3A_578 : vector<16xi1>, vector<16xf32>
        %parallel_loop3A_1287 = arith.constant 1 : i32
        %parallel_loop3A_1288 = vector.broadcast %parallel_loop3A_1287 : i32 to vector<16xi32>
        %parallel_loop3A_1289 = arith.cmpi eq, %parallel_loop3A_1163, %parallel_loop3A_1288 : vector<16xi32>
        %parallel_loop3A_1290 = arith.select %parallel_loop3A_1289, %get3A_546, %parallel_loop3A_1286 : vector<16xi1>, vector<16xf32>
        %parallel_loop3A_1291 = arith.constant 0 : i32
        %parallel_loop3A_1292 = vector.broadcast %parallel_loop3A_1291 : i32 to vector<16xi32>
        %parallel_loop3A_1293 = arith.cmpi eq, %parallel_loop3A_1163, %parallel_loop3A_1292 : vector<16xi32>
        %parallel_loop3A_1294 = arith.select %parallel_loop3A_1293, %get3A_530, %parallel_loop3A_1290 : vector<16xi1>, vector<16xf32>
        %parallel_loop3A_1295 = arith.constant 0 : i32
        %parallel_loop3A_1296 = arith.index_cast %parallel_loop3A_1295 : i32 to index
        %parallel_loop3A_1297 = arith.index_cast %parallel_loop3A_1159 : i32 to index
        %parallel_loop3A_1298 = arith.constant 1008 : index
        %parallel_loop3A_1299 = tpu.vector_load %arg7[%parallel_loop3A_1296, %parallel_loop3A_1297, %parallel_loop3A_1298] {strides = array<i32>} : memref<2x32x1024xf32, #tpu.memory_space<vmem>>, vector<16xf32>,
        tpu.vector_store %arg7[%parallel_loop3A_1296, %parallel_loop3A_1297, %parallel_loop3A_1298], %parallel_loop3A_1294 {strides = array<i32>} : memref<2x32x1024xf32, #tpu.memory_space<vmem>>, vector<16xf32>,
      } {sc.loop_unroll_factor = 2 : i64, sc.parallel_access}
      %mul3A_582 = arith.constant 32 : i32
      %mul3A_583 = arith.muli %add3A_42, %mul3A_582 : i32
      %add3A_584 = arith.addi %mul3A_2, %mul3A_583 : i32
      %dma_start3A = arith.constant 0 : i32
      %dma_start3A_585 = arith.constant 0 : i32
      %dma_start3A_586 = arith.constant 0 : i32
      %dma_start3A_587 = tpu.memref_slice %arg7[%dma_start3A, %dma_start3A_585, %dma_start3A_586] : memref<2x32x1024xf32, #tpu.memory_space<vmem>> -> memref<1x32x1024xf32, #tpu.memory_space<vmem>>
      %dma_start3A_588 = tpu.memref_squeeze %dma_start3A_587 : memref<1x32x1024xf32, #tpu.memory_space<vmem>> -> memref<32x1024xf32, #tpu.memory_space<vmem>>
      %dma_start3A_589 = arith.constant 0 : i32
      %dma_start3A_590 = tpu.memref_slice %arg4[%add3A_584, %dma_start3A_589] : memref<16384x1024xf32, #tpu.memory_space<hbm>> -> memref<32x1024xf32, #tpu.memory_space<hbm>>
      %dma_start3A_591 = arith.constant 0 : i32
      %dma_start3A_592 = tpu.memref_slice %arg4[%add3A_584, %dma_start3A_591] : memref<16384x1024xf32, #tpu.memory_space<hbm>> -> memref<32x1024xf32, #tpu.memory_space<hbm>>
      %dma_start3A_593 = arith.constant 0 : i32
      %dma_start3A_594 = arith.constant 0 : i32
      %dma_start3A_595 = tpu.memref_slice %arg7[%dma_start3A, %dma_start3A_593, %dma_start3A_594] : memref<2x32x1024xf32, #tpu.memory_space<vmem>> -> memref<1x32x1024xf32, #tpu.memory_space<vmem>>
      %dma_start3A_596 = tpu.memref_squeeze %dma_start3A_595 : memref<1x32x1024xf32, #tpu.memory_space<vmem>> -> memref<32x1024xf32, #tpu.memory_space<vmem>>
      tpu.enqueue_dma source(%dma_start3A_596 : memref<32x1024xf32, #tpu.memory_space<vmem>>) target(%dma_start3A_592 : memref<32x1024xf32, #tpu.memory_space<hbm>>) target_semaphore(%arg9 : memref<!tpu.dma_semaphore, #tpu.memory_space<semaphore_mem>>)
      %add3A_597 = arith.constant 1 : i32
      %add3A_598 = arith.addi %add3A_40, %add3A_597 : i32
      %ge3A_599 = arith.constant 2 : i32
      %ge3A_600 = arith.cmpi sge, %add3A_598, %ge3A_599 : i32
      %convert_element_type3A_601 = arith.extui %ge3A_600 : i1 to i32
      %cond3A_602 = arith.constant 0 : i32
      %cond3A_603 = arith.cmpi ne, %convert_element_type3A_601, %cond3A_602 : i32
      scf.if %cond3A_603 {
        %dma_wait3A_1159 = arith.constant 1 : i32
        %dma_wait3A_1160 = arith.constant 0 : i32
        %dma_wait3A_1161 = arith.constant 0 : i32
        %dma_wait3A_1162 = tpu.memref_slice %arg7[%dma_wait3A_1159, %dma_wait3A_1160, %dma_wait3A_1161] : memref<2x32x1024xf32, #tpu.memory_space<vmem>> -> memref<1x32x1024xf32, #tpu.memory_space<vmem>>
        %dma_wait3A_1163 = tpu.memref_squeeze %dma_wait3A_1162 : memref<1x32x1024xf32, #tpu.memory_space<vmem>> -> memref<32x1024xf32, #tpu.memory_space<vmem>>
        %dma_wait3A_1164 = arith.constant 0 : i32
        %dma_wait3A_1165 = arith.constant 0 : i32
        %dma_wait3A_1166 = tpu.memref_slice %arg4[%dma_wait3A_1164, %dma_wait3A_1165] : memref<16384x1024xf32, #tpu.memory_space<hbm>> -> memref<32x1024xf32, #tpu.memory_space<hbm>>
        %dma_wait3A_1167 = arith.constant 0 : i32
        %dma_wait3A_1168 = arith.constant 0 : i32
        %dma_wait3A_1169 = tpu.memref_slice %arg4[%dma_wait3A_1167, %dma_wait3A_1168] : memref<16384x1024xf32, #tpu.memory_space<hbm>> -> memref<32x1024xf32, #tpu.memory_space<hbm>>
        %dma_wait3A_1170 = arith.constant 0 : i32
        %dma_wait3A_1171 = arith.constant 0 : i32
        %dma_wait3A_1172 = tpu.memref_slice %arg7[%dma_wait3A_1159, %dma_wait3A_1170, %dma_wait3A_1171] : memref<2x32x1024xf32, #tpu.memory_space<vmem>> -> memref<1x32x1024xf32, #tpu.memory_space<vmem>>
        %dma_wait3A_1173 = tpu.memref_squeeze %dma_wait3A_1172 : memref<1x32x1024xf32, #tpu.memory_space<vmem>> -> memref<32x1024xf32, #tpu.memory_space<vmem>>
        tpu.wait_dma2 semaphore(%arg10 : memref<!tpu.dma_semaphore, #tpu.memory_space<semaphore_mem>>) src(%dma_wait3A_1173 : memref<32x1024xf32, #tpu.memory_space<vmem>>) dst(%dma_wait3A_1169 : memref<32x1024xf32, #tpu.memory_space<hbm>>)
      } else {
      }
      %parallel_loop3A_604 = arith.constant 0 : i32
      %parallel_loop3A_605 = arith.constant 32 : i32
      %parallel_loop3A_606 = arith.constant 1 : i32
      scf.for %parallel_loop3A_1159 = %parallel_loop3A_604 to %parallel_loop3A_605 step %parallel_loop3A_606  : i32 {
        %parallel_loop3A_1160 = arith.constant 32 : i32
        %parallel_loop3A_1161 = arith.muli %add3A_598, %parallel_loop3A_1160 : i32
        %parallel_loop3A_1162 = arith.addi %parallel_loop3A_1161, %parallel_loop3A_1159 : i32
        %parallel_loop3A_1163 = vector.broadcast %parallel_loop3A_1162 : i32 to vector<16xi32>
        %parallel_loop3A_1164 = tpu.vector_load_idx %arg6[%parallel_loop3A_1163] : memref<512xi32, #tpu.memory_space<vmem>>[vector<16xi32>], vector<16xi32>,
        %parallel_loop3A_1165 = arith.constant 16 : i32
        %parallel_loop3A_1166 = arith.muli %parallel_loop3A_1159, %parallel_loop3A_1165 : i32
        %parallel_loop3A_1167 = arith.index_cast %parallel_loop3A_1166 : i32 to index
        %parallel_loop3A_1168 = tpu.vector_load %arg8[%parallel_loop3A_1167] {strides = array<i32>} : memref<512xi32, #tpu.memory_space<vmem>>, vector<16xi32>,
        tpu.vector_store %arg8[%parallel_loop3A_1167], %parallel_loop3A_1164 {strides = array<i32>} : memref<512xi32, #tpu.memory_space<vmem>>, vector<16xi32>,
      } {sc.loop_unroll_factor = 4 : i64, sc.parallel_access}
      %get3A_607 = arith.constant 0 : index
      %get3A_608 = tpu.vector_load %arg5[%get3A_607] {strides = array<i32>} : memref<4096xf32, #tpu.memory_space<vmem>>, vector<16xf32>,
      %get3A_609 = arith.constant 16 : index
      %get3A_610 = tpu.vector_load %arg5[%get3A_609] {strides = array<i32>} : memref<4096xf32, #tpu.memory_space<vmem>>, vector<16xf32>,
      %get3A_611 = arith.constant 32 : index
      %get3A_612 = tpu.vector_load %arg5[%get3A_611] {strides = array<i32>} : memref<4096xf32, #tpu.memory_space<vmem>>, vector<16xf32>,
      %get3A_613 = arith.constant 48 : index
      %get3A_614 = tpu.vector_load %arg5[%get3A_613] {strides = array<i32>} : memref<4096xf32, #tpu.memory_space<vmem>>, vector<16xf32>,
      %get3A_615 = arith.constant 64 : index
      %get3A_616 = tpu.vector_load %arg5[%get3A_615] {strides = array<i32>} : memref<4096xf32, #tpu.memory_space<vmem>>, vector<16xf32>,
      %get3A_617 = arith.constant 80 : index
      %get3A_618 = tpu.vector_load %arg5[%get3A_617] {strides = array<i32>} : memref<4096xf32, #tpu.memory_space<vmem>>, vector<16xf32>,
      %get3A_619 = arith.constant 96 : index
      %get3A_620 = tpu.vector_load %arg5[%get3A_619] {strides = array<i32>} : memref<4096xf32, #tpu.memory_space<vmem>>, vector<16xf32>,
      %get3A_621 = arith.constant 112 : index
      %get3A_622 = tpu.vector_load %arg5[%get3A_621] {strides = array<i32>} : memref<4096xf32, #tpu.memory_space<vmem>>, vector<16xf32>,
      %get3A_623 = arith.constant 1024 : index
      %get3A_624 = tpu.vector_load %arg5[%get3A_623] {strides = array<i32>} : memref<4096xf32, #tpu.memory_space<vmem>>, vector<16xf32>,
      %get3A_625 = arith.constant 1040 : index
      %get3A_626 = tpu.vector_load %arg5[%get3A_625] {strides = array<i32>} : memref<4096xf32, #tpu.memory_space<vmem>>, vector<16xf32>,
      %get3A_627 = arith.constant 1056 : index
      %get3A_628 = tpu.vector_load %arg5[%get3A_627] {strides = array<i32>} : memref<4096xf32, #tpu.memory_space<vmem>>, vector<16xf32>,
      %get3A_629 = arith.constant 1072 : index
      %get3A_630 = tpu.vector_load %arg5[%get3A_629] {strides = array<i32>} : memref<4096xf32, #tpu.memory_space<vmem>>, vector<16xf32>,
      %get3A_631 = arith.constant 1088 : index
      %get3A_632 = tpu.vector_load %arg5[%get3A_631] {strides = array<i32>} : memref<4096xf32, #tpu.memory_space<vmem>>, vector<16xf32>,
      %get3A_633 = arith.constant 1104 : index
      %get3A_634 = tpu.vector_load %arg5[%get3A_633] {strides = array<i32>} : memref<4096xf32, #tpu.memory_space<vmem>>, vector<16xf32>,
      %get3A_635 = arith.constant 1120 : index
      %get3A_636 = tpu.vector_load %arg5[%get3A_635] {strides = array<i32>} : memref<4096xf32, #tpu.memory_space<vmem>>, vector<16xf32>,
      %get3A_637 = arith.constant 1136 : index
      %get3A_638 = tpu.vector_load %arg5[%get3A_637] {strides = array<i32>} : memref<4096xf32, #tpu.memory_space<vmem>>, vector<16xf32>,
      %get3A_639 = arith.constant 2048 : index
      %get3A_640 = tpu.vector_load %arg5[%get3A_639] {strides = array<i32>} : memref<4096xf32, #tpu.memory_space<vmem>>, vector<16xf32>,
      %get3A_641 = arith.constant 2064 : index
      %get3A_642 = tpu.vector_load %arg5[%get3A_641] {strides = array<i32>} : memref<4096xf32, #tpu.memory_space<vmem>>, vector<16xf32>,
      %get3A_643 = arith.constant 2080 : index
      %get3A_644 = tpu.vector_load %arg5[%get3A_643] {strides = array<i32>} : memref<4096xf32, #tpu.memory_space<vmem>>, vector<16xf32>,
      %get3A_645 = arith.constant 2096 : index
      %get3A_646 = tpu.vector_load %arg5[%get3A_645] {strides = array<i32>} : memref<4096xf32, #tpu.memory_space<vmem>>, vector<16xf32>,
      %get3A_647 = arith.constant 2112 : index
      %get3A_648 = tpu.vector_load %arg5[%get3A_647] {strides = array<i32>} : memref<4096xf32, #tpu.memory_space<vmem>>, vector<16xf32>,
      %get3A_649 = arith.constant 2128 : index
      %get3A_650 = tpu.vector_load %arg5[%get3A_649] {strides = array<i32>} : memref<4096xf32, #tpu.memory_space<vmem>>, vector<16xf32>,
      %get3A_651 = arith.constant 2144 : index
      %get3A_652 = tpu.vector_load %arg5[%get3A_651] {strides = array<i32>} : memref<4096xf32, #tpu.memory_space<vmem>>, vector<16xf32>,
      %get3A_653 = arith.constant 2160 : index
      %get3A_654 = tpu.vector_load %arg5[%get3A_653] {strides = array<i32>} : memref<4096xf32, #tpu.memory_space<vmem>>, vector<16xf32>,
      %get3A_655 = arith.constant 3072 : index
      %get3A_656 = tpu.vector_load %arg5[%get3A_655] {strides = array<i32>} : memref<4096xf32, #tpu.memory_space<vmem>>, vector<16xf32>,
      %get3A_657 = arith.constant 3088 : index
      %get3A_658 = tpu.vector_load %arg5[%get3A_657] {strides = array<i32>} : memref<4096xf32, #tpu.memory_space<vmem>>, vector<16xf32>,
      %get3A_659 = arith.constant 3104 : index
      %get3A_660 = tpu.vector_load %arg5[%get3A_659] {strides = array<i32>} : memref<4096xf32, #tpu.memory_space<vmem>>, vector<16xf32>,
      %get3A_661 = arith.constant 3120 : index
      %get3A_662 = tpu.vector_load %arg5[%get3A_661] {strides = array<i32>} : memref<4096xf32, #tpu.memory_space<vmem>>, vector<16xf32>,
      %get3A_663 = arith.constant 3136 : index
      %get3A_664 = tpu.vector_load %arg5[%get3A_663] {strides = array<i32>} : memref<4096xf32, #tpu.memory_space<vmem>>, vector<16xf32>,
      %get3A_665 = arith.constant 3152 : index
      %get3A_666 = tpu.vector_load %arg5[%get3A_665] {strides = array<i32>} : memref<4096xf32, #tpu.memory_space<vmem>>, vector<16xf32>,
      %get3A_667 = arith.constant 3168 : index
      %get3A_668 = tpu.vector_load %arg5[%get3A_667] {strides = array<i32>} : memref<4096xf32, #tpu.memory_space<vmem>>, vector<16xf32>,
      %get3A_669 = arith.constant 3184 : index
      %get3A_670 = tpu.vector_load %arg5[%get3A_669] {strides = array<i32>} : memref<4096xf32, #tpu.memory_space<vmem>>, vector<16xf32>,
      %parallel_loop3A_671 = arith.constant 0 : i32
      %parallel_loop3A_672 = arith.constant 32 : i32
      %parallel_loop3A_673 = arith.constant 1 : i32
      scf.for %parallel_loop3A_1159 = %parallel_loop3A_671 to %parallel_loop3A_672 step %parallel_loop3A_673  : i32 {
        %parallel_loop3A_1160 = arith.constant 16 : i32
        %parallel_loop3A_1161 = arith.muli %parallel_loop3A_1159, %parallel_loop3A_1160 : i32
        %parallel_loop3A_1162 = arith.index_cast %parallel_loop3A_1161 : i32 to index
        %parallel_loop3A_1163 = tpu.vector_load %arg8[%parallel_loop3A_1162] {strides = array<i32>} : memref<512xi32, #tpu.memory_space<vmem>>, vector<16xi32>,
        %parallel_loop3A_1164 = arith.constant 2 : i32
        %parallel_loop3A_1165 = vector.broadcast %parallel_loop3A_1164 : i32 to vector<16xi32>
        %parallel_loop3A_1166 = arith.cmpi eq, %parallel_loop3A_1163, %parallel_loop3A_1165 : vector<16xi32>
        %parallel_loop3A_1167 = arith.select %parallel_loop3A_1166, %get3A_640, %get3A_656 : vector<16xi1>, vector<16xf32>
        %parallel_loop3A_1168 = arith.constant 1 : i32
        %parallel_loop3A_1169 = vector.broadcast %parallel_loop3A_1168 : i32 to vector<16xi32>
        %parallel_loop3A_1170 = arith.cmpi eq, %parallel_loop3A_1163, %parallel_loop3A_1169 : vector<16xi32>
        %parallel_loop3A_1171 = arith.select %parallel_loop3A_1170, %get3A_624, %parallel_loop3A_1167 : vector<16xi1>, vector<16xf32>
        %parallel_loop3A_1172 = arith.constant 0 : i32
        %parallel_loop3A_1173 = vector.broadcast %parallel_loop3A_1172 : i32 to vector<16xi32>
        %parallel_loop3A_1174 = arith.cmpi eq, %parallel_loop3A_1163, %parallel_loop3A_1173 : vector<16xi32>
        %parallel_loop3A_1175 = arith.select %parallel_loop3A_1174, %get3A_608, %parallel_loop3A_1171 : vector<16xi1>, vector<16xf32>
        %parallel_loop3A_1176 = arith.constant 1 : i32
        %parallel_loop3A_1177 = arith.index_cast %parallel_loop3A_1176 : i32 to index
        %parallel_loop3A_1178 = arith.index_cast %parallel_loop3A_1159 : i32 to index
        %parallel_loop3A_1179 = arith.constant 0 : index
        %parallel_loop3A_1180 = tpu.vector_load %arg7[%parallel_loop3A_1177, %parallel_loop3A_1178, %parallel_loop3A_1179] {strides = array<i32>} : memref<2x32x1024xf32, #tpu.memory_space<vmem>>, vector<16xf32>,
        tpu.vector_store %arg7[%parallel_loop3A_1177, %parallel_loop3A_1178, %parallel_loop3A_1179], %parallel_loop3A_1175 {strides = array<i32>} : memref<2x32x1024xf32, #tpu.memory_space<vmem>>, vector<16xf32>,
        %parallel_loop3A_1181 = arith.constant 2 : i32
        %parallel_loop3A_1182 = vector.broadcast %parallel_loop3A_1181 : i32 to vector<16xi32>
        %parallel_loop3A_1183 = arith.cmpi eq, %parallel_loop3A_1163, %parallel_loop3A_1182 : vector<16xi32>
        %parallel_loop3A_1184 = arith.select %parallel_loop3A_1183, %get3A_642, %get3A_658 : vector<16xi1>, vector<16xf32>
        %parallel_loop3A_1185 = arith.constant 1 : i32
        %parallel_loop3A_1186 = vector.broadcast %parallel_loop3A_1185 : i32 to vector<16xi32>
        %parallel_loop3A_1187 = arith.cmpi eq, %parallel_loop3A_1163, %parallel_loop3A_1186 : vector<16xi32>
        %parallel_loop3A_1188 = arith.select %parallel_loop3A_1187, %get3A_626, %parallel_loop3A_1184 : vector<16xi1>, vector<16xf32>
        %parallel_loop3A_1189 = arith.constant 0 : i32
        %parallel_loop3A_1190 = vector.broadcast %parallel_loop3A_1189 : i32 to vector<16xi32>
        %parallel_loop3A_1191 = arith.cmpi eq, %parallel_loop3A_1163, %parallel_loop3A_1190 : vector<16xi32>
        %parallel_loop3A_1192 = arith.select %parallel_loop3A_1191, %get3A_610, %parallel_loop3A_1188 : vector<16xi1>, vector<16xf32>
        %parallel_loop3A_1193 = arith.constant 1 : i32
        %parallel_loop3A_1194 = arith.index_cast %parallel_loop3A_1193 : i32 to index
        %parallel_loop3A_1195 = arith.index_cast %parallel_loop3A_1159 : i32 to index
        %parallel_loop3A_1196 = arith.constant 16 : index
        %parallel_loop3A_1197 = tpu.vector_load %arg7[%parallel_loop3A_1194, %parallel_loop3A_1195, %parallel_loop3A_1196] {strides = array<i32>} : memref<2x32x1024xf32, #tpu.memory_space<vmem>>, vector<16xf32>,
        tpu.vector_store %arg7[%parallel_loop3A_1194, %parallel_loop3A_1195, %parallel_loop3A_1196], %parallel_loop3A_1192 {strides = array<i32>} : memref<2x32x1024xf32, #tpu.memory_space<vmem>>, vector<16xf32>,
        %parallel_loop3A_1198 = arith.constant 2 : i32
        %parallel_loop3A_1199 = vector.broadcast %parallel_loop3A_1198 : i32 to vector<16xi32>
        %parallel_loop3A_1200 = arith.cmpi eq, %parallel_loop3A_1163, %parallel_loop3A_1199 : vector<16xi32>
        %parallel_loop3A_1201 = arith.select %parallel_loop3A_1200, %get3A_644, %get3A_660 : vector<16xi1>, vector<16xf32>
        %parallel_loop3A_1202 = arith.constant 1 : i32
        %parallel_loop3A_1203 = vector.broadcast %parallel_loop3A_1202 : i32 to vector<16xi32>
        %parallel_loop3A_1204 = arith.cmpi eq, %parallel_loop3A_1163, %parallel_loop3A_1203 : vector<16xi32>
        %parallel_loop3A_1205 = arith.select %parallel_loop3A_1204, %get3A_628, %parallel_loop3A_1201 : vector<16xi1>, vector<16xf32>
        %parallel_loop3A_1206 = arith.constant 0 : i32
        %parallel_loop3A_1207 = vector.broadcast %parallel_loop3A_1206 : i32 to vector<16xi32>
        %parallel_loop3A_1208 = arith.cmpi eq, %parallel_loop3A_1163, %parallel_loop3A_1207 : vector<16xi32>
        %parallel_loop3A_1209 = arith.select %parallel_loop3A_1208, %get3A_612, %parallel_loop3A_1205 : vector<16xi1>, vector<16xf32>
        %parallel_loop3A_1210 = arith.constant 1 : i32
        %parallel_loop3A_1211 = arith.index_cast %parallel_loop3A_1210 : i32 to index
        %parallel_loop3A_1212 = arith.index_cast %parallel_loop3A_1159 : i32 to index
        %parallel_loop3A_1213 = arith.constant 32 : index
        %parallel_loop3A_1214 = tpu.vector_load %arg7[%parallel_loop3A_1211, %parallel_loop3A_1212, %parallel_loop3A_1213] {strides = array<i32>} : memref<2x32x1024xf32, #tpu.memory_space<vmem>>, vector<16xf32>,
        tpu.vector_store %arg7[%parallel_loop3A_1211, %parallel_loop3A_1212, %parallel_loop3A_1213], %parallel_loop3A_1209 {strides = array<i32>} : memref<2x32x1024xf32, #tpu.memory_space<vmem>>, vector<16xf32>,
        %parallel_loop3A_1215 = arith.constant 2 : i32
        %parallel_loop3A_1216 = vector.broadcast %parallel_loop3A_1215 : i32 to vector<16xi32>
        %parallel_loop3A_1217 = arith.cmpi eq, %parallel_loop3A_1163, %parallel_loop3A_1216 : vector<16xi32>
        %parallel_loop3A_1218 = arith.select %parallel_loop3A_1217, %get3A_646, %get3A_662 : vector<16xi1>, vector<16xf32>
        %parallel_loop3A_1219 = arith.constant 1 : i32
        %parallel_loop3A_1220 = vector.broadcast %parallel_loop3A_1219 : i32 to vector<16xi32>
        %parallel_loop3A_1221 = arith.cmpi eq, %parallel_loop3A_1163, %parallel_loop3A_1220 : vector<16xi32>
        %parallel_loop3A_1222 = arith.select %parallel_loop3A_1221, %get3A_630, %parallel_loop3A_1218 : vector<16xi1>, vector<16xf32>
        %parallel_loop3A_1223 = arith.constant 0 : i32
        %parallel_loop3A_1224 = vector.broadcast %parallel_loop3A_1223 : i32 to vector<16xi32>
        %parallel_loop3A_1225 = arith.cmpi eq, %parallel_loop3A_1163, %parallel_loop3A_1224 : vector<16xi32>
        %parallel_loop3A_1226 = arith.select %parallel_loop3A_1225, %get3A_614, %parallel_loop3A_1222 : vector<16xi1>, vector<16xf32>
        %parallel_loop3A_1227 = arith.constant 1 : i32
        %parallel_loop3A_1228 = arith.index_cast %parallel_loop3A_1227 : i32 to index
        %parallel_loop3A_1229 = arith.index_cast %parallel_loop3A_1159 : i32 to index
        %parallel_loop3A_1230 = arith.constant 48 : index
        %parallel_loop3A_1231 = tpu.vector_load %arg7[%parallel_loop3A_1228, %parallel_loop3A_1229, %parallel_loop3A_1230] {strides = array<i32>} : memref<2x32x1024xf32, #tpu.memory_space<vmem>>, vector<16xf32>,
        tpu.vector_store %arg7[%parallel_loop3A_1228, %parallel_loop3A_1229, %parallel_loop3A_1230], %parallel_loop3A_1226 {strides = array<i32>} : memref<2x32x1024xf32, #tpu.memory_space<vmem>>, vector<16xf32>,
        %parallel_loop3A_1232 = arith.constant 2 : i32
        %parallel_loop3A_1233 = vector.broadcast %parallel_loop3A_1232 : i32 to vector<16xi32>
        %parallel_loop3A_1234 = arith.cmpi eq, %parallel_loop3A_1163, %parallel_loop3A_1233 : vector<16xi32>
        %parallel_loop3A_1235 = arith.select %parallel_loop3A_1234, %get3A_648, %get3A_664 : vector<16xi1>, vector<16xf32>
        %parallel_loop3A_1236 = arith.constant 1 : i32
        %parallel_loop3A_1237 = vector.broadcast %parallel_loop3A_1236 : i32 to vector<16xi32>
        %parallel_loop3A_1238 = arith.cmpi eq, %parallel_loop3A_1163, %parallel_loop3A_1237 : vector<16xi32>
        %parallel_loop3A_1239 = arith.select %parallel_loop3A_1238, %get3A_632, %parallel_loop3A_1235 : vector<16xi1>, vector<16xf32>
        %parallel_loop3A_1240 = arith.constant 0 : i32
        %parallel_loop3A_1241 = vector.broadcast %parallel_loop3A_1240 : i32 to vector<16xi32>
        %parallel_loop3A_1242 = arith.cmpi eq, %parallel_loop3A_1163, %parallel_loop3A_1241 : vector<16xi32>
        %parallel_loop3A_1243 = arith.select %parallel_loop3A_1242, %get3A_616, %parallel_loop3A_1239 : vector<16xi1>, vector<16xf32>
        %parallel_loop3A_1244 = arith.constant 1 : i32
        %parallel_loop3A_1245 = arith.index_cast %parallel_loop3A_1244 : i32 to index
        %parallel_loop3A_1246 = arith.index_cast %parallel_loop3A_1159 : i32 to index
        %parallel_loop3A_1247 = arith.constant 64 : index
        %parallel_loop3A_1248 = tpu.vector_load %arg7[%parallel_loop3A_1245, %parallel_loop3A_1246, %parallel_loop3A_1247] {strides = array<i32>} : memref<2x32x1024xf32, #tpu.memory_space<vmem>>, vector<16xf32>,
        tpu.vector_store %arg7[%parallel_loop3A_1245, %parallel_loop3A_1246, %parallel_loop3A_1247], %parallel_loop3A_1243 {strides = array<i32>} : memref<2x32x1024xf32, #tpu.memory_space<vmem>>, vector<16xf32>,
        %parallel_loop3A_1249 = arith.constant 2 : i32
        %parallel_loop3A_1250 = vector.broadcast %parallel_loop3A_1249 : i32 to vector<16xi32>
        %parallel_loop3A_1251 = arith.cmpi eq, %parallel_loop3A_1163, %parallel_loop3A_1250 : vector<16xi32>
        %parallel_loop3A_1252 = arith.select %parallel_loop3A_1251, %get3A_650, %get3A_666 : vector<16xi1>, vector<16xf32>
        %parallel_loop3A_1253 = arith.constant 1 : i32
        %parallel_loop3A_1254 = vector.broadcast %parallel_loop3A_1253 : i32 to vector<16xi32>
        %parallel_loop3A_1255 = arith.cmpi eq, %parallel_loop3A_1163, %parallel_loop3A_1254 : vector<16xi32>
        %parallel_loop3A_1256 = arith.select %parallel_loop3A_1255, %get3A_634, %parallel_loop3A_1252 : vector<16xi1>, vector<16xf32>
        %parallel_loop3A_1257 = arith.constant 0 : i32
        %parallel_loop3A_1258 = vector.broadcast %parallel_loop3A_1257 : i32 to vector<16xi32>
        %parallel_loop3A_1259 = arith.cmpi eq, %parallel_loop3A_1163, %parallel_loop3A_1258 : vector<16xi32>
        %parallel_loop3A_1260 = arith.select %parallel_loop3A_1259, %get3A_618, %parallel_loop3A_1256 : vector<16xi1>, vector<16xf32>
        %parallel_loop3A_1261 = arith.constant 1 : i32
        %parallel_loop3A_1262 = arith.index_cast %parallel_loop3A_1261 : i32 to index
        %parallel_loop3A_1263 = arith.index_cast %parallel_loop3A_1159 : i32 to index
        %parallel_loop3A_1264 = arith.constant 80 : index
        %parallel_loop3A_1265 = tpu.vector_load %arg7[%parallel_loop3A_1262, %parallel_loop3A_1263, %parallel_loop3A_1264] {strides = array<i32>} : memref<2x32x1024xf32, #tpu.memory_space<vmem>>, vector<16xf32>,
        tpu.vector_store %arg7[%parallel_loop3A_1262, %parallel_loop3A_1263, %parallel_loop3A_1264], %parallel_loop3A_1260 {strides = array<i32>} : memref<2x32x1024xf32, #tpu.memory_space<vmem>>, vector<16xf32>,
        %parallel_loop3A_1266 = arith.constant 2 : i32
        %parallel_loop3A_1267 = vector.broadcast %parallel_loop3A_1266 : i32 to vector<16xi32>
        %parallel_loop3A_1268 = arith.cmpi eq, %parallel_loop3A_1163, %parallel_loop3A_1267 : vector<16xi32>
        %parallel_loop3A_1269 = arith.select %parallel_loop3A_1268, %get3A_652, %get3A_668 : vector<16xi1>, vector<16xf32>
        %parallel_loop3A_1270 = arith.constant 1 : i32
        %parallel_loop3A_1271 = vector.broadcast %parallel_loop3A_1270 : i32 to vector<16xi32>
        %parallel_loop3A_1272 = arith.cmpi eq, %parallel_loop3A_1163, %parallel_loop3A_1271 : vector<16xi32>
        %parallel_loop3A_1273 = arith.select %parallel_loop3A_1272, %get3A_636, %parallel_loop3A_1269 : vector<16xi1>, vector<16xf32>
        %parallel_loop3A_1274 = arith.constant 0 : i32
        %parallel_loop3A_1275 = vector.broadcast %parallel_loop3A_1274 : i32 to vector<16xi32>
        %parallel_loop3A_1276 = arith.cmpi eq, %parallel_loop3A_1163, %parallel_loop3A_1275 : vector<16xi32>
        %parallel_loop3A_1277 = arith.select %parallel_loop3A_1276, %get3A_620, %parallel_loop3A_1273 : vector<16xi1>, vector<16xf32>
        %parallel_loop3A_1278 = arith.constant 1 : i32
        %parallel_loop3A_1279 = arith.index_cast %parallel_loop3A_1278 : i32 to index
        %parallel_loop3A_1280 = arith.index_cast %parallel_loop3A_1159 : i32 to index
        %parallel_loop3A_1281 = arith.constant 96 : index
        %parallel_loop3A_1282 = tpu.vector_load %arg7[%parallel_loop3A_1279, %parallel_loop3A_1280, %parallel_loop3A_1281] {strides = array<i32>} : memref<2x32x1024xf32, #tpu.memory_space<vmem>>, vector<16xf32>,
        tpu.vector_store %arg7[%parallel_loop3A_1279, %parallel_loop3A_1280, %parallel_loop3A_1281], %parallel_loop3A_1277 {strides = array<i32>} : memref<2x32x1024xf32, #tpu.memory_space<vmem>>, vector<16xf32>,
        %parallel_loop3A_1283 = arith.constant 2 : i32
        %parallel_loop3A_1284 = vector.broadcast %parallel_loop3A_1283 : i32 to vector<16xi32>
        %parallel_loop3A_1285 = arith.cmpi eq, %parallel_loop3A_1163, %parallel_loop3A_1284 : vector<16xi32>
        %parallel_loop3A_1286 = arith.select %parallel_loop3A_1285, %get3A_654, %get3A_670 : vector<16xi1>, vector<16xf32>
        %parallel_loop3A_1287 = arith.constant 1 : i32
        %parallel_loop3A_1288 = vector.broadcast %parallel_loop3A_1287 : i32 to vector<16xi32>
        %parallel_loop3A_1289 = arith.cmpi eq, %parallel_loop3A_1163, %parallel_loop3A_1288 : vector<16xi32>
        %parallel_loop3A_1290 = arith.select %parallel_loop3A_1289, %get3A_638, %parallel_loop3A_1286 : vector<16xi1>, vector<16xf32>
        %parallel_loop3A_1291 = arith.constant 0 : i32
        %parallel_loop3A_1292 = vector.broadcast %parallel_loop3A_1291 : i32 to vector<16xi32>
        %parallel_loop3A_1293 = arith.cmpi eq, %parallel_loop3A_1163, %parallel_loop3A_1292 : vector<16xi32>
        %parallel_loop3A_1294 = arith.select %parallel_loop3A_1293, %get3A_622, %parallel_loop3A_1290 : vector<16xi1>, vector<16xf32>
        %parallel_loop3A_1295 = arith.constant 1 : i32
        %parallel_loop3A_1296 = arith.index_cast %parallel_loop3A_1295 : i32 to index
        %parallel_loop3A_1297 = arith.index_cast %parallel_loop3A_1159 : i32 to index
        %parallel_loop3A_1298 = arith.constant 112 : index
        %parallel_loop3A_1299 = tpu.vector_load %arg7[%parallel_loop3A_1296, %parallel_loop3A_1297, %parallel_loop3A_1298] {strides = array<i32>} : memref<2x32x1024xf32, #tpu.memory_space<vmem>>, vector<16xf32>,
        tpu.vector_store %arg7[%parallel_loop3A_1296, %parallel_loop3A_1297, %parallel_loop3A_1298], %parallel_loop3A_1294 {strides = array<i32>} : memref<2x32x1024xf32, #tpu.memory_space<vmem>>, vector<16xf32>,
      } {sc.loop_unroll_factor = 2 : i64, sc.parallel_access}
      %get3A_674 = arith.constant 128 : index
      %get3A_675 = tpu.vector_load %arg5[%get3A_674] {strides = array<i32>} : memref<4096xf32, #tpu.memory_space<vmem>>, vector<16xf32>,
      %get3A_676 = arith.constant 144 : index
      %get3A_677 = tpu.vector_load %arg5[%get3A_676] {strides = array<i32>} : memref<4096xf32, #tpu.memory_space<vmem>>, vector<16xf32>,
      %get3A_678 = arith.constant 160 : index
      %get3A_679 = tpu.vector_load %arg5[%get3A_678] {strides = array<i32>} : memref<4096xf32, #tpu.memory_space<vmem>>, vector<16xf32>,
      %get3A_680 = arith.constant 176 : index
      %get3A_681 = tpu.vector_load %arg5[%get3A_680] {strides = array<i32>} : memref<4096xf32, #tpu.memory_space<vmem>>, vector<16xf32>,
      %get3A_682 = arith.constant 192 : index
      %get3A_683 = tpu.vector_load %arg5[%get3A_682] {strides = array<i32>} : memref<4096xf32, #tpu.memory_space<vmem>>, vector<16xf32>,
      %get3A_684 = arith.constant 208 : index
      %get3A_685 = tpu.vector_load %arg5[%get3A_684] {strides = array<i32>} : memref<4096xf32, #tpu.memory_space<vmem>>, vector<16xf32>,
      %get3A_686 = arith.constant 224 : index
      %get3A_687 = tpu.vector_load %arg5[%get3A_686] {strides = array<i32>} : memref<4096xf32, #tpu.memory_space<vmem>>, vector<16xf32>,
      %get3A_688 = arith.constant 240 : index
      %get3A_689 = tpu.vector_load %arg5[%get3A_688] {strides = array<i32>} : memref<4096xf32, #tpu.memory_space<vmem>>, vector<16xf32>,
      %get3A_690 = arith.constant 1152 : index
      %get3A_691 = tpu.vector_load %arg5[%get3A_690] {strides = array<i32>} : memref<4096xf32, #tpu.memory_space<vmem>>, vector<16xf32>,
      %get3A_692 = arith.constant 1168 : index
      %get3A_693 = tpu.vector_load %arg5[%get3A_692] {strides = array<i32>} : memref<4096xf32, #tpu.memory_space<vmem>>, vector<16xf32>,
      %get3A_694 = arith.constant 1184 : index
      %get3A_695 = tpu.vector_load %arg5[%get3A_694] {strides = array<i32>} : memref<4096xf32, #tpu.memory_space<vmem>>, vector<16xf32>,
      %get3A_696 = arith.constant 1200 : index
      %get3A_697 = tpu.vector_load %arg5[%get3A_696] {strides = array<i32>} : memref<4096xf32, #tpu.memory_space<vmem>>, vector<16xf32>,
      %get3A_698 = arith.constant 1216 : index
      %get3A_699 = tpu.vector_load %arg5[%get3A_698] {strides = array<i32>} : memref<4096xf32, #tpu.memory_space<vmem>>, vector<16xf32>,
      %get3A_700 = arith.constant 1232 : index
      %get3A_701 = tpu.vector_load %arg5[%get3A_700] {strides = array<i32>} : memref<4096xf32, #tpu.memory_space<vmem>>, vector<16xf32>,
      %get3A_702 = arith.constant 1248 : index
      %get3A_703 = tpu.vector_load %arg5[%get3A_702] {strides = array<i32>} : memref<4096xf32, #tpu.memory_space<vmem>>, vector<16xf32>,
      %get3A_704 = arith.constant 1264 : index
      %get3A_705 = tpu.vector_load %arg5[%get3A_704] {strides = array<i32>} : memref<4096xf32, #tpu.memory_space<vmem>>, vector<16xf32>,
      %get3A_706 = arith.constant 2176 : index
      %get3A_707 = tpu.vector_load %arg5[%get3A_706] {strides = array<i32>} : memref<4096xf32, #tpu.memory_space<vmem>>, vector<16xf32>,
      %get3A_708 = arith.constant 2192 : index
      %get3A_709 = tpu.vector_load %arg5[%get3A_708] {strides = array<i32>} : memref<4096xf32, #tpu.memory_space<vmem>>, vector<16xf32>,
      %get3A_710 = arith.constant 2208 : index
      %get3A_711 = tpu.vector_load %arg5[%get3A_710] {strides = array<i32>} : memref<4096xf32, #tpu.memory_space<vmem>>, vector<16xf32>,
      %get3A_712 = arith.constant 2224 : index
      %get3A_713 = tpu.vector_load %arg5[%get3A_712] {strides = array<i32>} : memref<4096xf32, #tpu.memory_space<vmem>>, vector<16xf32>,
      %get3A_714 = arith.constant 2240 : index
      %get3A_715 = tpu.vector_load %arg5[%get3A_714] {strides = array<i32>} : memref<4096xf32, #tpu.memory_space<vmem>>, vector<16xf32>,
      %get3A_716 = arith.constant 2256 : index
      %get3A_717 = tpu.vector_load %arg5[%get3A_716] {strides = array<i32>} : memref<4096xf32, #tpu.memory_space<vmem>>, vector<16xf32>,
      %get3A_718 = arith.constant 2272 : index
      %get3A_719 = tpu.vector_load %arg5[%get3A_718] {strides = array<i32>} : memref<4096xf32, #tpu.memory_space<vmem>>, vector<16xf32>,
      %get3A_720 = arith.constant 2288 : index
      %get3A_721 = tpu.vector_load %arg5[%get3A_720] {strides = array<i32>} : memref<4096xf32, #tpu.memory_space<vmem>>, vector<16xf32>,
      %get3A_722 = arith.constant 3200 : index
      %get3A_723 = tpu.vector_load %arg5[%get3A_722] {strides = array<i32>} : memref<4096xf32, #tpu.memory_space<vmem>>, vector<16xf32>,
      %get3A_724 = arith.constant 3216 : index
      %get3A_725 = tpu.vector_load %arg5[%get3A_724] {strides = array<i32>} : memref<4096xf32, #tpu.memory_space<vmem>>, vector<16xf32>,
      %get3A_726 = arith.constant 3232 : index
      %get3A_727 = tpu.vector_load %arg5[%get3A_726] {strides = array<i32>} : memref<4096xf32, #tpu.memory_space<vmem>>, vector<16xf32>,
      %get3A_728 = arith.constant 3248 : index
      %get3A_729 = tpu.vector_load %arg5[%get3A_728] {strides = array<i32>} : memref<4096xf32, #tpu.memory_space<vmem>>, vector<16xf32>,
      %get3A_730 = arith.constant 3264 : index
      %get3A_731 = tpu.vector_load %arg5[%get3A_730] {strides = array<i32>} : memref<4096xf32, #tpu.memory_space<vmem>>, vector<16xf32>,
      %get3A_732 = arith.constant 3280 : index
      %get3A_733 = tpu.vector_load %arg5[%get3A_732] {strides = array<i32>} : memref<4096xf32, #tpu.memory_space<vmem>>, vector<16xf32>,
      %get3A_734 = arith.constant 3296 : index
      %get3A_735 = tpu.vector_load %arg5[%get3A_734] {strides = array<i32>} : memref<4096xf32, #tpu.memory_space<vmem>>, vector<16xf32>,
      %get3A_736 = arith.constant 3312 : index
      %get3A_737 = tpu.vector_load %arg5[%get3A_736] {strides = array<i32>} : memref<4096xf32, #tpu.memory_space<vmem>>, vector<16xf32>,
      %parallel_loop3A_738 = arith.constant 0 : i32
      %parallel_loop3A_739 = arith.constant 32 : i32
      %parallel_loop3A_740 = arith.constant 1 : i32
      scf.for %parallel_loop3A_1159 = %parallel_loop3A_738 to %parallel_loop3A_739 step %parallel_loop3A_740  : i32 {
        %parallel_loop3A_1160 = arith.constant 16 : i32
        %parallel_loop3A_1161 = arith.muli %parallel_loop3A_1159, %parallel_loop3A_1160 : i32
        %parallel_loop3A_1162 = arith.index_cast %parallel_loop3A_1161 : i32 to index
        %parallel_loop3A_1163 = tpu.vector_load %arg8[%parallel_loop3A_1162] {strides = array<i32>} : memref<512xi32, #tpu.memory_space<vmem>>, vector<16xi32>,
        %parallel_loop3A_1164 = arith.constant 2 : i32
        %parallel_loop3A_1165 = vector.broadcast %parallel_loop3A_1164 : i32 to vector<16xi32>
        %parallel_loop3A_1166 = arith.cmpi eq, %parallel_loop3A_1163, %parallel_loop3A_1165 : vector<16xi32>
        %parallel_loop3A_1167 = arith.select %parallel_loop3A_1166, %get3A_707, %get3A_723 : vector<16xi1>, vector<16xf32>
        %parallel_loop3A_1168 = arith.constant 1 : i32
        %parallel_loop3A_1169 = vector.broadcast %parallel_loop3A_1168 : i32 to vector<16xi32>
        %parallel_loop3A_1170 = arith.cmpi eq, %parallel_loop3A_1163, %parallel_loop3A_1169 : vector<16xi32>
        %parallel_loop3A_1171 = arith.select %parallel_loop3A_1170, %get3A_691, %parallel_loop3A_1167 : vector<16xi1>, vector<16xf32>
        %parallel_loop3A_1172 = arith.constant 0 : i32
        %parallel_loop3A_1173 = vector.broadcast %parallel_loop3A_1172 : i32 to vector<16xi32>
        %parallel_loop3A_1174 = arith.cmpi eq, %parallel_loop3A_1163, %parallel_loop3A_1173 : vector<16xi32>
        %parallel_loop3A_1175 = arith.select %parallel_loop3A_1174, %get3A_675, %parallel_loop3A_1171 : vector<16xi1>, vector<16xf32>
        %parallel_loop3A_1176 = arith.constant 1 : i32
        %parallel_loop3A_1177 = arith.index_cast %parallel_loop3A_1176 : i32 to index
        %parallel_loop3A_1178 = arith.index_cast %parallel_loop3A_1159 : i32 to index
        %parallel_loop3A_1179 = arith.constant 128 : index
        %parallel_loop3A_1180 = tpu.vector_load %arg7[%parallel_loop3A_1177, %parallel_loop3A_1178, %parallel_loop3A_1179] {strides = array<i32>} : memref<2x32x1024xf32, #tpu.memory_space<vmem>>, vector<16xf32>,
        tpu.vector_store %arg7[%parallel_loop3A_1177, %parallel_loop3A_1178, %parallel_loop3A_1179], %parallel_loop3A_1175 {strides = array<i32>} : memref<2x32x1024xf32, #tpu.memory_space<vmem>>, vector<16xf32>,
        %parallel_loop3A_1181 = arith.constant 2 : i32
        %parallel_loop3A_1182 = vector.broadcast %parallel_loop3A_1181 : i32 to vector<16xi32>
        %parallel_loop3A_1183 = arith.cmpi eq, %parallel_loop3A_1163, %parallel_loop3A_1182 : vector<16xi32>
        %parallel_loop3A_1184 = arith.select %parallel_loop3A_1183, %get3A_709, %get3A_725 : vector<16xi1>, vector<16xf32>
        %parallel_loop3A_1185 = arith.constant 1 : i32
        %parallel_loop3A_1186 = vector.broadcast %parallel_loop3A_1185 : i32 to vector<16xi32>
        %parallel_loop3A_1187 = arith.cmpi eq, %parallel_loop3A_1163, %parallel_loop3A_1186 : vector<16xi32>
        %parallel_loop3A_1188 = arith.select %parallel_loop3A_1187, %get3A_693, %parallel_loop3A_1184 : vector<16xi1>, vector<16xf32>
        %parallel_loop3A_1189 = arith.constant 0 : i32
        %parallel_loop3A_1190 = vector.broadcast %parallel_loop3A_1189 : i32 to vector<16xi32>
        %parallel_loop3A_1191 = arith.cmpi eq, %parallel_loop3A_1163, %parallel_loop3A_1190 : vector<16xi32>
        %parallel_loop3A_1192 = arith.select %parallel_loop3A_1191, %get3A_677, %parallel_loop3A_1188 : vector<16xi1>, vector<16xf32>
        %parallel_loop3A_1193 = arith.constant 1 : i32
        %parallel_loop3A_1194 = arith.index_cast %parallel_loop3A_1193 : i32 to index
        %parallel_loop3A_1195 = arith.index_cast %parallel_loop3A_1159 : i32 to index
        %parallel_loop3A_1196 = arith.constant 144 : index
        %parallel_loop3A_1197 = tpu.vector_load %arg7[%parallel_loop3A_1194, %parallel_loop3A_1195, %parallel_loop3A_1196] {strides = array<i32>} : memref<2x32x1024xf32, #tpu.memory_space<vmem>>, vector<16xf32>,
        tpu.vector_store %arg7[%parallel_loop3A_1194, %parallel_loop3A_1195, %parallel_loop3A_1196], %parallel_loop3A_1192 {strides = array<i32>} : memref<2x32x1024xf32, #tpu.memory_space<vmem>>, vector<16xf32>,
        %parallel_loop3A_1198 = arith.constant 2 : i32
        %parallel_loop3A_1199 = vector.broadcast %parallel_loop3A_1198 : i32 to vector<16xi32>
        %parallel_loop3A_1200 = arith.cmpi eq, %parallel_loop3A_1163, %parallel_loop3A_1199 : vector<16xi32>
        %parallel_loop3A_1201 = arith.select %parallel_loop3A_1200, %get3A_711, %get3A_727 : vector<16xi1>, vector<16xf32>
        %parallel_loop3A_1202 = arith.constant 1 : i32
        %parallel_loop3A_1203 = vector.broadcast %parallel_loop3A_1202 : i32 to vector<16xi32>
        %parallel_loop3A_1204 = arith.cmpi eq, %parallel_loop3A_1163, %parallel_loop3A_1203 : vector<16xi32>
        %parallel_loop3A_1205 = arith.select %parallel_loop3A_1204, %get3A_695, %parallel_loop3A_1201 : vector<16xi1>, vector<16xf32>
        %parallel_loop3A_1206 = arith.constant 0 : i32
        %parallel_loop3A_1207 = vector.broadcast %parallel_loop3A_1206 : i32 to vector<16xi32>
        %parallel_loop3A_1208 = arith.cmpi eq, %parallel_loop3A_1163, %parallel_loop3A_1207 : vector<16xi32>
        %parallel_loop3A_1209 = arith.select %parallel_loop3A_1208, %get3A_679, %parallel_loop3A_1205 : vector<16xi1>, vector<16xf32>
        %parallel_loop3A_1210 = arith.constant 1 : i32
        %parallel_loop3A_1211 = arith.index_cast %parallel_loop3A_1210 : i32 to index
        %parallel_loop3A_1212 = arith.index_cast %parallel_loop3A_1159 : i32 to index
        %parallel_loop3A_1213 = arith.constant 160 : index
        %parallel_loop3A_1214 = tpu.vector_load %arg7[%parallel_loop3A_1211, %parallel_loop3A_1212, %parallel_loop3A_1213] {strides = array<i32>} : memref<2x32x1024xf32, #tpu.memory_space<vmem>>, vector<16xf32>,
        tpu.vector_store %arg7[%parallel_loop3A_1211, %parallel_loop3A_1212, %parallel_loop3A_1213], %parallel_loop3A_1209 {strides = array<i32>} : memref<2x32x1024xf32, #tpu.memory_space<vmem>>, vector<16xf32>,
        %parallel_loop3A_1215 = arith.constant 2 : i32
        %parallel_loop3A_1216 = vector.broadcast %parallel_loop3A_1215 : i32 to vector<16xi32>
        %parallel_loop3A_1217 = arith.cmpi eq, %parallel_loop3A_1163, %parallel_loop3A_1216 : vector<16xi32>
        %parallel_loop3A_1218 = arith.select %parallel_loop3A_1217, %get3A_713, %get3A_729 : vector<16xi1>, vector<16xf32>
        %parallel_loop3A_1219 = arith.constant 1 : i32
        %parallel_loop3A_1220 = vector.broadcast %parallel_loop3A_1219 : i32 to vector<16xi32>
        %parallel_loop3A_1221 = arith.cmpi eq, %parallel_loop3A_1163, %parallel_loop3A_1220 : vector<16xi32>
        %parallel_loop3A_1222 = arith.select %parallel_loop3A_1221, %get3A_697, %parallel_loop3A_1218 : vector<16xi1>, vector<16xf32>
        %parallel_loop3A_1223 = arith.constant 0 : i32
        %parallel_loop3A_1224 = vector.broadcast %parallel_loop3A_1223 : i32 to vector<16xi32>
        %parallel_loop3A_1225 = arith.cmpi eq, %parallel_loop3A_1163, %parallel_loop3A_1224 : vector<16xi32>
        %parallel_loop3A_1226 = arith.select %parallel_loop3A_1225, %get3A_681, %parallel_loop3A_1222 : vector<16xi1>, vector<16xf32>
        %parallel_loop3A_1227 = arith.constant 1 : i32
        %parallel_loop3A_1228 = arith.index_cast %parallel_loop3A_1227 : i32 to index
        %parallel_loop3A_1229 = arith.index_cast %parallel_loop3A_1159 : i32 to index
        %parallel_loop3A_1230 = arith.constant 176 : index
        %parallel_loop3A_1231 = tpu.vector_load %arg7[%parallel_loop3A_1228, %parallel_loop3A_1229, %parallel_loop3A_1230] {strides = array<i32>} : memref<2x32x1024xf32, #tpu.memory_space<vmem>>, vector<16xf32>,
        tpu.vector_store %arg7[%parallel_loop3A_1228, %parallel_loop3A_1229, %parallel_loop3A_1230], %parallel_loop3A_1226 {strides = array<i32>} : memref<2x32x1024xf32, #tpu.memory_space<vmem>>, vector<16xf32>,
        %parallel_loop3A_1232 = arith.constant 2 : i32
        %parallel_loop3A_1233 = vector.broadcast %parallel_loop3A_1232 : i32 to vector<16xi32>
        %parallel_loop3A_1234 = arith.cmpi eq, %parallel_loop3A_1163, %parallel_loop3A_1233 : vector<16xi32>
        %parallel_loop3A_1235 = arith.select %parallel_loop3A_1234, %get3A_715, %get3A_731 : vector<16xi1>, vector<16xf32>
        %parallel_loop3A_1236 = arith.constant 1 : i32
        %parallel_loop3A_1237 = vector.broadcast %parallel_loop3A_1236 : i32 to vector<16xi32>
        %parallel_loop3A_1238 = arith.cmpi eq, %parallel_loop3A_1163, %parallel_loop3A_1237 : vector<16xi32>
        %parallel_loop3A_1239 = arith.select %parallel_loop3A_1238, %get3A_699, %parallel_loop3A_1235 : vector<16xi1>, vector<16xf32>
        %parallel_loop3A_1240 = arith.constant 0 : i32
        %parallel_loop3A_1241 = vector.broadcast %parallel_loop3A_1240 : i32 to vector<16xi32>
        %parallel_loop3A_1242 = arith.cmpi eq, %parallel_loop3A_1163, %parallel_loop3A_1241 : vector<16xi32>
        %parallel_loop3A_1243 = arith.select %parallel_loop3A_1242, %get3A_683, %parallel_loop3A_1239 : vector<16xi1>, vector<16xf32>
        %parallel_loop3A_1244 = arith.constant 1 : i32
        %parallel_loop3A_1245 = arith.index_cast %parallel_loop3A_1244 : i32 to index
        %parallel_loop3A_1246 = arith.index_cast %parallel_loop3A_1159 : i32 to index
        %parallel_loop3A_1247 = arith.constant 192 : index
        %parallel_loop3A_1248 = tpu.vector_load %arg7[%parallel_loop3A_1245, %parallel_loop3A_1246, %parallel_loop3A_1247] {strides = array<i32>} : memref<2x32x1024xf32, #tpu.memory_space<vmem>>, vector<16xf32>,
        tpu.vector_store %arg7[%parallel_loop3A_1245, %parallel_loop3A_1246, %parallel_loop3A_1247], %parallel_loop3A_1243 {strides = array<i32>} : memref<2x32x1024xf32, #tpu.memory_space<vmem>>, vector<16xf32>,
        %parallel_loop3A_1249 = arith.constant 2 : i32
        %parallel_loop3A_1250 = vector.broadcast %parallel_loop3A_1249 : i32 to vector<16xi32>
        %parallel_loop3A_1251 = arith.cmpi eq, %parallel_loop3A_1163, %parallel_loop3A_1250 : vector<16xi32>
        %parallel_loop3A_1252 = arith.select %parallel_loop3A_1251, %get3A_717, %get3A_733 : vector<16xi1>, vector<16xf32>
        %parallel_loop3A_1253 = arith.constant 1 : i32
        %parallel_loop3A_1254 = vector.broadcast %parallel_loop3A_1253 : i32 to vector<16xi32>
        %parallel_loop3A_1255 = arith.cmpi eq, %parallel_loop3A_1163, %parallel_loop3A_1254 : vector<16xi32>
        %parallel_loop3A_1256 = arith.select %parallel_loop3A_1255, %get3A_701, %parallel_loop3A_1252 : vector<16xi1>, vector<16xf32>
        %parallel_loop3A_1257 = arith.constant 0 : i32
        %parallel_loop3A_1258 = vector.broadcast %parallel_loop3A_1257 : i32 to vector<16xi32>
        %parallel_loop3A_1259 = arith.cmpi eq, %parallel_loop3A_1163, %parallel_loop3A_1258 : vector<16xi32>
        %parallel_loop3A_1260 = arith.select %parallel_loop3A_1259, %get3A_685, %parallel_loop3A_1256 : vector<16xi1>, vector<16xf32>
        %parallel_loop3A_1261 = arith.constant 1 : i32
        %parallel_loop3A_1262 = arith.index_cast %parallel_loop3A_1261 : i32 to index
        %parallel_loop3A_1263 = arith.index_cast %parallel_loop3A_1159 : i32 to index
        %parallel_loop3A_1264 = arith.constant 208 : index
        %parallel_loop3A_1265 = tpu.vector_load %arg7[%parallel_loop3A_1262, %parallel_loop3A_1263, %parallel_loop3A_1264] {strides = array<i32>} : memref<2x32x1024xf32, #tpu.memory_space<vmem>>, vector<16xf32>,
        tpu.vector_store %arg7[%parallel_loop3A_1262, %parallel_loop3A_1263, %parallel_loop3A_1264], %parallel_loop3A_1260 {strides = array<i32>} : memref<2x32x1024xf32, #tpu.memory_space<vmem>>, vector<16xf32>,
        %parallel_loop3A_1266 = arith.constant 2 : i32
        %parallel_loop3A_1267 = vector.broadcast %parallel_loop3A_1266 : i32 to vector<16xi32>
        %parallel_loop3A_1268 = arith.cmpi eq, %parallel_loop3A_1163, %parallel_loop3A_1267 : vector<16xi32>
        %parallel_loop3A_1269 = arith.select %parallel_loop3A_1268, %get3A_719, %get3A_735 : vector<16xi1>, vector<16xf32>
        %parallel_loop3A_1270 = arith.constant 1 : i32
        %parallel_loop3A_1271 = vector.broadcast %parallel_loop3A_1270 : i32 to vector<16xi32>
        %parallel_loop3A_1272 = arith.cmpi eq, %parallel_loop3A_1163, %parallel_loop3A_1271 : vector<16xi32>
        %parallel_loop3A_1273 = arith.select %parallel_loop3A_1272, %get3A_703, %parallel_loop3A_1269 : vector<16xi1>, vector<16xf32>
        %parallel_loop3A_1274 = arith.constant 0 : i32
        %parallel_loop3A_1275 = vector.broadcast %parallel_loop3A_1274 : i32 to vector<16xi32>
        %parallel_loop3A_1276 = arith.cmpi eq, %parallel_loop3A_1163, %parallel_loop3A_1275 : vector<16xi32>
        %parallel_loop3A_1277 = arith.select %parallel_loop3A_1276, %get3A_687, %parallel_loop3A_1273 : vector<16xi1>, vector<16xf32>
        %parallel_loop3A_1278 = arith.constant 1 : i32
        %parallel_loop3A_1279 = arith.index_cast %parallel_loop3A_1278 : i32 to index
        %parallel_loop3A_1280 = arith.index_cast %parallel_loop3A_1159 : i32 to index
        %parallel_loop3A_1281 = arith.constant 224 : index
        %parallel_loop3A_1282 = tpu.vector_load %arg7[%parallel_loop3A_1279, %parallel_loop3A_1280, %parallel_loop3A_1281] {strides = array<i32>} : memref<2x32x1024xf32, #tpu.memory_space<vmem>>, vector<16xf32>,
        tpu.vector_store %arg7[%parallel_loop3A_1279, %parallel_loop3A_1280, %parallel_loop3A_1281], %parallel_loop3A_1277 {strides = array<i32>} : memref<2x32x1024xf32, #tpu.memory_space<vmem>>, vector<16xf32>,
        %parallel_loop3A_1283 = arith.constant 2 : i32
        %parallel_loop3A_1284 = vector.broadcast %parallel_loop3A_1283 : i32 to vector<16xi32>
        %parallel_loop3A_1285 = arith.cmpi eq, %parallel_loop3A_1163, %parallel_loop3A_1284 : vector<16xi32>
        %parallel_loop3A_1286 = arith.select %parallel_loop3A_1285, %get3A_721, %get3A_737 : vector<16xi1>, vector<16xf32>
        %parallel_loop3A_1287 = arith.constant 1 : i32
        %parallel_loop3A_1288 = vector.broadcast %parallel_loop3A_1287 : i32 to vector<16xi32>
        %parallel_loop3A_1289 = arith.cmpi eq, %parallel_loop3A_1163, %parallel_loop3A_1288 : vector<16xi32>
        %parallel_loop3A_1290 = arith.select %parallel_loop3A_1289, %get3A_705, %parallel_loop3A_1286 : vector<16xi1>, vector<16xf32>
        %parallel_loop3A_1291 = arith.constant 0 : i32
        %parallel_loop3A_1292 = vector.broadcast %parallel_loop3A_1291 : i32 to vector<16xi32>
        %parallel_loop3A_1293 = arith.cmpi eq, %parallel_loop3A_1163, %parallel_loop3A_1292 : vector<16xi32>
        %parallel_loop3A_1294 = arith.select %parallel_loop3A_1293, %get3A_689, %parallel_loop3A_1290 : vector<16xi1>, vector<16xf32>
        %parallel_loop3A_1295 = arith.constant 1 : i32
        %parallel_loop3A_1296 = arith.index_cast %parallel_loop3A_1295 : i32 to index
        %parallel_loop3A_1297 = arith.index_cast %parallel_loop3A_1159 : i32 to index
        %parallel_loop3A_1298 = arith.constant 240 : index
        %parallel_loop3A_1299 = tpu.vector_load %arg7[%parallel_loop3A_1296, %parallel_loop3A_1297, %parallel_loop3A_1298] {strides = array<i32>} : memref<2x32x1024xf32, #tpu.memory_space<vmem>>, vector<16xf32>,
        tpu.vector_store %arg7[%parallel_loop3A_1296, %parallel_loop3A_1297, %parallel_loop3A_1298], %parallel_loop3A_1294 {strides = array<i32>} : memref<2x32x1024xf32, #tpu.memory_space<vmem>>, vector<16xf32>,
      } {sc.loop_unroll_factor = 2 : i64, sc.parallel_access}
      %get3A_741 = arith.constant 256 : index
      %get3A_742 = tpu.vector_load %arg5[%get3A_741] {strides = array<i32>} : memref<4096xf32, #tpu.memory_space<vmem>>, vector<16xf32>,
      %get3A_743 = arith.constant 272 : index
      %get3A_744 = tpu.vector_load %arg5[%get3A_743] {strides = array<i32>} : memref<4096xf32, #tpu.memory_space<vmem>>, vector<16xf32>,
      %get3A_745 = arith.constant 288 : index
      %get3A_746 = tpu.vector_load %arg5[%get3A_745] {strides = array<i32>} : memref<4096xf32, #tpu.memory_space<vmem>>, vector<16xf32>,
      %get3A_747 = arith.constant 304 : index
      %get3A_748 = tpu.vector_load %arg5[%get3A_747] {strides = array<i32>} : memref<4096xf32, #tpu.memory_space<vmem>>, vector<16xf32>,
      %get3A_749 = arith.constant 320 : index
      %get3A_750 = tpu.vector_load %arg5[%get3A_749] {strides = array<i32>} : memref<4096xf32, #tpu.memory_space<vmem>>, vector<16xf32>,
      %get3A_751 = arith.constant 336 : index
      %get3A_752 = tpu.vector_load %arg5[%get3A_751] {strides = array<i32>} : memref<4096xf32, #tpu.memory_space<vmem>>, vector<16xf32>,
      %get3A_753 = arith.constant 352 : index
      %get3A_754 = tpu.vector_load %arg5[%get3A_753] {strides = array<i32>} : memref<4096xf32, #tpu.memory_space<vmem>>, vector<16xf32>,
      %get3A_755 = arith.constant 368 : index
      %get3A_756 = tpu.vector_load %arg5[%get3A_755] {strides = array<i32>} : memref<4096xf32, #tpu.memory_space<vmem>>, vector<16xf32>,
      %get3A_757 = arith.constant 1280 : index
      %get3A_758 = tpu.vector_load %arg5[%get3A_757] {strides = array<i32>} : memref<4096xf32, #tpu.memory_space<vmem>>, vector<16xf32>,
      %get3A_759 = arith.constant 1296 : index
      %get3A_760 = tpu.vector_load %arg5[%get3A_759] {strides = array<i32>} : memref<4096xf32, #tpu.memory_space<vmem>>, vector<16xf32>,
      %get3A_761 = arith.constant 1312 : index
      %get3A_762 = tpu.vector_load %arg5[%get3A_761] {strides = array<i32>} : memref<4096xf32, #tpu.memory_space<vmem>>, vector<16xf32>,
      %get3A_763 = arith.constant 1328 : index
      %get3A_764 = tpu.vector_load %arg5[%get3A_763] {strides = array<i32>} : memref<4096xf32, #tpu.memory_space<vmem>>, vector<16xf32>,
      %get3A_765 = arith.constant 1344 : index
      %get3A_766 = tpu.vector_load %arg5[%get3A_765] {strides = array<i32>} : memref<4096xf32, #tpu.memory_space<vmem>>, vector<16xf32>,
      %get3A_767 = arith.constant 1360 : index
      %get3A_768 = tpu.vector_load %arg5[%get3A_767] {strides = array<i32>} : memref<4096xf32, #tpu.memory_space<vmem>>, vector<16xf32>,
      %get3A_769 = arith.constant 1376 : index
      %get3A_770 = tpu.vector_load %arg5[%get3A_769] {strides = array<i32>} : memref<4096xf32, #tpu.memory_space<vmem>>, vector<16xf32>,
      %get3A_771 = arith.constant 1392 : index
      %get3A_772 = tpu.vector_load %arg5[%get3A_771] {strides = array<i32>} : memref<4096xf32, #tpu.memory_space<vmem>>, vector<16xf32>,
      %get3A_773 = arith.constant 2304 : index
      %get3A_774 = tpu.vector_load %arg5[%get3A_773] {strides = array<i32>} : memref<4096xf32, #tpu.memory_space<vmem>>, vector<16xf32>,
      %get3A_775 = arith.constant 2320 : index
      %get3A_776 = tpu.vector_load %arg5[%get3A_775] {strides = array<i32>} : memref<4096xf32, #tpu.memory_space<vmem>>, vector<16xf32>,
      %get3A_777 = arith.constant 2336 : index
      %get3A_778 = tpu.vector_load %arg5[%get3A_777] {strides = array<i32>} : memref<4096xf32, #tpu.memory_space<vmem>>, vector<16xf32>,
      %get3A_779 = arith.constant 2352 : index
      %get3A_780 = tpu.vector_load %arg5[%get3A_779] {strides = array<i32>} : memref<4096xf32, #tpu.memory_space<vmem>>, vector<16xf32>,
      %get3A_781 = arith.constant 2368 : index
      %get3A_782 = tpu.vector_load %arg5[%get3A_781] {strides = array<i32>} : memref<4096xf32, #tpu.memory_space<vmem>>, vector<16xf32>,
      %get3A_783 = arith.constant 2384 : index
      %get3A_784 = tpu.vector_load %arg5[%get3A_783] {strides = array<i32>} : memref<4096xf32, #tpu.memory_space<vmem>>, vector<16xf32>,
      %get3A_785 = arith.constant 2400 : index
      %get3A_786 = tpu.vector_load %arg5[%get3A_785] {strides = array<i32>} : memref<4096xf32, #tpu.memory_space<vmem>>, vector<16xf32>,
      %get3A_787 = arith.constant 2416 : index
      %get3A_788 = tpu.vector_load %arg5[%get3A_787] {strides = array<i32>} : memref<4096xf32, #tpu.memory_space<vmem>>, vector<16xf32>,
      %get3A_789 = arith.constant 3328 : index
      %get3A_790 = tpu.vector_load %arg5[%get3A_789] {strides = array<i32>} : memref<4096xf32, #tpu.memory_space<vmem>>, vector<16xf32>,
      %get3A_791 = arith.constant 3344 : index
      %get3A_792 = tpu.vector_load %arg5[%get3A_791] {strides = array<i32>} : memref<4096xf32, #tpu.memory_space<vmem>>, vector<16xf32>,
      %get3A_793 = arith.constant 3360 : index
      %get3A_794 = tpu.vector_load %arg5[%get3A_793] {strides = array<i32>} : memref<4096xf32, #tpu.memory_space<vmem>>, vector<16xf32>,
      %get3A_795 = arith.constant 3376 : index
      %get3A_796 = tpu.vector_load %arg5[%get3A_795] {strides = array<i32>} : memref<4096xf32, #tpu.memory_space<vmem>>, vector<16xf32>,
      %get3A_797 = arith.constant 3392 : index
      %get3A_798 = tpu.vector_load %arg5[%get3A_797] {strides = array<i32>} : memref<4096xf32, #tpu.memory_space<vmem>>, vector<16xf32>,
      %get3A_799 = arith.constant 3408 : index
      %get3A_800 = tpu.vector_load %arg5[%get3A_799] {strides = array<i32>} : memref<4096xf32, #tpu.memory_space<vmem>>, vector<16xf32>,
      %get3A_801 = arith.constant 3424 : index
      %get3A_802 = tpu.vector_load %arg5[%get3A_801] {strides = array<i32>} : memref<4096xf32, #tpu.memory_space<vmem>>, vector<16xf32>,
      %get3A_803 = arith.constant 3440 : index
      %get3A_804 = tpu.vector_load %arg5[%get3A_803] {strides = array<i32>} : memref<4096xf32, #tpu.memory_space<vmem>>, vector<16xf32>,
      %parallel_loop3A_805 = arith.constant 0 : i32
      %parallel_loop3A_806 = arith.constant 32 : i32
      %parallel_loop3A_807 = arith.constant 1 : i32
      scf.for %parallel_loop3A_1159 = %parallel_loop3A_805 to %parallel_loop3A_806 step %parallel_loop3A_807  : i32 {
        %parallel_loop3A_1160 = arith.constant 16 : i32
        %parallel_loop3A_1161 = arith.muli %parallel_loop3A_1159, %parallel_loop3A_1160 : i32
        %parallel_loop3A_1162 = arith.index_cast %parallel_loop3A_1161 : i32 to index
        %parallel_loop3A_1163 = tpu.vector_load %arg8[%parallel_loop3A_1162] {strides = array<i32>} : memref<512xi32, #tpu.memory_space<vmem>>, vector<16xi32>,
        %parallel_loop3A_1164 = arith.constant 2 : i32
        %parallel_loop3A_1165 = vector.broadcast %parallel_loop3A_1164 : i32 to vector<16xi32>
        %parallel_loop3A_1166 = arith.cmpi eq, %parallel_loop3A_1163, %parallel_loop3A_1165 : vector<16xi32>
        %parallel_loop3A_1167 = arith.select %parallel_loop3A_1166, %get3A_774, %get3A_790 : vector<16xi1>, vector<16xf32>
        %parallel_loop3A_1168 = arith.constant 1 : i32
        %parallel_loop3A_1169 = vector.broadcast %parallel_loop3A_1168 : i32 to vector<16xi32>
        %parallel_loop3A_1170 = arith.cmpi eq, %parallel_loop3A_1163, %parallel_loop3A_1169 : vector<16xi32>
        %parallel_loop3A_1171 = arith.select %parallel_loop3A_1170, %get3A_758, %parallel_loop3A_1167 : vector<16xi1>, vector<16xf32>
        %parallel_loop3A_1172 = arith.constant 0 : i32
        %parallel_loop3A_1173 = vector.broadcast %parallel_loop3A_1172 : i32 to vector<16xi32>
        %parallel_loop3A_1174 = arith.cmpi eq, %parallel_loop3A_1163, %parallel_loop3A_1173 : vector<16xi32>
        %parallel_loop3A_1175 = arith.select %parallel_loop3A_1174, %get3A_742, %parallel_loop3A_1171 : vector<16xi1>, vector<16xf32>
        %parallel_loop3A_1176 = arith.constant 1 : i32
        %parallel_loop3A_1177 = arith.index_cast %parallel_loop3A_1176 : i32 to index
        %parallel_loop3A_1178 = arith.index_cast %parallel_loop3A_1159 : i32 to index
        %parallel_loop3A_1179 = arith.constant 256 : index
        %parallel_loop3A_1180 = tpu.vector_load %arg7[%parallel_loop3A_1177, %parallel_loop3A_1178, %parallel_loop3A_1179] {strides = array<i32>} : memref<2x32x1024xf32, #tpu.memory_space<vmem>>, vector<16xf32>,
        tpu.vector_store %arg7[%parallel_loop3A_1177, %parallel_loop3A_1178, %parallel_loop3A_1179], %parallel_loop3A_1175 {strides = array<i32>} : memref<2x32x1024xf32, #tpu.memory_space<vmem>>, vector<16xf32>,
        %parallel_loop3A_1181 = arith.constant 2 : i32
        %parallel_loop3A_1182 = vector.broadcast %parallel_loop3A_1181 : i32 to vector<16xi32>
        %parallel_loop3A_1183 = arith.cmpi eq, %parallel_loop3A_1163, %parallel_loop3A_1182 : vector<16xi32>
        %parallel_loop3A_1184 = arith.select %parallel_loop3A_1183, %get3A_776, %get3A_792 : vector<16xi1>, vector<16xf32>
        %parallel_loop3A_1185 = arith.constant 1 : i32
        %parallel_loop3A_1186 = vector.broadcast %parallel_loop3A_1185 : i32 to vector<16xi32>
        %parallel_loop3A_1187 = arith.cmpi eq, %parallel_loop3A_1163, %parallel_loop3A_1186 : vector<16xi32>
        %parallel_loop3A_1188 = arith.select %parallel_loop3A_1187, %get3A_760, %parallel_loop3A_1184 : vector<16xi1>, vector<16xf32>
        %parallel_loop3A_1189 = arith.constant 0 : i32
        %parallel_loop3A_1190 = vector.broadcast %parallel_loop3A_1189 : i32 to vector<16xi32>
        %parallel_loop3A_1191 = arith.cmpi eq, %parallel_loop3A_1163, %parallel_loop3A_1190 : vector<16xi32>
        %parallel_loop3A_1192 = arith.select %parallel_loop3A_1191, %get3A_744, %parallel_loop3A_1188 : vector<16xi1>, vector<16xf32>
        %parallel_loop3A_1193 = arith.constant 1 : i32
        %parallel_loop3A_1194 = arith.index_cast %parallel_loop3A_1193 : i32 to index
        %parallel_loop3A_1195 = arith.index_cast %parallel_loop3A_1159 : i32 to index
        %parallel_loop3A_1196 = arith.constant 272 : index
        %parallel_loop3A_1197 = tpu.vector_load %arg7[%parallel_loop3A_1194, %parallel_loop3A_1195, %parallel_loop3A_1196] {strides = array<i32>} : memref<2x32x1024xf32, #tpu.memory_space<vmem>>, vector<16xf32>,
        tpu.vector_store %arg7[%parallel_loop3A_1194, %parallel_loop3A_1195, %parallel_loop3A_1196], %parallel_loop3A_1192 {strides = array<i32>} : memref<2x32x1024xf32, #tpu.memory_space<vmem>>, vector<16xf32>,
        %parallel_loop3A_1198 = arith.constant 2 : i32
        %parallel_loop3A_1199 = vector.broadcast %parallel_loop3A_1198 : i32 to vector<16xi32>
        %parallel_loop3A_1200 = arith.cmpi eq, %parallel_loop3A_1163, %parallel_loop3A_1199 : vector<16xi32>
        %parallel_loop3A_1201 = arith.select %parallel_loop3A_1200, %get3A_778, %get3A_794 : vector<16xi1>, vector<16xf32>
        %parallel_loop3A_1202 = arith.constant 1 : i32
        %parallel_loop3A_1203 = vector.broadcast %parallel_loop3A_1202 : i32 to vector<16xi32>
        %parallel_loop3A_1204 = arith.cmpi eq, %parallel_loop3A_1163, %parallel_loop3A_1203 : vector<16xi32>
        %parallel_loop3A_1205 = arith.select %parallel_loop3A_1204, %get3A_762, %parallel_loop3A_1201 : vector<16xi1>, vector<16xf32>
        %parallel_loop3A_1206 = arith.constant 0 : i32
        %parallel_loop3A_1207 = vector.broadcast %parallel_loop3A_1206 : i32 to vector<16xi32>
        %parallel_loop3A_1208 = arith.cmpi eq, %parallel_loop3A_1163, %parallel_loop3A_1207 : vector<16xi32>
        %parallel_loop3A_1209 = arith.select %parallel_loop3A_1208, %get3A_746, %parallel_loop3A_1205 : vector<16xi1>, vector<16xf32>
        %parallel_loop3A_1210 = arith.constant 1 : i32
        %parallel_loop3A_1211 = arith.index_cast %parallel_loop3A_1210 : i32 to index
        %parallel_loop3A_1212 = arith.index_cast %parallel_loop3A_1159 : i32 to index
        %parallel_loop3A_1213 = arith.constant 288 : index
        %parallel_loop3A_1214 = tpu.vector_load %arg7[%parallel_loop3A_1211, %parallel_loop3A_1212, %parallel_loop3A_1213] {strides = array<i32>} : memref<2x32x1024xf32, #tpu.memory_space<vmem>>, vector<16xf32>,
        tpu.vector_store %arg7[%parallel_loop3A_1211, %parallel_loop3A_1212, %parallel_loop3A_1213], %parallel_loop3A_1209 {strides = array<i32>} : memref<2x32x1024xf32, #tpu.memory_space<vmem>>, vector<16xf32>,
        %parallel_loop3A_1215 = arith.constant 2 : i32
        %parallel_loop3A_1216 = vector.broadcast %parallel_loop3A_1215 : i32 to vector<16xi32>
        %parallel_loop3A_1217 = arith.cmpi eq, %parallel_loop3A_1163, %parallel_loop3A_1216 : vector<16xi32>
        %parallel_loop3A_1218 = arith.select %parallel_loop3A_1217, %get3A_780, %get3A_796 : vector<16xi1>, vector<16xf32>
        %parallel_loop3A_1219 = arith.constant 1 : i32
        %parallel_loop3A_1220 = vector.broadcast %parallel_loop3A_1219 : i32 to vector<16xi32>
        %parallel_loop3A_1221 = arith.cmpi eq, %parallel_loop3A_1163, %parallel_loop3A_1220 : vector<16xi32>
        %parallel_loop3A_1222 = arith.select %parallel_loop3A_1221, %get3A_764, %parallel_loop3A_1218 : vector<16xi1>, vector<16xf32>
        %parallel_loop3A_1223 = arith.constant 0 : i32
        %parallel_loop3A_1224 = vector.broadcast %parallel_loop3A_1223 : i32 to vector<16xi32>
        %parallel_loop3A_1225 = arith.cmpi eq, %parallel_loop3A_1163, %parallel_loop3A_1224 : vector<16xi32>
        %parallel_loop3A_1226 = arith.select %parallel_loop3A_1225, %get3A_748, %parallel_loop3A_1222 : vector<16xi1>, vector<16xf32>
        %parallel_loop3A_1227 = arith.constant 1 : i32
        %parallel_loop3A_1228 = arith.index_cast %parallel_loop3A_1227 : i32 to index
        %parallel_loop3A_1229 = arith.index_cast %parallel_loop3A_1159 : i32 to index
        %parallel_loop3A_1230 = arith.constant 304 : index
        %parallel_loop3A_1231 = tpu.vector_load %arg7[%parallel_loop3A_1228, %parallel_loop3A_1229, %parallel_loop3A_1230] {strides = array<i32>} : memref<2x32x1024xf32, #tpu.memory_space<vmem>>, vector<16xf32>,
        tpu.vector_store %arg7[%parallel_loop3A_1228, %parallel_loop3A_1229, %parallel_loop3A_1230], %parallel_loop3A_1226 {strides = array<i32>} : memref<2x32x1024xf32, #tpu.memory_space<vmem>>, vector<16xf32>,
        %parallel_loop3A_1232 = arith.constant 2 : i32
        %parallel_loop3A_1233 = vector.broadcast %parallel_loop3A_1232 : i32 to vector<16xi32>
        %parallel_loop3A_1234 = arith.cmpi eq, %parallel_loop3A_1163, %parallel_loop3A_1233 : vector<16xi32>
        %parallel_loop3A_1235 = arith.select %parallel_loop3A_1234, %get3A_782, %get3A_798 : vector<16xi1>, vector<16xf32>
        %parallel_loop3A_1236 = arith.constant 1 : i32
        %parallel_loop3A_1237 = vector.broadcast %parallel_loop3A_1236 : i32 to vector<16xi32>
        %parallel_loop3A_1238 = arith.cmpi eq, %parallel_loop3A_1163, %parallel_loop3A_1237 : vector<16xi32>
        %parallel_loop3A_1239 = arith.select %parallel_loop3A_1238, %get3A_766, %parallel_loop3A_1235 : vector<16xi1>, vector<16xf32>
        %parallel_loop3A_1240 = arith.constant 0 : i32
        %parallel_loop3A_1241 = vector.broadcast %parallel_loop3A_1240 : i32 to vector<16xi32>
        %parallel_loop3A_1242 = arith.cmpi eq, %parallel_loop3A_1163, %parallel_loop3A_1241 : vector<16xi32>
        %parallel_loop3A_1243 = arith.select %parallel_loop3A_1242, %get3A_750, %parallel_loop3A_1239 : vector<16xi1>, vector<16xf32>
        %parallel_loop3A_1244 = arith.constant 1 : i32
        %parallel_loop3A_1245 = arith.index_cast %parallel_loop3A_1244 : i32 to index
        %parallel_loop3A_1246 = arith.index_cast %parallel_loop3A_1159 : i32 to index
        %parallel_loop3A_1247 = arith.constant 320 : index
        %parallel_loop3A_1248 = tpu.vector_load %arg7[%parallel_loop3A_1245, %parallel_loop3A_1246, %parallel_loop3A_1247] {strides = array<i32>} : memref<2x32x1024xf32, #tpu.memory_space<vmem>>, vector<16xf32>,
        tpu.vector_store %arg7[%parallel_loop3A_1245, %parallel_loop3A_1246, %parallel_loop3A_1247], %parallel_loop3A_1243 {strides = array<i32>} : memref<2x32x1024xf32, #tpu.memory_space<vmem>>, vector<16xf32>,
        %parallel_loop3A_1249 = arith.constant 2 : i32
        %parallel_loop3A_1250 = vector.broadcast %parallel_loop3A_1249 : i32 to vector<16xi32>
        %parallel_loop3A_1251 = arith.cmpi eq, %parallel_loop3A_1163, %parallel_loop3A_1250 : vector<16xi32>
        %parallel_loop3A_1252 = arith.select %parallel_loop3A_1251, %get3A_784, %get3A_800 : vector<16xi1>, vector<16xf32>
        %parallel_loop3A_1253 = arith.constant 1 : i32
        %parallel_loop3A_1254 = vector.broadcast %parallel_loop3A_1253 : i32 to vector<16xi32>
        %parallel_loop3A_1255 = arith.cmpi eq, %parallel_loop3A_1163, %parallel_loop3A_1254 : vector<16xi32>
        %parallel_loop3A_1256 = arith.select %parallel_loop3A_1255, %get3A_768, %parallel_loop3A_1252 : vector<16xi1>, vector<16xf32>
        %parallel_loop3A_1257 = arith.constant 0 : i32
        %parallel_loop3A_1258 = vector.broadcast %parallel_loop3A_1257 : i32 to vector<16xi32>
        %parallel_loop3A_1259 = arith.cmpi eq, %parallel_loop3A_1163, %parallel_loop3A_1258 : vector<16xi32>
        %parallel_loop3A_1260 = arith.select %parallel_loop3A_1259, %get3A_752, %parallel_loop3A_1256 : vector<16xi1>, vector<16xf32>
        %parallel_loop3A_1261 = arith.constant 1 : i32
        %parallel_loop3A_1262 = arith.index_cast %parallel_loop3A_1261 : i32 to index
        %parallel_loop3A_1263 = arith.index_cast %parallel_loop3A_1159 : i32 to index
        %parallel_loop3A_1264 = arith.constant 336 : index
        %parallel_loop3A_1265 = tpu.vector_load %arg7[%parallel_loop3A_1262, %parallel_loop3A_1263, %parallel_loop3A_1264] {strides = array<i32>} : memref<2x32x1024xf32, #tpu.memory_space<vmem>>, vector<16xf32>,
        tpu.vector_store %arg7[%parallel_loop3A_1262, %parallel_loop3A_1263, %parallel_loop3A_1264], %parallel_loop3A_1260 {strides = array<i32>} : memref<2x32x1024xf32, #tpu.memory_space<vmem>>, vector<16xf32>,
        %parallel_loop3A_1266 = arith.constant 2 : i32
        %parallel_loop3A_1267 = vector.broadcast %parallel_loop3A_1266 : i32 to vector<16xi32>
        %parallel_loop3A_1268 = arith.cmpi eq, %parallel_loop3A_1163, %parallel_loop3A_1267 : vector<16xi32>
        %parallel_loop3A_1269 = arith.select %parallel_loop3A_1268, %get3A_786, %get3A_802 : vector<16xi1>, vector<16xf32>
        %parallel_loop3A_1270 = arith.constant 1 : i32
        %parallel_loop3A_1271 = vector.broadcast %parallel_loop3A_1270 : i32 to vector<16xi32>
        %parallel_loop3A_1272 = arith.cmpi eq, %parallel_loop3A_1163, %parallel_loop3A_1271 : vector<16xi32>
        %parallel_loop3A_1273 = arith.select %parallel_loop3A_1272, %get3A_770, %parallel_loop3A_1269 : vector<16xi1>, vector<16xf32>
        %parallel_loop3A_1274 = arith.constant 0 : i32
        %parallel_loop3A_1275 = vector.broadcast %parallel_loop3A_1274 : i32 to vector<16xi32>
        %parallel_loop3A_1276 = arith.cmpi eq, %parallel_loop3A_1163, %parallel_loop3A_1275 : vector<16xi32>
        %parallel_loop3A_1277 = arith.select %parallel_loop3A_1276, %get3A_754, %parallel_loop3A_1273 : vector<16xi1>, vector<16xf32>
        %parallel_loop3A_1278 = arith.constant 1 : i32
        %parallel_loop3A_1279 = arith.index_cast %parallel_loop3A_1278 : i32 to index
        %parallel_loop3A_1280 = arith.index_cast %parallel_loop3A_1159 : i32 to index
        %parallel_loop3A_1281 = arith.constant 352 : index
        %parallel_loop3A_1282 = tpu.vector_load %arg7[%parallel_loop3A_1279, %parallel_loop3A_1280, %parallel_loop3A_1281] {strides = array<i32>} : memref<2x32x1024xf32, #tpu.memory_space<vmem>>, vector<16xf32>,
        tpu.vector_store %arg7[%parallel_loop3A_1279, %parallel_loop3A_1280, %parallel_loop3A_1281], %parallel_loop3A_1277 {strides = array<i32>} : memref<2x32x1024xf32, #tpu.memory_space<vmem>>, vector<16xf32>,
        %parallel_loop3A_1283 = arith.constant 2 : i32
        %parallel_loop3A_1284 = vector.broadcast %parallel_loop3A_1283 : i32 to vector<16xi32>
        %parallel_loop3A_1285 = arith.cmpi eq, %parallel_loop3A_1163, %parallel_loop3A_1284 : vector<16xi32>
        %parallel_loop3A_1286 = arith.select %parallel_loop3A_1285, %get3A_788, %get3A_804 : vector<16xi1>, vector<16xf32>
        %parallel_loop3A_1287 = arith.constant 1 : i32
        %parallel_loop3A_1288 = vector.broadcast %parallel_loop3A_1287 : i32 to vector<16xi32>
        %parallel_loop3A_1289 = arith.cmpi eq, %parallel_loop3A_1163, %parallel_loop3A_1288 : vector<16xi32>
        %parallel_loop3A_1290 = arith.select %parallel_loop3A_1289, %get3A_772, %parallel_loop3A_1286 : vector<16xi1>, vector<16xf32>
        %parallel_loop3A_1291 = arith.constant 0 : i32
        %parallel_loop3A_1292 = vector.broadcast %parallel_loop3A_1291 : i32 to vector<16xi32>
        %parallel_loop3A_1293 = arith.cmpi eq, %parallel_loop3A_1163, %parallel_loop3A_1292 : vector<16xi32>
        %parallel_loop3A_1294 = arith.select %parallel_loop3A_1293, %get3A_756, %parallel_loop3A_1290 : vector<16xi1>, vector<16xf32>
        %parallel_loop3A_1295 = arith.constant 1 : i32
        %parallel_loop3A_1296 = arith.index_cast %parallel_loop3A_1295 : i32 to index
        %parallel_loop3A_1297 = arith.index_cast %parallel_loop3A_1159 : i32 to index
        %parallel_loop3A_1298 = arith.constant 368 : index
        %parallel_loop3A_1299 = tpu.vector_load %arg7[%parallel_loop3A_1296, %parallel_loop3A_1297, %parallel_loop3A_1298] {strides = array<i32>} : memref<2x32x1024xf32, #tpu.memory_space<vmem>>, vector<16xf32>,
        tpu.vector_store %arg7[%parallel_loop3A_1296, %parallel_loop3A_1297, %parallel_loop3A_1298], %parallel_loop3A_1294 {strides = array<i32>} : memref<2x32x1024xf32, #tpu.memory_space<vmem>>, vector<16xf32>,
      } {sc.loop_unroll_factor = 2 : i64, sc.parallel_access}
      %get3A_808 = arith.constant 384 : index
      %get3A_809 = tpu.vector_load %arg5[%get3A_808] {strides = array<i32>} : memref<4096xf32, #tpu.memory_space<vmem>>, vector<16xf32>,
      %get3A_810 = arith.constant 400 : index
      %get3A_811 = tpu.vector_load %arg5[%get3A_810] {strides = array<i32>} : memref<4096xf32, #tpu.memory_space<vmem>>, vector<16xf32>,
      %get3A_812 = arith.constant 416 : index
      %get3A_813 = tpu.vector_load %arg5[%get3A_812] {strides = array<i32>} : memref<4096xf32, #tpu.memory_space<vmem>>, vector<16xf32>,
      %get3A_814 = arith.constant 432 : index
      %get3A_815 = tpu.vector_load %arg5[%get3A_814] {strides = array<i32>} : memref<4096xf32, #tpu.memory_space<vmem>>, vector<16xf32>,
      %get3A_816 = arith.constant 448 : index
      %get3A_817 = tpu.vector_load %arg5[%get3A_816] {strides = array<i32>} : memref<4096xf32, #tpu.memory_space<vmem>>, vector<16xf32>,
      %get3A_818 = arith.constant 464 : index
      %get3A_819 = tpu.vector_load %arg5[%get3A_818] {strides = array<i32>} : memref<4096xf32, #tpu.memory_space<vmem>>, vector<16xf32>,
      %get3A_820 = arith.constant 480 : index
      %get3A_821 = tpu.vector_load %arg5[%get3A_820] {strides = array<i32>} : memref<4096xf32, #tpu.memory_space<vmem>>, vector<16xf32>,
      %get3A_822 = arith.constant 496 : index
      %get3A_823 = tpu.vector_load %arg5[%get3A_822] {strides = array<i32>} : memref<4096xf32, #tpu.memory_space<vmem>>, vector<16xf32>,
      %get3A_824 = arith.constant 1408 : index
      %get3A_825 = tpu.vector_load %arg5[%get3A_824] {strides = array<i32>} : memref<4096xf32, #tpu.memory_space<vmem>>, vector<16xf32>,
      %get3A_826 = arith.constant 1424 : index
      %get3A_827 = tpu.vector_load %arg5[%get3A_826] {strides = array<i32>} : memref<4096xf32, #tpu.memory_space<vmem>>, vector<16xf32>,
      %get3A_828 = arith.constant 1440 : index
      %get3A_829 = tpu.vector_load %arg5[%get3A_828] {strides = array<i32>} : memref<4096xf32, #tpu.memory_space<vmem>>, vector<16xf32>,
      %get3A_830 = arith.constant 1456 : index
      %get3A_831 = tpu.vector_load %arg5[%get3A_830] {strides = array<i32>} : memref<4096xf32, #tpu.memory_space<vmem>>, vector<16xf32>,
      %get3A_832 = arith.constant 1472 : index
      %get3A_833 = tpu.vector_load %arg5[%get3A_832] {strides = array<i32>} : memref<4096xf32, #tpu.memory_space<vmem>>, vector<16xf32>,
      %get3A_834 = arith.constant 1488 : index
      %get3A_835 = tpu.vector_load %arg5[%get3A_834] {strides = array<i32>} : memref<4096xf32, #tpu.memory_space<vmem>>, vector<16xf32>,
      %get3A_836 = arith.constant 1504 : index
      %get3A_837 = tpu.vector_load %arg5[%get3A_836] {strides = array<i32>} : memref<4096xf32, #tpu.memory_space<vmem>>, vector<16xf32>,
      %get3A_838 = arith.constant 1520 : index
      %get3A_839 = tpu.vector_load %arg5[%get3A_838] {strides = array<i32>} : memref<4096xf32, #tpu.memory_space<vmem>>, vector<16xf32>,
      %get3A_840 = arith.constant 2432 : index
      %get3A_841 = tpu.vector_load %arg5[%get3A_840] {strides = array<i32>} : memref<4096xf32, #tpu.memory_space<vmem>>, vector<16xf32>,
      %get3A_842 = arith.constant 2448 : index
      %get3A_843 = tpu.vector_load %arg5[%get3A_842] {strides = array<i32>} : memref<4096xf32, #tpu.memory_space<vmem>>, vector<16xf32>,
      %get3A_844 = arith.constant 2464 : index
      %get3A_845 = tpu.vector_load %arg5[%get3A_844] {strides = array<i32>} : memref<4096xf32, #tpu.memory_space<vmem>>, vector<16xf32>,
      %get3A_846 = arith.constant 2480 : index
      %get3A_847 = tpu.vector_load %arg5[%get3A_846] {strides = array<i32>} : memref<4096xf32, #tpu.memory_space<vmem>>, vector<16xf32>,
      %get3A_848 = arith.constant 2496 : index
      %get3A_849 = tpu.vector_load %arg5[%get3A_848] {strides = array<i32>} : memref<4096xf32, #tpu.memory_space<vmem>>, vector<16xf32>,
      %get3A_850 = arith.constant 2512 : index
      %get3A_851 = tpu.vector_load %arg5[%get3A_850] {strides = array<i32>} : memref<4096xf32, #tpu.memory_space<vmem>>, vector<16xf32>,
      %get3A_852 = arith.constant 2528 : index
      %get3A_853 = tpu.vector_load %arg5[%get3A_852] {strides = array<i32>} : memref<4096xf32, #tpu.memory_space<vmem>>, vector<16xf32>,
      %get3A_854 = arith.constant 2544 : index
      %get3A_855 = tpu.vector_load %arg5[%get3A_854] {strides = array<i32>} : memref<4096xf32, #tpu.memory_space<vmem>>, vector<16xf32>,
      %get3A_856 = arith.constant 3456 : index
      %get3A_857 = tpu.vector_load %arg5[%get3A_856] {strides = array<i32>} : memref<4096xf32, #tpu.memory_space<vmem>>, vector<16xf32>,
      %get3A_858 = arith.constant 3472 : index
      %get3A_859 = tpu.vector_load %arg5[%get3A_858] {strides = array<i32>} : memref<4096xf32, #tpu.memory_space<vmem>>, vector<16xf32>,
      %get3A_860 = arith.constant 3488 : index
      %get3A_861 = tpu.vector_load %arg5[%get3A_860] {strides = array<i32>} : memref<4096xf32, #tpu.memory_space<vmem>>, vector<16xf32>,
      %get3A_862 = arith.constant 3504 : index
      %get3A_863 = tpu.vector_load %arg5[%get3A_862] {strides = array<i32>} : memref<4096xf32, #tpu.memory_space<vmem>>, vector<16xf32>,
      %get3A_864 = arith.constant 3520 : index
      %get3A_865 = tpu.vector_load %arg5[%get3A_864] {strides = array<i32>} : memref<4096xf32, #tpu.memory_space<vmem>>, vector<16xf32>,
      %get3A_866 = arith.constant 3536 : index
      %get3A_867 = tpu.vector_load %arg5[%get3A_866] {strides = array<i32>} : memref<4096xf32, #tpu.memory_space<vmem>>, vector<16xf32>,
      %get3A_868 = arith.constant 3552 : index
      %get3A_869 = tpu.vector_load %arg5[%get3A_868] {strides = array<i32>} : memref<4096xf32, #tpu.memory_space<vmem>>, vector<16xf32>,
      %get3A_870 = arith.constant 3568 : index
      %get3A_871 = tpu.vector_load %arg5[%get3A_870] {strides = array<i32>} : memref<4096xf32, #tpu.memory_space<vmem>>, vector<16xf32>,
      %parallel_loop3A_872 = arith.constant 0 : i32
      %parallel_loop3A_873 = arith.constant 32 : i32
      %parallel_loop3A_874 = arith.constant 1 : i32
      scf.for %parallel_loop3A_1159 = %parallel_loop3A_872 to %parallel_loop3A_873 step %parallel_loop3A_874  : i32 {
        %parallel_loop3A_1160 = arith.constant 16 : i32
        %parallel_loop3A_1161 = arith.muli %parallel_loop3A_1159, %parallel_loop3A_1160 : i32
        %parallel_loop3A_1162 = arith.index_cast %parallel_loop3A_1161 : i32 to index
        %parallel_loop3A_1163 = tpu.vector_load %arg8[%parallel_loop3A_1162] {strides = array<i32>} : memref<512xi32, #tpu.memory_space<vmem>>, vector<16xi32>,
        %parallel_loop3A_1164 = arith.constant 2 : i32
        %parallel_loop3A_1165 = vector.broadcast %parallel_loop3A_1164 : i32 to vector<16xi32>
        %parallel_loop3A_1166 = arith.cmpi eq, %parallel_loop3A_1163, %parallel_loop3A_1165 : vector<16xi32>
        %parallel_loop3A_1167 = arith.select %parallel_loop3A_1166, %get3A_841, %get3A_857 : vector<16xi1>, vector<16xf32>
        %parallel_loop3A_1168 = arith.constant 1 : i32
        %parallel_loop3A_1169 = vector.broadcast %parallel_loop3A_1168 : i32 to vector<16xi32>
        %parallel_loop3A_1170 = arith.cmpi eq, %parallel_loop3A_1163, %parallel_loop3A_1169 : vector<16xi32>
        %parallel_loop3A_1171 = arith.select %parallel_loop3A_1170, %get3A_825, %parallel_loop3A_1167 : vector<16xi1>, vector<16xf32>
        %parallel_loop3A_1172 = arith.constant 0 : i32
        %parallel_loop3A_1173 = vector.broadcast %parallel_loop3A_1172 : i32 to vector<16xi32>
        %parallel_loop3A_1174 = arith.cmpi eq, %parallel_loop3A_1163, %parallel_loop3A_1173 : vector<16xi32>
        %parallel_loop3A_1175 = arith.select %parallel_loop3A_1174, %get3A_809, %parallel_loop3A_1171 : vector<16xi1>, vector<16xf32>
        %parallel_loop3A_1176 = arith.constant 1 : i32
        %parallel_loop3A_1177 = arith.index_cast %parallel_loop3A_1176 : i32 to index
        %parallel_loop3A_1178 = arith.index_cast %parallel_loop3A_1159 : i32 to index
        %parallel_loop3A_1179 = arith.constant 384 : index
        %parallel_loop3A_1180 = tpu.vector_load %arg7[%parallel_loop3A_1177, %parallel_loop3A_1178, %parallel_loop3A_1179] {strides = array<i32>} : memref<2x32x1024xf32, #tpu.memory_space<vmem>>, vector<16xf32>,
        tpu.vector_store %arg7[%parallel_loop3A_1177, %parallel_loop3A_1178, %parallel_loop3A_1179], %parallel_loop3A_1175 {strides = array<i32>} : memref<2x32x1024xf32, #tpu.memory_space<vmem>>, vector<16xf32>,
        %parallel_loop3A_1181 = arith.constant 2 : i32
        %parallel_loop3A_1182 = vector.broadcast %parallel_loop3A_1181 : i32 to vector<16xi32>
        %parallel_loop3A_1183 = arith.cmpi eq, %parallel_loop3A_1163, %parallel_loop3A_1182 : vector<16xi32>
        %parallel_loop3A_1184 = arith.select %parallel_loop3A_1183, %get3A_843, %get3A_859 : vector<16xi1>, vector<16xf32>
        %parallel_loop3A_1185 = arith.constant 1 : i32
        %parallel_loop3A_1186 = vector.broadcast %parallel_loop3A_1185 : i32 to vector<16xi32>
        %parallel_loop3A_1187 = arith.cmpi eq, %parallel_loop3A_1163, %parallel_loop3A_1186 : vector<16xi32>
        %parallel_loop3A_1188 = arith.select %parallel_loop3A_1187, %get3A_827, %parallel_loop3A_1184 : vector<16xi1>, vector<16xf32>
        %parallel_loop3A_1189 = arith.constant 0 : i32
        %parallel_loop3A_1190 = vector.broadcast %parallel_loop3A_1189 : i32 to vector<16xi32>
        %parallel_loop3A_1191 = arith.cmpi eq, %parallel_loop3A_1163, %parallel_loop3A_1190 : vector<16xi32>
        %parallel_loop3A_1192 = arith.select %parallel_loop3A_1191, %get3A_811, %parallel_loop3A_1188 : vector<16xi1>, vector<16xf32>
        %parallel_loop3A_1193 = arith.constant 1 : i32
        %parallel_loop3A_1194 = arith.index_cast %parallel_loop3A_1193 : i32 to index
        %parallel_loop3A_1195 = arith.index_cast %parallel_loop3A_1159 : i32 to index
        %parallel_loop3A_1196 = arith.constant 400 : index
        %parallel_loop3A_1197 = tpu.vector_load %arg7[%parallel_loop3A_1194, %parallel_loop3A_1195, %parallel_loop3A_1196] {strides = array<i32>} : memref<2x32x1024xf32, #tpu.memory_space<vmem>>, vector<16xf32>,
        tpu.vector_store %arg7[%parallel_loop3A_1194, %parallel_loop3A_1195, %parallel_loop3A_1196], %parallel_loop3A_1192 {strides = array<i32>} : memref<2x32x1024xf32, #tpu.memory_space<vmem>>, vector<16xf32>,
        %parallel_loop3A_1198 = arith.constant 2 : i32
        %parallel_loop3A_1199 = vector.broadcast %parallel_loop3A_1198 : i32 to vector<16xi32>
        %parallel_loop3A_1200 = arith.cmpi eq, %parallel_loop3A_1163, %parallel_loop3A_1199 : vector<16xi32>
        %parallel_loop3A_1201 = arith.select %parallel_loop3A_1200, %get3A_845, %get3A_861 : vector<16xi1>, vector<16xf32>
        %parallel_loop3A_1202 = arith.constant 1 : i32
        %parallel_loop3A_1203 = vector.broadcast %parallel_loop3A_1202 : i32 to vector<16xi32>
        %parallel_loop3A_1204 = arith.cmpi eq, %parallel_loop3A_1163, %parallel_loop3A_1203 : vector<16xi32>
        %parallel_loop3A_1205 = arith.select %parallel_loop3A_1204, %get3A_829, %parallel_loop3A_1201 : vector<16xi1>, vector<16xf32>
        %parallel_loop3A_1206 = arith.constant 0 : i32
        %parallel_loop3A_1207 = vector.broadcast %parallel_loop3A_1206 : i32 to vector<16xi32>
        %parallel_loop3A_1208 = arith.cmpi eq, %parallel_loop3A_1163, %parallel_loop3A_1207 : vector<16xi32>
        %parallel_loop3A_1209 = arith.select %parallel_loop3A_1208, %get3A_813, %parallel_loop3A_1205 : vector<16xi1>, vector<16xf32>
        %parallel_loop3A_1210 = arith.constant 1 : i32
        %parallel_loop3A_1211 = arith.index_cast %parallel_loop3A_1210 : i32 to index
        %parallel_loop3A_1212 = arith.index_cast %parallel_loop3A_1159 : i32 to index
        %parallel_loop3A_1213 = arith.constant 416 : index
        %parallel_loop3A_1214 = tpu.vector_load %arg7[%parallel_loop3A_1211, %parallel_loop3A_1212, %parallel_loop3A_1213] {strides = array<i32>} : memref<2x32x1024xf32, #tpu.memory_space<vmem>>, vector<16xf32>,
        tpu.vector_store %arg7[%parallel_loop3A_1211, %parallel_loop3A_1212, %parallel_loop3A_1213], %parallel_loop3A_1209 {strides = array<i32>} : memref<2x32x1024xf32, #tpu.memory_space<vmem>>, vector<16xf32>,
        %parallel_loop3A_1215 = arith.constant 2 : i32
        %parallel_loop3A_1216 = vector.broadcast %parallel_loop3A_1215 : i32 to vector<16xi32>
        %parallel_loop3A_1217 = arith.cmpi eq, %parallel_loop3A_1163, %parallel_loop3A_1216 : vector<16xi32>
        %parallel_loop3A_1218 = arith.select %parallel_loop3A_1217, %get3A_847, %get3A_863 : vector<16xi1>, vector<16xf32>
        %parallel_loop3A_1219 = arith.constant 1 : i32
        %parallel_loop3A_1220 = vector.broadcast %parallel_loop3A_1219 : i32 to vector<16xi32>
        %parallel_loop3A_1221 = arith.cmpi eq, %parallel_loop3A_1163, %parallel_loop3A_1220 : vector<16xi32>
        %parallel_loop3A_1222 = arith.select %parallel_loop3A_1221, %get3A_831, %parallel_loop3A_1218 : vector<16xi1>, vector<16xf32>
        %parallel_loop3A_1223 = arith.constant 0 : i32
        %parallel_loop3A_1224 = vector.broadcast %parallel_loop3A_1223 : i32 to vector<16xi32>
        %parallel_loop3A_1225 = arith.cmpi eq, %parallel_loop3A_1163, %parallel_loop3A_1224 : vector<16xi32>
        %parallel_loop3A_1226 = arith.select %parallel_loop3A_1225, %get3A_815, %parallel_loop3A_1222 : vector<16xi1>, vector<16xf32>
        %parallel_loop3A_1227 = arith.constant 1 : i32
        %parallel_loop3A_1228 = arith.index_cast %parallel_loop3A_1227 : i32 to index
        %parallel_loop3A_1229 = arith.index_cast %parallel_loop3A_1159 : i32 to index
        %parallel_loop3A_1230 = arith.constant 432 : index
        %parallel_loop3A_1231 = tpu.vector_load %arg7[%parallel_loop3A_1228, %parallel_loop3A_1229, %parallel_loop3A_1230] {strides = array<i32>} : memref<2x32x1024xf32, #tpu.memory_space<vmem>>, vector<16xf32>,
        tpu.vector_store %arg7[%parallel_loop3A_1228, %parallel_loop3A_1229, %parallel_loop3A_1230], %parallel_loop3A_1226 {strides = array<i32>} : memref<2x32x1024xf32, #tpu.memory_space<vmem>>, vector<16xf32>,
        %parallel_loop3A_1232 = arith.constant 2 : i32
        %parallel_loop3A_1233 = vector.broadcast %parallel_loop3A_1232 : i32 to vector<16xi32>
        %parallel_loop3A_1234 = arith.cmpi eq, %parallel_loop3A_1163, %parallel_loop3A_1233 : vector<16xi32>
        %parallel_loop3A_1235 = arith.select %parallel_loop3A_1234, %get3A_849, %get3A_865 : vector<16xi1>, vector<16xf32>
        %parallel_loop3A_1236 = arith.constant 1 : i32
        %parallel_loop3A_1237 = vector.broadcast %parallel_loop3A_1236 : i32 to vector<16xi32>
        %parallel_loop3A_1238 = arith.cmpi eq, %parallel_loop3A_1163, %parallel_loop3A_1237 : vector<16xi32>
        %parallel_loop3A_1239 = arith.select %parallel_loop3A_1238, %get3A_833, %parallel_loop3A_1235 : vector<16xi1>, vector<16xf32>
        %parallel_loop3A_1240 = arith.constant 0 : i32
        %parallel_loop3A_1241 = vector.broadcast %parallel_loop3A_1240 : i32 to vector<16xi32>
        %parallel_loop3A_1242 = arith.cmpi eq, %parallel_loop3A_1163, %parallel_loop3A_1241 : vector<16xi32>
        %parallel_loop3A_1243 = arith.select %parallel_loop3A_1242, %get3A_817, %parallel_loop3A_1239 : vector<16xi1>, vector<16xf32>
        %parallel_loop3A_1244 = arith.constant 1 : i32
        %parallel_loop3A_1245 = arith.index_cast %parallel_loop3A_1244 : i32 to index
        %parallel_loop3A_1246 = arith.index_cast %parallel_loop3A_1159 : i32 to index
        %parallel_loop3A_1247 = arith.constant 448 : index
        %parallel_loop3A_1248 = tpu.vector_load %arg7[%parallel_loop3A_1245, %parallel_loop3A_1246, %parallel_loop3A_1247] {strides = array<i32>} : memref<2x32x1024xf32, #tpu.memory_space<vmem>>, vector<16xf32>,
        tpu.vector_store %arg7[%parallel_loop3A_1245, %parallel_loop3A_1246, %parallel_loop3A_1247], %parallel_loop3A_1243 {strides = array<i32>} : memref<2x32x1024xf32, #tpu.memory_space<vmem>>, vector<16xf32>,
        %parallel_loop3A_1249 = arith.constant 2 : i32
        %parallel_loop3A_1250 = vector.broadcast %parallel_loop3A_1249 : i32 to vector<16xi32>
        %parallel_loop3A_1251 = arith.cmpi eq, %parallel_loop3A_1163, %parallel_loop3A_1250 : vector<16xi32>
        %parallel_loop3A_1252 = arith.select %parallel_loop3A_1251, %get3A_851, %get3A_867 : vector<16xi1>, vector<16xf32>
        %parallel_loop3A_1253 = arith.constant 1 : i32
        %parallel_loop3A_1254 = vector.broadcast %parallel_loop3A_1253 : i32 to vector<16xi32>
        %parallel_loop3A_1255 = arith.cmpi eq, %parallel_loop3A_1163, %parallel_loop3A_1254 : vector<16xi32>
        %parallel_loop3A_1256 = arith.select %parallel_loop3A_1255, %get3A_835, %parallel_loop3A_1252 : vector<16xi1>, vector<16xf32>
        %parallel_loop3A_1257 = arith.constant 0 : i32
        %parallel_loop3A_1258 = vector.broadcast %parallel_loop3A_1257 : i32 to vector<16xi32>
        %parallel_loop3A_1259 = arith.cmpi eq, %parallel_loop3A_1163, %parallel_loop3A_1258 : vector<16xi32>
        %parallel_loop3A_1260 = arith.select %parallel_loop3A_1259, %get3A_819, %parallel_loop3A_1256 : vector<16xi1>, vector<16xf32>
        %parallel_loop3A_1261 = arith.constant 1 : i32
        %parallel_loop3A_1262 = arith.index_cast %parallel_loop3A_1261 : i32 to index
        %parallel_loop3A_1263 = arith.index_cast %parallel_loop3A_1159 : i32 to index
        %parallel_loop3A_1264 = arith.constant 464 : index
        %parallel_loop3A_1265 = tpu.vector_load %arg7[%parallel_loop3A_1262, %parallel_loop3A_1263, %parallel_loop3A_1264] {strides = array<i32>} : memref<2x32x1024xf32, #tpu.memory_space<vmem>>, vector<16xf32>,
        tpu.vector_store %arg7[%parallel_loop3A_1262, %parallel_loop3A_1263, %parallel_loop3A_1264], %parallel_loop3A_1260 {strides = array<i32>} : memref<2x32x1024xf32, #tpu.memory_space<vmem>>, vector<16xf32>,
        %parallel_loop3A_1266 = arith.constant 2 : i32
        %parallel_loop3A_1267 = vector.broadcast %parallel_loop3A_1266 : i32 to vector<16xi32>
        %parallel_loop3A_1268 = arith.cmpi eq, %parallel_loop3A_1163, %parallel_loop3A_1267 : vector<16xi32>
        %parallel_loop3A_1269 = arith.select %parallel_loop3A_1268, %get3A_853, %get3A_869 : vector<16xi1>, vector<16xf32>
        %parallel_loop3A_1270 = arith.constant 1 : i32
        %parallel_loop3A_1271 = vector.broadcast %parallel_loop3A_1270 : i32 to vector<16xi32>
        %parallel_loop3A_1272 = arith.cmpi eq, %parallel_loop3A_1163, %parallel_loop3A_1271 : vector<16xi32>
        %parallel_loop3A_1273 = arith.select %parallel_loop3A_1272, %get3A_837, %parallel_loop3A_1269 : vector<16xi1>, vector<16xf32>
        %parallel_loop3A_1274 = arith.constant 0 : i32
        %parallel_loop3A_1275 = vector.broadcast %parallel_loop3A_1274 : i32 to vector<16xi32>
        %parallel_loop3A_1276 = arith.cmpi eq, %parallel_loop3A_1163, %parallel_loop3A_1275 : vector<16xi32>
        %parallel_loop3A_1277 = arith.select %parallel_loop3A_1276, %get3A_821, %parallel_loop3A_1273 : vector<16xi1>, vector<16xf32>
        %parallel_loop3A_1278 = arith.constant 1 : i32
        %parallel_loop3A_1279 = arith.index_cast %parallel_loop3A_1278 : i32 to index
        %parallel_loop3A_1280 = arith.index_cast %parallel_loop3A_1159 : i32 to index
        %parallel_loop3A_1281 = arith.constant 480 : index
        %parallel_loop3A_1282 = tpu.vector_load %arg7[%parallel_loop3A_1279, %parallel_loop3A_1280, %parallel_loop3A_1281] {strides = array<i32>} : memref<2x32x1024xf32, #tpu.memory_space<vmem>>, vector<16xf32>,
        tpu.vector_store %arg7[%parallel_loop3A_1279, %parallel_loop3A_1280, %parallel_loop3A_1281], %parallel_loop3A_1277 {strides = array<i32>} : memref<2x32x1024xf32, #tpu.memory_space<vmem>>, vector<16xf32>,
        %parallel_loop3A_1283 = arith.constant 2 : i32
        %parallel_loop3A_1284 = vector.broadcast %parallel_loop3A_1283 : i32 to vector<16xi32>
        %parallel_loop3A_1285 = arith.cmpi eq, %parallel_loop3A_1163, %parallel_loop3A_1284 : vector<16xi32>
        %parallel_loop3A_1286 = arith.select %parallel_loop3A_1285, %get3A_855, %get3A_871 : vector<16xi1>, vector<16xf32>
        %parallel_loop3A_1287 = arith.constant 1 : i32
        %parallel_loop3A_1288 = vector.broadcast %parallel_loop3A_1287 : i32 to vector<16xi32>
        %parallel_loop3A_1289 = arith.cmpi eq, %parallel_loop3A_1163, %parallel_loop3A_1288 : vector<16xi32>
        %parallel_loop3A_1290 = arith.select %parallel_loop3A_1289, %get3A_839, %parallel_loop3A_1286 : vector<16xi1>, vector<16xf32>
        %parallel_loop3A_1291 = arith.constant 0 : i32
        %parallel_loop3A_1292 = vector.broadcast %parallel_loop3A_1291 : i32 to vector<16xi32>
        %parallel_loop3A_1293 = arith.cmpi eq, %parallel_loop3A_1163, %parallel_loop3A_1292 : vector<16xi32>
        %parallel_loop3A_1294 = arith.select %parallel_loop3A_1293, %get3A_823, %parallel_loop3A_1290 : vector<16xi1>, vector<16xf32>
        %parallel_loop3A_1295 = arith.constant 1 : i32
        %parallel_loop3A_1296 = arith.index_cast %parallel_loop3A_1295 : i32 to index
        %parallel_loop3A_1297 = arith.index_cast %parallel_loop3A_1159 : i32 to index
        %parallel_loop3A_1298 = arith.constant 496 : index
        %parallel_loop3A_1299 = tpu.vector_load %arg7[%parallel_loop3A_1296, %parallel_loop3A_1297, %parallel_loop3A_1298] {strides = array<i32>} : memref<2x32x1024xf32, #tpu.memory_space<vmem>>, vector<16xf32>,
        tpu.vector_store %arg7[%parallel_loop3A_1296, %parallel_loop3A_1297, %parallel_loop3A_1298], %parallel_loop3A_1294 {strides = array<i32>} : memref<2x32x1024xf32, #tpu.memory_space<vmem>>, vector<16xf32>,
      } {sc.loop_unroll_factor = 2 : i64, sc.parallel_access}
      %get3A_875 = arith.constant 512 : index
      %get3A_876 = tpu.vector_load %arg5[%get3A_875] {strides = array<i32>} : memref<4096xf32, #tpu.memory_space<vmem>>, vector<16xf32>,
      %get3A_877 = arith.constant 528 : index
      %get3A_878 = tpu.vector_load %arg5[%get3A_877] {strides = array<i32>} : memref<4096xf32, #tpu.memory_space<vmem>>, vector<16xf32>,
      %get3A_879 = arith.constant 544 : index
      %get3A_880 = tpu.vector_load %arg5[%get3A_879] {strides = array<i32>} : memref<4096xf32, #tpu.memory_space<vmem>>, vector<16xf32>,
      %get3A_881 = arith.constant 560 : index
      %get3A_882 = tpu.vector_load %arg5[%get3A_881] {strides = array<i32>} : memref<4096xf32, #tpu.memory_space<vmem>>, vector<16xf32>,
      %get3A_883 = arith.constant 576 : index
      %get3A_884 = tpu.vector_load %arg5[%get3A_883] {strides = array<i32>} : memref<4096xf32, #tpu.memory_space<vmem>>, vector<16xf32>,
      %get3A_885 = arith.constant 592 : index
      %get3A_886 = tpu.vector_load %arg5[%get3A_885] {strides = array<i32>} : memref<4096xf32, #tpu.memory_space<vmem>>, vector<16xf32>,
      %get3A_887 = arith.constant 608 : index
      %get3A_888 = tpu.vector_load %arg5[%get3A_887] {strides = array<i32>} : memref<4096xf32, #tpu.memory_space<vmem>>, vector<16xf32>,
      %get3A_889 = arith.constant 624 : index
      %get3A_890 = tpu.vector_load %arg5[%get3A_889] {strides = array<i32>} : memref<4096xf32, #tpu.memory_space<vmem>>, vector<16xf32>,
      %get3A_891 = arith.constant 1536 : index
      %get3A_892 = tpu.vector_load %arg5[%get3A_891] {strides = array<i32>} : memref<4096xf32, #tpu.memory_space<vmem>>, vector<16xf32>,
      %get3A_893 = arith.constant 1552 : index
      %get3A_894 = tpu.vector_load %arg5[%get3A_893] {strides = array<i32>} : memref<4096xf32, #tpu.memory_space<vmem>>, vector<16xf32>,
      %get3A_895 = arith.constant 1568 : index
      %get3A_896 = tpu.vector_load %arg5[%get3A_895] {strides = array<i32>} : memref<4096xf32, #tpu.memory_space<vmem>>, vector<16xf32>,
      %get3A_897 = arith.constant 1584 : index
      %get3A_898 = tpu.vector_load %arg5[%get3A_897] {strides = array<i32>} : memref<4096xf32, #tpu.memory_space<vmem>>, vector<16xf32>,
      %get3A_899 = arith.constant 1600 : index
      %get3A_900 = tpu.vector_load %arg5[%get3A_899] {strides = array<i32>} : memref<4096xf32, #tpu.memory_space<vmem>>, vector<16xf32>,
      %get3A_901 = arith.constant 1616 : index
      %get3A_902 = tpu.vector_load %arg5[%get3A_901] {strides = array<i32>} : memref<4096xf32, #tpu.memory_space<vmem>>, vector<16xf32>,
      %get3A_903 = arith.constant 1632 : index
      %get3A_904 = tpu.vector_load %arg5[%get3A_903] {strides = array<i32>} : memref<4096xf32, #tpu.memory_space<vmem>>, vector<16xf32>,
      %get3A_905 = arith.constant 1648 : index
      %get3A_906 = tpu.vector_load %arg5[%get3A_905] {strides = array<i32>} : memref<4096xf32, #tpu.memory_space<vmem>>, vector<16xf32>,
      %get3A_907 = arith.constant 2560 : index
      %get3A_908 = tpu.vector_load %arg5[%get3A_907] {strides = array<i32>} : memref<4096xf32, #tpu.memory_space<vmem>>, vector<16xf32>,
      %get3A_909 = arith.constant 2576 : index
      %get3A_910 = tpu.vector_load %arg5[%get3A_909] {strides = array<i32>} : memref<4096xf32, #tpu.memory_space<vmem>>, vector<16xf32>,
      %get3A_911 = arith.constant 2592 : index
      %get3A_912 = tpu.vector_load %arg5[%get3A_911] {strides = array<i32>} : memref<4096xf32, #tpu.memory_space<vmem>>, vector<16xf32>,
      %get3A_913 = arith.constant 2608 : index
      %get3A_914 = tpu.vector_load %arg5[%get3A_913] {strides = array<i32>} : memref<4096xf32, #tpu.memory_space<vmem>>, vector<16xf32>,
      %get3A_915 = arith.constant 2624 : index
      %get3A_916 = tpu.vector_load %arg5[%get3A_915] {strides = array<i32>} : memref<4096xf32, #tpu.memory_space<vmem>>, vector<16xf32>,
      %get3A_917 = arith.constant 2640 : index
      %get3A_918 = tpu.vector_load %arg5[%get3A_917] {strides = array<i32>} : memref<4096xf32, #tpu.memory_space<vmem>>, vector<16xf32>,
      %get3A_919 = arith.constant 2656 : index
      %get3A_920 = tpu.vector_load %arg5[%get3A_919] {strides = array<i32>} : memref<4096xf32, #tpu.memory_space<vmem>>, vector<16xf32>,
      %get3A_921 = arith.constant 2672 : index
      %get3A_922 = tpu.vector_load %arg5[%get3A_921] {strides = array<i32>} : memref<4096xf32, #tpu.memory_space<vmem>>, vector<16xf32>,
      %get3A_923 = arith.constant 3584 : index
      %get3A_924 = tpu.vector_load %arg5[%get3A_923] {strides = array<i32>} : memref<4096xf32, #tpu.memory_space<vmem>>, vector<16xf32>,
      %get3A_925 = arith.constant 3600 : index
      %get3A_926 = tpu.vector_load %arg5[%get3A_925] {strides = array<i32>} : memref<4096xf32, #tpu.memory_space<vmem>>, vector<16xf32>,
      %get3A_927 = arith.constant 3616 : index
      %get3A_928 = tpu.vector_load %arg5[%get3A_927] {strides = array<i32>} : memref<4096xf32, #tpu.memory_space<vmem>>, vector<16xf32>,
      %get3A_929 = arith.constant 3632 : index
      %get3A_930 = tpu.vector_load %arg5[%get3A_929] {strides = array<i32>} : memref<4096xf32, #tpu.memory_space<vmem>>, vector<16xf32>,
      %get3A_931 = arith.constant 3648 : index
      %get3A_932 = tpu.vector_load %arg5[%get3A_931] {strides = array<i32>} : memref<4096xf32, #tpu.memory_space<vmem>>, vector<16xf32>,
      %get3A_933 = arith.constant 3664 : index
      %get3A_934 = tpu.vector_load %arg5[%get3A_933] {strides = array<i32>} : memref<4096xf32, #tpu.memory_space<vmem>>, vector<16xf32>,
      %get3A_935 = arith.constant 3680 : index
      %get3A_936 = tpu.vector_load %arg5[%get3A_935] {strides = array<i32>} : memref<4096xf32, #tpu.memory_space<vmem>>, vector<16xf32>,
      %get3A_937 = arith.constant 3696 : index
      %get3A_938 = tpu.vector_load %arg5[%get3A_937] {strides = array<i32>} : memref<4096xf32, #tpu.memory_space<vmem>>, vector<16xf32>,
      %parallel_loop3A_939 = arith.constant 0 : i32
      %parallel_loop3A_940 = arith.constant 32 : i32
      %parallel_loop3A_941 = arith.constant 1 : i32
      scf.for %parallel_loop3A_1159 = %parallel_loop3A_939 to %parallel_loop3A_940 step %parallel_loop3A_941  : i32 {
        %parallel_loop3A_1160 = arith.constant 16 : i32
        %parallel_loop3A_1161 = arith.muli %parallel_loop3A_1159, %parallel_loop3A_1160 : i32
        %parallel_loop3A_1162 = arith.index_cast %parallel_loop3A_1161 : i32 to index
        %parallel_loop3A_1163 = tpu.vector_load %arg8[%parallel_loop3A_1162] {strides = array<i32>} : memref<512xi32, #tpu.memory_space<vmem>>, vector<16xi32>,
        %parallel_loop3A_1164 = arith.constant 2 : i32
        %parallel_loop3A_1165 = vector.broadcast %parallel_loop3A_1164 : i32 to vector<16xi32>
        %parallel_loop3A_1166 = arith.cmpi eq, %parallel_loop3A_1163, %parallel_loop3A_1165 : vector<16xi32>
        %parallel_loop3A_1167 = arith.select %parallel_loop3A_1166, %get3A_908, %get3A_924 : vector<16xi1>, vector<16xf32>
        %parallel_loop3A_1168 = arith.constant 1 : i32
        %parallel_loop3A_1169 = vector.broadcast %parallel_loop3A_1168 : i32 to vector<16xi32>
        %parallel_loop3A_1170 = arith.cmpi eq, %parallel_loop3A_1163, %parallel_loop3A_1169 : vector<16xi32>
        %parallel_loop3A_1171 = arith.select %parallel_loop3A_1170, %get3A_892, %parallel_loop3A_1167 : vector<16xi1>, vector<16xf32>
        %parallel_loop3A_1172 = arith.constant 0 : i32
        %parallel_loop3A_1173 = vector.broadcast %parallel_loop3A_1172 : i32 to vector<16xi32>
        %parallel_loop3A_1174 = arith.cmpi eq, %parallel_loop3A_1163, %parallel_loop3A_1173 : vector<16xi32>
        %parallel_loop3A_1175 = arith.select %parallel_loop3A_1174, %get3A_876, %parallel_loop3A_1171 : vector<16xi1>, vector<16xf32>
        %parallel_loop3A_1176 = arith.constant 1 : i32
        %parallel_loop3A_1177 = arith.index_cast %parallel_loop3A_1176 : i32 to index
        %parallel_loop3A_1178 = arith.index_cast %parallel_loop3A_1159 : i32 to index
        %parallel_loop3A_1179 = arith.constant 512 : index
        %parallel_loop3A_1180 = tpu.vector_load %arg7[%parallel_loop3A_1177, %parallel_loop3A_1178, %parallel_loop3A_1179] {strides = array<i32>} : memref<2x32x1024xf32, #tpu.memory_space<vmem>>, vector<16xf32>,
        tpu.vector_store %arg7[%parallel_loop3A_1177, %parallel_loop3A_1178, %parallel_loop3A_1179], %parallel_loop3A_1175 {strides = array<i32>} : memref<2x32x1024xf32, #tpu.memory_space<vmem>>, vector<16xf32>,
        %parallel_loop3A_1181 = arith.constant 2 : i32
        %parallel_loop3A_1182 = vector.broadcast %parallel_loop3A_1181 : i32 to vector<16xi32>
        %parallel_loop3A_1183 = arith.cmpi eq, %parallel_loop3A_1163, %parallel_loop3A_1182 : vector<16xi32>
        %parallel_loop3A_1184 = arith.select %parallel_loop3A_1183, %get3A_910, %get3A_926 : vector<16xi1>, vector<16xf32>
        %parallel_loop3A_1185 = arith.constant 1 : i32
        %parallel_loop3A_1186 = vector.broadcast %parallel_loop3A_1185 : i32 to vector<16xi32>
        %parallel_loop3A_1187 = arith.cmpi eq, %parallel_loop3A_1163, %parallel_loop3A_1186 : vector<16xi32>
        %parallel_loop3A_1188 = arith.select %parallel_loop3A_1187, %get3A_894, %parallel_loop3A_1184 : vector<16xi1>, vector<16xf32>
        %parallel_loop3A_1189 = arith.constant 0 : i32
        %parallel_loop3A_1190 = vector.broadcast %parallel_loop3A_1189 : i32 to vector<16xi32>
        %parallel_loop3A_1191 = arith.cmpi eq, %parallel_loop3A_1163, %parallel_loop3A_1190 : vector<16xi32>
        %parallel_loop3A_1192 = arith.select %parallel_loop3A_1191, %get3A_878, %parallel_loop3A_1188 : vector<16xi1>, vector<16xf32>
        %parallel_loop3A_1193 = arith.constant 1 : i32
        %parallel_loop3A_1194 = arith.index_cast %parallel_loop3A_1193 : i32 to index
        %parallel_loop3A_1195 = arith.index_cast %parallel_loop3A_1159 : i32 to index
        %parallel_loop3A_1196 = arith.constant 528 : index
        %parallel_loop3A_1197 = tpu.vector_load %arg7[%parallel_loop3A_1194, %parallel_loop3A_1195, %parallel_loop3A_1196] {strides = array<i32>} : memref<2x32x1024xf32, #tpu.memory_space<vmem>>, vector<16xf32>,
        tpu.vector_store %arg7[%parallel_loop3A_1194, %parallel_loop3A_1195, %parallel_loop3A_1196], %parallel_loop3A_1192 {strides = array<i32>} : memref<2x32x1024xf32, #tpu.memory_space<vmem>>, vector<16xf32>,
        %parallel_loop3A_1198 = arith.constant 2 : i32
        %parallel_loop3A_1199 = vector.broadcast %parallel_loop3A_1198 : i32 to vector<16xi32>
        %parallel_loop3A_1200 = arith.cmpi eq, %parallel_loop3A_1163, %parallel_loop3A_1199 : vector<16xi32>
        %parallel_loop3A_1201 = arith.select %parallel_loop3A_1200, %get3A_912, %get3A_928 : vector<16xi1>, vector<16xf32>
        %parallel_loop3A_1202 = arith.constant 1 : i32
        %parallel_loop3A_1203 = vector.broadcast %parallel_loop3A_1202 : i32 to vector<16xi32>
        %parallel_loop3A_1204 = arith.cmpi eq, %parallel_loop3A_1163, %parallel_loop3A_1203 : vector<16xi32>
        %parallel_loop3A_1205 = arith.select %parallel_loop3A_1204, %get3A_896, %parallel_loop3A_1201 : vector<16xi1>, vector<16xf32>
        %parallel_loop3A_1206 = arith.constant 0 : i32
        %parallel_loop3A_1207 = vector.broadcast %parallel_loop3A_1206 : i32 to vector<16xi32>
        %parallel_loop3A_1208 = arith.cmpi eq, %parallel_loop3A_1163, %parallel_loop3A_1207 : vector<16xi32>
        %parallel_loop3A_1209 = arith.select %parallel_loop3A_1208, %get3A_880, %parallel_loop3A_1205 : vector<16xi1>, vector<16xf32>
        %parallel_loop3A_1210 = arith.constant 1 : i32
        %parallel_loop3A_1211 = arith.index_cast %parallel_loop3A_1210 : i32 to index
        %parallel_loop3A_1212 = arith.index_cast %parallel_loop3A_1159 : i32 to index
        %parallel_loop3A_1213 = arith.constant 544 : index
        %parallel_loop3A_1214 = tpu.vector_load %arg7[%parallel_loop3A_1211, %parallel_loop3A_1212, %parallel_loop3A_1213] {strides = array<i32>} : memref<2x32x1024xf32, #tpu.memory_space<vmem>>, vector<16xf32>,
        tpu.vector_store %arg7[%parallel_loop3A_1211, %parallel_loop3A_1212, %parallel_loop3A_1213], %parallel_loop3A_1209 {strides = array<i32>} : memref<2x32x1024xf32, #tpu.memory_space<vmem>>, vector<16xf32>,
        %parallel_loop3A_1215 = arith.constant 2 : i32
        %parallel_loop3A_1216 = vector.broadcast %parallel_loop3A_1215 : i32 to vector<16xi32>
        %parallel_loop3A_1217 = arith.cmpi eq, %parallel_loop3A_1163, %parallel_loop3A_1216 : vector<16xi32>
        %parallel_loop3A_1218 = arith.select %parallel_loop3A_1217, %get3A_914, %get3A_930 : vector<16xi1>, vector<16xf32>
        %parallel_loop3A_1219 = arith.constant 1 : i32
        %parallel_loop3A_1220 = vector.broadcast %parallel_loop3A_1219 : i32 to vector<16xi32>
        %parallel_loop3A_1221 = arith.cmpi eq, %parallel_loop3A_1163, %parallel_loop3A_1220 : vector<16xi32>
        %parallel_loop3A_1222 = arith.select %parallel_loop3A_1221, %get3A_898, %parallel_loop3A_1218 : vector<16xi1>, vector<16xf32>
        %parallel_loop3A_1223 = arith.constant 0 : i32
        %parallel_loop3A_1224 = vector.broadcast %parallel_loop3A_1223 : i32 to vector<16xi32>
        %parallel_loop3A_1225 = arith.cmpi eq, %parallel_loop3A_1163, %parallel_loop3A_1224 : vector<16xi32>
        %parallel_loop3A_1226 = arith.select %parallel_loop3A_1225, %get3A_882, %parallel_loop3A_1222 : vector<16xi1>, vector<16xf32>
        %parallel_loop3A_1227 = arith.constant 1 : i32
        %parallel_loop3A_1228 = arith.index_cast %parallel_loop3A_1227 : i32 to index
        %parallel_loop3A_1229 = arith.index_cast %parallel_loop3A_1159 : i32 to index
        %parallel_loop3A_1230 = arith.constant 560 : index
        %parallel_loop3A_1231 = tpu.vector_load %arg7[%parallel_loop3A_1228, %parallel_loop3A_1229, %parallel_loop3A_1230] {strides = array<i32>} : memref<2x32x1024xf32, #tpu.memory_space<vmem>>, vector<16xf32>,
        tpu.vector_store %arg7[%parallel_loop3A_1228, %parallel_loop3A_1229, %parallel_loop3A_1230], %parallel_loop3A_1226 {strides = array<i32>} : memref<2x32x1024xf32, #tpu.memory_space<vmem>>, vector<16xf32>,
        %parallel_loop3A_1232 = arith.constant 2 : i32
        %parallel_loop3A_1233 = vector.broadcast %parallel_loop3A_1232 : i32 to vector<16xi32>
        %parallel_loop3A_1234 = arith.cmpi eq, %parallel_loop3A_1163, %parallel_loop3A_1233 : vector<16xi32>
        %parallel_loop3A_1235 = arith.select %parallel_loop3A_1234, %get3A_916, %get3A_932 : vector<16xi1>, vector<16xf32>
        %parallel_loop3A_1236 = arith.constant 1 : i32
        %parallel_loop3A_1237 = vector.broadcast %parallel_loop3A_1236 : i32 to vector<16xi32>
        %parallel_loop3A_1238 = arith.cmpi eq, %parallel_loop3A_1163, %parallel_loop3A_1237 : vector<16xi32>
        %parallel_loop3A_1239 = arith.select %parallel_loop3A_1238, %get3A_900, %parallel_loop3A_1235 : vector<16xi1>, vector<16xf32>
        %parallel_loop3A_1240 = arith.constant 0 : i32
        %parallel_loop3A_1241 = vector.broadcast %parallel_loop3A_1240 : i32 to vector<16xi32>
        %parallel_loop3A_1242 = arith.cmpi eq, %parallel_loop3A_1163, %parallel_loop3A_1241 : vector<16xi32>
        %parallel_loop3A_1243 = arith.select %parallel_loop3A_1242, %get3A_884, %parallel_loop3A_1239 : vector<16xi1>, vector<16xf32>
        %parallel_loop3A_1244 = arith.constant 1 : i32
        %parallel_loop3A_1245 = arith.index_cast %parallel_loop3A_1244 : i32 to index
        %parallel_loop3A_1246 = arith.index_cast %parallel_loop3A_1159 : i32 to index
        %parallel_loop3A_1247 = arith.constant 576 : index
        %parallel_loop3A_1248 = tpu.vector_load %arg7[%parallel_loop3A_1245, %parallel_loop3A_1246, %parallel_loop3A_1247] {strides = array<i32>} : memref<2x32x1024xf32, #tpu.memory_space<vmem>>, vector<16xf32>,
        tpu.vector_store %arg7[%parallel_loop3A_1245, %parallel_loop3A_1246, %parallel_loop3A_1247], %parallel_loop3A_1243 {strides = array<i32>} : memref<2x32x1024xf32, #tpu.memory_space<vmem>>, vector<16xf32>,
        %parallel_loop3A_1249 = arith.constant 2 : i32
        %parallel_loop3A_1250 = vector.broadcast %parallel_loop3A_1249 : i32 to vector<16xi32>
        %parallel_loop3A_1251 = arith.cmpi eq, %parallel_loop3A_1163, %parallel_loop3A_1250 : vector<16xi32>
        %parallel_loop3A_1252 = arith.select %parallel_loop3A_1251, %get3A_918, %get3A_934 : vector<16xi1>, vector<16xf32>
        %parallel_loop3A_1253 = arith.constant 1 : i32
        %parallel_loop3A_1254 = vector.broadcast %parallel_loop3A_1253 : i32 to vector<16xi32>
        %parallel_loop3A_1255 = arith.cmpi eq, %parallel_loop3A_1163, %parallel_loop3A_1254 : vector<16xi32>
        %parallel_loop3A_1256 = arith.select %parallel_loop3A_1255, %get3A_902, %parallel_loop3A_1252 : vector<16xi1>, vector<16xf32>
        %parallel_loop3A_1257 = arith.constant 0 : i32
        %parallel_loop3A_1258 = vector.broadcast %parallel_loop3A_1257 : i32 to vector<16xi32>
        %parallel_loop3A_1259 = arith.cmpi eq, %parallel_loop3A_1163, %parallel_loop3A_1258 : vector<16xi32>
        %parallel_loop3A_1260 = arith.select %parallel_loop3A_1259, %get3A_886, %parallel_loop3A_1256 : vector<16xi1>, vector<16xf32>
        %parallel_loop3A_1261 = arith.constant 1 : i32
        %parallel_loop3A_1262 = arith.index_cast %parallel_loop3A_1261 : i32 to index
        %parallel_loop3A_1263 = arith.index_cast %parallel_loop3A_1159 : i32 to index
        %parallel_loop3A_1264 = arith.constant 592 : index
        %parallel_loop3A_1265 = tpu.vector_load %arg7[%parallel_loop3A_1262, %parallel_loop3A_1263, %parallel_loop3A_1264] {strides = array<i32>} : memref<2x32x1024xf32, #tpu.memory_space<vmem>>, vector<16xf32>,
        tpu.vector_store %arg7[%parallel_loop3A_1262, %parallel_loop3A_1263, %parallel_loop3A_1264], %parallel_loop3A_1260 {strides = array<i32>} : memref<2x32x1024xf32, #tpu.memory_space<vmem>>, vector<16xf32>,
        %parallel_loop3A_1266 = arith.constant 2 : i32
        %parallel_loop3A_1267 = vector.broadcast %parallel_loop3A_1266 : i32 to vector<16xi32>
        %parallel_loop3A_1268 = arith.cmpi eq, %parallel_loop3A_1163, %parallel_loop3A_1267 : vector<16xi32>
        %parallel_loop3A_1269 = arith.select %parallel_loop3A_1268, %get3A_920, %get3A_936 : vector<16xi1>, vector<16xf32>
        %parallel_loop3A_1270 = arith.constant 1 : i32
        %parallel_loop3A_1271 = vector.broadcast %parallel_loop3A_1270 : i32 to vector<16xi32>
        %parallel_loop3A_1272 = arith.cmpi eq, %parallel_loop3A_1163, %parallel_loop3A_1271 : vector<16xi32>
        %parallel_loop3A_1273 = arith.select %parallel_loop3A_1272, %get3A_904, %parallel_loop3A_1269 : vector<16xi1>, vector<16xf32>
        %parallel_loop3A_1274 = arith.constant 0 : i32
        %parallel_loop3A_1275 = vector.broadcast %parallel_loop3A_1274 : i32 to vector<16xi32>
        %parallel_loop3A_1276 = arith.cmpi eq, %parallel_loop3A_1163, %parallel_loop3A_1275 : vector<16xi32>
        %parallel_loop3A_1277 = arith.select %parallel_loop3A_1276, %get3A_888, %parallel_loop3A_1273 : vector<16xi1>, vector<16xf32>
        %parallel_loop3A_1278 = arith.constant 1 : i32
        %parallel_loop3A_1279 = arith.index_cast %parallel_loop3A_1278 : i32 to index
        %parallel_loop3A_1280 = arith.index_cast %parallel_loop3A_1159 : i32 to index
        %parallel_loop3A_1281 = arith.constant 608 : index
        %parallel_loop3A_1282 = tpu.vector_load %arg7[%parallel_loop3A_1279, %parallel_loop3A_1280, %parallel_loop3A_1281] {strides = array<i32>} : memref<2x32x1024xf32, #tpu.memory_space<vmem>>, vector<16xf32>,
        tpu.vector_store %arg7[%parallel_loop3A_1279, %parallel_loop3A_1280, %parallel_loop3A_1281], %parallel_loop3A_1277 {strides = array<i32>} : memref<2x32x1024xf32, #tpu.memory_space<vmem>>, vector<16xf32>,
        %parallel_loop3A_1283 = arith.constant 2 : i32
        %parallel_loop3A_1284 = vector.broadcast %parallel_loop3A_1283 : i32 to vector<16xi32>
        %parallel_loop3A_1285 = arith.cmpi eq, %parallel_loop3A_1163, %parallel_loop3A_1284 : vector<16xi32>
        %parallel_loop3A_1286 = arith.select %parallel_loop3A_1285, %get3A_922, %get3A_938 : vector<16xi1>, vector<16xf32>
        %parallel_loop3A_1287 = arith.constant 1 : i32
        %parallel_loop3A_1288 = vector.broadcast %parallel_loop3A_1287 : i32 to vector<16xi32>
        %parallel_loop3A_1289 = arith.cmpi eq, %parallel_loop3A_1163, %parallel_loop3A_1288 : vector<16xi32>
        %parallel_loop3A_1290 = arith.select %parallel_loop3A_1289, %get3A_906, %parallel_loop3A_1286 : vector<16xi1>, vector<16xf32>
        %parallel_loop3A_1291 = arith.constant 0 : i32
        %parallel_loop3A_1292 = vector.broadcast %parallel_loop3A_1291 : i32 to vector<16xi32>
        %parallel_loop3A_1293 = arith.cmpi eq, %parallel_loop3A_1163, %parallel_loop3A_1292 : vector<16xi32>
        %parallel_loop3A_1294 = arith.select %parallel_loop3A_1293, %get3A_890, %parallel_loop3A_1290 : vector<16xi1>, vector<16xf32>
        %parallel_loop3A_1295 = arith.constant 1 : i32
        %parallel_loop3A_1296 = arith.index_cast %parallel_loop3A_1295 : i32 to index
        %parallel_loop3A_1297 = arith.index_cast %parallel_loop3A_1159 : i32 to index
        %parallel_loop3A_1298 = arith.constant 624 : index
        %parallel_loop3A_1299 = tpu.vector_load %arg7[%parallel_loop3A_1296, %parallel_loop3A_1297, %parallel_loop3A_1298] {strides = array<i32>} : memref<2x32x1024xf32, #tpu.memory_space<vmem>>, vector<16xf32>,
        tpu.vector_store %arg7[%parallel_loop3A_1296, %parallel_loop3A_1297, %parallel_loop3A_1298], %parallel_loop3A_1294 {strides = array<i32>} : memref<2x32x1024xf32, #tpu.memory_space<vmem>>, vector<16xf32>,
      } {sc.loop_unroll_factor = 2 : i64, sc.parallel_access}
      %get3A_942 = arith.constant 640 : index
      %get3A_943 = tpu.vector_load %arg5[%get3A_942] {strides = array<i32>} : memref<4096xf32, #tpu.memory_space<vmem>>, vector<16xf32>,
      %get3A_944 = arith.constant 656 : index
      %get3A_945 = tpu.vector_load %arg5[%get3A_944] {strides = array<i32>} : memref<4096xf32, #tpu.memory_space<vmem>>, vector<16xf32>,
      %get3A_946 = arith.constant 672 : index
      %get3A_947 = tpu.vector_load %arg5[%get3A_946] {strides = array<i32>} : memref<4096xf32, #tpu.memory_space<vmem>>, vector<16xf32>,
      %get3A_948 = arith.constant 688 : index
      %get3A_949 = tpu.vector_load %arg5[%get3A_948] {strides = array<i32>} : memref<4096xf32, #tpu.memory_space<vmem>>, vector<16xf32>,
      %get3A_950 = arith.constant 704 : index
      %get3A_951 = tpu.vector_load %arg5[%get3A_950] {strides = array<i32>} : memref<4096xf32, #tpu.memory_space<vmem>>, vector<16xf32>,
      %get3A_952 = arith.constant 720 : index
      %get3A_953 = tpu.vector_load %arg5[%get3A_952] {strides = array<i32>} : memref<4096xf32, #tpu.memory_space<vmem>>, vector<16xf32>,
      %get3A_954 = arith.constant 736 : index
      %get3A_955 = tpu.vector_load %arg5[%get3A_954] {strides = array<i32>} : memref<4096xf32, #tpu.memory_space<vmem>>, vector<16xf32>,
      %get3A_956 = arith.constant 752 : index
      %get3A_957 = tpu.vector_load %arg5[%get3A_956] {strides = array<i32>} : memref<4096xf32, #tpu.memory_space<vmem>>, vector<16xf32>,
      %get3A_958 = arith.constant 1664 : index
      %get3A_959 = tpu.vector_load %arg5[%get3A_958] {strides = array<i32>} : memref<4096xf32, #tpu.memory_space<vmem>>, vector<16xf32>,
      %get3A_960 = arith.constant 1680 : index
      %get3A_961 = tpu.vector_load %arg5[%get3A_960] {strides = array<i32>} : memref<4096xf32, #tpu.memory_space<vmem>>, vector<16xf32>,
      %get3A_962 = arith.constant 1696 : index
      %get3A_963 = tpu.vector_load %arg5[%get3A_962] {strides = array<i32>} : memref<4096xf32, #tpu.memory_space<vmem>>, vector<16xf32>,
      %get3A_964 = arith.constant 1712 : index
      %get3A_965 = tpu.vector_load %arg5[%get3A_964] {strides = array<i32>} : memref<4096xf32, #tpu.memory_space<vmem>>, vector<16xf32>,
      %get3A_966 = arith.constant 1728 : index
      %get3A_967 = tpu.vector_load %arg5[%get3A_966] {strides = array<i32>} : memref<4096xf32, #tpu.memory_space<vmem>>, vector<16xf32>,
      %get3A_968 = arith.constant 1744 : index
      %get3A_969 = tpu.vector_load %arg5[%get3A_968] {strides = array<i32>} : memref<4096xf32, #tpu.memory_space<vmem>>, vector<16xf32>,
      %get3A_970 = arith.constant 1760 : index
      %get3A_971 = tpu.vector_load %arg5[%get3A_970] {strides = array<i32>} : memref<4096xf32, #tpu.memory_space<vmem>>, vector<16xf32>,
      %get3A_972 = arith.constant 1776 : index
      %get3A_973 = tpu.vector_load %arg5[%get3A_972] {strides = array<i32>} : memref<4096xf32, #tpu.memory_space<vmem>>, vector<16xf32>,
      %get3A_974 = arith.constant 2688 : index
      %get3A_975 = tpu.vector_load %arg5[%get3A_974] {strides = array<i32>} : memref<4096xf32, #tpu.memory_space<vmem>>, vector<16xf32>,
      %get3A_976 = arith.constant 2704 : index
      %get3A_977 = tpu.vector_load %arg5[%get3A_976] {strides = array<i32>} : memref<4096xf32, #tpu.memory_space<vmem>>, vector<16xf32>,
      %get3A_978 = arith.constant 2720 : index
      %get3A_979 = tpu.vector_load %arg5[%get3A_978] {strides = array<i32>} : memref<4096xf32, #tpu.memory_space<vmem>>, vector<16xf32>,
      %get3A_980 = arith.constant 2736 : index
      %get3A_981 = tpu.vector_load %arg5[%get3A_980] {strides = array<i32>} : memref<4096xf32, #tpu.memory_space<vmem>>, vector<16xf32>,
      %get3A_982 = arith.constant 2752 : index
      %get3A_983 = tpu.vector_load %arg5[%get3A_982] {strides = array<i32>} : memref<4096xf32, #tpu.memory_space<vmem>>, vector<16xf32>,
      %get3A_984 = arith.constant 2768 : index
      %get3A_985 = tpu.vector_load %arg5[%get3A_984] {strides = array<i32>} : memref<4096xf32, #tpu.memory_space<vmem>>, vector<16xf32>,
      %get3A_986 = arith.constant 2784 : index
      %get3A_987 = tpu.vector_load %arg5[%get3A_986] {strides = array<i32>} : memref<4096xf32, #tpu.memory_space<vmem>>, vector<16xf32>,
      %get3A_988 = arith.constant 2800 : index
      %get3A_989 = tpu.vector_load %arg5[%get3A_988] {strides = array<i32>} : memref<4096xf32, #tpu.memory_space<vmem>>, vector<16xf32>,
      %get3A_990 = arith.constant 3712 : index
      %get3A_991 = tpu.vector_load %arg5[%get3A_990] {strides = array<i32>} : memref<4096xf32, #tpu.memory_space<vmem>>, vector<16xf32>,
      %get3A_992 = arith.constant 3728 : index
      %get3A_993 = tpu.vector_load %arg5[%get3A_992] {strides = array<i32>} : memref<4096xf32, #tpu.memory_space<vmem>>, vector<16xf32>,
      %get3A_994 = arith.constant 3744 : index
      %get3A_995 = tpu.vector_load %arg5[%get3A_994] {strides = array<i32>} : memref<4096xf32, #tpu.memory_space<vmem>>, vector<16xf32>,
      %get3A_996 = arith.constant 3760 : index
      %get3A_997 = tpu.vector_load %arg5[%get3A_996] {strides = array<i32>} : memref<4096xf32, #tpu.memory_space<vmem>>, vector<16xf32>,
      %get3A_998 = arith.constant 3776 : index
      %get3A_999 = tpu.vector_load %arg5[%get3A_998] {strides = array<i32>} : memref<4096xf32, #tpu.memory_space<vmem>>, vector<16xf32>,
      %get3A_1000 = arith.constant 3792 : index
      %get3A_1001 = tpu.vector_load %arg5[%get3A_1000] {strides = array<i32>} : memref<4096xf32, #tpu.memory_space<vmem>>, vector<16xf32>,
      %get3A_1002 = arith.constant 3808 : index
      %get3A_1003 = tpu.vector_load %arg5[%get3A_1002] {strides = array<i32>} : memref<4096xf32, #tpu.memory_space<vmem>>, vector<16xf32>,
      %get3A_1004 = arith.constant 3824 : index
      %get3A_1005 = tpu.vector_load %arg5[%get3A_1004] {strides = array<i32>} : memref<4096xf32, #tpu.memory_space<vmem>>, vector<16xf32>,
      %parallel_loop3A_1006 = arith.constant 0 : i32
      %parallel_loop3A_1007 = arith.constant 32 : i32
      %parallel_loop3A_1008 = arith.constant 1 : i32
      scf.for %parallel_loop3A_1159 = %parallel_loop3A_1006 to %parallel_loop3A_1007 step %parallel_loop3A_1008  : i32 {
        %parallel_loop3A_1160 = arith.constant 16 : i32
        %parallel_loop3A_1161 = arith.muli %parallel_loop3A_1159, %parallel_loop3A_1160 : i32
        %parallel_loop3A_1162 = arith.index_cast %parallel_loop3A_1161 : i32 to index
        %parallel_loop3A_1163 = tpu.vector_load %arg8[%parallel_loop3A_1162] {strides = array<i32>} : memref<512xi32, #tpu.memory_space<vmem>>, vector<16xi32>,
        %parallel_loop3A_1164 = arith.constant 2 : i32
        %parallel_loop3A_1165 = vector.broadcast %parallel_loop3A_1164 : i32 to vector<16xi32>
        %parallel_loop3A_1166 = arith.cmpi eq, %parallel_loop3A_1163, %parallel_loop3A_1165 : vector<16xi32>
        %parallel_loop3A_1167 = arith.select %parallel_loop3A_1166, %get3A_975, %get3A_991 : vector<16xi1>, vector<16xf32>
        %parallel_loop3A_1168 = arith.constant 1 : i32
        %parallel_loop3A_1169 = vector.broadcast %parallel_loop3A_1168 : i32 to vector<16xi32>
        %parallel_loop3A_1170 = arith.cmpi eq, %parallel_loop3A_1163, %parallel_loop3A_1169 : vector<16xi32>
        %parallel_loop3A_1171 = arith.select %parallel_loop3A_1170, %get3A_959, %parallel_loop3A_1167 : vector<16xi1>, vector<16xf32>
        %parallel_loop3A_1172 = arith.constant 0 : i32
        %parallel_loop3A_1173 = vector.broadcast %parallel_loop3A_1172 : i32 to vector<16xi32>
        %parallel_loop3A_1174 = arith.cmpi eq, %parallel_loop3A_1163, %parallel_loop3A_1173 : vector<16xi32>
        %parallel_loop3A_1175 = arith.select %parallel_loop3A_1174, %get3A_943, %parallel_loop3A_1171 : vector<16xi1>, vector<16xf32>
        %parallel_loop3A_1176 = arith.constant 1 : i32
        %parallel_loop3A_1177 = arith.index_cast %parallel_loop3A_1176 : i32 to index
        %parallel_loop3A_1178 = arith.index_cast %parallel_loop3A_1159 : i32 to index
        %parallel_loop3A_1179 = arith.constant 640 : index
        %parallel_loop3A_1180 = tpu.vector_load %arg7[%parallel_loop3A_1177, %parallel_loop3A_1178, %parallel_loop3A_1179] {strides = array<i32>} : memref<2x32x1024xf32, #tpu.memory_space<vmem>>, vector<16xf32>,
        tpu.vector_store %arg7[%parallel_loop3A_1177, %parallel_loop3A_1178, %parallel_loop3A_1179], %parallel_loop3A_1175 {strides = array<i32>} : memref<2x32x1024xf32, #tpu.memory_space<vmem>>, vector<16xf32>,
        %parallel_loop3A_1181 = arith.constant 2 : i32
        %parallel_loop3A_1182 = vector.broadcast %parallel_loop3A_1181 : i32 to vector<16xi32>
        %parallel_loop3A_1183 = arith.cmpi eq, %parallel_loop3A_1163, %parallel_loop3A_1182 : vector<16xi32>
        %parallel_loop3A_1184 = arith.select %parallel_loop3A_1183, %get3A_977, %get3A_993 : vector<16xi1>, vector<16xf32>
        %parallel_loop3A_1185 = arith.constant 1 : i32
        %parallel_loop3A_1186 = vector.broadcast %parallel_loop3A_1185 : i32 to vector<16xi32>
        %parallel_loop3A_1187 = arith.cmpi eq, %parallel_loop3A_1163, %parallel_loop3A_1186 : vector<16xi32>
        %parallel_loop3A_1188 = arith.select %parallel_loop3A_1187, %get3A_961, %parallel_loop3A_1184 : vector<16xi1>, vector<16xf32>
        %parallel_loop3A_1189 = arith.constant 0 : i32
        %parallel_loop3A_1190 = vector.broadcast %parallel_loop3A_1189 : i32 to vector<16xi32>
        %parallel_loop3A_1191 = arith.cmpi eq, %parallel_loop3A_1163, %parallel_loop3A_1190 : vector<16xi32>
        %parallel_loop3A_1192 = arith.select %parallel_loop3A_1191, %get3A_945, %parallel_loop3A_1188 : vector<16xi1>, vector<16xf32>
        %parallel_loop3A_1193 = arith.constant 1 : i32
        %parallel_loop3A_1194 = arith.index_cast %parallel_loop3A_1193 : i32 to index
        %parallel_loop3A_1195 = arith.index_cast %parallel_loop3A_1159 : i32 to index
        %parallel_loop3A_1196 = arith.constant 656 : index
        %parallel_loop3A_1197 = tpu.vector_load %arg7[%parallel_loop3A_1194, %parallel_loop3A_1195, %parallel_loop3A_1196] {strides = array<i32>} : memref<2x32x1024xf32, #tpu.memory_space<vmem>>, vector<16xf32>,
        tpu.vector_store %arg7[%parallel_loop3A_1194, %parallel_loop3A_1195, %parallel_loop3A_1196], %parallel_loop3A_1192 {strides = array<i32>} : memref<2x32x1024xf32, #tpu.memory_space<vmem>>, vector<16xf32>,
        %parallel_loop3A_1198 = arith.constant 2 : i32
        %parallel_loop3A_1199 = vector.broadcast %parallel_loop3A_1198 : i32 to vector<16xi32>
        %parallel_loop3A_1200 = arith.cmpi eq, %parallel_loop3A_1163, %parallel_loop3A_1199 : vector<16xi32>
        %parallel_loop3A_1201 = arith.select %parallel_loop3A_1200, %get3A_979, %get3A_995 : vector<16xi1>, vector<16xf32>
        %parallel_loop3A_1202 = arith.constant 1 : i32
        %parallel_loop3A_1203 = vector.broadcast %parallel_loop3A_1202 : i32 to vector<16xi32>
        %parallel_loop3A_1204 = arith.cmpi eq, %parallel_loop3A_1163, %parallel_loop3A_1203 : vector<16xi32>
        %parallel_loop3A_1205 = arith.select %parallel_loop3A_1204, %get3A_963, %parallel_loop3A_1201 : vector<16xi1>, vector<16xf32>
        %parallel_loop3A_1206 = arith.constant 0 : i32
        %parallel_loop3A_1207 = vector.broadcast %parallel_loop3A_1206 : i32 to vector<16xi32>
        %parallel_loop3A_1208 = arith.cmpi eq, %parallel_loop3A_1163, %parallel_loop3A_1207 : vector<16xi32>
        %parallel_loop3A_1209 = arith.select %parallel_loop3A_1208, %get3A_947, %parallel_loop3A_1205 : vector<16xi1>, vector<16xf32>
        %parallel_loop3A_1210 = arith.constant 1 : i32
        %parallel_loop3A_1211 = arith.index_cast %parallel_loop3A_1210 : i32 to index
        %parallel_loop3A_1212 = arith.index_cast %parallel_loop3A_1159 : i32 to index
        %parallel_loop3A_1213 = arith.constant 672 : index
        %parallel_loop3A_1214 = tpu.vector_load %arg7[%parallel_loop3A_1211, %parallel_loop3A_1212, %parallel_loop3A_1213] {strides = array<i32>} : memref<2x32x1024xf32, #tpu.memory_space<vmem>>, vector<16xf32>,
        tpu.vector_store %arg7[%parallel_loop3A_1211, %parallel_loop3A_1212, %parallel_loop3A_1213], %parallel_loop3A_1209 {strides = array<i32>} : memref<2x32x1024xf32, #tpu.memory_space<vmem>>, vector<16xf32>,
        %parallel_loop3A_1215 = arith.constant 2 : i32
        %parallel_loop3A_1216 = vector.broadcast %parallel_loop3A_1215 : i32 to vector<16xi32>
        %parallel_loop3A_1217 = arith.cmpi eq, %parallel_loop3A_1163, %parallel_loop3A_1216 : vector<16xi32>
        %parallel_loop3A_1218 = arith.select %parallel_loop3A_1217, %get3A_981, %get3A_997 : vector<16xi1>, vector<16xf32>
        %parallel_loop3A_1219 = arith.constant 1 : i32
        %parallel_loop3A_1220 = vector.broadcast %parallel_loop3A_1219 : i32 to vector<16xi32>
        %parallel_loop3A_1221 = arith.cmpi eq, %parallel_loop3A_1163, %parallel_loop3A_1220 : vector<16xi32>
        %parallel_loop3A_1222 = arith.select %parallel_loop3A_1221, %get3A_965, %parallel_loop3A_1218 : vector<16xi1>, vector<16xf32>
        %parallel_loop3A_1223 = arith.constant 0 : i32
        %parallel_loop3A_1224 = vector.broadcast %parallel_loop3A_1223 : i32 to vector<16xi32>
        %parallel_loop3A_1225 = arith.cmpi eq, %parallel_loop3A_1163, %parallel_loop3A_1224 : vector<16xi32>
        %parallel_loop3A_1226 = arith.select %parallel_loop3A_1225, %get3A_949, %parallel_loop3A_1222 : vector<16xi1>, vector<16xf32>
        %parallel_loop3A_1227 = arith.constant 1 : i32
        %parallel_loop3A_1228 = arith.index_cast %parallel_loop3A_1227 : i32 to index
        %parallel_loop3A_1229 = arith.index_cast %parallel_loop3A_1159 : i32 to index
        %parallel_loop3A_1230 = arith.constant 688 : index
        %parallel_loop3A_1231 = tpu.vector_load %arg7[%parallel_loop3A_1228, %parallel_loop3A_1229, %parallel_loop3A_1230] {strides = array<i32>} : memref<2x32x1024xf32, #tpu.memory_space<vmem>>, vector<16xf32>,
        tpu.vector_store %arg7[%parallel_loop3A_1228, %parallel_loop3A_1229, %parallel_loop3A_1230], %parallel_loop3A_1226 {strides = array<i32>} : memref<2x32x1024xf32, #tpu.memory_space<vmem>>, vector<16xf32>,
        %parallel_loop3A_1232 = arith.constant 2 : i32
        %parallel_loop3A_1233 = vector.broadcast %parallel_loop3A_1232 : i32 to vector<16xi32>
        %parallel_loop3A_1234 = arith.cmpi eq, %parallel_loop3A_1163, %parallel_loop3A_1233 : vector<16xi32>
        %parallel_loop3A_1235 = arith.select %parallel_loop3A_1234, %get3A_983, %get3A_999 : vector<16xi1>, vector<16xf32>
        %parallel_loop3A_1236 = arith.constant 1 : i32
        %parallel_loop3A_1237 = vector.broadcast %parallel_loop3A_1236 : i32 to vector<16xi32>
        %parallel_loop3A_1238 = arith.cmpi eq, %parallel_loop3A_1163, %parallel_loop3A_1237 : vector<16xi32>
        %parallel_loop3A_1239 = arith.select %parallel_loop3A_1238, %get3A_967, %parallel_loop3A_1235 : vector<16xi1>, vector<16xf32>
        %parallel_loop3A_1240 = arith.constant 0 : i32
        %parallel_loop3A_1241 = vector.broadcast %parallel_loop3A_1240 : i32 to vector<16xi32>
        %parallel_loop3A_1242 = arith.cmpi eq, %parallel_loop3A_1163, %parallel_loop3A_1241 : vector<16xi32>
        %parallel_loop3A_1243 = arith.select %parallel_loop3A_1242, %get3A_951, %parallel_loop3A_1239 : vector<16xi1>, vector<16xf32>
        %parallel_loop3A_1244 = arith.constant 1 : i32
        %parallel_loop3A_1245 = arith.index_cast %parallel_loop3A_1244 : i32 to index
        %parallel_loop3A_1246 = arith.index_cast %parallel_loop3A_1159 : i32 to index
        %parallel_loop3A_1247 = arith.constant 704 : index
        %parallel_loop3A_1248 = tpu.vector_load %arg7[%parallel_loop3A_1245, %parallel_loop3A_1246, %parallel_loop3A_1247] {strides = array<i32>} : memref<2x32x1024xf32, #tpu.memory_space<vmem>>, vector<16xf32>,
        tpu.vector_store %arg7[%parallel_loop3A_1245, %parallel_loop3A_1246, %parallel_loop3A_1247], %parallel_loop3A_1243 {strides = array<i32>} : memref<2x32x1024xf32, #tpu.memory_space<vmem>>, vector<16xf32>,
        %parallel_loop3A_1249 = arith.constant 2 : i32
        %parallel_loop3A_1250 = vector.broadcast %parallel_loop3A_1249 : i32 to vector<16xi32>
        %parallel_loop3A_1251 = arith.cmpi eq, %parallel_loop3A_1163, %parallel_loop3A_1250 : vector<16xi32>
        %parallel_loop3A_1252 = arith.select %parallel_loop3A_1251, %get3A_985, %get3A_1001 : vector<16xi1>, vector<16xf32>
        %parallel_loop3A_1253 = arith.constant 1 : i32
        %parallel_loop3A_1254 = vector.broadcast %parallel_loop3A_1253 : i32 to vector<16xi32>
        %parallel_loop3A_1255 = arith.cmpi eq, %parallel_loop3A_1163, %parallel_loop3A_1254 : vector<16xi32>
        %parallel_loop3A_1256 = arith.select %parallel_loop3A_1255, %get3A_969, %parallel_loop3A_1252 : vector<16xi1>, vector<16xf32>
        %parallel_loop3A_1257 = arith.constant 0 : i32
        %parallel_loop3A_1258 = vector.broadcast %parallel_loop3A_1257 : i32 to vector<16xi32>
        %parallel_loop3A_1259 = arith.cmpi eq, %parallel_loop3A_1163, %parallel_loop3A_1258 : vector<16xi32>
        %parallel_loop3A_1260 = arith.select %parallel_loop3A_1259, %get3A_953, %parallel_loop3A_1256 : vector<16xi1>, vector<16xf32>
        %parallel_loop3A_1261 = arith.constant 1 : i32
        %parallel_loop3A_1262 = arith.index_cast %parallel_loop3A_1261 : i32 to index
        %parallel_loop3A_1263 = arith.index_cast %parallel_loop3A_1159 : i32 to index
        %parallel_loop3A_1264 = arith.constant 720 : index
        %parallel_loop3A_1265 = tpu.vector_load %arg7[%parallel_loop3A_1262, %parallel_loop3A_1263, %parallel_loop3A_1264] {strides = array<i32>} : memref<2x32x1024xf32, #tpu.memory_space<vmem>>, vector<16xf32>,
        tpu.vector_store %arg7[%parallel_loop3A_1262, %parallel_loop3A_1263, %parallel_loop3A_1264], %parallel_loop3A_1260 {strides = array<i32>} : memref<2x32x1024xf32, #tpu.memory_space<vmem>>, vector<16xf32>,
        %parallel_loop3A_1266 = arith.constant 2 : i32
        %parallel_loop3A_1267 = vector.broadcast %parallel_loop3A_1266 : i32 to vector<16xi32>
        %parallel_loop3A_1268 = arith.cmpi eq, %parallel_loop3A_1163, %parallel_loop3A_1267 : vector<16xi32>
        %parallel_loop3A_1269 = arith.select %parallel_loop3A_1268, %get3A_987, %get3A_1003 : vector<16xi1>, vector<16xf32>
        %parallel_loop3A_1270 = arith.constant 1 : i32
        %parallel_loop3A_1271 = vector.broadcast %parallel_loop3A_1270 : i32 to vector<16xi32>
        %parallel_loop3A_1272 = arith.cmpi eq, %parallel_loop3A_1163, %parallel_loop3A_1271 : vector<16xi32>
        %parallel_loop3A_1273 = arith.select %parallel_loop3A_1272, %get3A_971, %parallel_loop3A_1269 : vector<16xi1>, vector<16xf32>
        %parallel_loop3A_1274 = arith.constant 0 : i32
        %parallel_loop3A_1275 = vector.broadcast %parallel_loop3A_1274 : i32 to vector<16xi32>
        %parallel_loop3A_1276 = arith.cmpi eq, %parallel_loop3A_1163, %parallel_loop3A_1275 : vector<16xi32>
        %parallel_loop3A_1277 = arith.select %parallel_loop3A_1276, %get3A_955, %parallel_loop3A_1273 : vector<16xi1>, vector<16xf32>
        %parallel_loop3A_1278 = arith.constant 1 : i32
        %parallel_loop3A_1279 = arith.index_cast %parallel_loop3A_1278 : i32 to index
        %parallel_loop3A_1280 = arith.index_cast %parallel_loop3A_1159 : i32 to index
        %parallel_loop3A_1281 = arith.constant 736 : index
        %parallel_loop3A_1282 = tpu.vector_load %arg7[%parallel_loop3A_1279, %parallel_loop3A_1280, %parallel_loop3A_1281] {strides = array<i32>} : memref<2x32x1024xf32, #tpu.memory_space<vmem>>, vector<16xf32>,
        tpu.vector_store %arg7[%parallel_loop3A_1279, %parallel_loop3A_1280, %parallel_loop3A_1281], %parallel_loop3A_1277 {strides = array<i32>} : memref<2x32x1024xf32, #tpu.memory_space<vmem>>, vector<16xf32>,
        %parallel_loop3A_1283 = arith.constant 2 : i32
        %parallel_loop3A_1284 = vector.broadcast %parallel_loop3A_1283 : i32 to vector<16xi32>
        %parallel_loop3A_1285 = arith.cmpi eq, %parallel_loop3A_1163, %parallel_loop3A_1284 : vector<16xi32>
        %parallel_loop3A_1286 = arith.select %parallel_loop3A_1285, %get3A_989, %get3A_1005 : vector<16xi1>, vector<16xf32>
        %parallel_loop3A_1287 = arith.constant 1 : i32
        %parallel_loop3A_1288 = vector.broadcast %parallel_loop3A_1287 : i32 to vector<16xi32>
        %parallel_loop3A_1289 = arith.cmpi eq, %parallel_loop3A_1163, %parallel_loop3A_1288 : vector<16xi32>
        %parallel_loop3A_1290 = arith.select %parallel_loop3A_1289, %get3A_973, %parallel_loop3A_1286 : vector<16xi1>, vector<16xf32>
        %parallel_loop3A_1291 = arith.constant 0 : i32
        %parallel_loop3A_1292 = vector.broadcast %parallel_loop3A_1291 : i32 to vector<16xi32>
        %parallel_loop3A_1293 = arith.cmpi eq, %parallel_loop3A_1163, %parallel_loop3A_1292 : vector<16xi32>
        %parallel_loop3A_1294 = arith.select %parallel_loop3A_1293, %get3A_957, %parallel_loop3A_1290 : vector<16xi1>, vector<16xf32>
        %parallel_loop3A_1295 = arith.constant 1 : i32
        %parallel_loop3A_1296 = arith.index_cast %parallel_loop3A_1295 : i32 to index
        %parallel_loop3A_1297 = arith.index_cast %parallel_loop3A_1159 : i32 to index
        %parallel_loop3A_1298 = arith.constant 752 : index
        %parallel_loop3A_1299 = tpu.vector_load %arg7[%parallel_loop3A_1296, %parallel_loop3A_1297, %parallel_loop3A_1298] {strides = array<i32>} : memref<2x32x1024xf32, #tpu.memory_space<vmem>>, vector<16xf32>,
        tpu.vector_store %arg7[%parallel_loop3A_1296, %parallel_loop3A_1297, %parallel_loop3A_1298], %parallel_loop3A_1294 {strides = array<i32>} : memref<2x32x1024xf32, #tpu.memory_space<vmem>>, vector<16xf32>,
      } {sc.loop_unroll_factor = 2 : i64, sc.parallel_access}
      %get3A_1009 = arith.constant 768 : index
      %get3A_1010 = tpu.vector_load %arg5[%get3A_1009] {strides = array<i32>} : memref<4096xf32, #tpu.memory_space<vmem>>, vector<16xf32>,
      %get3A_1011 = arith.constant 784 : index
      %get3A_1012 = tpu.vector_load %arg5[%get3A_1011] {strides = array<i32>} : memref<4096xf32, #tpu.memory_space<vmem>>, vector<16xf32>,
      %get3A_1013 = arith.constant 800 : index
      %get3A_1014 = tpu.vector_load %arg5[%get3A_1013] {strides = array<i32>} : memref<4096xf32, #tpu.memory_space<vmem>>, vector<16xf32>,
      %get3A_1015 = arith.constant 816 : index
      %get3A_1016 = tpu.vector_load %arg5[%get3A_1015] {strides = array<i32>} : memref<4096xf32, #tpu.memory_space<vmem>>, vector<16xf32>,
      %get3A_1017 = arith.constant 832 : index
      %get3A_1018 = tpu.vector_load %arg5[%get3A_1017] {strides = array<i32>} : memref<4096xf32, #tpu.memory_space<vmem>>, vector<16xf32>,
      %get3A_1019 = arith.constant 848 : index
      %get3A_1020 = tpu.vector_load %arg5[%get3A_1019] {strides = array<i32>} : memref<4096xf32, #tpu.memory_space<vmem>>, vector<16xf32>,
      %get3A_1021 = arith.constant 864 : index
      %get3A_1022 = tpu.vector_load %arg5[%get3A_1021] {strides = array<i32>} : memref<4096xf32, #tpu.memory_space<vmem>>, vector<16xf32>,
      %get3A_1023 = arith.constant 880 : index
      %get3A_1024 = tpu.vector_load %arg5[%get3A_1023] {strides = array<i32>} : memref<4096xf32, #tpu.memory_space<vmem>>, vector<16xf32>,
      %get3A_1025 = arith.constant 1792 : index
      %get3A_1026 = tpu.vector_load %arg5[%get3A_1025] {strides = array<i32>} : memref<4096xf32, #tpu.memory_space<vmem>>, vector<16xf32>,
      %get3A_1027 = arith.constant 1808 : index
      %get3A_1028 = tpu.vector_load %arg5[%get3A_1027] {strides = array<i32>} : memref<4096xf32, #tpu.memory_space<vmem>>, vector<16xf32>,
      %get3A_1029 = arith.constant 1824 : index
      %get3A_1030 = tpu.vector_load %arg5[%get3A_1029] {strides = array<i32>} : memref<4096xf32, #tpu.memory_space<vmem>>, vector<16xf32>,
      %get3A_1031 = arith.constant 1840 : index
      %get3A_1032 = tpu.vector_load %arg5[%get3A_1031] {strides = array<i32>} : memref<4096xf32, #tpu.memory_space<vmem>>, vector<16xf32>,
      %get3A_1033 = arith.constant 1856 : index
      %get3A_1034 = tpu.vector_load %arg5[%get3A_1033] {strides = array<i32>} : memref<4096xf32, #tpu.memory_space<vmem>>, vector<16xf32>,
      %get3A_1035 = arith.constant 1872 : index
      %get3A_1036 = tpu.vector_load %arg5[%get3A_1035] {strides = array<i32>} : memref<4096xf32, #tpu.memory_space<vmem>>, vector<16xf32>,
      %get3A_1037 = arith.constant 1888 : index
      %get3A_1038 = tpu.vector_load %arg5[%get3A_1037] {strides = array<i32>} : memref<4096xf32, #tpu.memory_space<vmem>>, vector<16xf32>,
      %get3A_1039 = arith.constant 1904 : index
      %get3A_1040 = tpu.vector_load %arg5[%get3A_1039] {strides = array<i32>} : memref<4096xf32, #tpu.memory_space<vmem>>, vector<16xf32>,
      %get3A_1041 = arith.constant 2816 : index
      %get3A_1042 = tpu.vector_load %arg5[%get3A_1041] {strides = array<i32>} : memref<4096xf32, #tpu.memory_space<vmem>>, vector<16xf32>,
      %get3A_1043 = arith.constant 2832 : index
      %get3A_1044 = tpu.vector_load %arg5[%get3A_1043] {strides = array<i32>} : memref<4096xf32, #tpu.memory_space<vmem>>, vector<16xf32>,
      %get3A_1045 = arith.constant 2848 : index
      %get3A_1046 = tpu.vector_load %arg5[%get3A_1045] {strides = array<i32>} : memref<4096xf32, #tpu.memory_space<vmem>>, vector<16xf32>,
      %get3A_1047 = arith.constant 2864 : index
      %get3A_1048 = tpu.vector_load %arg5[%get3A_1047] {strides = array<i32>} : memref<4096xf32, #tpu.memory_space<vmem>>, vector<16xf32>,
      %get3A_1049 = arith.constant 2880 : index
      %get3A_1050 = tpu.vector_load %arg5[%get3A_1049] {strides = array<i32>} : memref<4096xf32, #tpu.memory_space<vmem>>, vector<16xf32>,
      %get3A_1051 = arith.constant 2896 : index
      %get3A_1052 = tpu.vector_load %arg5[%get3A_1051] {strides = array<i32>} : memref<4096xf32, #tpu.memory_space<vmem>>, vector<16xf32>,
      %get3A_1053 = arith.constant 2912 : index
      %get3A_1054 = tpu.vector_load %arg5[%get3A_1053] {strides = array<i32>} : memref<4096xf32, #tpu.memory_space<vmem>>, vector<16xf32>,
      %get3A_1055 = arith.constant 2928 : index
      %get3A_1056 = tpu.vector_load %arg5[%get3A_1055] {strides = array<i32>} : memref<4096xf32, #tpu.memory_space<vmem>>, vector<16xf32>,
      %get3A_1057 = arith.constant 3840 : index
      %get3A_1058 = tpu.vector_load %arg5[%get3A_1057] {strides = array<i32>} : memref<4096xf32, #tpu.memory_space<vmem>>, vector<16xf32>,
      %get3A_1059 = arith.constant 3856 : index
      %get3A_1060 = tpu.vector_load %arg5[%get3A_1059] {strides = array<i32>} : memref<4096xf32, #tpu.memory_space<vmem>>, vector<16xf32>,
      %get3A_1061 = arith.constant 3872 : index
      %get3A_1062 = tpu.vector_load %arg5[%get3A_1061] {strides = array<i32>} : memref<4096xf32, #tpu.memory_space<vmem>>, vector<16xf32>,
      %get3A_1063 = arith.constant 3888 : index
      %get3A_1064 = tpu.vector_load %arg5[%get3A_1063] {strides = array<i32>} : memref<4096xf32, #tpu.memory_space<vmem>>, vector<16xf32>,
      %get3A_1065 = arith.constant 3904 : index
      %get3A_1066 = tpu.vector_load %arg5[%get3A_1065] {strides = array<i32>} : memref<4096xf32, #tpu.memory_space<vmem>>, vector<16xf32>,
      %get3A_1067 = arith.constant 3920 : index
      %get3A_1068 = tpu.vector_load %arg5[%get3A_1067] {strides = array<i32>} : memref<4096xf32, #tpu.memory_space<vmem>>, vector<16xf32>,
      %get3A_1069 = arith.constant 3936 : index
      %get3A_1070 = tpu.vector_load %arg5[%get3A_1069] {strides = array<i32>} : memref<4096xf32, #tpu.memory_space<vmem>>, vector<16xf32>,
      %get3A_1071 = arith.constant 3952 : index
      %get3A_1072 = tpu.vector_load %arg5[%get3A_1071] {strides = array<i32>} : memref<4096xf32, #tpu.memory_space<vmem>>, vector<16xf32>,
      %parallel_loop3A_1073 = arith.constant 0 : i32
      %parallel_loop3A_1074 = arith.constant 32 : i32
      %parallel_loop3A_1075 = arith.constant 1 : i32
      scf.for %parallel_loop3A_1159 = %parallel_loop3A_1073 to %parallel_loop3A_1074 step %parallel_loop3A_1075  : i32 {
        %parallel_loop3A_1160 = arith.constant 16 : i32
        %parallel_loop3A_1161 = arith.muli %parallel_loop3A_1159, %parallel_loop3A_1160 : i32
        %parallel_loop3A_1162 = arith.index_cast %parallel_loop3A_1161 : i32 to index
        %parallel_loop3A_1163 = tpu.vector_load %arg8[%parallel_loop3A_1162] {strides = array<i32>} : memref<512xi32, #tpu.memory_space<vmem>>, vector<16xi32>,
        %parallel_loop3A_1164 = arith.constant 2 : i32
        %parallel_loop3A_1165 = vector.broadcast %parallel_loop3A_1164 : i32 to vector<16xi32>
        %parallel_loop3A_1166 = arith.cmpi eq, %parallel_loop3A_1163, %parallel_loop3A_1165 : vector<16xi32>
        %parallel_loop3A_1167 = arith.select %parallel_loop3A_1166, %get3A_1042, %get3A_1058 : vector<16xi1>, vector<16xf32>
        %parallel_loop3A_1168 = arith.constant 1 : i32
        %parallel_loop3A_1169 = vector.broadcast %parallel_loop3A_1168 : i32 to vector<16xi32>
        %parallel_loop3A_1170 = arith.cmpi eq, %parallel_loop3A_1163, %parallel_loop3A_1169 : vector<16xi32>
        %parallel_loop3A_1171 = arith.select %parallel_loop3A_1170, %get3A_1026, %parallel_loop3A_1167 : vector<16xi1>, vector<16xf32>
        %parallel_loop3A_1172 = arith.constant 0 : i32
        %parallel_loop3A_1173 = vector.broadcast %parallel_loop3A_1172 : i32 to vector<16xi32>
        %parallel_loop3A_1174 = arith.cmpi eq, %parallel_loop3A_1163, %parallel_loop3A_1173 : vector<16xi32>
        %parallel_loop3A_1175 = arith.select %parallel_loop3A_1174, %get3A_1010, %parallel_loop3A_1171 : vector<16xi1>, vector<16xf32>
        %parallel_loop3A_1176 = arith.constant 1 : i32
        %parallel_loop3A_1177 = arith.index_cast %parallel_loop3A_1176 : i32 to index
        %parallel_loop3A_1178 = arith.index_cast %parallel_loop3A_1159 : i32 to index
        %parallel_loop3A_1179 = arith.constant 768 : index
        %parallel_loop3A_1180 = tpu.vector_load %arg7[%parallel_loop3A_1177, %parallel_loop3A_1178, %parallel_loop3A_1179] {strides = array<i32>} : memref<2x32x1024xf32, #tpu.memory_space<vmem>>, vector<16xf32>,
        tpu.vector_store %arg7[%parallel_loop3A_1177, %parallel_loop3A_1178, %parallel_loop3A_1179], %parallel_loop3A_1175 {strides = array<i32>} : memref<2x32x1024xf32, #tpu.memory_space<vmem>>, vector<16xf32>,
        %parallel_loop3A_1181 = arith.constant 2 : i32
        %parallel_loop3A_1182 = vector.broadcast %parallel_loop3A_1181 : i32 to vector<16xi32>
        %parallel_loop3A_1183 = arith.cmpi eq, %parallel_loop3A_1163, %parallel_loop3A_1182 : vector<16xi32>
        %parallel_loop3A_1184 = arith.select %parallel_loop3A_1183, %get3A_1044, %get3A_1060 : vector<16xi1>, vector<16xf32>
        %parallel_loop3A_1185 = arith.constant 1 : i32
        %parallel_loop3A_1186 = vector.broadcast %parallel_loop3A_1185 : i32 to vector<16xi32>
        %parallel_loop3A_1187 = arith.cmpi eq, %parallel_loop3A_1163, %parallel_loop3A_1186 : vector<16xi32>
        %parallel_loop3A_1188 = arith.select %parallel_loop3A_1187, %get3A_1028, %parallel_loop3A_1184 : vector<16xi1>, vector<16xf32>
        %parallel_loop3A_1189 = arith.constant 0 : i32
        %parallel_loop3A_1190 = vector.broadcast %parallel_loop3A_1189 : i32 to vector<16xi32>
        %parallel_loop3A_1191 = arith.cmpi eq, %parallel_loop3A_1163, %parallel_loop3A_1190 : vector<16xi32>
        %parallel_loop3A_1192 = arith.select %parallel_loop3A_1191, %get3A_1012, %parallel_loop3A_1188 : vector<16xi1>, vector<16xf32>
        %parallel_loop3A_1193 = arith.constant 1 : i32
        %parallel_loop3A_1194 = arith.index_cast %parallel_loop3A_1193 : i32 to index
        %parallel_loop3A_1195 = arith.index_cast %parallel_loop3A_1159 : i32 to index
        %parallel_loop3A_1196 = arith.constant 784 : index
        %parallel_loop3A_1197 = tpu.vector_load %arg7[%parallel_loop3A_1194, %parallel_loop3A_1195, %parallel_loop3A_1196] {strides = array<i32>} : memref<2x32x1024xf32, #tpu.memory_space<vmem>>, vector<16xf32>,
        tpu.vector_store %arg7[%parallel_loop3A_1194, %parallel_loop3A_1195, %parallel_loop3A_1196], %parallel_loop3A_1192 {strides = array<i32>} : memref<2x32x1024xf32, #tpu.memory_space<vmem>>, vector<16xf32>,
        %parallel_loop3A_1198 = arith.constant 2 : i32
        %parallel_loop3A_1199 = vector.broadcast %parallel_loop3A_1198 : i32 to vector<16xi32>
        %parallel_loop3A_1200 = arith.cmpi eq, %parallel_loop3A_1163, %parallel_loop3A_1199 : vector<16xi32>
        %parallel_loop3A_1201 = arith.select %parallel_loop3A_1200, %get3A_1046, %get3A_1062 : vector<16xi1>, vector<16xf32>
        %parallel_loop3A_1202 = arith.constant 1 : i32
        %parallel_loop3A_1203 = vector.broadcast %parallel_loop3A_1202 : i32 to vector<16xi32>
        %parallel_loop3A_1204 = arith.cmpi eq, %parallel_loop3A_1163, %parallel_loop3A_1203 : vector<16xi32>
        %parallel_loop3A_1205 = arith.select %parallel_loop3A_1204, %get3A_1030, %parallel_loop3A_1201 : vector<16xi1>, vector<16xf32>
        %parallel_loop3A_1206 = arith.constant 0 : i32
        %parallel_loop3A_1207 = vector.broadcast %parallel_loop3A_1206 : i32 to vector<16xi32>
        %parallel_loop3A_1208 = arith.cmpi eq, %parallel_loop3A_1163, %parallel_loop3A_1207 : vector<16xi32>
        %parallel_loop3A_1209 = arith.select %parallel_loop3A_1208, %get3A_1014, %parallel_loop3A_1205 : vector<16xi1>, vector<16xf32>
        %parallel_loop3A_1210 = arith.constant 1 : i32
        %parallel_loop3A_1211 = arith.index_cast %parallel_loop3A_1210 : i32 to index
        %parallel_loop3A_1212 = arith.index_cast %parallel_loop3A_1159 : i32 to index
        %parallel_loop3A_1213 = arith.constant 800 : index
        %parallel_loop3A_1214 = tpu.vector_load %arg7[%parallel_loop3A_1211, %parallel_loop3A_1212, %parallel_loop3A_1213] {strides = array<i32>} : memref<2x32x1024xf32, #tpu.memory_space<vmem>>, vector<16xf32>,
        tpu.vector_store %arg7[%parallel_loop3A_1211, %parallel_loop3A_1212, %parallel_loop3A_1213], %parallel_loop3A_1209 {strides = array<i32>} : memref<2x32x1024xf32, #tpu.memory_space<vmem>>, vector<16xf32>,
        %parallel_loop3A_1215 = arith.constant 2 : i32
        %parallel_loop3A_1216 = vector.broadcast %parallel_loop3A_1215 : i32 to vector<16xi32>
        %parallel_loop3A_1217 = arith.cmpi eq, %parallel_loop3A_1163, %parallel_loop3A_1216 : vector<16xi32>
        %parallel_loop3A_1218 = arith.select %parallel_loop3A_1217, %get3A_1048, %get3A_1064 : vector<16xi1>, vector<16xf32>
        %parallel_loop3A_1219 = arith.constant 1 : i32
        %parallel_loop3A_1220 = vector.broadcast %parallel_loop3A_1219 : i32 to vector<16xi32>
        %parallel_loop3A_1221 = arith.cmpi eq, %parallel_loop3A_1163, %parallel_loop3A_1220 : vector<16xi32>
        %parallel_loop3A_1222 = arith.select %parallel_loop3A_1221, %get3A_1032, %parallel_loop3A_1218 : vector<16xi1>, vector<16xf32>
        %parallel_loop3A_1223 = arith.constant 0 : i32
        %parallel_loop3A_1224 = vector.broadcast %parallel_loop3A_1223 : i32 to vector<16xi32>
        %parallel_loop3A_1225 = arith.cmpi eq, %parallel_loop3A_1163, %parallel_loop3A_1224 : vector<16xi32>
        %parallel_loop3A_1226 = arith.select %parallel_loop3A_1225, %get3A_1016, %parallel_loop3A_1222 : vector<16xi1>, vector<16xf32>
        %parallel_loop3A_1227 = arith.constant 1 : i32
        %parallel_loop3A_1228 = arith.index_cast %parallel_loop3A_1227 : i32 to index
        %parallel_loop3A_1229 = arith.index_cast %parallel_loop3A_1159 : i32 to index
        %parallel_loop3A_1230 = arith.constant 816 : index
        %parallel_loop3A_1231 = tpu.vector_load %arg7[%parallel_loop3A_1228, %parallel_loop3A_1229, %parallel_loop3A_1230] {strides = array<i32>} : memref<2x32x1024xf32, #tpu.memory_space<vmem>>, vector<16xf32>,
        tpu.vector_store %arg7[%parallel_loop3A_1228, %parallel_loop3A_1229, %parallel_loop3A_1230], %parallel_loop3A_1226 {strides = array<i32>} : memref<2x32x1024xf32, #tpu.memory_space<vmem>>, vector<16xf32>,
        %parallel_loop3A_1232 = arith.constant 2 : i32
        %parallel_loop3A_1233 = vector.broadcast %parallel_loop3A_1232 : i32 to vector<16xi32>
        %parallel_loop3A_1234 = arith.cmpi eq, %parallel_loop3A_1163, %parallel_loop3A_1233 : vector<16xi32>
        %parallel_loop3A_1235 = arith.select %parallel_loop3A_1234, %get3A_1050, %get3A_1066 : vector<16xi1>, vector<16xf32>
        %parallel_loop3A_1236 = arith.constant 1 : i32
        %parallel_loop3A_1237 = vector.broadcast %parallel_loop3A_1236 : i32 to vector<16xi32>
        %parallel_loop3A_1238 = arith.cmpi eq, %parallel_loop3A_1163, %parallel_loop3A_1237 : vector<16xi32>
        %parallel_loop3A_1239 = arith.select %parallel_loop3A_1238, %get3A_1034, %parallel_loop3A_1235 : vector<16xi1>, vector<16xf32>
        %parallel_loop3A_1240 = arith.constant 0 : i32
        %parallel_loop3A_1241 = vector.broadcast %parallel_loop3A_1240 : i32 to vector<16xi32>
        %parallel_loop3A_1242 = arith.cmpi eq, %parallel_loop3A_1163, %parallel_loop3A_1241 : vector<16xi32>
        %parallel_loop3A_1243 = arith.select %parallel_loop3A_1242, %get3A_1018, %parallel_loop3A_1239 : vector<16xi1>, vector<16xf32>
        %parallel_loop3A_1244 = arith.constant 1 : i32
        %parallel_loop3A_1245 = arith.index_cast %parallel_loop3A_1244 : i32 to index
        %parallel_loop3A_1246 = arith.index_cast %parallel_loop3A_1159 : i32 to index
        %parallel_loop3A_1247 = arith.constant 832 : index
        %parallel_loop3A_1248 = tpu.vector_load %arg7[%parallel_loop3A_1245, %parallel_loop3A_1246, %parallel_loop3A_1247] {strides = array<i32>} : memref<2x32x1024xf32, #tpu.memory_space<vmem>>, vector<16xf32>,
        tpu.vector_store %arg7[%parallel_loop3A_1245, %parallel_loop3A_1246, %parallel_loop3A_1247], %parallel_loop3A_1243 {strides = array<i32>} : memref<2x32x1024xf32, #tpu.memory_space<vmem>>, vector<16xf32>,
        %parallel_loop3A_1249 = arith.constant 2 : i32
        %parallel_loop3A_1250 = vector.broadcast %parallel_loop3A_1249 : i32 to vector<16xi32>
        %parallel_loop3A_1251 = arith.cmpi eq, %parallel_loop3A_1163, %parallel_loop3A_1250 : vector<16xi32>
        %parallel_loop3A_1252 = arith.select %parallel_loop3A_1251, %get3A_1052, %get3A_1068 : vector<16xi1>, vector<16xf32>
        %parallel_loop3A_1253 = arith.constant 1 : i32
        %parallel_loop3A_1254 = vector.broadcast %parallel_loop3A_1253 : i32 to vector<16xi32>
        %parallel_loop3A_1255 = arith.cmpi eq, %parallel_loop3A_1163, %parallel_loop3A_1254 : vector<16xi32>
        %parallel_loop3A_1256 = arith.select %parallel_loop3A_1255, %get3A_1036, %parallel_loop3A_1252 : vector<16xi1>, vector<16xf32>
        %parallel_loop3A_1257 = arith.constant 0 : i32
        %parallel_loop3A_1258 = vector.broadcast %parallel_loop3A_1257 : i32 to vector<16xi32>
        %parallel_loop3A_1259 = arith.cmpi eq, %parallel_loop3A_1163, %parallel_loop3A_1258 : vector<16xi32>
        %parallel_loop3A_1260 = arith.select %parallel_loop3A_1259, %get3A_1020, %parallel_loop3A_1256 : vector<16xi1>, vector<16xf32>
        %parallel_loop3A_1261 = arith.constant 1 : i32
        %parallel_loop3A_1262 = arith.index_cast %parallel_loop3A_1261 : i32 to index
        %parallel_loop3A_1263 = arith.index_cast %parallel_loop3A_1159 : i32 to index
        %parallel_loop3A_1264 = arith.constant 848 : index
        %parallel_loop3A_1265 = tpu.vector_load %arg7[%parallel_loop3A_1262, %parallel_loop3A_1263, %parallel_loop3A_1264] {strides = array<i32>} : memref<2x32x1024xf32, #tpu.memory_space<vmem>>, vector<16xf32>,
        tpu.vector_store %arg7[%parallel_loop3A_1262, %parallel_loop3A_1263, %parallel_loop3A_1264], %parallel_loop3A_1260 {strides = array<i32>} : memref<2x32x1024xf32, #tpu.memory_space<vmem>>, vector<16xf32>,
        %parallel_loop3A_1266 = arith.constant 2 : i32
        %parallel_loop3A_1267 = vector.broadcast %parallel_loop3A_1266 : i32 to vector<16xi32>
        %parallel_loop3A_1268 = arith.cmpi eq, %parallel_loop3A_1163, %parallel_loop3A_1267 : vector<16xi32>
        %parallel_loop3A_1269 = arith.select %parallel_loop3A_1268, %get3A_1054, %get3A_1070 : vector<16xi1>, vector<16xf32>
        %parallel_loop3A_1270 = arith.constant 1 : i32
        %parallel_loop3A_1271 = vector.broadcast %parallel_loop3A_1270 : i32 to vector<16xi32>
        %parallel_loop3A_1272 = arith.cmpi eq, %parallel_loop3A_1163, %parallel_loop3A_1271 : vector<16xi32>
        %parallel_loop3A_1273 = arith.select %parallel_loop3A_1272, %get3A_1038, %parallel_loop3A_1269 : vector<16xi1>, vector<16xf32>
        %parallel_loop3A_1274 = arith.constant 0 : i32
        %parallel_loop3A_1275 = vector.broadcast %parallel_loop3A_1274 : i32 to vector<16xi32>
        %parallel_loop3A_1276 = arith.cmpi eq, %parallel_loop3A_1163, %parallel_loop3A_1275 : vector<16xi32>
        %parallel_loop3A_1277 = arith.select %parallel_loop3A_1276, %get3A_1022, %parallel_loop3A_1273 : vector<16xi1>, vector<16xf32>
        %parallel_loop3A_1278 = arith.constant 1 : i32
        %parallel_loop3A_1279 = arith.index_cast %parallel_loop3A_1278 : i32 to index
        %parallel_loop3A_1280 = arith.index_cast %parallel_loop3A_1159 : i32 to index
        %parallel_loop3A_1281 = arith.constant 864 : index
        %parallel_loop3A_1282 = tpu.vector_load %arg7[%parallel_loop3A_1279, %parallel_loop3A_1280, %parallel_loop3A_1281] {strides = array<i32>} : memref<2x32x1024xf32, #tpu.memory_space<vmem>>, vector<16xf32>,
        tpu.vector_store %arg7[%parallel_loop3A_1279, %parallel_loop3A_1280, %parallel_loop3A_1281], %parallel_loop3A_1277 {strides = array<i32>} : memref<2x32x1024xf32, #tpu.memory_space<vmem>>, vector<16xf32>,
        %parallel_loop3A_1283 = arith.constant 2 : i32
        %parallel_loop3A_1284 = vector.broadcast %parallel_loop3A_1283 : i32 to vector<16xi32>
        %parallel_loop3A_1285 = arith.cmpi eq, %parallel_loop3A_1163, %parallel_loop3A_1284 : vector<16xi32>
        %parallel_loop3A_1286 = arith.select %parallel_loop3A_1285, %get3A_1056, %get3A_1072 : vector<16xi1>, vector<16xf32>
        %parallel_loop3A_1287 = arith.constant 1 : i32
        %parallel_loop3A_1288 = vector.broadcast %parallel_loop3A_1287 : i32 to vector<16xi32>
        %parallel_loop3A_1289 = arith.cmpi eq, %parallel_loop3A_1163, %parallel_loop3A_1288 : vector<16xi32>
        %parallel_loop3A_1290 = arith.select %parallel_loop3A_1289, %get3A_1040, %parallel_loop3A_1286 : vector<16xi1>, vector<16xf32>
        %parallel_loop3A_1291 = arith.constant 0 : i32
        %parallel_loop3A_1292 = vector.broadcast %parallel_loop3A_1291 : i32 to vector<16xi32>
        %parallel_loop3A_1293 = arith.cmpi eq, %parallel_loop3A_1163, %parallel_loop3A_1292 : vector<16xi32>
        %parallel_loop3A_1294 = arith.select %parallel_loop3A_1293, %get3A_1024, %parallel_loop3A_1290 : vector<16xi1>, vector<16xf32>
        %parallel_loop3A_1295 = arith.constant 1 : i32
        %parallel_loop3A_1296 = arith.index_cast %parallel_loop3A_1295 : i32 to index
        %parallel_loop3A_1297 = arith.index_cast %parallel_loop3A_1159 : i32 to index
        %parallel_loop3A_1298 = arith.constant 880 : index
        %parallel_loop3A_1299 = tpu.vector_load %arg7[%parallel_loop3A_1296, %parallel_loop3A_1297, %parallel_loop3A_1298] {strides = array<i32>} : memref<2x32x1024xf32, #tpu.memory_space<vmem>>, vector<16xf32>,
        tpu.vector_store %arg7[%parallel_loop3A_1296, %parallel_loop3A_1297, %parallel_loop3A_1298], %parallel_loop3A_1294 {strides = array<i32>} : memref<2x32x1024xf32, #tpu.memory_space<vmem>>, vector<16xf32>,
      } {sc.loop_unroll_factor = 2 : i64, sc.parallel_access}
      %get3A_1076 = arith.constant 896 : index
      %get3A_1077 = tpu.vector_load %arg5[%get3A_1076] {strides = array<i32>} : memref<4096xf32, #tpu.memory_space<vmem>>, vector<16xf32>,
      %get3A_1078 = arith.constant 912 : index
      %get3A_1079 = tpu.vector_load %arg5[%get3A_1078] {strides = array<i32>} : memref<4096xf32, #tpu.memory_space<vmem>>, vector<16xf32>,
      %get3A_1080 = arith.constant 928 : index
      %get3A_1081 = tpu.vector_load %arg5[%get3A_1080] {strides = array<i32>} : memref<4096xf32, #tpu.memory_space<vmem>>, vector<16xf32>,
      %get3A_1082 = arith.constant 944 : index
      %get3A_1083 = tpu.vector_load %arg5[%get3A_1082] {strides = array<i32>} : memref<4096xf32, #tpu.memory_space<vmem>>, vector<16xf32>,
      %get3A_1084 = arith.constant 960 : index
      %get3A_1085 = tpu.vector_load %arg5[%get3A_1084] {strides = array<i32>} : memref<4096xf32, #tpu.memory_space<vmem>>, vector<16xf32>,
      %get3A_1086 = arith.constant 976 : index
      %get3A_1087 = tpu.vector_load %arg5[%get3A_1086] {strides = array<i32>} : memref<4096xf32, #tpu.memory_space<vmem>>, vector<16xf32>,
      %get3A_1088 = arith.constant 992 : index
      %get3A_1089 = tpu.vector_load %arg5[%get3A_1088] {strides = array<i32>} : memref<4096xf32, #tpu.memory_space<vmem>>, vector<16xf32>,
      %get3A_1090 = arith.constant 1008 : index
      %get3A_1091 = tpu.vector_load %arg5[%get3A_1090] {strides = array<i32>} : memref<4096xf32, #tpu.memory_space<vmem>>, vector<16xf32>,
      %get3A_1092 = arith.constant 1920 : index
      %get3A_1093 = tpu.vector_load %arg5[%get3A_1092] {strides = array<i32>} : memref<4096xf32, #tpu.memory_space<vmem>>, vector<16xf32>,
      %get3A_1094 = arith.constant 1936 : index
      %get3A_1095 = tpu.vector_load %arg5[%get3A_1094] {strides = array<i32>} : memref<4096xf32, #tpu.memory_space<vmem>>, vector<16xf32>,
      %get3A_1096 = arith.constant 1952 : index
      %get3A_1097 = tpu.vector_load %arg5[%get3A_1096] {strides = array<i32>} : memref<4096xf32, #tpu.memory_space<vmem>>, vector<16xf32>,
      %get3A_1098 = arith.constant 1968 : index
      %get3A_1099 = tpu.vector_load %arg5[%get3A_1098] {strides = array<i32>} : memref<4096xf32, #tpu.memory_space<vmem>>, vector<16xf32>,
      %get3A_1100 = arith.constant 1984 : index
      %get3A_1101 = tpu.vector_load %arg5[%get3A_1100] {strides = array<i32>} : memref<4096xf32, #tpu.memory_space<vmem>>, vector<16xf32>,
      %get3A_1102 = arith.constant 2000 : index
      %get3A_1103 = tpu.vector_load %arg5[%get3A_1102] {strides = array<i32>} : memref<4096xf32, #tpu.memory_space<vmem>>, vector<16xf32>,
      %get3A_1104 = arith.constant 2016 : index
      %get3A_1105 = tpu.vector_load %arg5[%get3A_1104] {strides = array<i32>} : memref<4096xf32, #tpu.memory_space<vmem>>, vector<16xf32>,
      %get3A_1106 = arith.constant 2032 : index
      %get3A_1107 = tpu.vector_load %arg5[%get3A_1106] {strides = array<i32>} : memref<4096xf32, #tpu.memory_space<vmem>>, vector<16xf32>,
      %get3A_1108 = arith.constant 2944 : index
      %get3A_1109 = tpu.vector_load %arg5[%get3A_1108] {strides = array<i32>} : memref<4096xf32, #tpu.memory_space<vmem>>, vector<16xf32>,
      %get3A_1110 = arith.constant 2960 : index
      %get3A_1111 = tpu.vector_load %arg5[%get3A_1110] {strides = array<i32>} : memref<4096xf32, #tpu.memory_space<vmem>>, vector<16xf32>,
      %get3A_1112 = arith.constant 2976 : index
      %get3A_1113 = tpu.vector_load %arg5[%get3A_1112] {strides = array<i32>} : memref<4096xf32, #tpu.memory_space<vmem>>, vector<16xf32>,
      %get3A_1114 = arith.constant 2992 : index
      %get3A_1115 = tpu.vector_load %arg5[%get3A_1114] {strides = array<i32>} : memref<4096xf32, #tpu.memory_space<vmem>>, vector<16xf32>,
      %get3A_1116 = arith.constant 3008 : index
      %get3A_1117 = tpu.vector_load %arg5[%get3A_1116] {strides = array<i32>} : memref<4096xf32, #tpu.memory_space<vmem>>, vector<16xf32>,
      %get3A_1118 = arith.constant 3024 : index
      %get3A_1119 = tpu.vector_load %arg5[%get3A_1118] {strides = array<i32>} : memref<4096xf32, #tpu.memory_space<vmem>>, vector<16xf32>,
      %get3A_1120 = arith.constant 3040 : index
      %get3A_1121 = tpu.vector_load %arg5[%get3A_1120] {strides = array<i32>} : memref<4096xf32, #tpu.memory_space<vmem>>, vector<16xf32>,
      %get3A_1122 = arith.constant 3056 : index
      %get3A_1123 = tpu.vector_load %arg5[%get3A_1122] {strides = array<i32>} : memref<4096xf32, #tpu.memory_space<vmem>>, vector<16xf32>,
      %get3A_1124 = arith.constant 3968 : index
      %get3A_1125 = tpu.vector_load %arg5[%get3A_1124] {strides = array<i32>} : memref<4096xf32, #tpu.memory_space<vmem>>, vector<16xf32>,
      %get3A_1126 = arith.constant 3984 : index
      %get3A_1127 = tpu.vector_load %arg5[%get3A_1126] {strides = array<i32>} : memref<4096xf32, #tpu.memory_space<vmem>>, vector<16xf32>,
      %get3A_1128 = arith.constant 4000 : index
      %get3A_1129 = tpu.vector_load %arg5[%get3A_1128] {strides = array<i32>} : memref<4096xf32, #tpu.memory_space<vmem>>, vector<16xf32>,
      %get3A_1130 = arith.constant 4016 : index
      %get3A_1131 = tpu.vector_load %arg5[%get3A_1130] {strides = array<i32>} : memref<4096xf32, #tpu.memory_space<vmem>>, vector<16xf32>,
      %get3A_1132 = arith.constant 4032 : index
      %get3A_1133 = tpu.vector_load %arg5[%get3A_1132] {strides = array<i32>} : memref<4096xf32, #tpu.memory_space<vmem>>, vector<16xf32>,
      %get3A_1134 = arith.constant 4048 : index
      %get3A_1135 = tpu.vector_load %arg5[%get3A_1134] {strides = array<i32>} : memref<4096xf32, #tpu.memory_space<vmem>>, vector<16xf32>,
      %get3A_1136 = arith.constant 4064 : index
      %get3A_1137 = tpu.vector_load %arg5[%get3A_1136] {strides = array<i32>} : memref<4096xf32, #tpu.memory_space<vmem>>, vector<16xf32>,
      %get3A_1138 = arith.constant 4080 : index
      %get3A_1139 = tpu.vector_load %arg5[%get3A_1138] {strides = array<i32>} : memref<4096xf32, #tpu.memory_space<vmem>>, vector<16xf32>,
      %parallel_loop3A_1140 = arith.constant 0 : i32
      %parallel_loop3A_1141 = arith.constant 32 : i32
      %parallel_loop3A_1142 = arith.constant 1 : i32
      scf.for %parallel_loop3A_1159 = %parallel_loop3A_1140 to %parallel_loop3A_1141 step %parallel_loop3A_1142  : i32 {
        %parallel_loop3A_1160 = arith.constant 16 : i32
        %parallel_loop3A_1161 = arith.muli %parallel_loop3A_1159, %parallel_loop3A_1160 : i32
        %parallel_loop3A_1162 = arith.index_cast %parallel_loop3A_1161 : i32 to index
        %parallel_loop3A_1163 = tpu.vector_load %arg8[%parallel_loop3A_1162] {strides = array<i32>} : memref<512xi32, #tpu.memory_space<vmem>>, vector<16xi32>,
        %parallel_loop3A_1164 = arith.constant 2 : i32
        %parallel_loop3A_1165 = vector.broadcast %parallel_loop3A_1164 : i32 to vector<16xi32>
        %parallel_loop3A_1166 = arith.cmpi eq, %parallel_loop3A_1163, %parallel_loop3A_1165 : vector<16xi32>
        %parallel_loop3A_1167 = arith.select %parallel_loop3A_1166, %get3A_1109, %get3A_1125 : vector<16xi1>, vector<16xf32>
        %parallel_loop3A_1168 = arith.constant 1 : i32
        %parallel_loop3A_1169 = vector.broadcast %parallel_loop3A_1168 : i32 to vector<16xi32>
        %parallel_loop3A_1170 = arith.cmpi eq, %parallel_loop3A_1163, %parallel_loop3A_1169 : vector<16xi32>
        %parallel_loop3A_1171 = arith.select %parallel_loop3A_1170, %get3A_1093, %parallel_loop3A_1167 : vector<16xi1>, vector<16xf32>
        %parallel_loop3A_1172 = arith.constant 0 : i32
        %parallel_loop3A_1173 = vector.broadcast %parallel_loop3A_1172 : i32 to vector<16xi32>
        %parallel_loop3A_1174 = arith.cmpi eq, %parallel_loop3A_1163, %parallel_loop3A_1173 : vector<16xi32>
        %parallel_loop3A_1175 = arith.select %parallel_loop3A_1174, %get3A_1077, %parallel_loop3A_1171 : vector<16xi1>, vector<16xf32>
        %parallel_loop3A_1176 = arith.constant 1 : i32
        %parallel_loop3A_1177 = arith.index_cast %parallel_loop3A_1176 : i32 to index
        %parallel_loop3A_1178 = arith.index_cast %parallel_loop3A_1159 : i32 to index
        %parallel_loop3A_1179 = arith.constant 896 : index
        %parallel_loop3A_1180 = tpu.vector_load %arg7[%parallel_loop3A_1177, %parallel_loop3A_1178, %parallel_loop3A_1179] {strides = array<i32>} : memref<2x32x1024xf32, #tpu.memory_space<vmem>>, vector<16xf32>,
        tpu.vector_store %arg7[%parallel_loop3A_1177, %parallel_loop3A_1178, %parallel_loop3A_1179], %parallel_loop3A_1175 {strides = array<i32>} : memref<2x32x1024xf32, #tpu.memory_space<vmem>>, vector<16xf32>,
        %parallel_loop3A_1181 = arith.constant 2 : i32
        %parallel_loop3A_1182 = vector.broadcast %parallel_loop3A_1181 : i32 to vector<16xi32>
        %parallel_loop3A_1183 = arith.cmpi eq, %parallel_loop3A_1163, %parallel_loop3A_1182 : vector<16xi32>
        %parallel_loop3A_1184 = arith.select %parallel_loop3A_1183, %get3A_1111, %get3A_1127 : vector<16xi1>, vector<16xf32>
        %parallel_loop3A_1185 = arith.constant 1 : i32
        %parallel_loop3A_1186 = vector.broadcast %parallel_loop3A_1185 : i32 to vector<16xi32>
        %parallel_loop3A_1187 = arith.cmpi eq, %parallel_loop3A_1163, %parallel_loop3A_1186 : vector<16xi32>
        %parallel_loop3A_1188 = arith.select %parallel_loop3A_1187, %get3A_1095, %parallel_loop3A_1184 : vector<16xi1>, vector<16xf32>
        %parallel_loop3A_1189 = arith.constant 0 : i32
        %parallel_loop3A_1190 = vector.broadcast %parallel_loop3A_1189 : i32 to vector<16xi32>
        %parallel_loop3A_1191 = arith.cmpi eq, %parallel_loop3A_1163, %parallel_loop3A_1190 : vector<16xi32>
        %parallel_loop3A_1192 = arith.select %parallel_loop3A_1191, %get3A_1079, %parallel_loop3A_1188 : vector<16xi1>, vector<16xf32>
        %parallel_loop3A_1193 = arith.constant 1 : i32
        %parallel_loop3A_1194 = arith.index_cast %parallel_loop3A_1193 : i32 to index
        %parallel_loop3A_1195 = arith.index_cast %parallel_loop3A_1159 : i32 to index
        %parallel_loop3A_1196 = arith.constant 912 : index
        %parallel_loop3A_1197 = tpu.vector_load %arg7[%parallel_loop3A_1194, %parallel_loop3A_1195, %parallel_loop3A_1196] {strides = array<i32>} : memref<2x32x1024xf32, #tpu.memory_space<vmem>>, vector<16xf32>,
        tpu.vector_store %arg7[%parallel_loop3A_1194, %parallel_loop3A_1195, %parallel_loop3A_1196], %parallel_loop3A_1192 {strides = array<i32>} : memref<2x32x1024xf32, #tpu.memory_space<vmem>>, vector<16xf32>,
        %parallel_loop3A_1198 = arith.constant 2 : i32
        %parallel_loop3A_1199 = vector.broadcast %parallel_loop3A_1198 : i32 to vector<16xi32>
        %parallel_loop3A_1200 = arith.cmpi eq, %parallel_loop3A_1163, %parallel_loop3A_1199 : vector<16xi32>
        %parallel_loop3A_1201 = arith.select %parallel_loop3A_1200, %get3A_1113, %get3A_1129 : vector<16xi1>, vector<16xf32>
        %parallel_loop3A_1202 = arith.constant 1 : i32
        %parallel_loop3A_1203 = vector.broadcast %parallel_loop3A_1202 : i32 to vector<16xi32>
        %parallel_loop3A_1204 = arith.cmpi eq, %parallel_loop3A_1163, %parallel_loop3A_1203 : vector<16xi32>
        %parallel_loop3A_1205 = arith.select %parallel_loop3A_1204, %get3A_1097, %parallel_loop3A_1201 : vector<16xi1>, vector<16xf32>
        %parallel_loop3A_1206 = arith.constant 0 : i32
        %parallel_loop3A_1207 = vector.broadcast %parallel_loop3A_1206 : i32 to vector<16xi32>
        %parallel_loop3A_1208 = arith.cmpi eq, %parallel_loop3A_1163, %parallel_loop3A_1207 : vector<16xi32>
        %parallel_loop3A_1209 = arith.select %parallel_loop3A_1208, %get3A_1081, %parallel_loop3A_1205 : vector<16xi1>, vector<16xf32>
        %parallel_loop3A_1210 = arith.constant 1 : i32
        %parallel_loop3A_1211 = arith.index_cast %parallel_loop3A_1210 : i32 to index
        %parallel_loop3A_1212 = arith.index_cast %parallel_loop3A_1159 : i32 to index
        %parallel_loop3A_1213 = arith.constant 928 : index
        %parallel_loop3A_1214 = tpu.vector_load %arg7[%parallel_loop3A_1211, %parallel_loop3A_1212, %parallel_loop3A_1213] {strides = array<i32>} : memref<2x32x1024xf32, #tpu.memory_space<vmem>>, vector<16xf32>,
        tpu.vector_store %arg7[%parallel_loop3A_1211, %parallel_loop3A_1212, %parallel_loop3A_1213], %parallel_loop3A_1209 {strides = array<i32>} : memref<2x32x1024xf32, #tpu.memory_space<vmem>>, vector<16xf32>,
        %parallel_loop3A_1215 = arith.constant 2 : i32
        %parallel_loop3A_1216 = vector.broadcast %parallel_loop3A_1215 : i32 to vector<16xi32>
        %parallel_loop3A_1217 = arith.cmpi eq, %parallel_loop3A_1163, %parallel_loop3A_1216 : vector<16xi32>
        %parallel_loop3A_1218 = arith.select %parallel_loop3A_1217, %get3A_1115, %get3A_1131 : vector<16xi1>, vector<16xf32>
        %parallel_loop3A_1219 = arith.constant 1 : i32
        %parallel_loop3A_1220 = vector.broadcast %parallel_loop3A_1219 : i32 to vector<16xi32>
        %parallel_loop3A_1221 = arith.cmpi eq, %parallel_loop3A_1163, %parallel_loop3A_1220 : vector<16xi32>
        %parallel_loop3A_1222 = arith.select %parallel_loop3A_1221, %get3A_1099, %parallel_loop3A_1218 : vector<16xi1>, vector<16xf32>
        %parallel_loop3A_1223 = arith.constant 0 : i32
        %parallel_loop3A_1224 = vector.broadcast %parallel_loop3A_1223 : i32 to vector<16xi32>
        %parallel_loop3A_1225 = arith.cmpi eq, %parallel_loop3A_1163, %parallel_loop3A_1224 : vector<16xi32>
        %parallel_loop3A_1226 = arith.select %parallel_loop3A_1225, %get3A_1083, %parallel_loop3A_1222 : vector<16xi1>, vector<16xf32>
        %parallel_loop3A_1227 = arith.constant 1 : i32
        %parallel_loop3A_1228 = arith.index_cast %parallel_loop3A_1227 : i32 to index
        %parallel_loop3A_1229 = arith.index_cast %parallel_loop3A_1159 : i32 to index
        %parallel_loop3A_1230 = arith.constant 944 : index
        %parallel_loop3A_1231 = tpu.vector_load %arg7[%parallel_loop3A_1228, %parallel_loop3A_1229, %parallel_loop3A_1230] {strides = array<i32>} : memref<2x32x1024xf32, #tpu.memory_space<vmem>>, vector<16xf32>,
        tpu.vector_store %arg7[%parallel_loop3A_1228, %parallel_loop3A_1229, %parallel_loop3A_1230], %parallel_loop3A_1226 {strides = array<i32>} : memref<2x32x1024xf32, #tpu.memory_space<vmem>>, vector<16xf32>,
        %parallel_loop3A_1232 = arith.constant 2 : i32
        %parallel_loop3A_1233 = vector.broadcast %parallel_loop3A_1232 : i32 to vector<16xi32>
        %parallel_loop3A_1234 = arith.cmpi eq, %parallel_loop3A_1163, %parallel_loop3A_1233 : vector<16xi32>
        %parallel_loop3A_1235 = arith.select %parallel_loop3A_1234, %get3A_1117, %get3A_1133 : vector<16xi1>, vector<16xf32>
        %parallel_loop3A_1236 = arith.constant 1 : i32
        %parallel_loop3A_1237 = vector.broadcast %parallel_loop3A_1236 : i32 to vector<16xi32>
        %parallel_loop3A_1238 = arith.cmpi eq, %parallel_loop3A_1163, %parallel_loop3A_1237 : vector<16xi32>
        %parallel_loop3A_1239 = arith.select %parallel_loop3A_1238, %get3A_1101, %parallel_loop3A_1235 : vector<16xi1>, vector<16xf32>
        %parallel_loop3A_1240 = arith.constant 0 : i32
        %parallel_loop3A_1241 = vector.broadcast %parallel_loop3A_1240 : i32 to vector<16xi32>
        %parallel_loop3A_1242 = arith.cmpi eq, %parallel_loop3A_1163, %parallel_loop3A_1241 : vector<16xi32>
        %parallel_loop3A_1243 = arith.select %parallel_loop3A_1242, %get3A_1085, %parallel_loop3A_1239 : vector<16xi1>, vector<16xf32>
        %parallel_loop3A_1244 = arith.constant 1 : i32
        %parallel_loop3A_1245 = arith.index_cast %parallel_loop3A_1244 : i32 to index
        %parallel_loop3A_1246 = arith.index_cast %parallel_loop3A_1159 : i32 to index
        %parallel_loop3A_1247 = arith.constant 960 : index
        %parallel_loop3A_1248 = tpu.vector_load %arg7[%parallel_loop3A_1245, %parallel_loop3A_1246, %parallel_loop3A_1247] {strides = array<i32>} : memref<2x32x1024xf32, #tpu.memory_space<vmem>>, vector<16xf32>,
        tpu.vector_store %arg7[%parallel_loop3A_1245, %parallel_loop3A_1246, %parallel_loop3A_1247], %parallel_loop3A_1243 {strides = array<i32>} : memref<2x32x1024xf32, #tpu.memory_space<vmem>>, vector<16xf32>,
        %parallel_loop3A_1249 = arith.constant 2 : i32
        %parallel_loop3A_1250 = vector.broadcast %parallel_loop3A_1249 : i32 to vector<16xi32>
        %parallel_loop3A_1251 = arith.cmpi eq, %parallel_loop3A_1163, %parallel_loop3A_1250 : vector<16xi32>
        %parallel_loop3A_1252 = arith.select %parallel_loop3A_1251, %get3A_1119, %get3A_1135 : vector<16xi1>, vector<16xf32>
        %parallel_loop3A_1253 = arith.constant 1 : i32
        %parallel_loop3A_1254 = vector.broadcast %parallel_loop3A_1253 : i32 to vector<16xi32>
        %parallel_loop3A_1255 = arith.cmpi eq, %parallel_loop3A_1163, %parallel_loop3A_1254 : vector<16xi32>
        %parallel_loop3A_1256 = arith.select %parallel_loop3A_1255, %get3A_1103, %parallel_loop3A_1252 : vector<16xi1>, vector<16xf32>
        %parallel_loop3A_1257 = arith.constant 0 : i32
        %parallel_loop3A_1258 = vector.broadcast %parallel_loop3A_1257 : i32 to vector<16xi32>
        %parallel_loop3A_1259 = arith.cmpi eq, %parallel_loop3A_1163, %parallel_loop3A_1258 : vector<16xi32>
        %parallel_loop3A_1260 = arith.select %parallel_loop3A_1259, %get3A_1087, %parallel_loop3A_1256 : vector<16xi1>, vector<16xf32>
        %parallel_loop3A_1261 = arith.constant 1 : i32
        %parallel_loop3A_1262 = arith.index_cast %parallel_loop3A_1261 : i32 to index
        %parallel_loop3A_1263 = arith.index_cast %parallel_loop3A_1159 : i32 to index
        %parallel_loop3A_1264 = arith.constant 976 : index
        %parallel_loop3A_1265 = tpu.vector_load %arg7[%parallel_loop3A_1262, %parallel_loop3A_1263, %parallel_loop3A_1264] {strides = array<i32>} : memref<2x32x1024xf32, #tpu.memory_space<vmem>>, vector<16xf32>,
        tpu.vector_store %arg7[%parallel_loop3A_1262, %parallel_loop3A_1263, %parallel_loop3A_1264], %parallel_loop3A_1260 {strides = array<i32>} : memref<2x32x1024xf32, #tpu.memory_space<vmem>>, vector<16xf32>,
        %parallel_loop3A_1266 = arith.constant 2 : i32
        %parallel_loop3A_1267 = vector.broadcast %parallel_loop3A_1266 : i32 to vector<16xi32>
        %parallel_loop3A_1268 = arith.cmpi eq, %parallel_loop3A_1163, %parallel_loop3A_1267 : vector<16xi32>
        %parallel_loop3A_1269 = arith.select %parallel_loop3A_1268, %get3A_1121, %get3A_1137 : vector<16xi1>, vector<16xf32>
        %parallel_loop3A_1270 = arith.constant 1 : i32
        %parallel_loop3A_1271 = vector.broadcast %parallel_loop3A_1270 : i32 to vector<16xi32>
        %parallel_loop3A_1272 = arith.cmpi eq, %parallel_loop3A_1163, %parallel_loop3A_1271 : vector<16xi32>
        %parallel_loop3A_1273 = arith.select %parallel_loop3A_1272, %get3A_1105, %parallel_loop3A_1269 : vector<16xi1>, vector<16xf32>
        %parallel_loop3A_1274 = arith.constant 0 : i32
        %parallel_loop3A_1275 = vector.broadcast %parallel_loop3A_1274 : i32 to vector<16xi32>
        %parallel_loop3A_1276 = arith.cmpi eq, %parallel_loop3A_1163, %parallel_loop3A_1275 : vector<16xi32>
        %parallel_loop3A_1277 = arith.select %parallel_loop3A_1276, %get3A_1089, %parallel_loop3A_1273 : vector<16xi1>, vector<16xf32>
        %parallel_loop3A_1278 = arith.constant 1 : i32
        %parallel_loop3A_1279 = arith.index_cast %parallel_loop3A_1278 : i32 to index
        %parallel_loop3A_1280 = arith.index_cast %parallel_loop3A_1159 : i32 to index
        %parallel_loop3A_1281 = arith.constant 992 : index
        %parallel_loop3A_1282 = tpu.vector_load %arg7[%parallel_loop3A_1279, %parallel_loop3A_1280, %parallel_loop3A_1281] {strides = array<i32>} : memref<2x32x1024xf32, #tpu.memory_space<vmem>>, vector<16xf32>,
        tpu.vector_store %arg7[%parallel_loop3A_1279, %parallel_loop3A_1280, %parallel_loop3A_1281], %parallel_loop3A_1277 {strides = array<i32>} : memref<2x32x1024xf32, #tpu.memory_space<vmem>>, vector<16xf32>,
        %parallel_loop3A_1283 = arith.constant 2 : i32
        %parallel_loop3A_1284 = vector.broadcast %parallel_loop3A_1283 : i32 to vector<16xi32>
        %parallel_loop3A_1285 = arith.cmpi eq, %parallel_loop3A_1163, %parallel_loop3A_1284 : vector<16xi32>
        %parallel_loop3A_1286 = arith.select %parallel_loop3A_1285, %get3A_1123, %get3A_1139 : vector<16xi1>, vector<16xf32>
        %parallel_loop3A_1287 = arith.constant 1 : i32
        %parallel_loop3A_1288 = vector.broadcast %parallel_loop3A_1287 : i32 to vector<16xi32>
        %parallel_loop3A_1289 = arith.cmpi eq, %parallel_loop3A_1163, %parallel_loop3A_1288 : vector<16xi32>
        %parallel_loop3A_1290 = arith.select %parallel_loop3A_1289, %get3A_1107, %parallel_loop3A_1286 : vector<16xi1>, vector<16xf32>
        %parallel_loop3A_1291 = arith.constant 0 : i32
        %parallel_loop3A_1292 = vector.broadcast %parallel_loop3A_1291 : i32 to vector<16xi32>
        %parallel_loop3A_1293 = arith.cmpi eq, %parallel_loop3A_1163, %parallel_loop3A_1292 : vector<16xi32>
        %parallel_loop3A_1294 = arith.select %parallel_loop3A_1293, %get3A_1091, %parallel_loop3A_1290 : vector<16xi1>, vector<16xf32>
        %parallel_loop3A_1295 = arith.constant 1 : i32
        %parallel_loop3A_1296 = arith.index_cast %parallel_loop3A_1295 : i32 to index
        %parallel_loop3A_1297 = arith.index_cast %parallel_loop3A_1159 : i32 to index
        %parallel_loop3A_1298 = arith.constant 1008 : index
        %parallel_loop3A_1299 = tpu.vector_load %arg7[%parallel_loop3A_1296, %parallel_loop3A_1297, %parallel_loop3A_1298] {strides = array<i32>} : memref<2x32x1024xf32, #tpu.memory_space<vmem>>, vector<16xf32>,
        tpu.vector_store %arg7[%parallel_loop3A_1296, %parallel_loop3A_1297, %parallel_loop3A_1298], %parallel_loop3A_1294 {strides = array<i32>} : memref<2x32x1024xf32, #tpu.memory_space<vmem>>, vector<16xf32>,
      } {sc.loop_unroll_factor = 2 : i64, sc.parallel_access}
      %mul3A_1143 = arith.constant 32 : i32
      %mul3A_1144 = arith.muli %add3A_598, %mul3A_1143 : i32
      %add3A_1145 = arith.addi %mul3A_2, %mul3A_1144 : i32
      %dma_start3A_1146 = arith.constant 1 : i32
      %dma_start3A_1147 = arith.constant 0 : i32
      %dma_start3A_1148 = arith.constant 0 : i32
      %dma_start3A_1149 = tpu.memref_slice %arg7[%dma_start3A_1146, %dma_start3A_1147, %dma_start3A_1148] : memref<2x32x1024xf32, #tpu.memory_space<vmem>> -> memref<1x32x1024xf32, #tpu.memory_space<vmem>>
      %dma_start3A_1150 = tpu.memref_squeeze %dma_start3A_1149 : memref<1x32x1024xf32, #tpu.memory_space<vmem>> -> memref<32x1024xf32, #tpu.memory_space<vmem>>
      %dma_start3A_1151 = arith.constant 0 : i32
      %dma_start3A_1152 = tpu.memref_slice %arg4[%add3A_1145, %dma_start3A_1151] : memref<16384x1024xf32, #tpu.memory_space<hbm>> -> memref<32x1024xf32, #tpu.memory_space<hbm>>
      %dma_start3A_1153 = arith.constant 0 : i32
      %dma_start3A_1154 = tpu.memref_slice %arg4[%add3A_1145, %dma_start3A_1153] : memref<16384x1024xf32, #tpu.memory_space<hbm>> -> memref<32x1024xf32, #tpu.memory_space<hbm>>
      %dma_start3A_1155 = arith.constant 0 : i32
      %dma_start3A_1156 = arith.constant 0 : i32
      %dma_start3A_1157 = tpu.memref_slice %arg7[%dma_start3A_1146, %dma_start3A_1155, %dma_start3A_1156] : memref<2x32x1024xf32, #tpu.memory_space<vmem>> -> memref<1x32x1024xf32, #tpu.memory_space<vmem>>
      %dma_start3A_1158 = tpu.memref_squeeze %dma_start3A_1157 : memref<1x32x1024xf32, #tpu.memory_space<vmem>> -> memref<32x1024xf32, #tpu.memory_space<vmem>>
      tpu.enqueue_dma source(%dma_start3A_1158 : memref<32x1024xf32, #tpu.memory_space<vmem>>) target(%dma_start3A_1154 : memref<32x1024xf32, #tpu.memory_space<hbm>>) target_semaphore(%arg10 : memref<!tpu.dma_semaphore, #tpu.memory_space<semaphore_mem>>)
    }
    %scan3A_6 = arith.constant 8 : i32
    %dma_wait3A = arith.constant 0 : i32
    %dma_wait3A_7 = arith.constant 0 : i32
    %dma_wait3A_8 = arith.constant 0 : i32
    %dma_wait3A_9 = tpu.memref_slice %arg7[%dma_wait3A, %dma_wait3A_7, %dma_wait3A_8] : memref<2x32x1024xf32, #tpu.memory_space<vmem>> -> memref<1x32x1024xf32, #tpu.memory_space<vmem>>
    %dma_wait3A_10 = tpu.memref_squeeze %dma_wait3A_9 : memref<1x32x1024xf32, #tpu.memory_space<vmem>> -> memref<32x1024xf32, #tpu.memory_space<vmem>>
    %dma_wait3A_11 = arith.constant 0 : i32
    %dma_wait3A_12 = arith.constant 0 : i32
    %dma_wait3A_13 = tpu.memref_slice %arg4[%dma_wait3A_11, %dma_wait3A_12] : memref<16384x1024xf32, #tpu.memory_space<hbm>> -> memref<32x1024xf32, #tpu.memory_space<hbm>>
    %dma_wait3A_14 = arith.constant 0 : i32
    %dma_wait3A_15 = arith.constant 0 : i32
    %dma_wait3A_16 = tpu.memref_slice %arg4[%dma_wait3A_14, %dma_wait3A_15] : memref<16384x1024xf32, #tpu.memory_space<hbm>> -> memref<32x1024xf32, #tpu.memory_space<hbm>>
    %dma_wait3A_17 = arith.constant 0 : i32
    %dma_wait3A_18 = arith.constant 0 : i32
    %dma_wait3A_19 = tpu.memref_slice %arg7[%dma_wait3A, %dma_wait3A_17, %dma_wait3A_18] : memref<2x32x1024xf32, #tpu.memory_space<vmem>> -> memref<1x32x1024xf32, #tpu.memory_space<vmem>>
    %dma_wait3A_20 = tpu.memref_squeeze %dma_wait3A_19 : memref<1x32x1024xf32, #tpu.memory_space<vmem>> -> memref<32x1024xf32, #tpu.memory_space<vmem>>
    tpu.wait_dma2 semaphore(%arg9 : memref<!tpu.dma_semaphore, #tpu.memory_space<semaphore_mem>>) src(%dma_wait3A_20 : memref<32x1024xf32, #tpu.memory_space<vmem>>) dst(%dma_wait3A_16 : memref<32x1024xf32, #tpu.memory_space<hbm>>)
    %dma_wait3A_21 = arith.constant 1 : i32
    %dma_wait3A_22 = arith.constant 0 : i32
    %dma_wait3A_23 = arith.constant 0 : i32
    %dma_wait3A_24 = tpu.memref_slice %arg7[%dma_wait3A_21, %dma_wait3A_22, %dma_wait3A_23] : memref<2x32x1024xf32, #tpu.memory_space<vmem>> -> memref<1x32x1024xf32, #tpu.memory_space<vmem>>
    %dma_wait3A_25 = tpu.memref_squeeze %dma_wait3A_24 : memref<1x32x1024xf32, #tpu.memory_space<vmem>> -> memref<32x1024xf32, #tpu.memory_space<vmem>>
    %dma_wait3A_26 = arith.constant 0 : i32
    %dma_wait3A_27 = arith.constant 0 : i32
    %dma_wait3A_28 = tpu.memref_slice %arg4[%dma_wait3A_26, %dma_wait3A_27] : memref<16384x1024xf32, #tpu.memory_space<hbm>> -> memref<32x1024xf32, #tpu.memory_space<hbm>>
    %dma_wait3A_29 = arith.constant 0 : i32
    %dma_wait3A_30 = arith.constant 0 : i32
    %dma_wait3A_31 = tpu.memref_slice %arg4[%dma_wait3A_29, %dma_wait3A_30] : memref<16384x1024xf32, #tpu.memory_space<hbm>> -> memref<32x1024xf32, #tpu.memory_space<hbm>>
    %dma_wait3A_32 = arith.constant 0 : i32
    %dma_wait3A_33 = arith.constant 0 : i32
    %dma_wait3A_34 = tpu.memref_slice %arg7[%dma_wait3A_21, %dma_wait3A_32, %dma_wait3A_33] : memref<2x32x1024xf32, #tpu.memory_space<vmem>> -> memref<1x32x1024xf32, #tpu.memory_space<vmem>>
    %dma_wait3A_35 = tpu.memref_squeeze %dma_wait3A_34 : memref<1x32x1024xf32, #tpu.memory_space<vmem>> -> memref<32x1024xf32, #tpu.memory_space<vmem>>
    tpu.wait_dma2 semaphore(%arg10 : memref<!tpu.dma_semaphore, #tpu.memory_space<semaphore_mem>>) src(%dma_wait3A_35 : memref<32x1024xf32, #tpu.memory_space<vmem>>) dst(%dma_wait3A_31 : memref<32x1024xf32, #tpu.memory_space<hbm>>)
    return
  }
}

</mosaic_0001>

<sc_bundles>
// kernel: kernel.3.cloned.1.call-start
scs
__scs_entry_jumppad:
0x0: {  	(pc) =	sbr.rel $0x88, $3  }
0x1: {  	(tag) =	ssettag $0x0;
	lr =	simm.s32 $0x1  }
0x2: {  	[smem:$0x3F9F] =	sst lr;
	_ =	strace $0xD0000000  }
0x3: {  	_ = 	snop  }
0x4: {  	_ = 	snop  }
0x5: {  	_ = 	snop  }
0x6: {  	_ = 	snop  }
0x7: {  	_ = 	snop  }
__scs_overlays_trampoline_lowered:
0x8: {  	[smem:$0x3FAE] =	sst s0  }
0x9: {  	[smem:$0x3FAF] =	sst s1  }
0xa: {  	[smem:$0x3FB0] =	sst s2  }
0xb: {  	[smem:$0x3FB1] =	sst s3  }
0xc: {  	[smem:$0x3FB2] =	sst s4  }
0xd: {  	[smem:$0x3FB3] =	sst s5  }
0xe: {  	[smem:$0x3FB4] =	sst s6  }
0xf: {  	[smem:$0x3FB5] =	sst s7  }
0x10: {  	[smem:$0x3FB6] =	sst s8  }
0x11: {  	[smem:$0x3FB7] =	sst s9;
	s0 =	simm.s32 @!p0 $0x0  }
0x12: {  	s1 =	sld [smem:$0x3F9D];
	s0 =	simm.s32 @p0 $0x1  }
0x13: {  	[smem:$0x3FB8] =	sst s0;
	s0 =	simm.s32 @!p1 $0x0  }
0x14: {  	s2 =	sld [smem:$0x3F9C];
	s0 =	simm.s32 @p1 $0x1  }
0x15: {  	[smem:$0x3FB9] =	sst s0;
	s0 =	simm.s32 @!p2 $0x0  }
0x16: {  	s3 =	sld [smem:$0x3FDB];
	s0 =	simm.s32 @p2 $0x1  }
0x17: {  	s4 =	simm.s32 $0x1BF5;
	[smem:$0x3FBB] =	sst s0  }
0x18: {  	s0 =	sld [smem:$0x3F9E];
	_ =	swait.ge [sflag:s4], $0x0  }
0x19: {  	s7 =	sld [smem:$0x3F9F]  }
0x1a: {  	s8 =	sadd.s32 $0xFFFFE003, lr  }
0x1b: {  	s9 =	sadd.s32 $0xFFFFFEF7, lr;
	s5 =	simm.s32 $0xFFFFFFFF;
	p2 =	slt.u32 s8, $0xFFFFF086  }
0x1c: {  	p1 =	slt.u32 s9, $0xF7A;
	s5 =	simm.s32 @!p2 $0x0  }
0x1d: {  	s5 =	simm.s32 @p1 $0x1;
	p0 =	seq.s32 s7, s2  }
0x1e: {  	s7 =	smul.u32 @!p0 $0xF7A, s2;
	p2 =	seq.s32 @!p0 s5, $0x0  }
0x1f: {  	s9 =	smul.u32 $0xF7A, s1;
	s8 =	simm.s32 @!p0 $0x1BF5;
	p2 =	por !p2, p0  }
0x20: {  	[sflag:s8] =	ssyncset.s32 @!p0 $0xFFFFF086;
	s6 =	sadd.s32 @!p0 s3, s7;
	s7 =	simm.s32 @!p0 $0x108  }
0x21: {  	s3 =	sadd.s32 s3, s9;
	s6 =	sadd.s32 @!p0 $0x88, s6;
	s7 =	simm.s32 @p2 $0x1082  }
0x22: {  	[simem:s7], [sflag:s8] =	dma.local @!p0 [hbm:s6], $0xF7A  }
0x23: {  	s9 =	sor.u32 $0xD0000000, s2;
	s6 =	simm.s32 $0x108;
	_ =	swait.ge @!p0 [sflag:s8], $0x0  }
0x24: {  	s3 =	sadd.s32 $0x88, s3;
	s6 =	simm.s32 @!p1 $0x1082;
	[sflag:s4] =	ssyncset.s32 $0xFFFFF086  }
0x25: {  	[simem:s6], [sflag:s4] =	dma.local [hbm:s3], $0xF7A  }
0x26: {  	[smem:$0x3F9F] =	sst s1;
	(tag) =	ssettag s2;
	_ =	strace s9  }
0x27: {  	s1 =	sld [smem:$0x3FAF]  }
0x28: {  	s2 =	sld [smem:$0x3FB0]  }
0x29: {  	s4 =	sld [smem:$0x3FB2]  }
0x2a: {  	p0 =	seq.s32 s5, $0x0;
	s5 =	sld [smem:$0x3FB3]  }
0x2b: {  	s6 =	sld [smem:$0x3FB4]  }
0x2c: {  	s7 =	sld [smem:$0x3FB5]  }
0x2d: {  	s3 =	simm.s32 $0x108;
	s8 =	sld [smem:$0x3FB6]  }
0x2e: {  	s3 =	simm.s32 @!p0 $0x1082;
	s9 =	sld [smem:$0x3FB7]  }
0x2f: {  	lr =	sadd.s32 s0, s3;
	s0 =	sld [smem:$0x3FAE]  }
0x30: {  	s3 =	sld [smem:$0x3FB1]  }
0x31: {  	[smem:$0x3FBA] =	sst s10  }
0x32: {  	s10 =	sld [smem:$0x3FB8];
	_ =	sdelay $0x3  }
0x33: {  	p0 =	seq.s32 s10, $0x1;
	s10 =	sld [smem:$0x3FBA];
	_ =	sdelay $0x3  }
0x34: {  	[smem:$0x3FBA] =	sst s10  }
0x35: {  	s10 =	sld [smem:$0x3FB9];
	_ =	sdelay $0x3  }
0x36: {  	p1 =	seq.s32 s10, $0x1;
	s10 =	sld [smem:$0x3FBA];
	_ =	sdelay $0x3  }
0x37: {  	[smem:$0x3FBA] =	sst s10  }
0x38: {  	s10 =	sld [smem:$0x3FBB]  }
0x39: {  	_ = 	snop;
	(pc) =	sbr.ind lr, $3  }
0x3a: {  	_ = 	snop  }
0x3b: {  	_ = 	snop  }
0x3c: {  	p2 =	seq.s32 s10, $0x1;
	s10 =	sld [smem:$0x3FBA]  }
0x3d: {  	_ =	shalt  }
0x3e: {  	_ =	shalt  }
0x3f: {  	_ =	shalt  }
0x40: {  	_ =	shalt  }
0x41: {  	_ =	shalt  }
0x42: {  	_ =	shalt  }
0x43: {  	_ =	shalt  }
0x44: {  	_ =	shalt  }
0x45: {  	_ =	shalt  }
0x46: {  	_ =	shalt  }
0x47: {  	_ =	shalt  }
0x48: {  	_ =	shalt  }
0x49: {  	_ =	shalt  }
0x4a: {  	_ =	shalt  }
0x4b: {  	_ =	shalt  }
0x4c: {  	_ =	shalt  }
0x4d: {  	_ =	shalt  }
0x4e: {  	_ =	shalt  }
0x4f: {  	_ =	shalt  }
0x50: {  	_ =	shalt  }
0x51: {  	_ =	shalt  }
0x52: {  	_ =	shalt  }
0x53: {  	_ =	shalt  }
0x54: {  	_ =	shalt  }
0x55: {  	_ =	shalt  }
0x56: {  	_ =	shalt  }
0x57: {  	_ =	shalt  }
0x58: {  	_ =	shalt  }
0x59: {  	_ =	shalt  }
0x5a: {  	_ =	shalt  }
0x5b: {  	_ =	shalt  }
0x5c: {  	_ =	shalt  }
0x5d: {  	_ =	shalt  }
0x5e: {  	_ =	shalt  }
0x5f: {  	_ =	shalt  }
0x60: {  	_ =	shalt  }
0x61: {  	_ =	shalt  }
0x62: {  	_ =	shalt  }
0x63: {  	_ =	shalt  }
0x64: {  	_ =	shalt  }
0x65: {  	_ =	shalt  }
0x66: {  	_ =	shalt  }
0x67: {  	_ =	shalt  }
0x68: {  	_ =	shalt  }
0x69: {  	_ =	shalt  }
0x6a: {  	_ =	shalt  }
0x6b: {  	_ =	shalt  }
0x6c: {  	_ =	shalt  }
0x6d: {  	_ =	shalt  }
0x6e: {  	_ =	shalt  }
0x6f: {  	_ =	shalt  }
0x70: {  	_ =	shalt  }
0x71: {  	_ =	shalt  }
0x72: {  	_ =	shalt  }
0x73: {  	_ =	shalt  }
0x74: {  	_ =	shalt  }
0x75: {  	_ =	shalt  }
0x76: {  	_ =	shalt  }
0x77: {  	_ =	shalt  }
0x78: {  	_ =	shalt  }
0x79: {  	_ =	shalt  }
0x7a: {  	_ =	shalt  }
0x7b: {  	_ =	shalt  }
0x7c: {  	_ =	shalt  }
0x7d: {  	_ =	shalt  }
0x7e: {  	_ =	shalt  }
0x7f: {  	_ =	shalt  }
0x80: {  	_ =	shalt  }
0x81: {  	_ =	shalt  }
0x82: {  	_ =	shalt  }
0x83: {  	_ =	shalt  }
0x84: {  	_ =	shalt  }
0x85: {  	_ =	shalt  }
0x86: {  	_ =	shalt  }
0x87: {  	_ =	shalt  }
.Lfunc_end0:
.L_simem_size_0:
called_computation_lowered:
.L_overlay_start_0:
0x88: {  	s2 =	sld [smem:$0x3FD9]  }
0x89: {  	s3 =	sld [smem:$0x3FFE];
	_ =	sdelay $0x1  }
0x8a: {  	s1 =	srdreg.scid  }
0x8b: {  	s0 =	sand.u32 $0x1, s1  }
0x8c: {  	s17 =	sshll.u32 s0, $0xA;
	s2 =	sadd.s32 s3, s2  }
0x8d: {  	s2 =	sadd.s32 s2, s17  }
0x8e: {  	[smem:$0x3FC6] =	sst s2  }
0x8f: {  	_ = 	snop  }
0x90: {  	s2 =	sld [smem:$0x3FD0];
	(tm) =	ssettm $0x1  }
0x91: {  	s18 =	sld [smem:$0x3FFB];
	_ =	sdelay $0x3  }
0x92: {  	_ =	strace s18  }
0x93: {  	s3 =	sld [smem:$0x3FFC];
	_ =	sdelay $0x3  }
0x94: {  	_ =	strace s3  }
0x95: {  	s3 =	sld [smem:$0x3FFD];
	_ =	sdelay $0x3  }
0x96: {  	_ =	strace s3  }
0x97: {  	_ =	strace $0x8FFFFFFF  }
0x98: {  	s19 =	sld [smem:$0x3FDB];
	_ =	sdelay $0x1  }
0x99: {  	s4 =	simm.s32 $_scs_section_size  }
0x9a: {  	s5 =	simm.s32 $_size__tile_overlayer_lowered;
	s6 =	simm.s32 $_tile_overlayer_lowered  }
0x9b: {  	s22 =	simm.s32 $0x1BFF;
	s21 =	sshll.u32 s6, $0x1;
	s3 =	sadd.s32 s4, s19  }
0x9c: {  	s7 =	simm.s32 $0x0;
	s20 =	sshll.u32 s5, $0x1;
	s5 =	sadd.s32 s21, s3  }
0x9d: {  	[timem:s7], [sflag:s22] =	dma.local [hbm:s5], s20  }
0x9e: {  	_ =	swait.ge [sflag:s22], s20  }
0x9f: {  	s4 =	ssub.s32 $0x0, s20;
	[sflag:s22] =	ssyncset.done $0x0  }
0xa0: {  	[sflag:s22] =	ssyncadd.s32 s4;
	_ =	sdelay $0x1  }
0xa1: {  	s23 =	simm.s32 $0x1B8B  }
0xa2: {  	_ =	swait.ge [sflag:s23], $0x1  }
0xa3: {  	[sflag:s23] =	ssyncset.done $0x0  }
0xa4: {  	s25 =	simm.s32 $0x1B8E;
	s24 =	sld [smem:$0x3FFE];
	[sflag:s23] =	ssyncadd.s32 $0xFFFFFFFF  }
0xa5: {  	s26 =	simm.s32 $execute0_lowered;
	[smem:$0x3FD2] =	sst s25  }
0xa6: {  	s5 =	sshll.u32 s26, $0x1;
	_ =	strace $0x80000046;
	[dreg:$0x1] =	wrdreg $0xFFFFFFFF  }
0xa7: {  	s28 =	simm.s32 $_size_execute0_lowered;
	s3 =	sadd.s32 s3, s5;
	[dreg:$0x0] =	wrdreg $0x0  }
0xa8: {  	s5 =	sshll.u32 s28, $0x1;
	[dreg:$0x2] =	wrdreg s3  }
0xa9: {  	[dreg:$0x3] =	wrdreg s5  }
0xaa: {  	[dreg:$0x4] =	wrdreg $0xC0  }
0xab: {  	_ =	task [dreg:s7], $0x5FFFF  }
0xac: {  	[dreg:$0x1] =	wrdreg $0xFFFFFFFF  }
0xad: {  	[dreg:$0x0] =	wrdreg $0x60  }
0xae: {  	[dreg:$0x2] =	wrdreg s24  }
0xaf: {  	[dreg:$0x3] =	wrdreg s2  }
0xb0: {  	[dreg:$0x4] =	wrdreg $0x9  }
0xb1: {  	_ =	task.clear_ibuf [dreg:s7], $0x5FFFF;
	_ =	strace $0x90000046  }
0xb2: {  	s29 =	simm.s32 $0x9;
	_ =	strace $0x80000048  }
0xb3: {  	_ =	swait.ge [sflag:s29], $0x1  }
0xb4: {  	[sflag:s29] =	ssyncadd.s32 $0xFFFFFFFF  }
0xb5: {  	_ =	strace $0x90000048  }
0xb6: {  	_ =	sfence  }
0xb7: {  	s30 =	sld [smem:$0x0];
	_ =	sdelay $0x2  }
0xb8: {  	s31 =	sshll.u32 s1, $0xD;
	s1 =	sshrl.u32 s1, $0x2  }
0xb9: {  	s3 =	sand.u32 $0x4000, s31;
	s1 =	sadd.s32 s1, s30  }
0xba: {  	s0 =	sor.u32 s3, s0;
	s1 =	sshll.u32 s1, $0x11  }
0xbb: {  	s0 =	sor.u32 s1, s0  }
0xbc: {  	s0 =	sadd.s32 $0x8F2B, s0  }
0xbd: {  	[sflag:s0] =	ssyncadd.remote.s32 $0x1  }
0xbe: {  	_ =	sfence.sel $0xFFFF  }
0xbf: {  	[dreg:$0x0] =	wrdreg $0xFFFFFFFF;
	(pc) =	sbr.abs _section_cstart, $3  }
0xc0: {  	[dreg:$0x1] =	wrdreg $0xFFFFFFFF  }
0xc1: {  	_ =	task.clear_ibuf [dreg:s7], $0x2FFFF;
	_ =	strace $0x9FFFFFFF  }
0xc2: {  	(tm) =	ssettm $0x7FFFFFFF  }
0xc3: {  	_ =	shalt  }
tec
execute0_lowered:
.L_overlay_start_1:
0x0: {  	(tag) =	ssettag $0x1  }
0x1: {  	s4 =	rddreg [dreg:$0x0]  }
0x2: {  	s5 =	rddreg [dreg:$0x1];
	s2 =	srdreg.scid  }
0x3: {  	s0 =	rddreg [dreg:$0x2];
	s1 =	stileid.u32  }
0x4: {  	s9 =	simm.s32 $0x1200;
	s10 =	simm.s32 $0x9200;
	s11 =	simm.s32 $0x1  }
0x5: {  	s12 =	simm.s32 $0x2;
	s13 =	simm.s32 $0x0;
	s3 =	sand.u32 $0x1, s2  }
0x6: {  	s2 =	simm.s32 $0x0;
	s6 =	sshll.u32 s1, $0xA;
	s7 =	sshll.u32 s3, $0x9  }
0x7: {  	[smem:$0x7FF] =	sst s2;
	s8 =	ssub.s32 $0x2, s3;
	s6 =	sor.u32 s7, s6  }
0x8: {  	s3 =	sadd.s32 $0x400, s4;
	_ =	strace $0x80000047;
	s7 =	sshrl.u32 s6, $0x3  }
0x9: {  	s31 =	sshrl.u32 s8, $0x1;
	s6 =	sshll.u32 s6, $0x7;
	s4 =	sadd.s32 s7, s4  }
0xa: {  	s7 =	ssub.s32 s8, s31;
	s5 =	sadd.s32 s5, s6;
	s8 =	simm.s32 $0x1000  }
0xb: {  	s4 =	sadd.s32 $0x600, s4;
	s6 =	smax.u32 s7, $0x1;
	s7 =	simm.s32 $0x3  }
.LBB2_1:
0xc: {  	[tilespmem:s2], [sflag:$0x3] =	stream.linear.gather [hbm4b:s3+s2], $0x1000, $0x38;
	[tilespmem:$0x11400] =	vst v63  }
0xd: {  	_ =	swait.ge [sflag:s7], $0x1000  }
0xe: {  	[sflag:s7] =	ssyncset.done $0x0  }
0xf: {  	[sflag:s7] =	ssyncadd.s32 $0xFFFFF000  }
0x10: {  	[tilespmem:s8], [sflag:$0x3] =	stream.linear.gather [hbm4b:s4+s2], $0x200, $0x38;
	[tilespmem:$0x11400] =	vst v63  }
0x11: {  	_ =	swait.ge [sflag:s7], $0x200  }
0x12: {  	[sflag:s7] =	ssyncset.done $0x0  }
0x13: {  	s14 =	simm.s32 $0x0;
	s15 =	simm.s32 $0x0;
	[sflag:s7] =	ssyncadd.s32 $0xFFFFFE00  }
.LBB2_2:
0x14: {  	s16 =	sadd.s32 $0xFFFFFFFC, s14  }
0x15: {  	s17 =	sadd.s32 $0x4, s16  }
0x16: {  	s18 =	sadd.s32 $0x6, s16;
	s25 =	sadd.s32 $0x7, s16;
	v0 =	vmov s17  }
0x17: {  	p0 =	seq.s32 s15, $0x0;
	s16 =	sadd.s32 $0x5, s16;
	v1 =	vmov s18;
	v2 =	vmov s25;
	v0 =	vand.u32 $0xFFFFFFFC, v0  }
0x18: {  	s17 =	simm.s32 @!p0 $0x1;
	v3 =	vmov s16;
	v1 =	vand.u32 $0xFFFFFFFE, v1;
	v0 =	vbroadcast v0, $0x0  }
0x19: {  	s26 =	sadd.s32 $0x0, s14;
	_ =	swait.ge @!p0 [sflag:s17], $0x8000;
	v3 =	vand.u32 $0xFFFFFFFD, v3;
	v4 =	vbroadcast v1, $0x0  }
0x1a: {  	s28 =	sadd.s32 $0x4, s26;
	[sflag:s17] =	ssyncset.done @!p0 $0x0;
	v5 =	vbroadcast v3, $0x0  }
0x1b: {  	s29 =	sadd.s32 $0x7, s26;
	s16 =	sadd.s32 $0x6, s26;
	v1 =	vmov s28;
	[sflag:s17] =	ssyncadd.s32 @!p0 $0xFFFF8000  }
0x1c: {  	s19 =	sadd.s32 $0x5, s26;
	v6 =	vmov s29;
	v3 =	vmov s16;
	v1 =	vand.u32 $0xFFFFFFFC, v1;
	v10 =	vld.idx.msk [tilespmem:v2+s8+$0x0], $0xffff  }
0x1d: {  	v3 =	vand.u32 $0xFFFFFFFE, v3;
	v1 =	vbroadcast v1, $0x0;
	v2 =	vmov s19  }
0x1e: {  	s30 =	sadd.s32 $0x4, s14;
	v3 =	vbroadcast v3, $0x0;
	v7 =	vand.u32 $0xFFFFFFFD, v2;
	v2 =	vld.idx.msk [tilespmem:v0+s8+$0x0], $0xffff  }
0x1f: {  	s31 =	sadd.s32 $0x4, s30;
	s20 =	sadd.s32 $0x5, s30;
	s21 =	sadd.s32 $0x6, s30;
	v0 =	vbroadcast v7, $0x0;
	v4 =	vld.idx.msk [tilespmem:v4+s8+$0x0], $0xffff  }
0x20: {  	v9 =	vmov s20;
	v11 =	vmov s21;
	s20 =	sadd.s32 $0x7, s30;
	s17 =	simm.s32 $0x11220;
	v5 =	vld.idx.msk [tilespmem:v5+s8+$0x0], $0xffff;
	v7 =	vmov s31  }
0x21: {  	s18 =	simm.s32 $0x11220;
	v9 =	vand.u32 $0xFFFFFFFD, v9;
	s16 =	sshll.u32 s15, $0x1;
	s19 =	simm.s32 $0x8;
	v6 =	vld.idx.msk [tilespmem:v6+s8+$0x0], $0xffff;
	v8 =	vand.u32 $0xFFFFFFFC, v7;
	v7 =	vand.u32 $0xFFFFFFFE, v11;
	[tilespmem:s17+$0x10] =	vst v10  }
.LBB2_3:
0x22: {  	v10 =	vmov s20;
	s20 =	smov.u32 s19;
	s19 =	sadd.s32 $0x4, s19  }
0x23: {  	v9 =	vbroadcast v9, $0x0;
	[tilespmem:s17+$0xFFFFFFE0] =	vst v2;
	v2 =	vld.idx.msk [tilespmem:v1+s8+$0x0], $0xffff;
	v1 =	vbroadcast v8, $0x0;
	s18 =	sadd.s32 $0x40, s18;
	p1 =	slt.u32 s19, $0x1C  }
.Ltmp0:
0x24: {  	[tilespmem:s17+$0x0] =	vst v4;
	v4 =	vld.idx.msk [tilespmem:v3+s8+$0x0], $0xffff;
	v3 =	vbroadcast v7, $0x0;
	(pc) =	sbr.rel @p1 .LBB2_3-.Ltmp0, $4  }
0x25: {  	s20 =	sadd.s32 s20, s14;
	[tilespmem:s17+$0xFFFFFFF0] =	vst v5;
	v5 =	vld.idx.msk [tilespmem:v0+s8+$0x0], $0xffff;
	v0 =	vmov v9;
	s17 =	smov.u32 s18  }
0x26: {  	s21 =	sadd.s32 $0x4, s20;
	s22 =	sadd.s32 $0x5, s20;
	s23 =	sadd.s32 $0x6, s20  }
0x27: {  	s20 =	sadd.s32 $0x7, s20;
	v7 =	vmov s21;
	v9 =	vmov s22;
	v11 =	vmov s23  }
0x28: {  	v8 =	vand.u32 $0xFFFFFFFC, v7;
	v9 =	vand.u32 $0xFFFFFFFD, v9;
	v7 =	vand.u32 $0xFFFFFFFE, v11;
	[tilespmem:s18+$0x10] =	vst v6;
	v6 =	vld.idx.msk [tilespmem:v10+s8+$0x0], $0xffff  }
0x29: {  	_ =	sdelay $0x1  }
0x2a: {  	v8 =	vbroadcast v8, $0x0;
	v10 =	vmov s20  }
0x2b: {  	v7 =	vbroadcast v7, $0x0  }
0x2c: {  	v9 =	vbroadcast v9, $0x0;
	v1 =	vld.idx.msk [tilespmem:v1+s8+$0x0], $0xffff  }
0x2d: {  	[tilespmem:s17+$0xFFFFFFE0] =	vst v2;
	v2 =	vld.idx.msk [tilespmem:v3+s8+$0x0], $0xffff  }
0x2e: {  	[tilespmem:s17+$0x0] =	vst v4;
	v0 =	vld.idx.msk [tilespmem:v0+s8+$0x0], $0xffff  }
0x2f: {  	s18 =	sadd.s32 $0x40, s18;
	[tilespmem:s17+$0xFFFFFFF0] =	vst v5;
	v3 =	vld.idx.msk [tilespmem:v10+s8+$0x0], $0xffff  }
0x30: {  	[tilespmem:s18+$0x10] =	vst v6;
	v4 =	vld.idx.msk [tilespmem:v8+s8+$0x0], $0xffff  }
0x31: {  	[tilespmem:s18+$0xFFFFFFE0] =	vst v1;
	v1 =	vld.idx.msk [tilespmem:v7+s8+$0x0], $0xffff  }
0x32: {  	[tilespmem:s18+$0x0] =	vst v2;
	v2 =	vld.idx.msk [tilespmem:v9+s8+$0x0], $0xffff  }
0x33: {  	s26 =	sadd.s32 $0x40, s18;
	[tilespmem:s18+$0xFFFFFFF0] =	vst v0  }
0x34: {  	[tilespmem:s26+$0x10] =	vst v3  }
0x35: {  	[tilespmem:s26+$0xFFFFFFE0] =	vst v4  }
0x36: {  	[tilespmem:s26+$0x0] =	vst v1  }
0x37: {  	[tilespmem:s26+$0xFFFFFFF0] =	vst v2  }
0x38: {  	v1 =	vld [tilespmem:$0x0]  }
0x39: {  	v0 =	vld [tilespmem:$0x70]  }
0x3a: {  	v2 =	vld [tilespmem:$0x400]  }
0x3b: {  	v3 =	vld [tilespmem:$0x410]  }
0x3c: {  	v5 =	vld [tilespmem:$0x800]  }
0x3d: {  	v6 =	vld [tilespmem:$0x810]  }
0x3e: {  	v7 =	vld [tilespmem:$0x820]  }
0x3f: {  	v8 =	vld [tilespmem:$0x830]  }
0x40: {  	v9 =	vld [tilespmem:$0x840]  }
0x41: {  	v10 =	vld [tilespmem:$0x850]  }
0x42: {  	v11 =	vld [tilespmem:$0x860]  }
0x43: {  	v12 =	vld [tilespmem:$0x870]  }
0x44: {  	v13 =	vld [tilespmem:$0xC00]  }
0x45: {  	v15 =	vld [tilespmem:$0xC10]  }
0x46: {  	v16 =	vld [tilespmem:$0xC20]  }
0x47: {  	s28 =	simm.s32 $0x11210;
	v17 =	vld [tilespmem:$0xC70]  }
0x48: {  	v14 =	vld [tilespmem:s28+$0x0]  }
0x49: {  	v20 =	vld [tilespmem:s28+$0xFFFFFFF0]  }
0x4a: {  	v18 =	vld [tilespmem:$0xC30]  }
0x4b: {  	v19 =	vld [tilespmem:$0xC40]  }
0x4c: {  	v21 =	vld [tilespmem:$0xC50]  }
0x4d: {  	v22 =	vld [tilespmem:$0xC60]  }
0x4e: {  	v4 =	vld [tilespmem:$0x470];
	vm2 =	veq.s32 v14, $0x2  }
0x4f: {  	v23 =	vld [tilespmem:$0x420];
	vm3 =	veq.s32 v20, $0x2;
	vm1 =	veq.s32 v14, $0x1;
	vm0 =	veq.s32 v14, $0x0  }
0x50: {  	v26 =	vld [tilespmem:$0x430];
	v24 =	vsel vm2, v12, v17;
	v28 =	vsel vm3, v5, v13;
	v30 =	vsel vm3, v6, v15  }
0x51: {  	v29 =	vld [tilespmem:$0x440];
	v32 =	vsel vm3, v7, v16;
	v34 =	vsel vm3, v8, v18;
	v36 =	vsel vm3, v9, v19  }
0x52: {  	v31 =	vld [tilespmem:$0x450];
	v37 =	vsel vm3, v10, v21;
	v40 =	vsel vm3, v11, v22;
	v45 =	vsel vm3, v12, v17  }
0x53: {  	v25 =	vld [tilespmem:$0x20];
	v46 =	vsel vm2, v5, v13;
	v48 =	vsel vm2, v6, v15;
	v49 =	vsel vm2, v7, v16  }
0x54: {  	v27 =	vld [tilespmem:$0x30];
	v50 =	vsel vm2, v8, v18;
	v51 =	vsel vm2, v9, v19;
	v14 =	vsel vm1, v4, v24  }
0x55: {  	s18 =	simm.s32 $0x0;
	v52 =	vsel vm2, v10, v21;
	vm3 =	veq.s32 v20, $0x1;
	v35 =	vsel vm0, v0, v14;
	v14 =	vld [tilespmem:$0x460]  }
0x56: {  	s19 =	simm.s32 $0x80;
	s29 =	sand.u32 $0x6000, s18;
	v33 =	vsel vm2, v11, v22;
	v24 =	vld [tilespmem:$0x10];
	v41 =	vsel vm3, v2, v28;
	v38 =	vsel vm3, v3, v30  }
0x57: {  	s31 =	sand.u32 $0x380, s19;
	s22 =	sor.u32 $0x1200, s29;
	v28 =	vld [tilespmem:$0x40];
	v43 =	vsel vm3, v23, v32;
	v39 =	vsel vm3, v26, v34;
	v36 =	vsel vm3, v29, v36  }
0x58: {  	s30 =	simm.s32 $0x0;
	s17 =	sadd.s32 s31, s22;
	v30 =	vld [tilespmem:$0x50];
	v44 =	vsel vm3, v31, v37;
	v47 =	vsel vm1, v2, v46;
	v34 =	vsel vm1, v3, v48  }
0x59: {  	s20 =	sand.u32 $0x300, s30;
	v32 =	vld [tilespmem:$0x60];
	v37 =	vsel vm1, v23, v49;
	v46 =	vsel vm1, v26, v50;
	[tilespmem:s17+$0x70] =	vst v35;
	v35 =	vsel vm1, v31, v52  }
0x5a: {  	s21 =	simm.s32 $0x0;
	s20 =	sadd.s32 s20, s22;
	s22 =	simm.s32 $0x11230;
	v42 =	vsel vm3, v14, v40;
	v40 =	vsel vm3, v4, v45;
	v45 =	vsel vm1, v29, v51  }
.LBB2_5:
0x5b: {  	v48 =	vld [tilespmem:s22+$0x0];
	s21 =	sadd.s32 $0x2, s21;
	vm2 =	veq.s32 v20, $0x0;
	v47 =	vsel vm0, v1, v47;
	v33 =	vsel vm1, v14, v33  }
0x5c: {  	v20 =	vld [tilespmem:s22+$0xFFFFFFF0];
	p1 =	slt.u32 s21, $0x1E;
	v41 =	vsel vm2, v1, v41;
	v38 =	vsel vm2, v24, v38;
	v43 =	vsel vm2, v25, v43;
	[tilespmem:s17+$0x0] =	vst v47  }
0x5d: {  	v39 =	vsel vm2, v27, v39;
	v36 =	vsel vm2, v28, v36;
	[tilespmem:s20+$0x0] =	vst v41;
	v41 =	vsel vm2, v30, v44  }
0x5e: {  	v34 =	vsel vm0, v24, v34;
	v40 =	vsel vm2, v0, v40;
	[tilespmem:s20+$0x10] =	vst v38;
	v38 =	vsel vm2, v32, v42  }
0x5f: {  	v37 =	vsel vm0, v25, v37;
	v44 =	vsel vm0, v28, v45;
	v42 =	vsel vm0, v27, v46;
	[tilespmem:s20+$0x20] =	vst v43  }
0x60: {  	v35 =	vsel vm0, v30, v35;
	s18 =	sadd.s32 $0x800, s18;
	v45 =	vsel vm0, v32, v33;
	vm2 =	veq.s32 v48, $0x2;
	[tilespmem:s20+$0x30] =	vst v39  }
0x61: {  	s19 =	sadd.s32 $0x100, s19;
	s23 =	sand.u32 $0x6000, s18;
	vm1 =	veq.s32 v48, $0x1;
	vm3 =	veq.s32 v20, $0x2;
	v33 =	vsel vm2, v12, v17;
	[tilespmem:s20+$0x40] =	vst v36  }
0x62: {  	s24 =	sadd.s32 $0xFFFFFF80, s19;
	s25 =	sand.u32 $0x380, s19;
	s23 =	sor.u32 $0x1200, s23;
	vm0 =	veq.s32 v48, $0x0;
	v36 =	vsel vm3, v5, v13;
	v33 =	vsel vm1, v4, v33;
	[tilespmem:s20+$0x50] =	vst v41  }
0x63: {  	s24 =	sand.u32 $0x300, s24;
	s25 =	sadd.s32 s25, s23;
	v39 =	vsel vm3, v6, v15;
	v43 =	vsel vm3, v7, v16;
	v33 =	vsel vm0, v0, v33;
	[tilespmem:s20+$0x60] =	vst v38  }
0x64: {  	s23 =	sadd.s32 s24, s23;
	v46 =	vsel vm3, v8, v18;
	v48 =	vsel vm3, v9, v19;
	v49 =	vsel vm3, v10, v21;
	[tilespmem:s25+$0x70] =	vst v33  }
0x65: {  	v50 =	vsel vm3, v11, v22;
	v51 =	vsel vm3, v12, v17;
	v38 =	vsel vm2, v5, v13;
	[tilespmem:s20+$0x70] =	vst v40;
	s20 =	smov.u32 s23  }
0x66: {  	v52 =	vsel vm2, v7, v16;
	v53 =	vsel vm2, v8, v18;
	v40 =	vsel vm2, v6, v15;
	[tilespmem:s17+$0x10] =	vst v34  }
0x67: {  	v54 =	vsel vm2, v9, v19;
	v55 =	vsel vm2, v10, v21;
	v33 =	vsel vm2, v11, v22;
	[tilespmem:s17+$0x20] =	vst v37  }
.Ltmp1:
0x68: {  	v47 =	vsel vm1, v2, v38;
	vm2 =	veq.s32 v20, $0x1;
	v34 =	vsel vm1, v3, v40;
	[tilespmem:s17+$0x30] =	vst v42;
	(pc) =	sbr.rel @p1 .LBB2_5-.Ltmp1, $4  }
0x69: {  	v41 =	vsel vm2, v2, v36;
	v38 =	vsel vm2, v3, v39;
	v43 =	vsel vm2, v23, v43;
	[tilespmem:s17+$0x40] =	vst v44  }
0x6a: {  	v39 =	vsel vm2, v26, v46;
	v36 =	vsel vm2, v29, v48;
	v44 =	vsel vm2, v31, v49;
	[tilespmem:s17+$0x50] =	vst v35  }
0x6b: {  	v40 =	vsel vm2, v4, v51;
	v37 =	vsel vm1, v23, v52;
	v42 =	vsel vm2, v14, v50;
	[tilespmem:s17+$0x60] =	vst v45;
	s17 =	smov.u32 s25  }
0x6c: {  	s22 =	sadd.s32 $0x20, s22;
	v46 =	vsel vm1, v26, v53;
	v35 =	vsel vm1, v31, v55;
	v45 =	vsel vm1, v29, v54  }
0x6d: {  	vm2 =	veq.s32 v20, $0x0;
	v2 =	vsel vm0, v1, v47  }
0x6e: {  	v1 =	vsel vm2, v1, v41;
	[tilespmem:s17+$0x0] =	vst v2  }
0x6f: {  	v2 =	vsel vm2, v24, v38;
	[tilespmem:s20+$0x0] =	vst v1  }
0x70: {  	v0 =	vsel vm2, v0, v40;
	[tilespmem:s20+$0x10] =	vst v2  }
0x71: {  	v1 =	vsel vm2, v25, v43;
	[tilespmem:s20+$0x70] =	vst v0  }
0x72: {  	v2 =	vsel vm2, v27, v39;
	[tilespmem:s20+$0x20] =	vst v1  }
0x73: {  	v0 =	vsel vm0, v25, v37;
	[tilespmem:s20+$0x30] =	vst v2  }
0x74: {  	v1 =	vsel vm2, v28, v36;
	[tilespmem:s17+$0x20] =	vst v0  }
0x75: {  	v2 =	vsel vm2, v30, v44;
	[tilespmem:s20+$0x40] =	vst v1  }
0x76: {  	v0 =	vsel vm0, v28, v45;
	[tilespmem:s20+$0x50] =	vst v2  }
0x77: {  	v1 =	vsel vm2, v32, v42;
	[tilespmem:s17+$0x40] =	vst v0  }
0x78: {  	[tilespmem:s20+$0x60] =	vst v1;
	v1 =	vsel vm0, v24, v34  }
0x79: {  	[tilespmem:s17+$0x10] =	vst v1;
	v1 =	vsel vm0, v27, v46  }
0x7a: {  	v2 =	vsel vm0, v30, v35;
	[tilespmem:s17+$0x30] =	vst v1;
	v1 =	vsel vm1, v14, v33  }
0x7b: {  	[tilespmem:s17+$0x50] =	vst v2;
	v0 =	vsel vm0, v32, v1  }
0x7c: {  	[tilespmem:s17+$0x60] =	vst v0  }
0x7d: {  	v1 =	vld [tilespmem:$0x80]  }
0x7e: {  	v0 =	vld [tilespmem:$0xF0]  }
0x7f: {  	v2 =	vld [tilespmem:$0x480]  }
0x80: {  	v3 =	vld [tilespmem:$0x490]  }
0x81: {  	v5 =	vld [tilespmem:$0x880]  }
0x82: {  	v6 =	vld [tilespmem:$0x890]  }
0x83: {  	v7 =	vld [tilespmem:$0x8A0]  }
0x84: {  	v8 =	vld [tilespmem:$0x8B0]  }
0x85: {  	v9 =	vld [tilespmem:$0x8C0]  }
0x86: {  	v10 =	vld [tilespmem:$0x8D0]  }
0x87: {  	v11 =	vld [tilespmem:$0x8E0]  }
0x88: {  	v12 =	vld [tilespmem:$0x8F0]  }
0x89: {  	v13 =	vld [tilespmem:$0xC80]  }
0x8a: {  	v15 =	vld [tilespmem:$0xC90]  }
0x8b: {  	v16 =	vld [tilespmem:$0xCA0]  }
0x8c: {  	s28 =	simm.s32 $0x11210;
	v17 =	vld [tilespmem:$0xCF0]  }
0x8d: {  	v14 =	vld [tilespmem:s28+$0x0]  }
0x8e: {  	v20 =	vld [tilespmem:s28+$0xFFFFFFF0]  }
0x8f: {  	v18 =	vld [tilespmem:$0xCB0]  }
0x90: {  	v19 =	vld [tilespmem:$0xCC0]  }
0x91: {  	v21 =	vld [tilespmem:$0xCD0]  }
0x92: {  	v22 =	vld [tilespmem:$0xCE0]  }
0x93: {  	v4 =	vld [tilespmem:$0x4F0];
	vm2 =	veq.s32 v14, $0x2  }
0x94: {  	v23 =	vld [tilespmem:$0x4A0];
	vm3 =	veq.s32 v20, $0x2;
	vm1 =	veq.s32 v14, $0x1;
	vm0 =	veq.s32 v14, $0x0  }
0x95: {  	v26 =	vld [tilespmem:$0x4B0];
	v24 =	vsel vm2, v12, v17;
	v28 =	vsel vm3, v5, v13;
	v30 =	vsel vm3, v6, v15  }
0x96: {  	v29 =	vld [tilespmem:$0x4C0];
	v56 =	vsel vm3, v7, v16;
	v58 =	vsel vm3, v8, v18;
	v59 =	vsel vm3, v9, v19  }
0x97: {  	v31 =	vld [tilespmem:$0x4D0];
	v60 =	vsel vm3, v10, v21;
	v61 =	vsel vm3, v11, v22;
	v62 =	vsel vm3, v12, v17  }
0x98: {  	v25 =	vld [tilespmem:$0xA0];
	v63 =	vsel vm2, v5, v13;
	v48 =	vsel vm2, v6, v15;
	v49 =	vsel vm2, v7, v16  }
0x99: {  	v27 =	vld [tilespmem:$0xB0];
	v50 =	vsel vm2, v8, v18;
	v51 =	vsel vm2, v9, v19;
	v14 =	vsel vm1, v4, v24  }
0x9a: {  	v52 =	vsel vm2, v10, v21;
	vm3 =	veq.s32 v20, $0x1;
	v57 =	vsel vm0, v0, v14;
	v14 =	vld [tilespmem:$0x4E0]  }
0x9b: {  	s18 =	simm.s32 $0x0;
	v33 =	vsel vm2, v11, v22;
	v24 =	vld [tilespmem:$0x90];
	v41 =	vsel vm3, v2, v28;
	v38 =	vsel vm3, v3, v30  }
0x9c: {  	s19 =	simm.s32 $0x80;
	s29 =	sand.u32 $0x6000, s18;
	v28 =	vld [tilespmem:$0xC0];
	v43 =	vsel vm3, v23, v56;
	v39 =	vsel vm3, v26, v58;
	v36 =	vsel vm3, v29, v59  }
0x9d: {  	s30 =	simm.s32 $0x0;
	s31 =	sand.u32 $0x380, s19;
	s22 =	sor.u32 $0x1200, s29;
	v30 =	vld [tilespmem:$0xD0];
	v44 =	vsel vm3, v31, v60;
	v40 =	vsel vm3, v4, v62;
	v47 =	vsel vm1, v2, v63  }
0x9e: {  	s20 =	sand.u32 $0x300, s30;
	s17 =	sadd.s32 s31, s22;
	v32 =	vld [tilespmem:$0xE0];
	v34 =	vsel vm1, v3, v48;
	v37 =	vsel vm1, v23, v49;
	v46 =	vsel vm1, v26, v50  }
0x9f: {  	s21 =	simm.s32 $0x0;
	s20 =	sadd.s32 s20, s22;
	s22 =	simm.s32 $0x11230;
	v45 =	vsel vm1, v29, v51;
	v35 =	vsel vm1, v31, v52;
	[tilespmem:s17+$0x470] =	vst v57;
	v42 =	vsel vm3, v14, v61  }
.LBB2_7:
0xa0: {  	v48 =	vld [tilespmem:s22+$0x0];
	s21 =	sadd.s32 $0x2, s21;
	vm2 =	veq.s32 v20, $0x0;
	v47 =	vsel vm0, v1, v47;
	v33 =	vsel vm1, v14, v33  }
0xa1: {  	v20 =	vld [tilespmem:s22+$0xFFFFFFF0];
	p1 =	slt.u32 s21, $0x1E;
	v41 =	vsel vm2, v1, v41;
	v38 =	vsel vm2, v24, v38;
	v43 =	vsel vm2, v25, v43;
	[tilespmem:s17+$0x400] =	vst v47  }
0xa2: {  	v39 =	vsel vm2, v27, v39;
	v36 =	vsel vm2, v28, v36;
	[tilespmem:s20+$0x400] =	vst v41;
	v41 =	vsel vm2, v30, v44  }
0xa3: {  	v34 =	vsel vm0, v24, v34;
	v40 =	vsel vm2, v0, v40;
	[tilespmem:s20+$0x410] =	vst v38;
	v38 =	vsel vm2, v32, v42  }
0xa4: {  	v37 =	vsel vm0, v25, v37;
	v44 =	vsel vm0, v28, v45;
	v42 =	vsel vm0, v27, v46;
	[tilespmem:s20+$0x420] =	vst v43  }
0xa5: {  	v35 =	vsel vm0, v30, v35;
	s18 =	sadd.s32 $0x800, s18;
	v45 =	vsel vm0, v32, v33;
	vm2 =	veq.s32 v48, $0x2;
	[tilespmem:s20+$0x430] =	vst v39  }
0xa6: {  	s19 =	sadd.s32 $0x100, s19;
	s23 =	sand.u32 $0x6000, s18;
	vm1 =	veq.s32 v48, $0x1;
	vm3 =	veq.s32 v20, $0x2;
	v33 =	vsel vm2, v12, v17;
	[tilespmem:s20+$0x440] =	vst v36  }
0xa7: {  	s24 =	sadd.s32 $0xFFFFFF80, s19;
	s25 =	sand.u32 $0x380, s19;
	s23 =	sor.u32 $0x1200, s23;
	vm0 =	veq.s32 v48, $0x0;
	v36 =	vsel vm3, v5, v13;
	v33 =	vsel vm1, v4, v33;
	[tilespmem:s20+$0x450] =	vst v41  }
0xa8: {  	s24 =	sand.u32 $0x300, s24;
	s25 =	sadd.s32 s25, s23;
	v39 =	vsel vm3, v6, v15;
	v43 =	vsel vm3, v7, v16;
	v33 =	vsel vm0, v0, v33;
	[tilespmem:s20+$0x460] =	vst v38  }
0xa9: {  	s23 =	sadd.s32 s24, s23;
	v46 =	vsel vm3, v8, v18;
	v48 =	vsel vm3, v9, v19;
	v49 =	vsel vm3, v10, v21;
	[tilespmem:s25+$0x470] =	vst v33  }
0xaa: {  	v50 =	vsel vm3, v11, v22;
	v51 =	vsel vm3, v12, v17;
	v38 =	vsel vm2, v5, v13;
	[tilespmem:s20+$0x470] =	vst v40;
	s20 =	smov.u32 s23  }
0xab: {  	v52 =	vsel vm2, v7, v16;
	v53 =	vsel vm2, v8, v18;
	v40 =	vsel vm2, v6, v15;
	[tilespmem:s17+$0x410] =	vst v34  }
0xac: {  	v54 =	vsel vm2, v9, v19;
	v55 =	vsel vm2, v10, v21;
	v33 =	vsel vm2, v11, v22;
	[tilespmem:s17+$0x420] =	vst v37  }
.Ltmp2:
0xad: {  	v47 =	vsel vm1, v2, v38;
	vm2 =	veq.s32 v20, $0x1;
	v34 =	vsel vm1, v3, v40;
	[tilespmem:s17+$0x430] =	vst v42;
	(pc) =	sbr.rel @p1 .LBB2_7-.Ltmp2, $4  }
0xae: {  	v41 =	vsel vm2, v2, v36;
	v38 =	vsel vm2, v3, v39;
	v43 =	vsel vm2, v23, v43;
	[tilespmem:s17+$0x440] =	vst v44  }
0xaf: {  	v39 =	vsel vm2, v26, v46;
	v36 =	vsel vm2, v29, v48;
	v44 =	vsel vm2, v31, v49;
	[tilespmem:s17+$0x450] =	vst v35  }
0xb0: {  	v40 =	vsel vm2, v4, v51;
	v37 =	vsel vm1, v23, v52;
	v42 =	vsel vm2, v14, v50;
	[tilespmem:s17+$0x460] =	vst v45;
	s17 =	smov.u32 s25  }
0xb1: {  	s22 =	sadd.s32 $0x20, s22;
	v46 =	vsel vm1, v26, v53;
	v35 =	vsel vm1, v31, v55;
	v45 =	vsel vm1, v29, v54  }
0xb2: {  	vm2 =	veq.s32 v20, $0x0;
	v2 =	vsel vm0, v1, v47  }
0xb3: {  	v1 =	vsel vm2, v1, v41;
	[tilespmem:s17+$0x400] =	vst v2  }
0xb4: {  	v2 =	vsel vm2, v24, v38;
	[tilespmem:s20+$0x400] =	vst v1  }
0xb5: {  	v0 =	vsel vm2, v0, v40;
	[tilespmem:s20+$0x410] =	vst v2  }
0xb6: {  	v1 =	vsel vm2, v25, v43;
	[tilespmem:s20+$0x470] =	vst v0  }
0xb7: {  	v2 =	vsel vm2, v27, v39;
	[tilespmem:s20+$0x420] =	vst v1  }
0xb8: {  	v0 =	vsel vm0, v25, v37;
	[tilespmem:s20+$0x430] =	vst v2  }
0xb9: {  	v1 =	vsel vm2, v28, v36;
	[tilespmem:s17+$0x420] =	vst v0  }
0xba: {  	v2 =	vsel vm2, v30, v44;
	[tilespmem:s20+$0x440] =	vst v1  }
0xbb: {  	v0 =	vsel vm0, v28, v45;
	[tilespmem:s20+$0x450] =	vst v2  }
0xbc: {  	v1 =	vsel vm2, v32, v42;
	[tilespmem:s17+$0x440] =	vst v0  }
0xbd: {  	[tilespmem:s20+$0x460] =	vst v1;
	v1 =	vsel vm0, v24, v34  }
0xbe: {  	[tilespmem:s17+$0x410] =	vst v1;
	v1 =	vsel vm0, v27, v46  }
0xbf: {  	v2 =	vsel vm0, v30, v35;
	[tilespmem:s17+$0x430] =	vst v1;
	v1 =	vsel vm1, v14, v33  }
0xc0: {  	[tilespmem:s17+$0x450] =	vst v2;
	v0 =	vsel vm0, v32, v1  }
0xc1: {  	[tilespmem:s17+$0x460] =	vst v0  }
0xc2: {  	v1 =	vld [tilespmem:$0x100]  }
0xc3: {  	v0 =	vld [tilespmem:$0x170]  }
0xc4: {  	v2 =	vld [tilespmem:$0x500]  }
0xc5: {  	v3 =	vld [tilespmem:$0x510]  }
0xc6: {  	v5 =	vld [tilespmem:$0x900]  }
0xc7: {  	v6 =	vld [tilespmem:$0x910]  }
0xc8: {  	v7 =	vld [tilespmem:$0x920]  }
0xc9: {  	v8 =	vld [tilespmem:$0x930]  }
0xca: {  	v9 =	vld [tilespmem:$0x940]  }
0xcb: {  	v10 =	vld [tilespmem:$0x950]  }
0xcc: {  	v11 =	vld [tilespmem:$0x960]  }
0xcd: {  	v12 =	vld [tilespmem:$0x970]  }
0xce: {  	v13 =	vld [tilespmem:$0xD00]  }
0xcf: {  	v15 =	vld [tilespmem:$0xD10]  }
0xd0: {  	v16 =	vld [tilespmem:$0xD20]  }
0xd1: {  	s28 =	simm.s32 $0x11210;
	v17 =	vld [tilespmem:$0xD70]  }
0xd2: {  	v14 =	vld [tilespmem:s28+$0x0]  }
0xd3: {  	v20 =	vld [tilespmem:s28+$0xFFFFFFF0]  }
0xd4: {  	v18 =	vld [tilespmem:$0xD30]  }
0xd5: {  	v19 =	vld [tilespmem:$0xD40]  }
0xd6: {  	v21 =	vld [tilespmem:$0xD50]  }
0xd7: {  	v22 =	vld [tilespmem:$0xD60]  }
0xd8: {  	v4 =	vld [tilespmem:$0x570];
	vm2 =	veq.s32 v14, $0x2  }
0xd9: {  	v23 =	vld [tilespmem:$0x520];
	vm3 =	veq.s32 v20, $0x2;
	vm1 =	veq.s32 v14, $0x1;
	vm0 =	veq.s32 v14, $0x0  }
0xda: {  	v26 =	vld [tilespmem:$0x530];
	v24 =	vsel vm2, v12, v17;
	v28 =	vsel vm3, v5, v13;
	v30 =	vsel vm3, v6, v15  }
0xdb: {  	v29 =	vld [tilespmem:$0x540];
	v56 =	vsel vm3, v7, v16;
	v58 =	vsel vm3, v8, v18;
	v59 =	vsel vm3, v9, v19  }
0xdc: {  	v31 =	vld [tilespmem:$0x550];
	v60 =	vsel vm3, v10, v21;
	v61 =	vsel vm3, v11, v22;
	v62 =	vsel vm3, v12, v17  }
0xdd: {  	v25 =	vld [tilespmem:$0x120];
	v63 =	vsel vm2, v5, v13;
	v48 =	vsel vm2, v6, v15;
	v49 =	vsel vm2, v7, v16  }
0xde: {  	v27 =	vld [tilespmem:$0x130];
	v50 =	vsel vm2, v8, v18;
	v51 =	vsel vm2, v9, v19;
	v14 =	vsel vm1, v4, v24  }
0xdf: {  	v52 =	vsel vm2, v10, v21;
	vm3 =	veq.s32 v20, $0x1;
	v57 =	vsel vm0, v0, v14;
	v14 =	vld [tilespmem:$0x560]  }
0xe0: {  	s18 =	simm.s32 $0x0;
	v33 =	vsel vm2, v11, v22;
	v24 =	vld [tilespmem:$0x110];
	v41 =	vsel vm3, v2, v28;
	v38 =	vsel vm3, v3, v30  }
0xe1: {  	s19 =	simm.s32 $0x80;
	s29 =	sand.u32 $0x6000, s18;
	v28 =	vld [tilespmem:$0x140];
	v43 =	vsel vm3, v23, v56;
	v39 =	vsel vm3, v26, v58;
	v36 =	vsel vm3, v29, v59  }
0xe2: {  	s30 =	simm.s32 $0x0;
	s31 =	sand.u32 $0x380, s19;
	s22 =	sor.u32 $0x1200, s29;
	v30 =	vld [tilespmem:$0x150];
	v44 =	vsel vm3, v31, v60;
	v40 =	vsel vm3, v4, v62;
	v47 =	vsel vm1, v2, v63  }
0xe3: {  	s20 =	sand.u32 $0x300, s30;
	s17 =	sadd.s32 s31, s22;
	v32 =	vld [tilespmem:$0x160];
	v34 =	vsel vm1, v3, v48;
	v37 =	vsel vm1, v23, v49;
	v46 =	vsel vm1, v26, v50  }
0xe4: {  	s21 =	simm.s32 $0x0;
	s20 =	sadd.s32 s20, s22;
	s22 =	simm.s32 $0x11230;
	v45 =	vsel vm1, v29, v51;
	v35 =	vsel vm1, v31, v52;
	[tilespmem:s17+$0x870] =	vst v57;
	v42 =	vsel vm3, v14, v61  }
.LBB2_9:
0xe5: {  	v48 =	vld [tilespmem:s22+$0x0];
	s21 =	sadd.s32 $0x2, s21;
	vm2 =	veq.s32 v20, $0x0;
	v47 =	vsel vm0, v1, v47;
	v33 =	vsel vm1, v14, v33  }
0xe6: {  	v20 =	vld [tilespmem:s22+$0xFFFFFFF0];
	p1 =	slt.u32 s21, $0x1E;
	v41 =	vsel vm2, v1, v41;
	v38 =	vsel vm2, v24, v38;
	v43 =	vsel vm2, v25, v43;
	[tilespmem:s17+$0x800] =	vst v47  }
0xe7: {  	v39 =	vsel vm2, v27, v39;
	v36 =	vsel vm2, v28, v36;
	[tilespmem:s20+$0x800] =	vst v41;
	v41 =	vsel vm2, v30, v44  }
0xe8: {  	v34 =	vsel vm0, v24, v34;
	v40 =	vsel vm2, v0, v40;
	[tilespmem:s20+$0x810] =	vst v38;
	v38 =	vsel vm2, v32, v42  }
0xe9: {  	v37 =	vsel vm0, v25, v37;
	v44 =	vsel vm0, v28, v45;
	v42 =	vsel vm0, v27, v46;
	[tilespmem:s20+$0x820] =	vst v43  }
0xea: {  	v35 =	vsel vm0, v30, v35;
	s18 =	sadd.s32 $0x800, s18;
	v45 =	vsel vm0, v32, v33;
	vm2 =	veq.s32 v48, $0x2;
	[tilespmem:s20+$0x830] =	vst v39  }
0xeb: {  	s19 =	sadd.s32 $0x100, s19;
	s23 =	sand.u32 $0x6000, s18;
	vm1 =	veq.s32 v48, $0x1;
	vm3 =	veq.s32 v20, $0x2;
	v33 =	vsel vm2, v12, v17;
	[tilespmem:s20+$0x840] =	vst v36  }
0xec: {  	s24 =	sadd.s32 $0xFFFFFF80, s19;
	s25 =	sand.u32 $0x380, s19;
	s23 =	sor.u32 $0x1200, s23;
	vm0 =	veq.s32 v48, $0x0;
	v36 =	vsel vm3, v5, v13;
	v33 =	vsel vm1, v4, v33;
	[tilespmem:s20+$0x850] =	vst v41  }
0xed: {  	s24 =	sand.u32 $0x300, s24;
	s25 =	sadd.s32 s25, s23;
	v39 =	vsel vm3, v6, v15;
	v43 =	vsel vm3, v7, v16;
	v33 =	vsel vm0, v0, v33;
	[tilespmem:s20+$0x860] =	vst v38  }
0xee: {  	s23 =	sadd.s32 s24, s23;
	v46 =	vsel vm3, v8, v18;
	v48 =	vsel vm3, v9, v19;
	v49 =	vsel vm3, v10, v21;
	[tilespmem:s25+$0x870] =	vst v33  }
0xef: {  	v50 =	vsel vm3, v11, v22;
	v51 =	vsel vm3, v12, v17;
	v38 =	vsel vm2, v5, v13;
	[tilespmem:s20+$0x870] =	vst v40;
	s20 =	smov.u32 s23  }
0xf0: {  	v52 =	vsel vm2, v7, v16;
	v53 =	vsel vm2, v8, v18;
	v40 =	vsel vm2, v6, v15;
	[tilespmem:s17+$0x810] =	vst v34  }
0xf1: {  	v54 =	vsel vm2, v9, v19;
	v55 =	vsel vm2, v10, v21;
	v33 =	vsel vm2, v11, v22;
	[tilespmem:s17+$0x820] =	vst v37  }
.Ltmp3:
0xf2: {  	v47 =	vsel vm1, v2, v38;
	vm2 =	veq.s32 v20, $0x1;
	v34 =	vsel vm1, v3, v40;
	[tilespmem:s17+$0x830] =	vst v42;
	(pc) =	sbr.rel @p1 .LBB2_9-.Ltmp3, $4  }
0xf3: {  	v41 =	vsel vm2, v2, v36;
	v38 =	vsel vm2, v3, v39;
	v43 =	vsel vm2, v23, v43;
	[tilespmem:s17+$0x840] =	vst v44  }
0xf4: {  	v39 =	vsel vm2, v26, v46;
	v36 =	vsel vm2, v29, v48;
	v44 =	vsel vm2, v31, v49;
	[tilespmem:s17+$0x850] =	vst v35  }
0xf5: {  	v40 =	vsel vm2, v4, v51;
	v37 =	vsel vm1, v23, v52;
	v42 =	vsel vm2, v14, v50;
	[tilespmem:s17+$0x860] =	vst v45;
	s17 =	smov.u32 s25  }
0xf6: {  	s22 =	sadd.s32 $0x20, s22;
	v46 =	vsel vm1, v26, v53;
	v35 =	vsel vm1, v31, v55;
	v45 =	vsel vm1, v29, v54  }
0xf7: {  	vm2 =	veq.s32 v20, $0x0;
	v2 =	vsel vm0, v1, v47  }
0xf8: {  	v1 =	vsel vm2, v1, v41;
	[tilespmem:s17+$0x800] =	vst v2  }
0xf9: {  	v2 =	vsel vm2, v24, v38;
	[tilespmem:s20+$0x800] =	vst v1  }
0xfa: {  	v0 =	vsel vm2, v0, v40;
	[tilespmem:s20+$0x810] =	vst v2  }
0xfb: {  	v1 =	vsel vm2, v25, v43;
	[tilespmem:s20+$0x870] =	vst v0  }
0xfc: {  	v2 =	vsel vm2, v27, v39;
	[tilespmem:s20+$0x820] =	vst v1  }
0xfd: {  	v0 =	vsel vm0, v25, v37;
	[tilespmem:s20+$0x830] =	vst v2  }
0xfe: {  	v1 =	vsel vm2, v28, v36;
	[tilespmem:s17+$0x820] =	vst v0  }
0xff: {  	v2 =	vsel vm2, v30, v44;
	[tilespmem:s20+$0x840] =	vst v1  }
0x100: {  	v0 =	vsel vm0, v28, v45;
	[tilespmem:s20+$0x850] =	vst v2  }
0x101: {  	v1 =	vsel vm2, v32, v42;
	[tilespmem:s17+$0x840] =	vst v0  }
0x102: {  	[tilespmem:s20+$0x860] =	vst v1;
	v1 =	vsel vm0, v24, v34  }
0x103: {  	[tilespmem:s17+$0x810] =	vst v1;
	v1 =	vsel vm0, v27, v46  }
0x104: {  	v2 =	vsel vm0, v30, v35;
	[tilespmem:s17+$0x830] =	vst v1;
	v1 =	vsel vm1, v14, v33  }
0x105: {  	[tilespmem:s17+$0x850] =	vst v2;
	v0 =	vsel vm0, v32, v1  }
0x106: {  	[tilespmem:s17+$0x860] =	vst v0  }
0x107: {  	v1 =	vld [tilespmem:$0x180]  }
0x108: {  	v0 =	vld [tilespmem:$0x1F0]  }
0x109: {  	v2 =	vld [tilespmem:$0x580]  }
0x10a: {  	v3 =	vld [tilespmem:$0x590]  }
0x10b: {  	v5 =	vld [tilespmem:$0x980]  }
0x10c: {  	v6 =	vld [tilespmem:$0x990]  }
0x10d: {  	v7 =	vld [tilespmem:$0x9A0]  }
0x10e: {  	v8 =	vld [tilespmem:$0x9B0]  }
0x10f: {  	v9 =	vld [tilespmem:$0x9C0]  }
0x110: {  	v10 =	vld [tilespmem:$0x9D0]  }
0x111: {  	v11 =	vld [tilespmem:$0x9E0]  }
0x112: {  	v12 =	vld [tilespmem:$0x9F0]  }
0x113: {  	v13 =	vld [tilespmem:$0xD80]  }
0x114: {  	v15 =	vld [tilespmem:$0xD90]  }
0x115: {  	v16 =	vld [tilespmem:$0xDA0]  }
0x116: {  	s28 =	simm.s32 $0x11210;
	v17 =	vld [tilespmem:$0xDF0]  }
0x117: {  	v14 =	vld [tilespmem:s28+$0x0]  }
0x118: {  	v20 =	vld [tilespmem:s28+$0xFFFFFFF0]  }
0x119: {  	v18 =	vld [tilespmem:$0xDB0]  }
0x11a: {  	v19 =	vld [tilespmem:$0xDC0]  }
0x11b: {  	v21 =	vld [tilespmem:$0xDD0]  }
0x11c: {  	v22 =	vld [tilespmem:$0xDE0]  }
0x11d: {  	v4 =	vld [tilespmem:$0x5F0];
	vm2 =	veq.s32 v14, $0x2  }
0x11e: {  	v23 =	vld [tilespmem:$0x5A0];
	vm3 =	veq.s32 v20, $0x2;
	vm1 =	veq.s32 v14, $0x1;
	vm0 =	veq.s32 v14, $0x0  }
0x11f: {  	v26 =	vld [tilespmem:$0x5B0];
	v24 =	vsel vm2, v12, v17;
	v28 =	vsel vm3, v5, v13;
	v30 =	vsel vm3, v6, v15  }
0x120: {  	v29 =	vld [tilespmem:$0x5C0];
	v56 =	vsel vm3, v7, v16;
	v58 =	vsel vm3, v8, v18;
	v59 =	vsel vm3, v9, v19  }
0x121: {  	v31 =	vld [tilespmem:$0x5D0];
	v60 =	vsel vm3, v10, v21;
	v61 =	vsel vm3, v11, v22;
	v62 =	vsel vm3, v12, v17  }
0x122: {  	v25 =	vld [tilespmem:$0x1A0];
	v63 =	vsel vm2, v5, v13;
	v48 =	vsel vm2, v6, v15;
	v49 =	vsel vm2, v7, v16  }
0x123: {  	v27 =	vld [tilespmem:$0x1B0];
	v50 =	vsel vm2, v8, v18;
	v51 =	vsel vm2, v9, v19;
	v14 =	vsel vm1, v4, v24  }
0x124: {  	v52 =	vsel vm2, v10, v21;
	vm3 =	veq.s32 v20, $0x1;
	v57 =	vsel vm0, v0, v14;
	v14 =	vld [tilespmem:$0x5E0]  }
0x125: {  	s18 =	simm.s32 $0x0;
	v33 =	vsel vm2, v11, v22;
	v24 =	vld [tilespmem:$0x190];
	v41 =	vsel vm3, v2, v28;
	v38 =	vsel vm3, v3, v30  }
0x126: {  	s19 =	simm.s32 $0x80;
	s29 =	sand.u32 $0x6000, s18;
	v28 =	vld [tilespmem:$0x1C0];
	v43 =	vsel vm3, v23, v56;
	v39 =	vsel vm3, v26, v58;
	v36 =	vsel vm3, v29, v59  }
0x127: {  	s30 =	simm.s32 $0x0;
	s31 =	sand.u32 $0x380, s19;
	s22 =	sor.u32 $0x1200, s29;
	v30 =	vld [tilespmem:$0x1D0];
	v44 =	vsel vm3, v31, v60;
	v40 =	vsel vm3, v4, v62;
	v47 =	vsel vm1, v2, v63  }
0x128: {  	s20 =	sand.u32 $0x300, s30;
	s17 =	sadd.s32 s31, s22;
	v32 =	vld [tilespmem:$0x1E0];
	v34 =	vsel vm1, v3, v48;
	v37 =	vsel vm1, v23, v49;
	v46 =	vsel vm1, v26, v50  }
0x129: {  	s21 =	simm.s32 $0x0;
	s20 =	sadd.s32 s20, s22;
	s22 =	simm.s32 $0x11230;
	v45 =	vsel vm1, v29, v51;
	v35 =	vsel vm1, v31, v52;
	[tilespmem:s17+$0xC70] =	vst v57;
	v42 =	vsel vm3, v14, v61  }
.LBB2_11:
0x12a: {  	v48 =	vld [tilespmem:s22+$0x0];
	s21 =	sadd.s32 $0x2, s21;
	vm2 =	veq.s32 v20, $0x0;
	v47 =	vsel vm0, v1, v47;
	v33 =	vsel vm1, v14, v33  }
0x12b: {  	v20 =	vld [tilespmem:s22+$0xFFFFFFF0];
	p1 =	slt.u32 s21, $0x1E;
	v41 =	vsel vm2, v1, v41;
	v38 =	vsel vm2, v24, v38;
	v43 =	vsel vm2, v25, v43;
	[tilespmem:s17+$0xC00] =	vst v47  }
0x12c: {  	v39 =	vsel vm2, v27, v39;
	v36 =	vsel vm2, v28, v36;
	[tilespmem:s20+$0xC00] =	vst v41;
	v41 =	vsel vm2, v30, v44  }
0x12d: {  	v34 =	vsel vm0, v24, v34;
	v40 =	vsel vm2, v0, v40;
	[tilespmem:s20+$0xC10] =	vst v38;
	v38 =	vsel vm2, v32, v42  }
0x12e: {  	v37 =	vsel vm0, v25, v37;
	v44 =	vsel vm0, v28, v45;
	v42 =	vsel vm0, v27, v46;
	[tilespmem:s20+$0xC20] =	vst v43  }
0x12f: {  	v35 =	vsel vm0, v30, v35;
	s18 =	sadd.s32 $0x800, s18;
	v45 =	vsel vm0, v32, v33;
	vm2 =	veq.s32 v48, $0x2;
	[tilespmem:s20+$0xC30] =	vst v39  }
0x130: {  	s19 =	sadd.s32 $0x100, s19;
	s23 =	sand.u32 $0x6000, s18;
	vm1 =	veq.s32 v48, $0x1;
	vm3 =	veq.s32 v20, $0x2;
	v33 =	vsel vm2, v12, v17;
	[tilespmem:s20+$0xC40] =	vst v36  }
0x131: {  	s24 =	sadd.s32 $0xFFFFFF80, s19;
	s25 =	sand.u32 $0x380, s19;
	s23 =	sor.u32 $0x1200, s23;
	vm0 =	veq.s32 v48, $0x0;
	v36 =	vsel vm3, v5, v13;
	v33 =	vsel vm1, v4, v33;
	[tilespmem:s20+$0xC50] =	vst v41  }
0x132: {  	s24 =	sand.u32 $0x300, s24;
	s25 =	sadd.s32 s25, s23;
	v39 =	vsel vm3, v6, v15;
	v43 =	vsel vm3, v7, v16;
	v33 =	vsel vm0, v0, v33;
	[tilespmem:s20+$0xC60] =	vst v38  }
0x133: {  	s23 =	sadd.s32 s24, s23;
	v46 =	vsel vm3, v8, v18;
	v48 =	vsel vm3, v9, v19;
	v49 =	vsel vm3, v10, v21;
	[tilespmem:s25+$0xC70] =	vst v33  }
0x134: {  	v50 =	vsel vm3, v11, v22;
	v51 =	vsel vm3, v12, v17;
	v38 =	vsel vm2, v5, v13;
	[tilespmem:s20+$0xC70] =	vst v40;
	s20 =	smov.u32 s23  }
0x135: {  	v52 =	vsel vm2, v7, v16;
	v53 =	vsel vm2, v8, v18;
	v40 =	vsel vm2, v6, v15;
	[tilespmem:s17+$0xC10] =	vst v34  }
0x136: {  	v54 =	vsel vm2, v9, v19;
	v55 =	vsel vm2, v10, v21;
	v33 =	vsel vm2, v11, v22;
	[tilespmem:s17+$0xC20] =	vst v37  }
.Ltmp4:
0x137: {  	v47 =	vsel vm1, v2, v38;
	vm2 =	veq.s32 v20, $0x1;
	v34 =	vsel vm1, v3, v40;
	[tilespmem:s17+$0xC30] =	vst v42;
	(pc) =	sbr.rel @p1 .LBB2_11-.Ltmp4, $4  }
0x138: {  	v41 =	vsel vm2, v2, v36;
	v38 =	vsel vm2, v3, v39;
	v43 =	vsel vm2, v23, v43;
	[tilespmem:s17+$0xC40] =	vst v44  }
0x139: {  	v39 =	vsel vm2, v26, v46;
	v36 =	vsel vm2, v29, v48;
	v44 =	vsel vm2, v31, v49;
	[tilespmem:s17+$0xC50] =	vst v35  }
0x13a: {  	v40 =	vsel vm2, v4, v51;
	v37 =	vsel vm1, v23, v52;
	v42 =	vsel vm2, v14, v50;
	[tilespmem:s17+$0xC60] =	vst v45;
	s17 =	smov.u32 s25  }
0x13b: {  	s22 =	sadd.s32 $0x20, s22;
	v46 =	vsel vm1, v26, v53;
	v35 =	vsel vm1, v31, v55;
	v45 =	vsel vm1, v29, v54  }
0x13c: {  	vm2 =	veq.s32 v20, $0x0;
	v2 =	vsel vm0, v1, v47  }
0x13d: {  	v1 =	vsel vm2, v1, v41;
	[tilespmem:s17+$0xC00] =	vst v2  }
0x13e: {  	v2 =	vsel vm2, v24, v38;
	[tilespmem:s20+$0xC00] =	vst v1  }
0x13f: {  	v0 =	vsel vm2, v0, v40;
	[tilespmem:s20+$0xC10] =	vst v2  }
0x140: {  	v1 =	vsel vm2, v25, v43;
	[tilespmem:s20+$0xC70] =	vst v0  }
0x141: {  	v2 =	vsel vm2, v27, v39;
	[tilespmem:s20+$0xC20] =	vst v1  }
0x142: {  	v0 =	vsel vm0, v25, v37;
	[tilespmem:s20+$0xC30] =	vst v2  }
0x143: {  	v1 =	vsel vm2, v28, v36;
	[tilespmem:s17+$0xC20] =	vst v0  }
0x144: {  	v2 =	vsel vm2, v30, v44;
	[tilespmem:s20+$0xC40] =	vst v1  }
0x145: {  	v0 =	vsel vm0, v28, v45;
	[tilespmem:s20+$0xC50] =	vst v2  }
0x146: {  	v1 =	vsel vm2, v32, v42;
	[tilespmem:s17+$0xC40] =	vst v0  }
0x147: {  	[tilespmem:s20+$0xC60] =	vst v1;
	v1 =	vsel vm0, v24, v34  }
0x148: {  	[tilespmem:s17+$0xC10] =	vst v1;
	v1 =	vsel vm0, v27, v46  }
0x149: {  	v2 =	vsel vm0, v30, v35;
	[tilespmem:s17+$0xC30] =	vst v1;
	v1 =	vsel vm1, v14, v33  }
0x14a: {  	[tilespmem:s17+$0xC50] =	vst v2;
	v0 =	vsel vm0, v32, v1  }
0x14b: {  	[tilespmem:s17+$0xC60] =	vst v0  }
0x14c: {  	v1 =	vld [tilespmem:$0x200]  }
0x14d: {  	v0 =	vld [tilespmem:$0x270]  }
0x14e: {  	v2 =	vld [tilespmem:$0x600]  }
0x14f: {  	v3 =	vld [tilespmem:$0x610]  }
0x150: {  	v5 =	vld [tilespmem:$0xA00]  }
0x151: {  	v6 =	vld [tilespmem:$0xA10]  }
0x152: {  	v7 =	vld [tilespmem:$0xA20]  }
0x153: {  	v8 =	vld [tilespmem:$0xA30]  }
0x154: {  	v9 =	vld [tilespmem:$0xA40]  }
0x155: {  	v10 =	vld [tilespmem:$0xA50]  }
0x156: {  	v11 =	vld [tilespmem:$0xA60]  }
0x157: {  	v12 =	vld [tilespmem:$0xA70]  }
0x158: {  	v13 =	vld [tilespmem:$0xE00]  }
0x159: {  	v15 =	vld [tilespmem:$0xE10]  }
0x15a: {  	v16 =	vld [tilespmem:$0xE20]  }
0x15b: {  	s28 =	simm.s32 $0x11210;
	v17 =	vld [tilespmem:$0xE70]  }
0x15c: {  	v14 =	vld [tilespmem:s28+$0x0]  }
0x15d: {  	v20 =	vld [tilespmem:s28+$0xFFFFFFF0]  }
0x15e: {  	v18 =	vld [tilespmem:$0xE30]  }
0x15f: {  	v19 =	vld [tilespmem:$0xE40]  }
0x160: {  	v21 =	vld [tilespmem:$0xE50]  }
0x161: {  	v22 =	vld [tilespmem:$0xE60]  }
0x162: {  	v4 =	vld [tilespmem:$0x670];
	vm2 =	veq.s32 v14, $0x2  }
0x163: {  	v23 =	vld [tilespmem:$0x620];
	vm3 =	veq.s32 v20, $0x2;
	vm1 =	veq.s32 v14, $0x1;
	vm0 =	veq.s32 v14, $0x0  }
0x164: {  	v26 =	vld [tilespmem:$0x630];
	v24 =	vsel vm2, v12, v17;
	v28 =	vsel vm3, v5, v13;
	v30 =	vsel vm3, v6, v15  }
0x165: {  	v29 =	vld [tilespmem:$0x640];
	v56 =	vsel vm3, v7, v16;
	v58 =	vsel vm3, v8, v18;
	v59 =	vsel vm3, v9, v19  }
0x166: {  	v31 =	vld [tilespmem:$0x650];
	v60 =	vsel vm3, v10, v21;
	v61 =	vsel vm3, v11, v22;
	v62 =	vsel vm3, v12, v17  }
0x167: {  	v25 =	vld [tilespmem:$0x220];
	v63 =	vsel vm2, v5, v13;
	v48 =	vsel vm2, v6, v15;
	v49 =	vsel vm2, v7, v16  }
0x168: {  	v27 =	vld [tilespmem:$0x230];
	v50 =	vsel vm2, v8, v18;
	v51 =	vsel vm2, v9, v19;
	v14 =	vsel vm1, v4, v24  }
0x169: {  	v52 =	vsel vm2, v10, v21;
	vm3 =	veq.s32 v20, $0x1;
	v57 =	vsel vm0, v0, v14;
	v14 =	vld [tilespmem:$0x660]  }
0x16a: {  	s18 =	simm.s32 $0x0;
	v33 =	vsel vm2, v11, v22;
	v24 =	vld [tilespmem:$0x210];
	v41 =	vsel vm3, v2, v28;
	v38 =	vsel vm3, v3, v30  }
0x16b: {  	s19 =	simm.s32 $0x80;
	s29 =	sand.u32 $0x6000, s18;
	v28 =	vld [tilespmem:$0x240];
	v43 =	vsel vm3, v23, v56;
	v39 =	vsel vm3, v26, v58;
	v36 =	vsel vm3, v29, v59  }
0x16c: {  	s30 =	simm.s32 $0x0;
	s31 =	sand.u32 $0x380, s19;
	s22 =	sor.u32 $0x1200, s29;
	v30 =	vld [tilespmem:$0x250];
	v44 =	vsel vm3, v31, v60;
	v40 =	vsel vm3, v4, v62;
	v47 =	vsel vm1, v2, v63  }
0x16d: {  	s20 =	sand.u32 $0x300, s30;
	s17 =	sadd.s32 s31, s22;
	v32 =	vld [tilespmem:$0x260];
	v34 =	vsel vm1, v3, v48;
	v37 =	vsel vm1, v23, v49;
	v46 =	vsel vm1, v26, v50  }
0x16e: {  	s21 =	simm.s32 $0x0;
	s20 =	sadd.s32 s20, s22;
	s22 =	simm.s32 $0x11230;
	v45 =	vsel vm1, v29, v51;
	v35 =	vsel vm1, v31, v52;
	[tilespmem:s17+$0x1070] =	vst v57;
	v42 =	vsel vm3, v14, v61  }
.LBB2_13:
0x16f: {  	v48 =	vld [tilespmem:s22+$0x0];
	s21 =	sadd.s32 $0x2, s21;
	vm2 =	veq.s32 v20, $0x0;
	v47 =	vsel vm0, v1, v47;
	v33 =	vsel vm1, v14, v33  }
0x170: {  	v20 =	vld [tilespmem:s22+$0xFFFFFFF0];
	p1 =	slt.u32 s21, $0x1E;
	v41 =	vsel vm2, v1, v41;
	v38 =	vsel vm2, v24, v38;
	v43 =	vsel vm2, v25, v43;
	[tilespmem:s17+$0x1000] =	vst v47  }
0x171: {  	v39 =	vsel vm2, v27, v39;
	v36 =	vsel vm2, v28, v36;
	[tilespmem:s20+$0x1000] =	vst v41;
	v41 =	vsel vm2, v30, v44  }
0x172: {  	v34 =	vsel vm0, v24, v34;
	v40 =	vsel vm2, v0, v40;
	[tilespmem:s20+$0x1010] =	vst v38;
	v38 =	vsel vm2, v32, v42  }
0x173: {  	v37 =	vsel vm0, v25, v37;
	v44 =	vsel vm0, v28, v45;
	v42 =	vsel vm0, v27, v46;
	[tilespmem:s20+$0x1020] =	vst v43  }
0x174: {  	v35 =	vsel vm0, v30, v35;
	s18 =	sadd.s32 $0x800, s18;
	v45 =	vsel vm0, v32, v33;
	vm2 =	veq.s32 v48, $0x2;
	[tilespmem:s20+$0x1030] =	vst v39  }
0x175: {  	s19 =	sadd.s32 $0x100, s19;
	s23 =	sand.u32 $0x6000, s18;
	vm1 =	veq.s32 v48, $0x1;
	vm3 =	veq.s32 v20, $0x2;
	v33 =	vsel vm2, v12, v17;
	[tilespmem:s20+$0x1040] =	vst v36  }
0x176: {  	s24 =	sadd.s32 $0xFFFFFF80, s19;
	s25 =	sand.u32 $0x380, s19;
	s23 =	sor.u32 $0x1200, s23;
	vm0 =	veq.s32 v48, $0x0;
	v36 =	vsel vm3, v5, v13;
	v33 =	vsel vm1, v4, v33;
	[tilespmem:s20+$0x1050] =	vst v41  }
0x177: {  	s24 =	sand.u32 $0x300, s24;
	s25 =	sadd.s32 s25, s23;
	v39 =	vsel vm3, v6, v15;
	v43 =	vsel vm3, v7, v16;
	v33 =	vsel vm0, v0, v33;
	[tilespmem:s20+$0x1060] =	vst v38  }
0x178: {  	s23 =	sadd.s32 s24, s23;
	v46 =	vsel vm3, v8, v18;
	v48 =	vsel vm3, v9, v19;
	v49 =	vsel vm3, v10, v21;
	[tilespmem:s25+$0x1070] =	vst v33  }
0x179: {  	v50 =	vsel vm3, v11, v22;
	v51 =	vsel vm3, v12, v17;
	v38 =	vsel vm2, v5, v13;
	[tilespmem:s20+$0x1070] =	vst v40;
	s20 =	smov.u32 s23  }
0x17a: {  	v52 =	vsel vm2, v7, v16;
	v53 =	vsel vm2, v8, v18;
	v40 =	vsel vm2, v6, v15;
	[tilespmem:s17+$0x1010] =	vst v34  }
0x17b: {  	v54 =	vsel vm2, v9, v19;
	v55 =	vsel vm2, v10, v21;
	v33 =	vsel vm2, v11, v22;
	[tilespmem:s17+$0x1020] =	vst v37  }
.Ltmp5:
0x17c: {  	v47 =	vsel vm1, v2, v38;
	vm2 =	veq.s32 v20, $0x1;
	v34 =	vsel vm1, v3, v40;
	[tilespmem:s17+$0x1030] =	vst v42;
	(pc) =	sbr.rel @p1 .LBB2_13-.Ltmp5, $4  }
0x17d: {  	v41 =	vsel vm2, v2, v36;
	v38 =	vsel vm2, v3, v39;
	v43 =	vsel vm2, v23, v43;
	[tilespmem:s17+$0x1040] =	vst v44  }
0x17e: {  	v39 =	vsel vm2, v26, v46;
	v36 =	vsel vm2, v29, v48;
	v44 =	vsel vm2, v31, v49;
	[tilespmem:s17+$0x1050] =	vst v35  }
0x17f: {  	v40 =	vsel vm2, v4, v51;
	v37 =	vsel vm1, v23, v52;
	v42 =	vsel vm2, v14, v50;
	[tilespmem:s17+$0x1060] =	vst v45;
	s17 =	smov.u32 s25  }
0x180: {  	s22 =	sadd.s32 $0x20, s22;
	v46 =	vsel vm1, v26, v53;
	v35 =	vsel vm1, v31, v55;
	v45 =	vsel vm1, v29, v54  }
0x181: {  	vm2 =	veq.s32 v20, $0x0;
	v2 =	vsel vm0, v1, v47  }
0x182: {  	v1 =	vsel vm2, v1, v41;
	[tilespmem:s17+$0x1000] =	vst v2  }
0x183: {  	v2 =	vsel vm2, v24, v38;
	[tilespmem:s20+$0x1000] =	vst v1  }
0x184: {  	v0 =	vsel vm2, v0, v40;
	[tilespmem:s20+$0x1010] =	vst v2  }
0x185: {  	v1 =	vsel vm2, v25, v43;
	[tilespmem:s20+$0x1070] =	vst v0  }
0x186: {  	v2 =	vsel vm2, v27, v39;
	[tilespmem:s20+$0x1020] =	vst v1  }
0x187: {  	v0 =	vsel vm0, v25, v37;
	[tilespmem:s20+$0x1030] =	vst v2  }
0x188: {  	v1 =	vsel vm2, v28, v36;
	[tilespmem:s17+$0x1020] =	vst v0  }
0x189: {  	v2 =	vsel vm2, v30, v44;
	[tilespmem:s20+$0x1040] =	vst v1  }
0x18a: {  	v0 =	vsel vm0, v28, v45;
	[tilespmem:s20+$0x1050] =	vst v2  }
0x18b: {  	v1 =	vsel vm2, v32, v42;
	[tilespmem:s17+$0x1040] =	vst v0  }
0x18c: {  	[tilespmem:s20+$0x1060] =	vst v1;
	v1 =	vsel vm0, v24, v34  }
0x18d: {  	[tilespmem:s17+$0x1010] =	vst v1;
	v1 =	vsel vm0, v27, v46  }
0x18e: {  	v2 =	vsel vm0, v30, v35;
	[tilespmem:s17+$0x1030] =	vst v1;
	v1 =	vsel vm1, v14, v33  }
0x18f: {  	[tilespmem:s17+$0x1050] =	vst v2;
	v0 =	vsel vm0, v32, v1  }
0x190: {  	[tilespmem:s17+$0x1060] =	vst v0  }
0x191: {  	v1 =	vld [tilespmem:$0x280]  }
0x192: {  	v0 =	vld [tilespmem:$0x2F0]  }
0x193: {  	v2 =	vld [tilespmem:$0x680]  }
0x194: {  	v3 =	vld [tilespmem:$0x690]  }
0x195: {  	v5 =	vld [tilespmem:$0xA80]  }
0x196: {  	v6 =	vld [tilespmem:$0xA90]  }
0x197: {  	v7 =	vld [tilespmem:$0xAA0]  }
0x198: {  	v8 =	vld [tilespmem:$0xAB0]  }
0x199: {  	v9 =	vld [tilespmem:$0xAC0]  }
0x19a: {  	v10 =	vld [tilespmem:$0xAD0]  }
0x19b: {  	v11 =	vld [tilespmem:$0xAE0]  }
0x19c: {  	v12 =	vld [tilespmem:$0xAF0]  }
0x19d: {  	v13 =	vld [tilespmem:$0xE80]  }
0x19e: {  	v15 =	vld [tilespmem:$0xE90]  }
0x19f: {  	v16 =	vld [tilespmem:$0xEA0]  }
0x1a0: {  	s28 =	simm.s32 $0x11210;
	v17 =	vld [tilespmem:$0xEF0]  }
0x1a1: {  	v14 =	vld [tilespmem:s28+$0x0]  }
0x1a2: {  	v20 =	vld [tilespmem:s28+$0xFFFFFFF0]  }
0x1a3: {  	v18 =	vld [tilespmem:$0xEB0]  }
0x1a4: {  	v19 =	vld [tilespmem:$0xEC0]  }
0x1a5: {  	v21 =	vld [tilespmem:$0xED0]  }
0x1a6: {  	v22 =	vld [tilespmem:$0xEE0]  }
0x1a7: {  	v4 =	vld [tilespmem:$0x6F0];
	vm2 =	veq.s32 v14, $0x2  }
0x1a8: {  	v23 =	vld [tilespmem:$0x6A0];
	vm3 =	veq.s32 v20, $0x2;
	vm1 =	veq.s32 v14, $0x1;
	vm0 =	veq.s32 v14, $0x0  }
0x1a9: {  	v26 =	vld [tilespmem:$0x6B0];
	v24 =	vsel vm2, v12, v17;
	v28 =	vsel vm3, v5, v13;
	v30 =	vsel vm3, v6, v15  }
0x1aa: {  	v29 =	vld [tilespmem:$0x6C0];
	v56 =	vsel vm3, v7, v16;
	v58 =	vsel vm3, v8, v18;
	v59 =	vsel vm3, v9, v19  }
0x1ab: {  	v31 =	vld [tilespmem:$0x6D0];
	v60 =	vsel vm3, v10, v21;
	v61 =	vsel vm3, v11, v22;
	v62 =	vsel vm3, v12, v17  }
0x1ac: {  	v25 =	vld [tilespmem:$0x2A0];
	v63 =	vsel vm2, v5, v13;
	v48 =	vsel vm2, v6, v15;
	v49 =	vsel vm2, v7, v16  }
0x1ad: {  	v27 =	vld [tilespmem:$0x2B0];
	v50 =	vsel vm2, v8, v18;
	v51 =	vsel vm2, v9, v19;
	v14 =	vsel vm1, v4, v24  }
0x1ae: {  	v52 =	vsel vm2, v10, v21;
	vm3 =	veq.s32 v20, $0x1;
	v57 =	vsel vm0, v0, v14;
	v14 =	vld [tilespmem:$0x6E0]  }
0x1af: {  	s18 =	simm.s32 $0x0;
	v33 =	vsel vm2, v11, v22;
	v24 =	vld [tilespmem:$0x290];
	v41 =	vsel vm3, v2, v28;
	v38 =	vsel vm3, v3, v30  }
0x1b0: {  	s19 =	simm.s32 $0x80;
	s29 =	sand.u32 $0x6000, s18;
	v28 =	vld [tilespmem:$0x2C0];
	v43 =	vsel vm3, v23, v56;
	v39 =	vsel vm3, v26, v58;
	v36 =	vsel vm3, v29, v59  }
0x1b1: {  	s30 =	simm.s32 $0x0;
	s31 =	sand.u32 $0x380, s19;
	s22 =	sor.u32 $0x1200, s29;
	v30 =	vld [tilespmem:$0x2D0];
	v44 =	vsel vm3, v31, v60;
	v40 =	vsel vm3, v4, v62;
	v47 =	vsel vm1, v2, v63  }
0x1b2: {  	s20 =	sand.u32 $0x300, s30;
	s17 =	sadd.s32 s31, s22;
	v32 =	vld [tilespmem:$0x2E0];
	v34 =	vsel vm1, v3, v48;
	v37 =	vsel vm1, v23, v49;
	v46 =	vsel vm1, v26, v50  }
0x1b3: {  	s21 =	simm.s32 $0x0;
	s20 =	sadd.s32 s20, s22;
	s22 =	simm.s32 $0x11230;
	v45 =	vsel vm1, v29, v51;
	v35 =	vsel vm1, v31, v52;
	[tilespmem:s17+$0x1470] =	vst v57;
	v42 =	vsel vm3, v14, v61  }
.LBB2_15:
0x1b4: {  	v48 =	vld [tilespmem:s22+$0x0];
	s21 =	sadd.s32 $0x2, s21;
	vm2 =	veq.s32 v20, $0x0;
	v47 =	vsel vm0, v1, v47;
	v33 =	vsel vm1, v14, v33  }
0x1b5: {  	v20 =	vld [tilespmem:s22+$0xFFFFFFF0];
	p1 =	slt.u32 s21, $0x1E;
	v41 =	vsel vm2, v1, v41;
	v38 =	vsel vm2, v24, v38;
	v43 =	vsel vm2, v25, v43;
	[tilespmem:s17+$0x1400] =	vst v47  }
0x1b6: {  	v39 =	vsel vm2, v27, v39;
	v36 =	vsel vm2, v28, v36;
	[tilespmem:s20+$0x1400] =	vst v41;
	v41 =	vsel vm2, v30, v44  }
0x1b7: {  	v34 =	vsel vm0, v24, v34;
	v40 =	vsel vm2, v0, v40;
	[tilespmem:s20+$0x1410] =	vst v38;
	v38 =	vsel vm2, v32, v42  }
0x1b8: {  	v37 =	vsel vm0, v25, v37;
	v44 =	vsel vm0, v28, v45;
	v42 =	vsel vm0, v27, v46;
	[tilespmem:s20+$0x1420] =	vst v43  }
0x1b9: {  	v35 =	vsel vm0, v30, v35;
	s18 =	sadd.s32 $0x800, s18;
	v45 =	vsel vm0, v32, v33;
	vm2 =	veq.s32 v48, $0x2;
	[tilespmem:s20+$0x1430] =	vst v39  }
0x1ba: {  	s19 =	sadd.s32 $0x100, s19;
	s23 =	sand.u32 $0x6000, s18;
	vm1 =	veq.s32 v48, $0x1;
	vm3 =	veq.s32 v20, $0x2;
	v33 =	vsel vm2, v12, v17;
	[tilespmem:s20+$0x1440] =	vst v36  }
0x1bb: {  	s24 =	sadd.s32 $0xFFFFFF80, s19;
	s25 =	sand.u32 $0x380, s19;
	s23 =	sor.u32 $0x1200, s23;
	vm0 =	veq.s32 v48, $0x0;
	v36 =	vsel vm3, v5, v13;
	v33 =	vsel vm1, v4, v33;
	[tilespmem:s20+$0x1450] =	vst v41  }
0x1bc: {  	s24 =	sand.u32 $0x300, s24;
	s25 =	sadd.s32 s25, s23;
	v39 =	vsel vm3, v6, v15;
	v43 =	vsel vm3, v7, v16;
	v33 =	vsel vm0, v0, v33;
	[tilespmem:s20+$0x1460] =	vst v38  }
0x1bd: {  	s23 =	sadd.s32 s24, s23;
	v46 =	vsel vm3, v8, v18;
	v48 =	vsel vm3, v9, v19;
	v49 =	vsel vm3, v10, v21;
	[tilespmem:s25+$0x1470] =	vst v33  }
0x1be: {  	v50 =	vsel vm3, v11, v22;
	v51 =	vsel vm3, v12, v17;
	v38 =	vsel vm2, v5, v13;
	[tilespmem:s20+$0x1470] =	vst v40;
	s20 =	smov.u32 s23  }
0x1bf: {  	v52 =	vsel vm2, v7, v16;
	v53 =	vsel vm2, v8, v18;
	v40 =	vsel vm2, v6, v15;
	[tilespmem:s17+$0x1410] =	vst v34  }
0x1c0: {  	v54 =	vsel vm2, v9, v19;
	v55 =	vsel vm2, v10, v21;
	v33 =	vsel vm2, v11, v22;
	[tilespmem:s17+$0x1420] =	vst v37  }
.Ltmp6:
0x1c1: {  	v47 =	vsel vm1, v2, v38;
	vm2 =	veq.s32 v20, $0x1;
	v34 =	vsel vm1, v3, v40;
	[tilespmem:s17+$0x1430] =	vst v42;
	(pc) =	sbr.rel @p1 .LBB2_15-.Ltmp6, $4  }
0x1c2: {  	v41 =	vsel vm2, v2, v36;
	v38 =	vsel vm2, v3, v39;
	v43 =	vsel vm2, v23, v43;
	[tilespmem:s17+$0x1440] =	vst v44  }
0x1c3: {  	v39 =	vsel vm2, v26, v46;
	v36 =	vsel vm2, v29, v48;
	v44 =	vsel vm2, v31, v49;
	[tilespmem:s17+$0x1450] =	vst v35  }
0x1c4: {  	v40 =	vsel vm2, v4, v51;
	v37 =	vsel vm1, v23, v52;
	v42 =	vsel vm2, v14, v50;
	[tilespmem:s17+$0x1460] =	vst v45;
	s17 =	smov.u32 s25  }
0x1c5: {  	s22 =	sadd.s32 $0x20, s22;
	v46 =	vsel vm1, v26, v53;
	v35 =	vsel vm1, v31, v55;
	v45 =	vsel vm1, v29, v54  }
0x1c6: {  	vm2 =	veq.s32 v20, $0x0;
	v2 =	vsel vm0, v1, v47  }
0x1c7: {  	v1 =	vsel vm2, v1, v41;
	[tilespmem:s17+$0x1400] =	vst v2  }
0x1c8: {  	v2 =	vsel vm2, v24, v38;
	[tilespmem:s20+$0x1400] =	vst v1  }
0x1c9: {  	v0 =	vsel vm2, v0, v40;
	[tilespmem:s20+$0x1410] =	vst v2  }
0x1ca: {  	v1 =	vsel vm2, v25, v43;
	[tilespmem:s20+$0x1470] =	vst v0  }
0x1cb: {  	v2 =	vsel vm2, v27, v39;
	[tilespmem:s20+$0x1420] =	vst v1  }
0x1cc: {  	v0 =	vsel vm0, v25, v37;
	[tilespmem:s20+$0x1430] =	vst v2  }
0x1cd: {  	v1 =	vsel vm2, v28, v36;
	[tilespmem:s17+$0x1420] =	vst v0  }
0x1ce: {  	v2 =	vsel vm2, v30, v44;
	[tilespmem:s20+$0x1440] =	vst v1  }
0x1cf: {  	v0 =	vsel vm0, v28, v45;
	[tilespmem:s20+$0x1450] =	vst v2  }
0x1d0: {  	v1 =	vsel vm2, v32, v42;
	[tilespmem:s17+$0x1440] =	vst v0  }
0x1d1: {  	[tilespmem:s20+$0x1460] =	vst v1;
	v1 =	vsel vm0, v24, v34  }
0x1d2: {  	[tilespmem:s17+$0x1410] =	vst v1;
	v1 =	vsel vm0, v27, v46  }
0x1d3: {  	v2 =	vsel vm0, v30, v35;
	[tilespmem:s17+$0x1430] =	vst v1;
	v1 =	vsel vm1, v14, v33  }
0x1d4: {  	[tilespmem:s17+$0x1450] =	vst v2;
	v0 =	vsel vm0, v32, v1  }
0x1d5: {  	[tilespmem:s17+$0x1460] =	vst v0  }
0x1d6: {  	v8 =	vld [tilespmem:$0x300]  }
0x1d7: {  	v6 =	vld [tilespmem:$0x310]  }
0x1d8: {  	v4 =	vld [tilespmem:$0x320]  }
0x1d9: {  	v3 =	vld [tilespmem:$0x330]  }
0x1da: {  	v2 =	vld [tilespmem:$0x340]  }
0x1db: {  	v1 =	vld [tilespmem:$0x350]  }
0x1dc: {  	v0 =	vld [tilespmem:$0x360]  }
0x1dd: {  	v13 =	vld [tilespmem:$0x700]  }
0x1de: {  	v16 =	vld [tilespmem:$0xB00]  }
0x1df: {  	v17 =	vld [tilespmem:$0xB10]  }
0x1e0: {  	v18 =	vld [tilespmem:$0xB20]  }
0x1e1: {  	v19 =	vld [tilespmem:$0xB30]  }
0x1e2: {  	v20 =	vld [tilespmem:$0xB40]  }
0x1e3: {  	v21 =	vld [tilespmem:$0xB50]  }
0x1e4: {  	v22 =	vld [tilespmem:$0xB60]  }
0x1e5: {  	v23 =	vld [tilespmem:$0xB70]  }
0x1e6: {  	s30 =	simm.s32 $0x11210;
	v24 =	vld [tilespmem:$0xF00]  }
0x1e7: {  	v14 =	vld [tilespmem:s30+$0x0]  }
0x1e8: {  	v33 =	vld [tilespmem:s30+$0xFFFFFFF0]  }
0x1e9: {  	v25 =	vld [tilespmem:$0xF10]  }
0x1ea: {  	v26 =	vld [tilespmem:$0xF20]  }
0x1eb: {  	v27 =	vld [tilespmem:$0xF30]  }
0x1ec: {  	v28 =	vld [tilespmem:$0xF40]  }
0x1ed: {  	v29 =	vld [tilespmem:$0xF50]  }
0x1ee: {  	v30 =	vld [tilespmem:$0xF60]  }
0x1ef: {  	v31 =	vld [tilespmem:$0xF70]  }
0x1f0: {  	v12 =	vld [tilespmem:$0x710];
	vm3 =	veq.s32 v14, $0x2  }
0x1f1: {  	v11 =	vld [tilespmem:$0x720];
	vm0 =	veq.s32 v33, $0x2;
	vm2 =	veq.s32 v14, $0x1;
	vm1 =	veq.s32 v14, $0x0  }
0x1f2: {  	v10 =	vld [tilespmem:$0x730];
	v15 =	vsel vm3, v16, v24;
	v14 =	vsel vm3, v17, v25;
	v56 =	vsel vm3, v18, v26  }
0x1f3: {  	s17 =	simm.s32 $0x0;
	v9 =	vld [tilespmem:$0x740];
	v58 =	vsel vm3, v19, v27;
	v59 =	vsel vm3, v20, v28;
	v60 =	vsel vm3, v21, v29  }
0x1f4: {  	v7 =	vld [tilespmem:$0x750];
	s18 =	sand.u32 $0x7, s17;
	v61 =	vsel vm3, v22, v30;
	v62 =	vsel vm3, v23, v31;
	v63 =	vsel vm0, v16, v24  }
0x1f5: {  	v5 =	vld [tilespmem:$0x760];
	s18 =	sshll.u32 s18, $0x7;
	v48 =	vsel vm0, v17, v25;
	v49 =	vsel vm0, v18, v26;
	v15 =	vsel vm2, v13, v15  }
0x1f6: {  	s18 =	sadd.s32 $0x80, s18;
	v50 =	vsel vm0, v19, v27;
	v55 =	vsel vm1, v8, v15;
	v15 =	vsel vm2, v12, v14;
	v14 =	vld [tilespmem:$0x770]  }
0x1f7: {  	s23 =	simm.s32 $0x11230;
	s19 =	sor.u32 $0x1800, s18;
	v51 =	vsel vm0, v20, v28;
	v52 =	vsel vm0, v21, v29;
	v57 =	vsel vm1, v6, v15;
	v15 =	vld [tilespmem:$0x370]  }
0x1f8: {  	v53 =	vsel vm0, v22, v30;
	v54 =	vsel vm0, v23, v31;
	vm0 =	veq.s32 v33, $0x0;
	[tilespmem:s19+$0x1200] =	vst v55;
	v55 =	vld [tilespmem:s23+$0x0]  }
0x1f9: {  	s31 =	sor.u32 $0x1810, s18;
	v34 =	vsel vm2, v11, v56;
	v36 =	vsel vm2, v10, v58;
	v37 =	vsel vm2, v9, v59  }
0x1fa: {  	s20 =	sor.u32 $0x1820, s18;
	v38 =	vsel vm2, v7, v60;
	v39 =	vsel vm2, v5, v61;
	v34 =	vsel vm1, v4, v34;
	[tilespmem:s31+$0x1200] =	vst v57  }
0x1fb: {  	s21 =	sor.u32 $0x1830, s18;
	v36 =	vsel vm1, v3, v36;
	v37 =	vsel vm1, v2, v37;
	[tilespmem:s20+$0x1200] =	vst v34;
	v40 =	vsel vm2, v14, v62  }
0x1fc: {  	s22 =	sor.u32 $0x1840, s18;
	v38 =	vsel vm1, v1, v38;
	v39 =	vsel vm1, v0, v39;
	[tilespmem:s21+$0x1200] =	vst v36;
	v40 =	vsel vm1, v15, v40  }
0x1fd: {  	s24 =	sor.u32 $0x1850, s18;
	s21 =	sand.u32 $0x3, s17;
	[tilespmem:s22+$0x1200] =	vst v37;
	vm1 =	veq.s32 v33, $0x1;
	vm2 =	veq.s32 v55, $0x1;
	vm3 =	veq.s32 v55, $0x0  }
0x1fe: {  	s25 =	sor.u32 $0x1860, s18;
	s26 =	sshll.u32 s21, $0x8;
	[tilespmem:s24+$0x1200] =	vst v38;
	v56 =	vsel vm1, v13, v63;
	v35 =	vsel vm1, v12, v48;
	v41 =	vsel vm1, v11, v49  }
0x1ff: {  	v32 =	vld [tilespmem:s23+$0xFFFFFFF0];
	s28 =	sor.u32 $0x1870, s18;
	s18 =	sadd.s32 $0x0, s26;
	v34 =	vsel vm1, v10, v50;
	v57 =	vsel vm1, v9, v51;
	v58 =	vsel vm1, v7, v52;
	[tilespmem:s25+$0x1200] =	vst v39  }
0x200: {  	v59 =	vsel vm1, v5, v53;
	v60 =	vsel vm1, v14, v54;
	s29 =	sor.u32 $0x1800, s18;
	[tilespmem:s28+$0x1200] =	vst v40;
	v61 =	vsel vm0, v8, v56  }
0x201: {  	s19 =	simm.s32 $0x2;
	s20 =	sor.u32 $0x1810, s18;
	vm1 =	veq.s32 v55, $0x2;
	v35 =	vsel vm0, v6, v35;
	v62 =	vsel vm0, v4, v41;
	[tilespmem:s29+$0x1200] =	vst v61  }
0x202: {  	s30 =	sand.u32 $0x7, s19;
	s31 =	sor.u32 $0x1820, s18;
	v63 =	vsel vm0, v3, v34;
	v38 =	vsel vm0, v2, v57;
	v43 =	vsel vm0, v1, v58;
	[tilespmem:s20+$0x1200] =	vst v35  }
0x203: {  	s21 =	sshll.u32 s30, $0x7;
	s22 =	sor.u32 $0x1830, s18;
	v34 =	vsel vm0, v0, v59;
	v33 =	vsel vm0, v15, v60;
	v42 =	vsel vm1, v16, v24;
	[tilespmem:s31+$0x1200] =	vst v62  }
0x204: {  	s21 =	sadd.s32 $0x880, s21;
	s23 =	sor.u32 $0x1840, s18;
	vm0 =	veq.s32 v32, $0x2;
	v44 =	vsel vm1, v17, v25;
	v35 =	vsel vm2, v13, v42;
	[tilespmem:s22+$0x1200] =	vst v63  }
0x205: {  	v45 =	vsel vm1, v18, v26;
	v36 =	vsel vm2, v12, v44;
	v35 =	vsel vm3, v8, v35;
	s22 =	sor.u32 $0x1800, s21;
	[tilespmem:s23+$0x1200] =	vst v38  }
0x206: {  	s24 =	sor.u32 $0x1810, s21;
	v48 =	vsel vm1, v19, v27;
	v51 =	vsel vm1, v20, v28;
	v46 =	vsel vm3, v6, v36;
	[tilespmem:s22+$0x1200] =	vst v35  }
0x207: {  	v54 =	vsel vm1, v21, v29;
	v57 =	vsel vm1, v22, v30;
	v47 =	vsel vm2, v11, v45;
	s23 =	sor.u32 $0x1850, s18;
	[tilespmem:s24+$0x1200] =	vst v46  }
0x208: {  	s25 =	sor.u32 $0x1820, s21;
	v60 =	vsel vm1, v23, v31;
	v50 =	vsel vm2, v10, v48;
	v49 =	vsel vm3, v4, v47;
	[tilespmem:s23+$0x1200] =	vst v43  }
0x209: {  	s26 =	sor.u32 $0x1830, s21;
	vm1 =	veq.s32 v32, $0x1;
	v53 =	vsel vm2, v9, v51;
	v52 =	vsel vm3, v3, v50;
	[tilespmem:s25+$0x1200] =	vst v49  }
0x20a: {  	s28 =	sor.u32 $0x1840, s21;
	v56 =	vsel vm2, v7, v54;
	v59 =	vsel vm2, v5, v57;
	v55 =	vsel vm3, v2, v53;
	[tilespmem:s26+$0x1200] =	vst v52  }
0x20b: {  	s29 =	sor.u32 $0x1850, s21;
	v40 =	vsel vm0, v18, v26;
	v41 =	vsel vm0, v19, v27;
	v58 =	vsel vm3, v1, v56;
	[tilespmem:s28+$0x1200] =	vst v55  }
0x20c: {  	s30 =	sor.u32 $0x1860, s21;
	v39 =	vsel vm0, v20, v28;
	v61 =	vsel vm3, v0, v59;
	v62 =	vsel vm2, v14, v60;
	[tilespmem:s29+$0x1200] =	vst v58  }
0x20d: {  	v37 =	vsel vm0, v21, v29;
	v42 =	vsel vm0, v17, v25;
	s20 =	simm.s32 $0x880;
	s31 =	sor.u32 $0x1870, s21;
	v63 =	vsel vm3, v15, v62;
	s21 =	simm.s32 $0x2;
	[tilespmem:s30+$0x1200] =	vst v61  }
0x20e: {  	v36 =	vsel vm0, v22, v30;
	v38 =	vsel vm0, v16, v24;
	v35 =	vsel vm0, v23, v31;
	s22 =	simm.s32 $0x11250;
	s24 =	sor.u32 $0x1860, s18;
	s23 =	simm.s32 $0x1;
	[tilespmem:s31+$0x1200] =	vst v63  }
.LBB2_17:
0x20f: {  	v43 =	vld [tilespmem:s22+$0x0];
	s25 =	sand.u32 $0x3, s23;
	v38 =	vsel vm1, v13, v38;
	v42 =	vsel vm1, v12, v42;
	v40 =	vsel vm1, v11, v40;
	[tilespmem:s24+$0x1200] =	vst v34;
	s18 =	sor.u32 $0x1870, s18  }
0x210: {  	v34 =	vsel vm1, v10, v41;
	v39 =	vsel vm1, v9, v39;
	v37 =	vsel vm1, v7, v37;
	s17 =	sadd.s32 $0x800, s17;
	v44 =	vld [tilespmem:s22+$0xFFFFFFF0];
	s24 =	sshll.u32 s25, $0x8;
	[tilespmem:s18+$0x1200] =	vst v33  }
0x211: {  	vm0 =	veq.s32 v32, $0x0;
	v32 =	vsel vm1, v5, v36;
	v33 =	vsel vm1, v14, v35;
	s18 =	sadd.s32 s24, s17  }
0x212: {  	v35 =	vsel vm0, v8, v38;
	v36 =	vsel vm0, v6, v42;
	v38 =	vsel vm0, v4, v40;
	s24 =	sor.u32 $0x1800, s18  }
0x213: {  	s19 =	sadd.s32 $0x2, s19;
	v39 =	vsel vm0, v2, v39;
	v45 =	vsel vm0, v1, v37;
	[tilespmem:s24+$0x1200] =	vst v35;
	s24 =	sor.u32 $0x1810, s18;
	v35 =	vsel vm0, v3, v34  }
0x214: {  	s25 =	sand.u32 $0x7, s19;
	v33 =	vsel vm0, v15, v33;
	v34 =	vsel vm0, v0, v32;
	vm1 =	veq.s32 v43, $0x2;
	[tilespmem:s24+$0x1200] =	vst v36;
	s24 =	sor.u32 $0x1820, s18  }
0x215: {  	s20 =	sadd.s32 $0x800, s20;
	s25 =	sshll.u32 s25, $0x7;
	vm2 =	veq.s32 v43, $0x1;
	vm0 =	veq.s32 v44, $0x2;
	v36 =	vsel vm1, v16, v24;
	[tilespmem:s24+$0x1200] =	vst v38;
	s24 =	sor.u32 $0x1830, s18;
	v32 =	vmovc v44  }
0x216: {  	s21 =	sadd.s32 $0x2, s21;
	s25 =	sadd.s32 s25, s20;
	vm3 =	veq.s32 v43, $0x0;
	v37 =	vsel vm1, v17, v25;
	v36 =	vsel vm2, v13, v36;
	[tilespmem:s24+$0x1200] =	vst v35;
	s24 =	sor.u32 $0x1840, s18  }
0x217: {  	p1 =	slt.u32 s21, $0x1E;
	s26 =	sor.u32 $0x1800, s25;
	v35 =	vsel vm3, v8, v36;
	v36 =	vsel vm2, v12, v37;
	v37 =	vsel vm1, v18, v26;
	[tilespmem:s24+$0x1200] =	vst v39  }
0x218: {  	s24 =	sor.u32 $0x1810, s25;
	[tilespmem:s26+$0x1200] =	vst v35;
	v35 =	vsel vm3, v6, v36;
	v36 =	vsel vm2, v11, v37;
	v37 =	vsel vm1, v19, v27  }
0x219: {  	[tilespmem:s24+$0x1200] =	vst v35;
	v35 =	vsel vm3, v4, v36;
	s24 =	sor.u32 $0x1820, s25;
	v36 =	vsel vm2, v10, v37;
	v37 =	vsel vm1, v20, v28  }
0x21a: {  	[tilespmem:s24+$0x1200] =	vst v35;
	v35 =	vsel vm3, v3, v36;
	s24 =	sor.u32 $0x1830, s25;
	v36 =	vsel vm2, v9, v37;
	v37 =	vsel vm1, v21, v29  }
0x21b: {  	[tilespmem:s24+$0x1200] =	vst v35;
	v35 =	vsel vm3, v2, v36;
	s24 =	sor.u32 $0x1840, s25;
	v36 =	vsel vm2, v7, v37;
	v37 =	vsel vm1, v22, v30  }
.Ltmp7:
0x21c: {  	[tilespmem:s24+$0x1200] =	vst v35;
	v35 =	vsel vm3, v1, v36;
	s24 =	sor.u32 $0x1850, s25;
	v36 =	vsel vm2, v5, v37;
	v37 =	vsel vm1, v23, v31;
	(pc) =	sbr.rel @p1 .LBB2_17-.Ltmp7, $4  }
0x21d: {  	v38 =	vsel vm0, v16, v24;
	[tilespmem:s24+$0x1200] =	vst v35;
	v35 =	vsel vm3, v0, v36;
	s24 =	sor.u32 $0x1860, s25;
	v36 =	vsel vm2, v14, v37  }
0x21e: {  	v42 =	vsel vm0, v17, v25;
	v40 =	vsel vm0, v18, v26;
	[tilespmem:s24+$0x1200] =	vst v35;
	v35 =	vsel vm3, v15, v36;
	s24 =	sor.u32 $0x1870, s25  }
0x21f: {  	v41 =	vsel vm0, v19, v27;
	v39 =	vsel vm0, v20, v28;
	v37 =	vsel vm0, v21, v29;
	[tilespmem:s24+$0x1200] =	vst v35;
	s24 =	sor.u32 $0x1850, s18  }
0x220: {  	s23 =	sadd.s32 $0x1, s23;
	s22 =	sadd.s32 $0x20, s22;
	vm1 =	veq.s32 v32, $0x1;
	v36 =	vsel vm0, v22, v30;
	v35 =	vsel vm0, v23, v31;
	[tilespmem:s24+$0x1200] =	vst v45;
	s24 =	sor.u32 $0x1860, s18  }
0x221: {  	s19 =	sand.u32 $0x3, s23  }
0x222: {  	s17 =	sadd.s32 $0x800, s17;
	s19 =	sshll.u32 s19, $0x8  }
0x223: {  	v13 =	vsel vm1, v13, v38;
	[tilespmem:s24+$0x1200] =	vst v34;
	s18 =	sor.u32 $0x1870, s18;
	vm0 =	veq.s32 v32, $0x0;
	s17 =	sadd.s32 s19, s17  }
0x224: {  	v12 =	vsel vm1, v12, v42;
	[tilespmem:s18+$0x1200] =	vst v33;
	v8 =	vsel vm0, v8, v13;
	s19 =	sor.u32 $0x1800, s17  }
0x225: {  	v11 =	vsel vm1, v11, v40;
	v6 =	vsel vm0, v6, v12;
	s20 =	sor.u32 $0x1810, s17;
	[tilespmem:s19+$0x1200] =	vst v8  }
0x226: {  	v4 =	vsel vm0, v4, v11;
	s21 =	sor.u32 $0x1820, s17;
	v8 =	vsel vm1, v10, v41;
	[tilespmem:s20+$0x1200] =	vst v6  }
0x227: {  	s22 =	sor.u32 $0x1830, s17;
	v6 =	vsel vm1, v9, v39;
	v3 =	vsel vm0, v3, v8;
	[tilespmem:s21+$0x1200] =	vst v4  }
0x228: {  	s23 =	sor.u32 $0x1840, s17;
	v4 =	vsel vm1, v7, v37;
	v2 =	vsel vm0, v2, v6;
	[tilespmem:s22+$0x1200] =	vst v3  }
0x229: {  	s24 =	sor.u32 $0x1850, s17;
	v3 =	vsel vm1, v5, v36;
	v1 =	vsel vm0, v1, v4;
	[tilespmem:s23+$0x1200] =	vst v2  }
0x22a: {  	s25 =	sor.u32 $0x1860, s17;
	v2 =	vsel vm1, v14, v35;
	v0 =	vsel vm0, v0, v3;
	[tilespmem:s24+$0x1200] =	vst v1  }
0x22b: {  	s17 =	sor.u32 $0x1870, s17;
	v1 =	vsel vm0, v15, v2;
	[tilespmem:s25+$0x1200] =	vst v0  }
0x22c: {  	[tilespmem:s17+$0x1200] =	vst v1  }
0x22d: {  	v8 =	vld [tilespmem:$0x380]  }
0x22e: {  	v6 =	vld [tilespmem:$0x390]  }
0x22f: {  	v4 =	vld [tilespmem:$0x3A0]  }
0x230: {  	v3 =	vld [tilespmem:$0x3B0]  }
0x231: {  	v2 =	vld [tilespmem:$0x3C0]  }
0x232: {  	v1 =	vld [tilespmem:$0x3D0]  }
0x233: {  	v13 =	vld [tilespmem:$0x780]  }
0x234: {  	v12 =	vld [tilespmem:$0x790]  }
0x235: {  	v16 =	vld [tilespmem:$0xB80]  }
0x236: {  	v17 =	vld [tilespmem:$0xB90]  }
0x237: {  	v18 =	vld [tilespmem:$0xBA0]  }
0x238: {  	v19 =	vld [tilespmem:$0xBB0]  }
0x239: {  	v20 =	vld [tilespmem:$0xBC0]  }
0x23a: {  	v21 =	vld [tilespmem:$0xBD0]  }
0x23b: {  	v22 =	vld [tilespmem:$0xBE0]  }
0x23c: {  	v23 =	vld [tilespmem:$0xBF0]  }
0x23d: {  	s26 =	simm.s32 $0x11210;
	v24 =	vld [tilespmem:$0xF80]  }
0x23e: {  	v14 =	vld [tilespmem:s26+$0x0]  }
0x23f: {  	v33 =	vld [tilespmem:s26+$0xFFFFFFF0]  }
0x240: {  	v25 =	vld [tilespmem:$0xF90]  }
0x241: {  	v26 =	vld [tilespmem:$0xFA0]  }
0x242: {  	v27 =	vld [tilespmem:$0xFB0]  }
0x243: {  	v28 =	vld [tilespmem:$0xFC0]  }
0x244: {  	v29 =	vld [tilespmem:$0xFD0]  }
0x245: {  	v30 =	vld [tilespmem:$0xFE0]  }
0x246: {  	v31 =	vld [tilespmem:$0xFF0]  }
0x247: {  	v11 =	vld [tilespmem:$0x7A0];
	vm3 =	veq.s32 v14, $0x2  }
0x248: {  	v10 =	vld [tilespmem:$0x7B0];
	vm0 =	veq.s32 v33, $0x2;
	vm2 =	veq.s32 v14, $0x1;
	vm1 =	veq.s32 v14, $0x0  }
0x249: {  	v9 =	vld [tilespmem:$0x7C0];
	v15 =	vsel vm3, v16, v24;
	v14 =	vsel vm3, v17, v25;
	v43 =	vsel vm3, v18, v26  }
0x24a: {  	v7 =	vld [tilespmem:$0x7D0];
	v45 =	vsel vm3, v19, v27;
	v46 =	vsel vm3, v20, v28;
	v47 =	vsel vm3, v21, v29  }
0x24b: {  	s17 =	simm.s32 $0x0;
	v5 =	vld [tilespmem:$0x7E0];
	v48 =	vsel vm3, v22, v30;
	v49 =	vsel vm3, v23, v31;
	v50 =	vsel vm0, v16, v24  }
0x24c: {  	v0 =	vld [tilespmem:$0x3E0];
	s28 =	sand.u32 $0x7, s17;
	v51 =	vsel vm0, v17, v25;
	v52 =	vsel vm0, v18, v26;
	v15 =	vsel vm2, v13, v15  }
0x24d: {  	s18 =	sshll.u32 s28, $0x7;
	v53 =	vsel vm0, v19, v27;
	v63 =	vsel vm1, v8, v15;
	v15 =	vsel vm2, v12, v14;
	v14 =	vld [tilespmem:$0x7F0]  }
0x24e: {  	s18 =	sadd.s32 $0x80, s18;
	v54 =	vsel vm0, v20, v28;
	v55 =	vsel vm0, v22, v30;
	v44 =	vsel vm1, v6, v15;
	v15 =	vld [tilespmem:$0x3F0]  }
0x24f: {  	s29 =	sor.u32 $0x1C00, s18;
	v34 =	vsel vm2, v11, v43;
	v36 =	vsel vm2, v10, v45;
	v37 =	vsel vm2, v9, v46  }
0x250: {  	s30 =	sor.u32 $0x1C10, s18;
	v38 =	vsel vm2, v7, v47;
	v39 =	vsel vm2, v5, v48;
	v43 =	vsel vm0, v21, v29;
	[tilespmem:s29+$0x1200] =	vst v63  }
0x251: {  	s31 =	sor.u32 $0x1C20, s18;
	v34 =	vsel vm1, v4, v34;
	v36 =	vsel vm1, v3, v36;
	v37 =	vsel vm1, v2, v37;
	[tilespmem:s30+$0x1200] =	vst v44  }
0x252: {  	s20 =	sor.u32 $0x1C30, s18;
	v38 =	vsel vm1, v1, v38;
	v39 =	vsel vm1, v0, v39;
	[tilespmem:s31+$0x1200] =	vst v34;
	v40 =	vsel vm2, v14, v49  }
0x253: {  	s21 =	sor.u32 $0x1C40, s18;
	v44 =	vsel vm0, v23, v31;
	[tilespmem:s20+$0x1200] =	vst v36;
	s20 =	simm.s32 $0x11230;
	v40 =	vsel vm1, v15, v40;
	vm1 =	veq.s32 v33, $0x1  }
0x254: {  	s22 =	sor.u32 $0x1C50, s18;
	vm0 =	veq.s32 v33, $0x0;
	[tilespmem:s21+$0x1200] =	vst v37;
	v56 =	vld [tilespmem:s20+$0x0];
	s21 =	sand.u32 $0x3, s17;
	v45 =	vsel vm1, v13, v50;
	v35 =	vsel vm1, v12, v51  }
0x255: {  	s23 =	sor.u32 $0x1C60, s18;
	v32 =	vld [tilespmem:s20+$0xFFFFFFF0];
	[tilespmem:s22+$0x1200] =	vst v38;
	s24 =	sshll.u32 s21, $0x8;
	v41 =	vsel vm1, v11, v52;
	v34 =	vsel vm1, v10, v53;
	v57 =	vsel vm1, v9, v54  }
0x256: {  	s25 =	sor.u32 $0x1C70, s18;
	v58 =	vsel vm1, v7, v43;
	[tilespmem:s23+$0x1200] =	vst v39;
	s18 =	sadd.s32 $0x0, s24;
	v59 =	vsel vm1, v5, v55;
	v60 =	vsel vm1, v14, v44  }
0x257: {  	[tilespmem:s25+$0x1200] =	vst v40;
	v61 =	vsel vm0, v8, v45;
	s26 =	sor.u32 $0x1C00, s18;
	v35 =	vsel vm0, v6, v35;
	v62 =	vsel vm0, v4, v41  }
0x258: {  	s19 =	simm.s32 $0x2;
	s20 =	sor.u32 $0x1C10, s18;
	v63 =	vsel vm0, v3, v34;
	v38 =	vsel vm0, v2, v57;
	v43 =	vsel vm0, v1, v58;
	[tilespmem:s26+$0x1200] =	vst v61  }
0x259: {  	s28 =	sand.u32 $0x7, s19;
	s29 =	sor.u32 $0x1C20, s18;
	v34 =	vsel vm0, v0, v59;
	v33 =	vsel vm0, v15, v60;
	vm1 =	veq.s32 v56, $0x2;
	[tilespmem:s20+$0x1200] =	vst v35  }
0x25a: {  	s21 =	sshll.u32 s28, $0x7;
	s30 =	sor.u32 $0x1C30, s18;
	vm0 =	veq.s32 v32, $0x2;
	vm2 =	veq.s32 v56, $0x1;
	v42 =	vsel vm1, v16, v24;
	[tilespmem:s29+$0x1200] =	vst v62  }
0x25b: {  	s21 =	sadd.s32 $0x880, s21;
	s31 =	sor.u32 $0x1C40, s18;
	vm3 =	veq.s32 v56, $0x0;
	v44 =	vsel vm1, v17, v25;
	v35 =	vsel vm2, v13, v42;
	[tilespmem:s30+$0x1200] =	vst v63  }
0x25c: {  	s22 =	sor.u32 $0x1C00, s21;
	v45 =	vsel vm1, v18, v26;
	v48 =	vsel vm1, v19, v27;
	v35 =	vsel vm3, v8, v35;
	[tilespmem:s31+$0x1200] =	vst v38  }
0x25d: {  	v51 =	vsel vm1, v20, v28;
	v54 =	vsel vm1, v21, v29;
	v36 =	vsel vm2, v12, v44;
	s31 =	sor.u32 $0x1C50, s18;
	[tilespmem:s22+$0x1200] =	vst v35  }
0x25e: {  	s23 =	sor.u32 $0x1C10, s21;
	v57 =	vsel vm1, v22, v30;
	v47 =	vsel vm2, v11, v45;
	v46 =	vsel vm3, v6, v36;
	[tilespmem:s31+$0x1200] =	vst v43  }
0x25f: {  	s24 =	sor.u32 $0x1C20, s21;
	v60 =	vsel vm1, v23, v31;
	v50 =	vsel vm2, v10, v48;
	v49 =	vsel vm3, v4, v47;
	[tilespmem:s23+$0x1200] =	vst v46  }
0x260: {  	s25 =	sor.u32 $0x1C30, s21;
	v40 =	vsel vm0, v18, v26;
	v53 =	vsel vm2, v9, v51;
	v52 =	vsel vm3, v3, v50;
	[tilespmem:s24+$0x1200] =	vst v49  }
0x261: {  	s26 =	sor.u32 $0x1C40, s21;
	v41 =	vsel vm0, v19, v27;
	v56 =	vsel vm2, v7, v54;
	v55 =	vsel vm3, v2, v53;
	[tilespmem:s25+$0x1200] =	vst v52  }
0x262: {  	s28 =	sor.u32 $0x1C50, s21;
	v39 =	vsel vm0, v20, v28;
	v59 =	vsel vm2, v5, v57;
	v58 =	vsel vm3, v1, v56;
	[tilespmem:s26+$0x1200] =	vst v55  }
0x263: {  	s29 =	sor.u32 $0x1C60, s21;
	v37 =	vsel vm0, v21, v29;
	v62 =	vsel vm2, v14, v60;
	v61 =	vsel vm3, v0, v59;
	[tilespmem:s28+$0x1200] =	vst v58  }
0x264: {  	s20 =	simm.s32 $0x880;
	vm1 =	veq.s32 v32, $0x1;
	v42 =	vsel vm0, v17, v25;
	s30 =	sor.u32 $0x1C70, s21;
	s21 =	simm.s32 $0x2;
	v63 =	vsel vm3, v15, v62;
	[tilespmem:s29+$0x1200] =	vst v61  }
0x265: {  	v38 =	vsel vm0, v16, v24;
	v36 =	vsel vm0, v22, v30;
	v35 =	vsel vm0, v23, v31;
	s22 =	simm.s32 $0x11250;
	s23 =	simm.s32 $0x1;
	s24 =	sor.u32 $0x1C60, s18;
	[tilespmem:s30+$0x1200] =	vst v63  }
.LBB2_19:
0x266: {  	v43 =	vld [tilespmem:s22+$0x0];
	s25 =	sand.u32 $0x3, s23;
	v38 =	vsel vm1, v13, v38;
	v42 =	vsel vm1, v12, v42;
	v40 =	vsel vm1, v11, v40;
	[tilespmem:s24+$0x1200] =	vst v34;
	s18 =	sor.u32 $0x1C70, s18  }
0x267: {  	v34 =	vsel vm1, v10, v41;
	v39 =	vsel vm1, v9, v39;
	v37 =	vsel vm1, v7, v37;
	s17 =	sadd.s32 $0x800, s17;
	v44 =	vld [tilespmem:s22+$0xFFFFFFF0];
	s24 =	sshll.u32 s25, $0x8;
	[tilespmem:s18+$0x1200] =	vst v33  }
0x268: {  	vm0 =	veq.s32 v32, $0x0;
	v32 =	vsel vm1, v5, v36;
	v33 =	vsel vm1, v14, v35;
	s18 =	sadd.s32 s24, s17  }
0x269: {  	v35 =	vsel vm0, v8, v38;
	v36 =	vsel vm0, v6, v42;
	v38 =	vsel vm0, v4, v40;
	s24 =	sor.u32 $0x1C00, s18  }
0x26a: {  	s19 =	sadd.s32 $0x2, s19;
	v39 =	vsel vm0, v2, v39;
	v45 =	vsel vm0, v1, v37;
	[tilespmem:s24+$0x1200] =	vst v35;
	s24 =	sor.u32 $0x1C10, s18;
	v35 =	vsel vm0, v3, v34  }
0x26b: {  	s25 =	sand.u32 $0x7, s19;
	v33 =	vsel vm0, v15, v33;
	v34 =	vsel vm0, v0, v32;
	vm1 =	veq.s32 v43, $0x2;
	[tilespmem:s24+$0x1200] =	vst v36;
	s24 =	sor.u32 $0x1C20, s18  }
0x26c: {  	s20 =	sadd.s32 $0x800, s20;
	s25 =	sshll.u32 s25, $0x7;
	vm2 =	veq.s32 v43, $0x1;
	vm0 =	veq.s32 v44, $0x2;
	v36 =	vsel vm1, v16, v24;
	[tilespmem:s24+$0x1200] =	vst v38;
	s24 =	sor.u32 $0x1C30, s18;
	v32 =	vmovc v44  }
0x26d: {  	s21 =	sadd.s32 $0x2, s21;
	s25 =	sadd.s32 s25, s20;
	vm3 =	veq.s32 v43, $0x0;
	v37 =	vsel vm1, v17, v25;
	v36 =	vsel vm2, v13, v36;
	[tilespmem:s24+$0x1200] =	vst v35;
	s24 =	sor.u32 $0x1C40, s18  }
0x26e: {  	p1 =	slt.u32 s21, $0x1E;
	s26 =	sor.u32 $0x1C00, s25;
	v35 =	vsel vm3, v8, v36;
	v36 =	vsel vm2, v12, v37;
	v37 =	vsel vm1, v18, v26;
	[tilespmem:s24+$0x1200] =	vst v39  }
0x26f: {  	s24 =	sor.u32 $0x1C10, s25;
	[tilespmem:s26+$0x1200] =	vst v35;
	v35 =	vsel vm3, v6, v36;
	v36 =	vsel vm2, v11, v37;
	v37 =	vsel vm1, v19, v27  }
0x270: {  	[tilespmem:s24+$0x1200] =	vst v35;
	v35 =	vsel vm3, v4, v36;
	s24 =	sor.u32 $0x1C20, s25;
	v36 =	vsel vm2, v10, v37;
	v37 =	vsel vm1, v20, v28  }
0x271: {  	[tilespmem:s24+$0x1200] =	vst v35;
	v35 =	vsel vm3, v3, v36;
	s24 =	sor.u32 $0x1C30, s25;
	v36 =	vsel vm2, v9, v37;
	v37 =	vsel vm1, v21, v29  }
0x272: {  	[tilespmem:s24+$0x1200] =	vst v35;
	v35 =	vsel vm3, v2, v36;
	s24 =	sor.u32 $0x1C40, s25;
	v36 =	vsel vm2, v7, v37;
	v37 =	vsel vm1, v22, v30  }
.Ltmp8:
0x273: {  	[tilespmem:s24+$0x1200] =	vst v35;
	v35 =	vsel vm3, v1, v36;
	s24 =	sor.u32 $0x1C50, s25;
	v36 =	vsel vm2, v5, v37;
	v37 =	vsel vm1, v23, v31;
	(pc) =	sbr.rel @p1 .LBB2_19-.Ltmp8, $4  }
0x274: {  	v38 =	vsel vm0, v16, v24;
	[tilespmem:s24+$0x1200] =	vst v35;
	v35 =	vsel vm3, v0, v36;
	s24 =	sor.u32 $0x1C60, s25;
	v36 =	vsel vm2, v14, v37  }
0x275: {  	v42 =	vsel vm0, v17, v25;
	v40 =	vsel vm0, v18, v26;
	[tilespmem:s24+$0x1200] =	vst v35;
	v35 =	vsel vm3, v15, v36;
	s24 =	sor.u32 $0x1C70, s25  }
0x276: {  	v41 =	vsel vm0, v19, v27;
	v39 =	vsel vm0, v20, v28;
	v37 =	vsel vm0, v21, v29;
	[tilespmem:s24+$0x1200] =	vst v35;
	s24 =	sor.u32 $0x1C50, s18  }
0x277: {  	s23 =	sadd.s32 $0x1, s23;
	s22 =	sadd.s32 $0x20, s22;
	vm1 =	veq.s32 v32, $0x1;
	v36 =	vsel vm0, v22, v30;
	v35 =	vsel vm0, v23, v31;
	[tilespmem:s24+$0x1200] =	vst v45;
	s24 =	sor.u32 $0x1C60, s18  }
0x278: {  	s19 =	sand.u32 $0x3, s23  }
0x279: {  	s17 =	sadd.s32 $0x800, s17;
	s19 =	sshll.u32 s19, $0x8  }
0x27a: {  	v13 =	vsel vm1, v13, v38;
	[tilespmem:s24+$0x1200] =	vst v34;
	s18 =	sor.u32 $0x1C70, s18;
	vm0 =	veq.s32 v32, $0x0;
	s17 =	sadd.s32 s19, s17  }
0x27b: {  	v12 =	vsel vm1, v12, v42;
	[tilespmem:s18+$0x1200] =	vst v33;
	v8 =	vsel vm0, v8, v13;
	s24 =	sor.u32 $0x1C00, s17  }
0x27c: {  	v11 =	vsel vm1, v11, v40;
	v6 =	vsel vm0, v6, v12;
	s25 =	sor.u32 $0x1C10, s17;
	[tilespmem:s24+$0x1200] =	vst v8  }
0x27d: {  	v4 =	vsel vm0, v4, v11;
	s26 =	sor.u32 $0x1C20, s17;
	v8 =	vsel vm1, v10, v41;
	[tilespmem:s25+$0x1200] =	vst v6  }
0x27e: {  	s28 =	sor.u32 $0x1C30, s17;
	v6 =	vsel vm1, v9, v39;
	v3 =	vsel vm0, v3, v8;
	[tilespmem:s26+$0x1200] =	vst v4  }
0x27f: {  	s29 =	sor.u32 $0x1C40, s17;
	v4 =	vsel vm1, v7, v37;
	v2 =	vsel vm0, v2, v6;
	[tilespmem:s28+$0x1200] =	vst v3  }
0x280: {  	s21 =	sadd.s32 $0xFFFFFFFC, s14;
	s30 =	sor.u32 $0x1C50, s17;
	v3 =	vsel vm1, v5, v36;
	v1 =	vsel vm0, v1, v4;
	[tilespmem:s29+$0x1200] =	vst v2  }
0x281: {  	s22 =	sadd.s32 $0x24, s21;
	s23 =	sadd.s32 $0x26, s21;
	s31 =	sor.u32 $0x1C60, s17;
	v2 =	vsel vm1, v14, v35;
	v0 =	vsel vm0, v0, v3;
	[tilespmem:s30+$0x1200] =	vst v1  }
0x282: {  	s19 =	sshll.u32 s15, $0xD;
	s17 =	sor.u32 $0x1C70, s17;
	s24 =	sadd.s32 $0x27, s21;
	v1 =	vsel vm0, v15, v2;
	[tilespmem:s31+$0x1200] =	vst v0;
	v0 =	vmov s22  }
0x283: {  	s18 =	simm.s32 @!p0 $0x2;
	s20 =	sadd.s32 s19, s5;
	v2 =	vmov s24;
	[tilespmem:s17+$0x1200] =	vst v1;
	s17 =	sadd.s32 $0x25, s21;
	v1 =	vmov s23;
	v0 =	vand.u32 $0xFFFFFFFC, v0  }
0x284: {  	[hbm4b:s20+s2] =	stream.linear.scatter [tilespmem:s9], [sflag:$0x1], $0x8000, $0x38;
	v3 =	vmov s17;
	v1 =	vand.u32 $0xFFFFFFFE, v1;
	v0 =	vbroadcast v0, $0x0;
	[tilespmem:$0x11400] =	vst v63  }
0x285: {  	s25 =	sadd.s32 $0x0, s14;
	_ =	swait.ge @!p0 [sflag:s18], $0x8000;
	v3 =	vand.u32 $0xFFFFFFFD, v3;
	v4 =	vbroadcast v1, $0x0  }
0x286: {  	s26 =	sadd.s32 $0x24, s25;
	[sflag:s18] =	ssyncset.done @!p0 $0x0;
	v5 =	vbroadcast v3, $0x0  }
0x287: {  	s28 =	sadd.s32 $0x27, s25;
	s17 =	sadd.s32 $0x26, s25;
	v1 =	vmov s26;
	[sflag:s18] =	ssyncadd.s32 @!p0 $0xFFFF8000  }
0x288: {  	v6 =	vmov s28;
	s20 =	sadd.s32 $0x25, s25;
	v3 =	vmov s17;
	v1 =	vand.u32 $0xFFFFFFFC, v1;
	v10 =	vld.idx.msk [tilespmem:v2+s8+$0x0], $0xffff  }
0x289: {  	v3 =	vand.u32 $0xFFFFFFFE, v3;
	v1 =	vbroadcast v1, $0x0;
	v2 =	vmov s20  }
0x28a: {  	s29 =	sadd.s32 $0x4, s14;
	v3 =	vbroadcast v3, $0x0;
	v7 =	vand.u32 $0xFFFFFFFD, v2;
	v2 =	vld.idx.msk [tilespmem:v0+s8+$0x0], $0xffff  }
0x28b: {  	s30 =	sadd.s32 $0x24, s29;
	s31 =	sadd.s32 $0x25, s29;
	s21 =	sadd.s32 $0x26, s29;
	v0 =	vbroadcast v7, $0x0;
	v4 =	vld.idx.msk [tilespmem:v4+s8+$0x0], $0xffff  }
0x28c: {  	s16 =	sor.u32 $0x1, s16;
	v9 =	vmov s31;
	v11 =	vmov s21;
	s17 =	simm.s32 $0x11220;
	v7 =	vmov s30;
	v5 =	vld.idx.msk [tilespmem:v5+s8+$0x0], $0xffff  }
0x28d: {  	s19 =	simm.s32 $0x8;
	v9 =	vand.u32 $0xFFFFFFFD, v9;
	s18 =	simm.s32 $0x11220;
	s20 =	sadd.s32 $0x27, s29;
	v6 =	vld.idx.msk [tilespmem:v6+s8+$0x0], $0xffff;
	v8 =	vand.u32 $0xFFFFFFFC, v7;
	v7 =	vand.u32 $0xFFFFFFFE, v11;
	[tilespmem:s17+$0x10] =	vst v10  }
.LBB2_21:
0x28e: {  	v10 =	vmov s20;
	s20 =	smov.u32 s19;
	s19 =	sadd.s32 $0x4, s19  }
0x28f: {  	v9 =	vbroadcast v9, $0x0;
	[tilespmem:s17+$0xFFFFFFE0] =	vst v2;
	v2 =	vld.idx.msk [tilespmem:v1+s8+$0x0], $0xffff;
	v1 =	vbroadcast v8, $0x0;
	s18 =	sadd.s32 $0x40, s18;
	p0 =	slt.u32 s19, $0x1C  }
.Ltmp9:
0x290: {  	[tilespmem:s17+$0x0] =	vst v4;
	v4 =	vld.idx.msk [tilespmem:v3+s8+$0x0], $0xffff;
	v3 =	vbroadcast v7, $0x0;
	(pc) =	sbr.rel @p0 .LBB2_21-.Ltmp9, $4  }
0x291: {  	s20 =	sadd.s32 s20, s14;
	[tilespmem:s17+$0xFFFFFFF0] =	vst v5;
	v5 =	vld.idx.msk [tilespmem:v0+s8+$0x0], $0xffff;
	v0 =	vmov v9;
	s17 =	smov.u32 s18  }
0x292: {  	s21 =	sadd.s32 $0x24, s20;
	s22 =	sadd.s32 $0x25, s20;
	s23 =	sadd.s32 $0x26, s20  }
0x293: {  	s20 =	sadd.s32 $0x27, s20;
	v7 =	vmov s21;
	v9 =	vmov s22;
	v11 =	vmov s23  }
0x294: {  	v8 =	vand.u32 $0xFFFFFFFC, v7;
	v9 =	vand.u32 $0xFFFFFFFD, v9;
	v7 =	vand.u32 $0xFFFFFFFE, v11;
	[tilespmem:s18+$0x10] =	vst v6;
	v6 =	vld.idx.msk [tilespmem:v10+s8+$0x0], $0xffff  }
0x295: {  	_ =	sdelay $0x1  }
0x296: {  	v8 =	vbroadcast v8, $0x0;
	v10 =	vmov s20  }
0x297: {  	v7 =	vbroadcast v7, $0x0  }
0x298: {  	v9 =	vbroadcast v9, $0x0;
	v1 =	vld.idx.msk [tilespmem:v1+s8+$0x0], $0xffff  }
0x299: {  	[tilespmem:s17+$0xFFFFFFE0] =	vst v2;
	v2 =	vld.idx.msk [tilespmem:v3+s8+$0x0], $0xffff  }
0x29a: {  	[tilespmem:s17+$0x0] =	vst v4;
	v0 =	vld.idx.msk [tilespmem:v0+s8+$0x0], $0xffff  }
0x29b: {  	s18 =	sadd.s32 $0x40, s18;
	[tilespmem:s17+$0xFFFFFFF0] =	vst v5;
	v3 =	vld.idx.msk [tilespmem:v10+s8+$0x0], $0xffff  }
0x29c: {  	[tilespmem:s18+$0x10] =	vst v6;
	v4 =	vld.idx.msk [tilespmem:v8+s8+$0x0], $0xffff  }
0x29d: {  	[tilespmem:s18+$0xFFFFFFE0] =	vst v1;
	v1 =	vld.idx.msk [tilespmem:v7+s8+$0x0], $0xffff  }
0x29e: {  	[tilespmem:s18+$0x0] =	vst v2;
	v2 =	vld.idx.msk [tilespmem:v9+s8+$0x0], $0xffff  }
0x29f: {  	s26 =	sadd.s32 $0x40, s18;
	[tilespmem:s18+$0xFFFFFFF0] =	vst v0  }
0x2a0: {  	[tilespmem:s26+$0x10] =	vst v3  }
0x2a1: {  	[tilespmem:s26+$0xFFFFFFE0] =	vst v4  }
0x2a2: {  	[tilespmem:s26+$0x0] =	vst v1  }
0x2a3: {  	[tilespmem:s26+$0xFFFFFFF0] =	vst v2  }
0x2a4: {  	v1 =	vld [tilespmem:$0x0]  }
0x2a5: {  	v0 =	vld [tilespmem:$0x70]  }
0x2a6: {  	v2 =	vld [tilespmem:$0x400]  }
0x2a7: {  	v3 =	vld [tilespmem:$0x410]  }
0x2a8: {  	v5 =	vld [tilespmem:$0x800]  }
0x2a9: {  	v6 =	vld [tilespmem:$0x810]  }
0x2aa: {  	v7 =	vld [tilespmem:$0x820]  }
0x2ab: {  	v8 =	vld [tilespmem:$0x830]  }
0x2ac: {  	v9 =	vld [tilespmem:$0x840]  }
0x2ad: {  	v10 =	vld [tilespmem:$0x850]  }
0x2ae: {  	v11 =	vld [tilespmem:$0x860]  }
0x2af: {  	v12 =	vld [tilespmem:$0x870]  }
0x2b0: {  	v13 =	vld [tilespmem:$0xC00]  }
0x2b1: {  	v15 =	vld [tilespmem:$0xC10]  }
0x2b2: {  	v16 =	vld [tilespmem:$0xC20]  }
0x2b3: {  	s28 =	simm.s32 $0x11210;
	v17 =	vld [tilespmem:$0xC70]  }
0x2b4: {  	v14 =	vld [tilespmem:s28+$0x0]  }
0x2b5: {  	v20 =	vld [tilespmem:s28+$0xFFFFFFF0]  }
0x2b6: {  	v18 =	vld [tilespmem:$0xC30]  }
0x2b7: {  	v19 =	vld [tilespmem:$0xC40]  }
0x2b8: {  	v21 =	vld [tilespmem:$0xC50]  }
0x2b9: {  	v22 =	vld [tilespmem:$0xC60]  }
0x2ba: {  	v4 =	vld [tilespmem:$0x470];
	vm2 =	veq.s32 v14, $0x2  }
0x2bb: {  	v23 =	vld [tilespmem:$0x420];
	vm3 =	veq.s32 v20, $0x2;
	vm1 =	veq.s32 v14, $0x1;
	vm0 =	veq.s32 v14, $0x0  }
0x2bc: {  	v26 =	vld [tilespmem:$0x430];
	v24 =	vsel vm2, v12, v17;
	v28 =	vsel vm3, v5, v13;
	v30 =	vsel vm3, v6, v15  }
0x2bd: {  	v29 =	vld [tilespmem:$0x440];
	v32 =	vsel vm3, v7, v16;
	v34 =	vsel vm3, v8, v18;
	v36 =	vsel vm3, v9, v19  }
0x2be: {  	v31 =	vld [tilespmem:$0x450];
	v37 =	vsel vm3, v10, v21;
	v40 =	vsel vm3, v11, v22;
	v45 =	vsel vm3, v12, v17  }
0x2bf: {  	v25 =	vld [tilespmem:$0x20];
	v46 =	vsel vm2, v5, v13;
	v48 =	vsel vm2, v6, v15;
	v49 =	vsel vm2, v7, v16  }
0x2c0: {  	v27 =	vld [tilespmem:$0x30];
	v50 =	vsel vm2, v8, v18;
	v51 =	vsel vm2, v9, v19;
	v14 =	vsel vm1, v4, v24  }
0x2c1: {  	s18 =	simm.s32 $0x0;
	v52 =	vsel vm2, v10, v21;
	vm3 =	veq.s32 v20, $0x1;
	v35 =	vsel vm0, v0, v14;
	v14 =	vld [tilespmem:$0x460]  }
0x2c2: {  	s19 =	simm.s32 $0x80;
	s29 =	sand.u32 $0x6000, s18;
	v33 =	vsel vm2, v11, v22;
	v24 =	vld [tilespmem:$0x10];
	v41 =	vsel vm3, v2, v28;
	v38 =	vsel vm3, v3, v30  }
0x2c3: {  	s31 =	sand.u32 $0x380, s19;
	s22 =	sor.u32 $0x1200, s29;
	v28 =	vld [tilespmem:$0x40];
	v43 =	vsel vm3, v23, v32;
	v39 =	vsel vm3, v26, v34;
	v36 =	vsel vm3, v29, v36  }
0x2c4: {  	s30 =	simm.s32 $0x0;
	s17 =	sadd.s32 s31, s22;
	v30 =	vld [tilespmem:$0x50];
	v44 =	vsel vm3, v31, v37;
	v47 =	vsel vm1, v2, v46;
	v34 =	vsel vm1, v3, v48  }
0x2c5: {  	s20 =	sand.u32 $0x300, s30;
	v32 =	vld [tilespmem:$0x60];
	v37 =	vsel vm1, v23, v49;
	v46 =	vsel vm1, v26, v50;
	[tilespmem:s17+$0x8070] =	vst v35;
	v35 =	vsel vm1, v31, v52  }
0x2c6: {  	s21 =	simm.s32 $0x0;
	s20 =	sadd.s32 s20, s22;
	s22 =	simm.s32 $0x11230;
	v42 =	vsel vm3, v14, v40;
	v40 =	vsel vm3, v4, v45;
	v45 =	vsel vm1, v29, v51  }
.LBB2_23:
0x2c7: {  	v48 =	vld [tilespmem:s22+$0x0];
	s21 =	sadd.s32 $0x2, s21;
	vm2 =	veq.s32 v20, $0x0;
	v47 =	vsel vm0, v1, v47;
	v33 =	vsel vm1, v14, v33  }
0x2c8: {  	v20 =	vld [tilespmem:s22+$0xFFFFFFF0];
	p0 =	slt.u32 s21, $0x1E;
	v41 =	vsel vm2, v1, v41;
	v38 =	vsel vm2, v24, v38;
	v43 =	vsel vm2, v25, v43;
	[tilespmem:s17+$0x8000] =	vst v47  }
0x2c9: {  	v39 =	vsel vm2, v27, v39;
	v36 =	vsel vm2, v28, v36;
	[tilespmem:s20+$0x8000] =	vst v41;
	v41 =	vsel vm2, v30, v44  }
0x2ca: {  	v34 =	vsel vm0, v24, v34;
	v40 =	vsel vm2, v0, v40;
	[tilespmem:s20+$0x8010] =	vst v38;
	v38 =	vsel vm2, v32, v42  }
0x2cb: {  	v37 =	vsel vm0, v25, v37;
	v44 =	vsel vm0, v28, v45;
	v42 =	vsel vm0, v27, v46;
	[tilespmem:s20+$0x8020] =	vst v43  }
0x2cc: {  	v35 =	vsel vm0, v30, v35;
	s18 =	sadd.s32 $0x800, s18;
	v45 =	vsel vm0, v32, v33;
	vm2 =	veq.s32 v48, $0x2;
	[tilespmem:s20+$0x8030] =	vst v39  }
0x2cd: {  	s19 =	sadd.s32 $0x100, s19;
	s23 =	sand.u32 $0x6000, s18;
	vm1 =	veq.s32 v48, $0x1;
	vm3 =	veq.s32 v20, $0x2;
	v33 =	vsel vm2, v12, v17;
	[tilespmem:s20+$0x8040] =	vst v36  }
0x2ce: {  	s24 =	sadd.s32 $0xFFFFFF80, s19;
	s25 =	sand.u32 $0x380, s19;
	s23 =	sor.u32 $0x1200, s23;
	vm0 =	veq.s32 v48, $0x0;
	v36 =	vsel vm3, v5, v13;
	v33 =	vsel vm1, v4, v33;
	[tilespmem:s20+$0x8050] =	vst v41  }
0x2cf: {  	s24 =	sand.u32 $0x300, s24;
	s25 =	sadd.s32 s25, s23;
	v39 =	vsel vm3, v6, v15;
	v43 =	vsel vm3, v7, v16;
	v33 =	vsel vm0, v0, v33;
	[tilespmem:s20+$0x8060] =	vst v38  }
0x2d0: {  	s23 =	sadd.s32 s24, s23;
	v46 =	vsel vm3, v8, v18;
	v48 =	vsel vm3, v9, v19;
	v49 =	vsel vm3, v10, v21;
	[tilespmem:s25+$0x8070] =	vst v33  }
0x2d1: {  	v50 =	vsel vm3, v11, v22;
	v51 =	vsel vm3, v12, v17;
	v38 =	vsel vm2, v5, v13;
	[tilespmem:s20+$0x8070] =	vst v40;
	s20 =	smov.u32 s23  }
0x2d2: {  	v52 =	vsel vm2, v7, v16;
	v53 =	vsel vm2, v8, v18;
	v40 =	vsel vm2, v6, v15;
	[tilespmem:s17+$0x8010] =	vst v34  }
0x2d3: {  	v54 =	vsel vm2, v9, v19;
	v55 =	vsel vm2, v10, v21;
	v33 =	vsel vm2, v11, v22;
	[tilespmem:s17+$0x8020] =	vst v37  }
.Ltmp10:
0x2d4: {  	v47 =	vsel vm1, v2, v38;
	vm2 =	veq.s32 v20, $0x1;
	v34 =	vsel vm1, v3, v40;
	[tilespmem:s17+$0x8030] =	vst v42;
	(pc) =	sbr.rel @p0 .LBB2_23-.Ltmp10, $4  }
0x2d5: {  	v41 =	vsel vm2, v2, v36;
	v38 =	vsel vm2, v3, v39;
	v43 =	vsel vm2, v23, v43;
	[tilespmem:s17+$0x8040] =	vst v44  }
0x2d6: {  	v39 =	vsel vm2, v26, v46;
	v36 =	vsel vm2, v29, v48;
	v44 =	vsel vm2, v31, v49;
	[tilespmem:s17+$0x8050] =	vst v35  }
0x2d7: {  	v40 =	vsel vm2, v4, v51;
	v37 =	vsel vm1, v23, v52;
	v42 =	vsel vm2, v14, v50;
	[tilespmem:s17+$0x8060] =	vst v45;
	s17 =	smov.u32 s25  }
0x2d8: {  	s22 =	sadd.s32 $0x20, s22;
	v46 =	vsel vm1, v26, v53;
	v35 =	vsel vm1, v31, v55;
	v45 =	vsel vm1, v29, v54  }
0x2d9: {  	vm2 =	veq.s32 v20, $0x0;
	v2 =	vsel vm0, v1, v47  }
0x2da: {  	v1 =	vsel vm2, v1, v41;
	[tilespmem:s17+$0x8000] =	vst v2  }
0x2db: {  	v2 =	vsel vm2, v24, v38;
	[tilespmem:s20+$0x8000] =	vst v1  }
0x2dc: {  	v0 =	vsel vm2, v0, v40;
	[tilespmem:s20+$0x8010] =	vst v2  }
0x2dd: {  	v1 =	vsel vm2, v25, v43;
	[tilespmem:s20+$0x8070] =	vst v0  }
0x2de: {  	v2 =	vsel vm2, v27, v39;
	[tilespmem:s20+$0x8020] =	vst v1  }
0x2df: {  	v0 =	vsel vm0, v25, v37;
	[tilespmem:s20+$0x8030] =	vst v2  }
0x2e0: {  	v1 =	vsel vm2, v28, v36;
	[tilespmem:s17+$0x8020] =	vst v0  }
0x2e1: {  	v2 =	vsel vm2, v30, v44;
	[tilespmem:s20+$0x8040] =	vst v1  }
0x2e2: {  	v0 =	vsel vm0, v28, v45;
	[tilespmem:s20+$0x8050] =	vst v2  }
0x2e3: {  	v1 =	vsel vm2, v32, v42;
	[tilespmem:s17+$0x8040] =	vst v0  }
0x2e4: {  	[tilespmem:s20+$0x8060] =	vst v1;
	v1 =	vsel vm0, v24, v34  }
0x2e5: {  	[tilespmem:s17+$0x8010] =	vst v1;
	v1 =	vsel vm0, v27, v46  }
0x2e6: {  	v2 =	vsel vm0, v30, v35;
	[tilespmem:s17+$0x8030] =	vst v1;
	v1 =	vsel vm1, v14, v33  }
0x2e7: {  	[tilespmem:s17+$0x8050] =	vst v2;
	v0 =	vsel vm0, v32, v1  }
0x2e8: {  	[tilespmem:s17+$0x8060] =	vst v0  }
0x2e9: {  	v1 =	vld [tilespmem:$0x80]  }
0x2ea: {  	v0 =	vld [tilespmem:$0xF0]  }
0x2eb: {  	v2 =	vld [tilespmem:$0x480]  }
0x2ec: {  	v3 =	vld [tilespmem:$0x490]  }
0x2ed: {  	v5 =	vld [tilespmem:$0x880]  }
0x2ee: {  	v6 =	vld [tilespmem:$0x890]  }
0x2ef: {  	v7 =	vld [tilespmem:$0x8A0]  }
0x2f0: {  	v8 =	vld [tilespmem:$0x8B0]  }
0x2f1: {  	v9 =	vld [tilespmem:$0x8C0]  }
0x2f2: {  	v10 =	vld [tilespmem:$0x8D0]  }
0x2f3: {  	v11 =	vld [tilespmem:$0x8E0]  }
0x2f4: {  	v12 =	vld [tilespmem:$0x8F0]  }
0x2f5: {  	v13 =	vld [tilespmem:$0xC80]  }
0x2f6: {  	v15 =	vld [tilespmem:$0xC90]  }
0x2f7: {  	v16 =	vld [tilespmem:$0xCA0]  }
0x2f8: {  	s28 =	simm.s32 $0x11210;
	v17 =	vld [tilespmem:$0xCF0]  }
0x2f9: {  	v14 =	vld [tilespmem:s28+$0x0]  }
0x2fa: {  	v20 =	vld [tilespmem:s28+$0xFFFFFFF0]  }
0x2fb: {  	v18 =	vld [tilespmem:$0xCB0]  }
0x2fc: {  	v19 =	vld [tilespmem:$0xCC0]  }
0x2fd: {  	v21 =	vld [tilespmem:$0xCD0]  }
0x2fe: {  	v22 =	vld [tilespmem:$0xCE0]  }
0x2ff: {  	v4 =	vld [tilespmem:$0x4F0];
	vm2 =	veq.s32 v14, $0x2  }
0x300: {  	v23 =	vld [tilespmem:$0x4A0];
	vm3 =	veq.s32 v20, $0x2;
	vm1 =	veq.s32 v14, $0x1;
	vm0 =	veq.s32 v14, $0x0  }
0x301: {  	v26 =	vld [tilespmem:$0x4B0];
	v24 =	vsel vm2, v12, v17;
	v28 =	vsel vm3, v5, v13;
	v30 =	vsel vm3, v6, v15  }
0x302: {  	v29 =	vld [tilespmem:$0x4C0];
	v56 =	vsel vm3, v7, v16;
	v58 =	vsel vm3, v8, v18;
	v59 =	vsel vm3, v9, v19  }
0x303: {  	v31 =	vld [tilespmem:$0x4D0];
	v60 =	vsel vm3, v10, v21;
	v61 =	vsel vm3, v11, v22;
	v62 =	vsel vm3, v12, v17  }
0x304: {  	v25 =	vld [tilespmem:$0xA0];
	v63 =	vsel vm2, v5, v13;
	v48 =	vsel vm2, v6, v15;
	v49 =	vsel vm2, v7, v16  }
0x305: {  	v27 =	vld [tilespmem:$0xB0];
	v50 =	vsel vm2, v8, v18;
	v51 =	vsel vm2, v9, v19;
	v14 =	vsel vm1, v4, v24  }
0x306: {  	v52 =	vsel vm2, v10, v21;
	vm3 =	veq.s32 v20, $0x1;
	v57 =	vsel vm0, v0, v14;
	v14 =	vld [tilespmem:$0x4E0]  }
0x307: {  	s18 =	simm.s32 $0x0;
	v33 =	vsel vm2, v11, v22;
	v24 =	vld [tilespmem:$0x90];
	v41 =	vsel vm3, v2, v28;
	v38 =	vsel vm3, v3, v30  }
0x308: {  	s19 =	simm.s32 $0x80;
	s29 =	sand.u32 $0x6000, s18;
	v28 =	vld [tilespmem:$0xC0];
	v43 =	vsel vm3, v23, v56;
	v39 =	vsel vm3, v26, v58;
	v36 =	vsel vm3, v29, v59  }
0x309: {  	s30 =	simm.s32 $0x0;
	s31 =	sand.u32 $0x380, s19;
	s22 =	sor.u32 $0x1200, s29;
	v30 =	vld [tilespmem:$0xD0];
	v44 =	vsel vm3, v31, v60;
	v40 =	vsel vm3, v4, v62;
	v47 =	vsel vm1, v2, v63  }
0x30a: {  	s20 =	sand.u32 $0x300, s30;
	s17 =	sadd.s32 s31, s22;
	v32 =	vld [tilespmem:$0xE0];
	v34 =	vsel vm1, v3, v48;
	v37 =	vsel vm1, v23, v49;
	v46 =	vsel vm1, v26, v50  }
0x30b: {  	s21 =	simm.s32 $0x0;
	s20 =	sadd.s32 s20, s22;
	s22 =	simm.s32 $0x11230;
	v45 =	vsel vm1, v29, v51;
	v35 =	vsel vm1, v31, v52;
	[tilespmem:s17+$0x8470] =	vst v57;
	v42 =	vsel vm3, v14, v61  }
.LBB2_25:
0x30c: {  	v48 =	vld [tilespmem:s22+$0x0];
	s21 =	sadd.s32 $0x2, s21;
	vm2 =	veq.s32 v20, $0x0;
	v47 =	vsel vm0, v1, v47;
	v33 =	vsel vm1, v14, v33  }
0x30d: {  	v20 =	vld [tilespmem:s22+$0xFFFFFFF0];
	p0 =	slt.u32 s21, $0x1E;
	v41 =	vsel vm2, v1, v41;
	v38 =	vsel vm2, v24, v38;
	v43 =	vsel vm2, v25, v43;
	[tilespmem:s17+$0x8400] =	vst v47  }
0x30e: {  	v39 =	vsel vm2, v27, v39;
	v36 =	vsel vm2, v28, v36;
	[tilespmem:s20+$0x8400] =	vst v41;
	v41 =	vsel vm2, v30, v44  }
0x30f: {  	v34 =	vsel vm0, v24, v34;
	v40 =	vsel vm2, v0, v40;
	[tilespmem:s20+$0x8410] =	vst v38;
	v38 =	vsel vm2, v32, v42  }
0x310: {  	v37 =	vsel vm0, v25, v37;
	v44 =	vsel vm0, v28, v45;
	v42 =	vsel vm0, v27, v46;
	[tilespmem:s20+$0x8420] =	vst v43  }
0x311: {  	v35 =	vsel vm0, v30, v35;
	s18 =	sadd.s32 $0x800, s18;
	v45 =	vsel vm0, v32, v33;
	vm2 =	veq.s32 v48, $0x2;
	[tilespmem:s20+$0x8430] =	vst v39  }
0x312: {  	s19 =	sadd.s32 $0x100, s19;
	s23 =	sand.u32 $0x6000, s18;
	vm1 =	veq.s32 v48, $0x1;
	vm3 =	veq.s32 v20, $0x2;
	v33 =	vsel vm2, v12, v17;
	[tilespmem:s20+$0x8440] =	vst v36  }
0x313: {  	s24 =	sadd.s32 $0xFFFFFF80, s19;
	s25 =	sand.u32 $0x380, s19;
	s23 =	sor.u32 $0x1200, s23;
	vm0 =	veq.s32 v48, $0x0;
	v36 =	vsel vm3, v5, v13;
	v33 =	vsel vm1, v4, v33;
	[tilespmem:s20+$0x8450] =	vst v41  }
0x314: {  	s24 =	sand.u32 $0x300, s24;
	s25 =	sadd.s32 s25, s23;
	v39 =	vsel vm3, v6, v15;
	v43 =	vsel vm3, v7, v16;
	v33 =	vsel vm0, v0, v33;
	[tilespmem:s20+$0x8460] =	vst v38  }
0x315: {  	s23 =	sadd.s32 s24, s23;
	v46 =	vsel vm3, v8, v18;
	v48 =	vsel vm3, v9, v19;
	v49 =	vsel vm3, v10, v21;
	[tilespmem:s25+$0x8470] =	vst v33  }
0x316: {  	v50 =	vsel vm3, v11, v22;
	v51 =	vsel vm3, v12, v17;
	v38 =	vsel vm2, v5, v13;
	[tilespmem:s20+$0x8470] =	vst v40;
	s20 =	smov.u32 s23  }
0x317: {  	v52 =	vsel vm2, v7, v16;
	v53 =	vsel vm2, v8, v18;
	v40 =	vsel vm2, v6, v15;
	[tilespmem:s17+$0x8410] =	vst v34  }
0x318: {  	v54 =	vsel vm2, v9, v19;
	v55 =	vsel vm2, v10, v21;
	v33 =	vsel vm2, v11, v22;
	[tilespmem:s17+$0x8420] =	vst v37  }
.Ltmp11:
0x319: {  	v47 =	vsel vm1, v2, v38;
	vm2 =	veq.s32 v20, $0x1;
	v34 =	vsel vm1, v3, v40;
	[tilespmem:s17+$0x8430] =	vst v42;
	(pc) =	sbr.rel @p0 .LBB2_25-.Ltmp11, $4  }
0x31a: {  	v41 =	vsel vm2, v2, v36;
	v38 =	vsel vm2, v3, v39;
	v43 =	vsel vm2, v23, v43;
	[tilespmem:s17+$0x8440] =	vst v44  }
0x31b: {  	v39 =	vsel vm2, v26, v46;
	v36 =	vsel vm2, v29, v48;
	v44 =	vsel vm2, v31, v49;
	[tilespmem:s17+$0x8450] =	vst v35  }
0x31c: {  	v40 =	vsel vm2, v4, v51;
	v37 =	vsel vm1, v23, v52;
	v42 =	vsel vm2, v14, v50;
	[tilespmem:s17+$0x8460] =	vst v45;
	s17 =	smov.u32 s25  }
0x31d: {  	s22 =	sadd.s32 $0x20, s22;
	v46 =	vsel vm1, v26, v53;
	v35 =	vsel vm1, v31, v55;
	v45 =	vsel vm1, v29, v54  }
0x31e: {  	vm2 =	veq.s32 v20, $0x0;
	v2 =	vsel vm0, v1, v47  }
0x31f: {  	v1 =	vsel vm2, v1, v41;
	[tilespmem:s17+$0x8400] =	vst v2  }
0x320: {  	v2 =	vsel vm2, v24, v38;
	[tilespmem:s20+$0x8400] =	vst v1  }
0x321: {  	v0 =	vsel vm2, v0, v40;
	[tilespmem:s20+$0x8410] =	vst v2  }
0x322: {  	v1 =	vsel vm2, v25, v43;
	[tilespmem:s20+$0x8470] =	vst v0  }
0x323: {  	v2 =	vsel vm2, v27, v39;
	[tilespmem:s20+$0x8420] =	vst v1  }
0x324: {  	v0 =	vsel vm0, v25, v37;
	[tilespmem:s20+$0x8430] =	vst v2  }
0x325: {  	v1 =	vsel vm2, v28, v36;
	[tilespmem:s17+$0x8420] =	vst v0  }
0x326: {  	v2 =	vsel vm2, v30, v44;
	[tilespmem:s20+$0x8440] =	vst v1  }
0x327: {  	v0 =	vsel vm0, v28, v45;
	[tilespmem:s20+$0x8450] =	vst v2  }
0x328: {  	v1 =	vsel vm2, v32, v42;
	[tilespmem:s17+$0x8440] =	vst v0  }
0x329: {  	[tilespmem:s20+$0x8460] =	vst v1;
	v1 =	vsel vm0, v24, v34  }
0x32a: {  	[tilespmem:s17+$0x8410] =	vst v1;
	v1 =	vsel vm0, v27, v46  }
0x32b: {  	v2 =	vsel vm0, v30, v35;
	[tilespmem:s17+$0x8430] =	vst v1;
	v1 =	vsel vm1, v14, v33  }
0x32c: {  	[tilespmem:s17+$0x8450] =	vst v2;
	v0 =	vsel vm0, v32, v1  }
0x32d: {  	[tilespmem:s17+$0x8460] =	vst v0  }
0x32e: {  	v1 =	vld [tilespmem:$0x100]  }
0x32f: {  	v0 =	vld [tilespmem:$0x170]  }
0x330: {  	v2 =	vld [tilespmem:$0x500]  }
0x331: {  	v3 =	vld [tilespmem:$0x510]  }
0x332: {  	v5 =	vld [tilespmem:$0x900]  }
0x333: {  	v6 =	vld [tilespmem:$0x910]  }
0x334: {  	v7 =	vld [tilespmem:$0x920]  }
0x335: {  	v8 =	vld [tilespmem:$0x930]  }
0x336: {  	v9 =	vld [tilespmem:$0x940]  }
0x337: {  	v10 =	vld [tilespmem:$0x950]  }
0x338: {  	v11 =	vld [tilespmem:$0x960]  }
0x339: {  	v12 =	vld [tilespmem:$0x970]  }
0x33a: {  	v13 =	vld [tilespmem:$0xD00]  }
0x33b: {  	v15 =	vld [tilespmem:$0xD10]  }
0x33c: {  	v16 =	vld [tilespmem:$0xD20]  }
0x33d: {  	s28 =	simm.s32 $0x11210;
	v17 =	vld [tilespmem:$0xD70]  }
0x33e: {  	v14 =	vld [tilespmem:s28+$0x0]  }
0x33f: {  	v20 =	vld [tilespmem:s28+$0xFFFFFFF0]  }
0x340: {  	v18 =	vld [tilespmem:$0xD30]  }
0x341: {  	v19 =	vld [tilespmem:$0xD40]  }
0x342: {  	v21 =	vld [tilespmem:$0xD50]  }
0x343: {  	v22 =	vld [tilespmem:$0xD60]  }
0x344: {  	v4 =	vld [tilespmem:$0x570];
	vm2 =	veq.s32 v14, $0x2  }
0x345: {  	v23 =	vld [tilespmem:$0x520];
	vm3 =	veq.s32 v20, $0x2;
	vm1 =	veq.s32 v14, $0x1;
	vm0 =	veq.s32 v14, $0x0  }
0x346: {  	v26 =	vld [tilespmem:$0x530];
	v24 =	vsel vm2, v12, v17;
	v28 =	vsel vm3, v5, v13;
	v30 =	vsel vm3, v6, v15  }
0x347: {  	v29 =	vld [tilespmem:$0x540];
	v56 =	vsel vm3, v7, v16;
	v58 =	vsel vm3, v8, v18;
	v59 =	vsel vm3, v9, v19  }
0x348: {  	v31 =	vld [tilespmem:$0x550];
	v60 =	vsel vm3, v10, v21;
	v61 =	vsel vm3, v11, v22;
	v62 =	vsel vm3, v12, v17  }
0x349: {  	v25 =	vld [tilespmem:$0x120];
	v63 =	vsel vm2, v5, v13;
	v48 =	vsel vm2, v6, v15;
	v49 =	vsel vm2, v7, v16  }
0x34a: {  	v27 =	vld [tilespmem:$0x130];
	v50 =	vsel vm2, v8, v18;
	v51 =	vsel vm2, v9, v19;
	v14 =	vsel vm1, v4, v24  }
0x34b: {  	v52 =	vsel vm2, v10, v21;
	vm3 =	veq.s32 v20, $0x1;
	v57 =	vsel vm0, v0, v14;
	v14 =	vld [tilespmem:$0x560]  }
0x34c: {  	s18 =	simm.s32 $0x0;
	v33 =	vsel vm2, v11, v22;
	v24 =	vld [tilespmem:$0x110];
	v41 =	vsel vm3, v2, v28;
	v38 =	vsel vm3, v3, v30  }
0x34d: {  	s19 =	simm.s32 $0x80;
	s29 =	sand.u32 $0x6000, s18;
	v28 =	vld [tilespmem:$0x140];
	v43 =	vsel vm3, v23, v56;
	v39 =	vsel vm3, v26, v58;
	v36 =	vsel vm3, v29, v59  }
0x34e: {  	s30 =	simm.s32 $0x0;
	s31 =	sand.u32 $0x380, s19;
	s22 =	sor.u32 $0x1200, s29;
	v30 =	vld [tilespmem:$0x150];
	v44 =	vsel vm3, v31, v60;
	v40 =	vsel vm3, v4, v62;
	v47 =	vsel vm1, v2, v63  }
0x34f: {  	s20 =	sand.u32 $0x300, s30;
	s17 =	sadd.s32 s31, s22;
	v32 =	vld [tilespmem:$0x160];
	v34 =	vsel vm1, v3, v48;
	v37 =	vsel vm1, v23, v49;
	v46 =	vsel vm1, v26, v50  }
0x350: {  	s21 =	simm.s32 $0x0;
	s20 =	sadd.s32 s20, s22;
	s22 =	simm.s32 $0x11230;
	v45 =	vsel vm1, v29, v51;
	v35 =	vsel vm1, v31, v52;
	[tilespmem:s17+$0x8870] =	vst v57;
	v42 =	vsel vm3, v14, v61  }
.LBB2_27:
0x351: {  	v48 =	vld [tilespmem:s22+$0x0];
	s21 =	sadd.s32 $0x2, s21;
	vm2 =	veq.s32 v20, $0x0;
	v47 =	vsel vm0, v1, v47;
	v33 =	vsel vm1, v14, v33  }
0x352: {  	v20 =	vld [tilespmem:s22+$0xFFFFFFF0];
	p0 =	slt.u32 s21, $0x1E;
	v41 =	vsel vm2, v1, v41;
	v38 =	vsel vm2, v24, v38;
	v43 =	vsel vm2, v25, v43;
	[tilespmem:s17+$0x8800] =	vst v47  }
0x353: {  	v39 =	vsel vm2, v27, v39;
	v36 =	vsel vm2, v28, v36;
	[tilespmem:s20+$0x8800] =	vst v41;
	v41 =	vsel vm2, v30, v44  }
0x354: {  	v34 =	vsel vm0, v24, v34;
	v40 =	vsel vm2, v0, v40;
	[tilespmem:s20+$0x8810] =	vst v38;
	v38 =	vsel vm2, v32, v42  }
0x355: {  	v37 =	vsel vm0, v25, v37;
	v44 =	vsel vm0, v28, v45;
	v42 =	vsel vm0, v27, v46;
	[tilespmem:s20+$0x8820] =	vst v43  }
0x356: {  	v35 =	vsel vm0, v30, v35;
	s18 =	sadd.s32 $0x800, s18;
	v45 =	vsel vm0, v32, v33;
	vm2 =	veq.s32 v48, $0x2;
	[tilespmem:s20+$0x8830] =	vst v39  }
0x357: {  	s19 =	sadd.s32 $0x100, s19;
	s23 =	sand.u32 $0x6000, s18;
	vm1 =	veq.s32 v48, $0x1;
	vm3 =	veq.s32 v20, $0x2;
	v33 =	vsel vm2, v12, v17;
	[tilespmem:s20+$0x8840] =	vst v36  }
0x358: {  	s24 =	sadd.s32 $0xFFFFFF80, s19;
	s25 =	sand.u32 $0x380, s19;
	s23 =	sor.u32 $0x1200, s23;
	vm0 =	veq.s32 v48, $0x0;
	v36 =	vsel vm3, v5, v13;
	v33 =	vsel vm1, v4, v33;
	[tilespmem:s20+$0x8850] =	vst v41  }
0x359: {  	s24 =	sand.u32 $0x300, s24;
	s25 =	sadd.s32 s25, s23;
	v39 =	vsel vm3, v6, v15;
	v43 =	vsel vm3, v7, v16;
	v33 =	vsel vm0, v0, v33;
	[tilespmem:s20+$0x8860] =	vst v38  }
0x35a: {  	s23 =	sadd.s32 s24, s23;
	v46 =	vsel vm3, v8, v18;
	v48 =	vsel vm3, v9, v19;
	v49 =	vsel vm3, v10, v21;
	[tilespmem:s25+$0x8870] =	vst v33  }
0x35b: {  	v50 =	vsel vm3, v11, v22;
	v51 =	vsel vm3, v12, v17;
	v38 =	vsel vm2, v5, v13;
	[tilespmem:s20+$0x8870] =	vst v40;
	s20 =	smov.u32 s23  }
0x35c: {  	v52 =	vsel vm2, v7, v16;
	v53 =	vsel vm2, v8, v18;
	v40 =	vsel vm2, v6, v15;
	[tilespmem:s17+$0x8810] =	vst v34  }
0x35d: {  	v54 =	vsel vm2, v9, v19;
	v55 =	vsel vm2, v10, v21;
	v33 =	vsel vm2, v11, v22;
	[tilespmem:s17+$0x8820] =	vst v37  }
.Ltmp12:
0x35e: {  	v47 =	vsel vm1, v2, v38;
	vm2 =	veq.s32 v20, $0x1;
	v34 =	vsel vm1, v3, v40;
	[tilespmem:s17+$0x8830] =	vst v42;
	(pc) =	sbr.rel @p0 .LBB2_27-.Ltmp12, $4  }
0x35f: {  	v41 =	vsel vm2, v2, v36;
	v38 =	vsel vm2, v3, v39;
	v43 =	vsel vm2, v23, v43;
	[tilespmem:s17+$0x8840] =	vst v44  }
0x360: {  	v39 =	vsel vm2, v26, v46;
	v36 =	vsel vm2, v29, v48;
	v44 =	vsel vm2, v31, v49;
	[tilespmem:s17+$0x8850] =	vst v35  }
0x361: {  	v40 =	vsel vm2, v4, v51;
	v37 =	vsel vm1, v23, v52;
	v42 =	vsel vm2, v14, v50;
	[tilespmem:s17+$0x8860] =	vst v45;
	s17 =	smov.u32 s25  }
0x362: {  	s22 =	sadd.s32 $0x20, s22;
	v46 =	vsel vm1, v26, v53;
	v35 =	vsel vm1, v31, v55;
	v45 =	vsel vm1, v29, v54  }
0x363: {  	vm2 =	veq.s32 v20, $0x0;
	v2 =	vsel vm0, v1, v47  }
0x364: {  	v1 =	vsel vm2, v1, v41;
	[tilespmem:s17+$0x8800] =	vst v2  }
0x365: {  	v2 =	vsel vm2, v24, v38;
	[tilespmem:s20+$0x8800] =	vst v1  }
0x366: {  	v0 =	vsel vm2, v0, v40;
	[tilespmem:s20+$0x8810] =	vst v2  }
0x367: {  	v1 =	vsel vm2, v25, v43;
	[tilespmem:s20+$0x8870] =	vst v0  }
0x368: {  	v2 =	vsel vm2, v27, v39;
	[tilespmem:s20+$0x8820] =	vst v1  }
0x369: {  	v0 =	vsel vm0, v25, v37;
	[tilespmem:s20+$0x8830] =	vst v2  }
0x36a: {  	v1 =	vsel vm2, v28, v36;
	[tilespmem:s17+$0x8820] =	vst v0  }
0x36b: {  	v2 =	vsel vm2, v30, v44;
	[tilespmem:s20+$0x8840] =	vst v1  }
0x36c: {  	v0 =	vsel vm0, v28, v45;
	[tilespmem:s20+$0x8850] =	vst v2  }
0x36d: {  	v1 =	vsel vm2, v32, v42;
	[tilespmem:s17+$0x8840] =	vst v0  }
0x36e: {  	[tilespmem:s20+$0x8860] =	vst v1;
	v1 =	vsel vm0, v24, v34  }
0x36f: {  	[tilespmem:s17+$0x8810] =	vst v1;
	v1 =	vsel vm0, v27, v46  }
0x370: {  	v2 =	vsel vm0, v30, v35;
	[tilespmem:s17+$0x8830] =	vst v1;
	v1 =	vsel vm1, v14, v33  }
0x371: {  	[tilespmem:s17+$0x8850] =	vst v2;
	v0 =	vsel vm0, v32, v1  }
0x372: {  	[tilespmem:s17+$0x8860] =	vst v0  }
0x373: {  	v1 =	vld [tilespmem:$0x180]  }
0x374: {  	v0 =	vld [tilespmem:$0x1F0]  }
0x375: {  	v2 =	vld [tilespmem:$0x580]  }
0x376: {  	v3 =	vld [tilespmem:$0x590]  }
0x377: {  	v5 =	vld [tilespmem:$0x980]  }
0x378: {  	v6 =	vld [tilespmem:$0x990]  }
0x379: {  	v7 =	vld [tilespmem:$0x9A0]  }
0x37a: {  	v8 =	vld [tilespmem:$0x9B0]  }
0x37b: {  	v9 =	vld [tilespmem:$0x9C0]  }
0x37c: {  	v10 =	vld [tilespmem:$0x9D0]  }
0x37d: {  	v11 =	vld [tilespmem:$0x9E0]  }
0x37e: {  	v12 =	vld [tilespmem:$0x9F0]  }
0x37f: {  	v13 =	vld [tilespmem:$0xD80]  }
0x380: {  	v15 =	vld [tilespmem:$0xD90]  }
0x381: {  	v16 =	vld [tilespmem:$0xDA0]  }
0x382: {  	s30 =	simm.s32 $0x11210;
	v17 =	vld [tilespmem:$0xDF0]  }
0x383: {  	v14 =	vld [tilespmem:s30+$0x0]  }
0x384: {  	v20 =	vld [tilespmem:s30+$0xFFFFFFF0]  }
0x385: {  	v18 =	vld [tilespmem:$0xDB0]  }
0x386: {  	v19 =	vld [tilespmem:$0xDC0]  }
0x387: {  	v21 =	vld [tilespmem:$0xDD0]  }
0x388: {  	v22 =	vld [tilespmem:$0xDE0]  }
0x389: {  	v4 =	vld [tilespmem:$0x5F0];
	vm2 =	veq.s32 v14, $0x2  }
0x38a: {  	v23 =	vld [tilespmem:$0x5A0];
	vm3 =	veq.s32 v20, $0x2;
	vm1 =	veq.s32 v14, $0x1;
	vm0 =	veq.s32 v14, $0x0  }
0x38b: {  	v26 =	vld [tilespmem:$0x5B0];
	v24 =	vsel vm2, v12, v17;
	v29 =	vsel vm3, v5, v13;
	v30 =	vsel vm3, v6, v15  }
0x38c: {  	v28 =	vld [tilespmem:$0x5C0];
	v56 =	vsel vm3, v7, v16;
	v58 =	vsel vm3, v8, v18;
	v59 =	vsel vm3, v9, v19  }
0x38d: {  	v31 =	vld [tilespmem:$0x5D0];
	v60 =	vsel vm3, v10, v21;
	v61 =	vsel vm3, v11, v22;
	v62 =	vsel vm3, v12, v17  }
0x38e: {  	v25 =	vld [tilespmem:$0x1A0];
	v63 =	vsel vm2, v5, v13;
	v48 =	vsel vm2, v6, v15;
	v49 =	vsel vm2, v7, v16  }
0x38f: {  	v27 =	vld [tilespmem:$0x1B0];
	v50 =	vsel vm2, v8, v18;
	v51 =	vsel vm2, v9, v19;
	v14 =	vsel vm1, v4, v24  }
0x390: {  	s18 =	simm.s32 $0x0;
	v52 =	vsel vm2, v10, v21;
	vm3 =	veq.s32 v20, $0x1;
	v57 =	vsel vm0, v0, v14;
	v14 =	vld [tilespmem:$0x5E0]  }
0x391: {  	s31 =	sand.u32 $0xFFFFE000, s18;
	v33 =	vsel vm2, v11, v22;
	v24 =	vld [tilespmem:$0x190];
	v45 =	vsel vm3, v2, v29;
	v43 =	vsel vm3, v3, v30  }
0x392: {  	s19 =	sadd.s32 $0x0, s31;
	v29 =	vld [tilespmem:$0x1C0];
	v46 =	vsel vm3, v23, v56;
	v40 =	vsel vm3, v26, v58;
	v38 =	vsel vm3, v28, v59  }
0x393: {  	s17 =	sadd.s32 $0x80, s19;
	v30 =	vld [tilespmem:$0x1D0];
	v41 =	vsel vm3, v31, v60;
	v37 =	vsel vm3, v4, v62;
	v47 =	vsel vm1, v2, v63  }
0x394: {  	s21 =	simm.s32 $0x11230;
	v32 =	vld [tilespmem:$0x1E0];
	s17 =	sor.u32 $0x8C00, s17;
	v34 =	vsel vm1, v3, v48;
	v36 =	vsel vm1, v23, v49;
	v44 =	vsel vm1, v26, v50  }
0x395: {  	s22 =	simm.s32 $0x0;
	s20 =	simm.s32 $0x0;
	s19 =	sor.u32 $0x8C00, s19;
	v42 =	vsel vm1, v28, v51;
	v35 =	vsel vm1, v31, v52;
	[tilespmem:s17+$0x1270] =	vst v57;
	v39 =	vsel vm3, v14, v61  }
.LBB2_29:
0x396: {  	v48 =	vld [tilespmem:s21+$0x0];
	s20 =	sadd.s32 $0x2, s20;
	vm2 =	veq.s32 v20, $0x0;
	v47 =	vsel vm0, v1, v47;
	v33 =	vsel vm1, v14, v33  }
0x397: {  	v20 =	vld [tilespmem:s21+$0xFFFFFFF0];
	p0 =	slt.u32 s20, $0x1E;
	v45 =	vsel vm2, v1, v45;
	v43 =	vsel vm2, v24, v43;
	v46 =	vsel vm2, v25, v46;
	[tilespmem:s17+$0x1200] =	vst v47  }
0x398: {  	v40 =	vsel vm2, v27, v40;
	v38 =	vsel vm2, v29, v38;
	v41 =	vsel vm2, v30, v41;
	[tilespmem:s19+$0x1200] =	vst v45  }
0x399: {  	v34 =	vsel vm0, v24, v34;
	v39 =	vsel vm2, v32, v39;
	v37 =	vsel vm2, v0, v37;
	[tilespmem:s19+$0x1210] =	vst v43  }
0x39a: {  	v36 =	vsel vm0, v25, v36;
	v42 =	vsel vm0, v29, v42;
	s18 =	sadd.s32 $0x800, s18;
	v43 =	vsel vm0, v27, v44;
	[tilespmem:s19+$0x1220] =	vst v46  }
0x39b: {  	v35 =	vsel vm0, v30, v35;
	s22 =	sadd.s32 $0x100, s22;
	s23 =	sand.u32 $0xFFFFE000, s18;
	v44 =	vsel vm0, v32, v33;
	vm2 =	veq.s32 v48, $0x2;
	[tilespmem:s19+$0x1230] =	vst v40  }
0x39c: {  	s23 =	sadd.s32 s23, s22;
	vm1 =	veq.s32 v48, $0x1;
	vm3 =	veq.s32 v20, $0x2;
	v33 =	vsel vm2, v12, v17;
	[tilespmem:s19+$0x1240] =	vst v38  }
0x39d: {  	s24 =	sor.u32 $0x8C00, s23;
	s23 =	sadd.s32 $0x80, s23;
	vm0 =	veq.s32 v48, $0x0;
	v38 =	vsel vm3, v5, v13;
	v33 =	vsel vm1, v4, v33;
	[tilespmem:s19+$0x1250] =	vst v41  }
0x39e: {  	s23 =	sor.u32 $0x8C00, s23;
	v40 =	vsel vm3, v6, v15;
	v41 =	vsel vm3, v7, v16;
	v33 =	vsel vm0, v0, v33;
	[tilespmem:s19+$0x1260] =	vst v39  }
0x39f: {  	v48 =	vsel vm3, v9, v19;
	v49 =	vsel vm3, v10, v21;
	v39 =	vsel vm3, v8, v18;
	[tilespmem:s23+$0x1270] =	vst v33  }
0x3a0: {  	v45 =	vsel vm2, v5, v13;
	v50 =	vsel vm3, v11, v22;
	v51 =	vsel vm3, v12, v17;
	[tilespmem:s19+$0x1270] =	vst v37;
	s19 =	smov.u32 s24  }
0x3a1: {  	v52 =	vsel vm2, v7, v16;
	v53 =	vsel vm2, v8, v18;
	v37 =	vsel vm2, v6, v15;
	[tilespmem:s17+$0x1210] =	vst v34  }
0x3a2: {  	v54 =	vsel vm2, v9, v19;
	v55 =	vsel vm2, v10, v21;
	v33 =	vsel vm2, v11, v22;
	[tilespmem:s17+$0x1220] =	vst v36  }
.Ltmp13:
0x3a3: {  	v47 =	vsel vm1, v2, v45;
	vm2 =	veq.s32 v20, $0x1;
	v34 =	vsel vm1, v3, v37;
	[tilespmem:s17+$0x1230] =	vst v43;
	(pc) =	sbr.rel @p0 .LBB2_29-.Ltmp13, $4  }
0x3a4: {  	v45 =	vsel vm2, v2, v38;
	v46 =	vsel vm2, v23, v41;
	v43 =	vsel vm2, v3, v40;
	[tilespmem:s17+$0x1240] =	vst v42  }
0x3a5: {  	v38 =	vsel vm2, v28, v48;
	v41 =	vsel vm2, v31, v49;
	v40 =	vsel vm2, v26, v39;
	[tilespmem:s17+$0x1250] =	vst v35  }
0x3a6: {  	v37 =	vsel vm2, v4, v51;
	v36 =	vsel vm1, v23, v52;
	v39 =	vsel vm2, v14, v50;
	[tilespmem:s17+$0x1260] =	vst v44;
	s17 =	smov.u32 s23  }
0x3a7: {  	s21 =	sadd.s32 $0x20, s21;
	v42 =	vsel vm1, v28, v54;
	v35 =	vsel vm1, v31, v55;
	v44 =	vsel vm1, v26, v53  }
0x3a8: {  	vm2 =	veq.s32 v20, $0x0;
	v2 =	vsel vm0, v1, v47  }
0x3a9: {  	v1 =	vsel vm2, v1, v45;
	[tilespmem:s17+$0x1200] =	vst v2  }
0x3aa: {  	v2 =	vsel vm2, v24, v43;
	[tilespmem:s19+$0x1200] =	vst v1  }
0x3ab: {  	v0 =	vsel vm2, v0, v37;
	[tilespmem:s19+$0x1210] =	vst v2  }
0x3ac: {  	v1 =	vsel vm2, v25, v46;
	[tilespmem:s19+$0x1270] =	vst v0  }
0x3ad: {  	v2 =	vsel vm2, v27, v40;
	[tilespmem:s19+$0x1220] =	vst v1  }
0x3ae: {  	v0 =	vsel vm0, v25, v36;
	[tilespmem:s19+$0x1230] =	vst v2  }
0x3af: {  	v1 =	vsel vm2, v29, v38;
	[tilespmem:s17+$0x1220] =	vst v0  }
0x3b0: {  	v2 =	vsel vm2, v30, v41;
	[tilespmem:s19+$0x1240] =	vst v1  }
0x3b1: {  	v0 =	vsel vm0, v29, v42;
	[tilespmem:s19+$0x1250] =	vst v2  }
0x3b2: {  	v1 =	vsel vm2, v32, v39;
	[tilespmem:s17+$0x1240] =	vst v0  }
0x3b3: {  	[tilespmem:s19+$0x1260] =	vst v1;
	v1 =	vsel vm0, v24, v34  }
0x3b4: {  	[tilespmem:s17+$0x1210] =	vst v1;
	v1 =	vsel vm0, v27, v44  }
0x3b5: {  	v2 =	vsel vm0, v30, v35;
	[tilespmem:s17+$0x1230] =	vst v1;
	v1 =	vsel vm1, v14, v33  }
0x3b6: {  	[tilespmem:s17+$0x1250] =	vst v2;
	v0 =	vsel vm0, v32, v1  }
0x3b7: {  	[tilespmem:s17+$0x1260] =	vst v0  }
0x3b8: {  	v1 =	vld [tilespmem:$0x200]  }
0x3b9: {  	v0 =	vld [tilespmem:$0x270]  }
0x3ba: {  	v2 =	vld [tilespmem:$0x600]  }
0x3bb: {  	v3 =	vld [tilespmem:$0x610]  }
0x3bc: {  	v5 =	vld [tilespmem:$0xA00]  }
0x3bd: {  	v6 =	vld [tilespmem:$0xA10]  }
0x3be: {  	v7 =	vld [tilespmem:$0xA20]  }
0x3bf: {  	v8 =	vld [tilespmem:$0xA30]  }
0x3c0: {  	v9 =	vld [tilespmem:$0xA40]  }
0x3c1: {  	v10 =	vld [tilespmem:$0xA50]  }
0x3c2: {  	v11 =	vld [tilespmem:$0xA60]  }
0x3c3: {  	v12 =	vld [tilespmem:$0xA70]  }
0x3c4: {  	v13 =	vld [tilespmem:$0xE00]  }
0x3c5: {  	v15 =	vld [tilespmem:$0xE10]  }
0x3c6: {  	v16 =	vld [tilespmem:$0xE20]  }
0x3c7: {  	s29 =	simm.s32 $0x11210;
	v17 =	vld [tilespmem:$0xE70]  }
0x3c8: {  	v14 =	vld [tilespmem:s29+$0x0]  }
0x3c9: {  	v20 =	vld [tilespmem:s29+$0xFFFFFFF0]  }
0x3ca: {  	v18 =	vld [tilespmem:$0xE30]  }
0x3cb: {  	v19 =	vld [tilespmem:$0xE40]  }
0x3cc: {  	v21 =	vld [tilespmem:$0xE50]  }
0x3cd: {  	v22 =	vld [tilespmem:$0xE60]  }
0x3ce: {  	v4 =	vld [tilespmem:$0x670];
	vm2 =	veq.s32 v14, $0x2  }
0x3cf: {  	v23 =	vld [tilespmem:$0x620];
	vm3 =	veq.s32 v20, $0x2;
	vm1 =	veq.s32 v14, $0x1;
	vm0 =	veq.s32 v14, $0x0  }
0x3d0: {  	v26 =	vld [tilespmem:$0x630];
	v24 =	vsel vm2, v12, v17;
	v28 =	vsel vm3, v5, v13;
	v30 =	vsel vm3, v6, v15  }
0x3d1: {  	v29 =	vld [tilespmem:$0x640];
	v56 =	vsel vm3, v7, v16;
	v58 =	vsel vm3, v8, v18;
	v59 =	vsel vm3, v9, v19  }
0x3d2: {  	v31 =	vld [tilespmem:$0x650];
	v60 =	vsel vm3, v10, v21;
	v61 =	vsel vm3, v11, v22;
	v62 =	vsel vm3, v12, v17  }
0x3d3: {  	v25 =	vld [tilespmem:$0x220];
	v63 =	vsel vm2, v5, v13;
	v48 =	vsel vm2, v6, v15;
	v49 =	vsel vm2, v7, v16  }
0x3d4: {  	v27 =	vld [tilespmem:$0x230];
	v50 =	vsel vm2, v8, v18;
	v51 =	vsel vm2, v9, v19;
	v14 =	vsel vm1, v4, v24  }
0x3d5: {  	v52 =	vsel vm2, v10, v21;
	vm3 =	veq.s32 v20, $0x1;
	v57 =	vsel vm0, v0, v14;
	v14 =	vld [tilespmem:$0x660]  }
0x3d6: {  	s18 =	simm.s32 $0x0;
	v33 =	vsel vm2, v11, v22;
	v24 =	vld [tilespmem:$0x210];
	v41 =	vsel vm3, v2, v28;
	v38 =	vsel vm3, v3, v30  }
0x3d7: {  	s30 =	sand.u32 $0x6000, s18;
	s19 =	simm.s32 $0x80;
	v28 =	vld [tilespmem:$0x240];
	v43 =	vsel vm3, v23, v56;
	v39 =	vsel vm3, v26, v58;
	v36 =	vsel vm3, v29, v59  }
0x3d8: {  	s20 =	simm.s32 $0x0;
	s22 =	sor.u32 $0x1200, s30;
	s31 =	sand.u32 $0x380, s19;
	v30 =	vld [tilespmem:$0x250];
	v44 =	vsel vm3, v31, v60;
	v40 =	vsel vm3, v4, v62;
	v47 =	vsel vm1, v2, v63  }
0x3d9: {  	s20 =	sand.u32 $0x300, s20;
	s17 =	sadd.s32 s31, s22;
	v32 =	vld [tilespmem:$0x260];
	v34 =	vsel vm1, v3, v48;
	v37 =	vsel vm1, v23, v49;
	v46 =	vsel vm1, v26, v50  }
0x3da: {  	s21 =	simm.s32 $0x0;
	s20 =	sadd.s32 s20, s22;
	s22 =	simm.s32 $0x11230;
	v45 =	vsel vm1, v29, v51;
	v35 =	vsel vm1, v31, v52;
	[tilespmem:s17+$0x9070] =	vst v57;
	v42 =	vsel vm3, v14, v61  }
.LBB2_31:
0x3db: {  	v48 =	vld [tilespmem:s22+$0x0];
	s21 =	sadd.s32 $0x2, s21;
	vm2 =	veq.s32 v20, $0x0;
	v47 =	vsel vm0, v1, v47;
	v33 =	vsel vm1, v14, v33  }
0x3dc: {  	v20 =	vld [tilespmem:s22+$0xFFFFFFF0];
	p0 =	slt.u32 s21, $0x1E;
	v41 =	vsel vm2, v1, v41;
	v38 =	vsel vm2, v24, v38;
	v43 =	vsel vm2, v25, v43;
	[tilespmem:s17+$0x9000] =	vst v47  }
0x3dd: {  	v39 =	vsel vm2, v27, v39;
	v36 =	vsel vm2, v28, v36;
	[tilespmem:s20+$0x9000] =	vst v41;
	v41 =	vsel vm2, v30, v44  }
0x3de: {  	v34 =	vsel vm0, v24, v34;
	v40 =	vsel vm2, v0, v40;
	[tilespmem:s20+$0x9010] =	vst v38;
	v38 =	vsel vm2, v32, v42  }
0x3df: {  	v37 =	vsel vm0, v25, v37;
	v44 =	vsel vm0, v28, v45;
	v42 =	vsel vm0, v27, v46;
	[tilespmem:s20+$0x9020] =	vst v43  }
0x3e0: {  	v35 =	vsel vm0, v30, v35;
	s18 =	sadd.s32 $0x800, s18;
	v45 =	vsel vm0, v32, v33;
	vm2 =	veq.s32 v48, $0x2;
	[tilespmem:s20+$0x9030] =	vst v39  }
0x3e1: {  	s19 =	sadd.s32 $0x100, s19;
	s23 =	sand.u32 $0x6000, s18;
	vm1 =	veq.s32 v48, $0x1;
	vm3 =	veq.s32 v20, $0x2;
	v33 =	vsel vm2, v12, v17;
	[tilespmem:s20+$0x9040] =	vst v36  }
0x3e2: {  	s24 =	sadd.s32 $0xFFFFFF80, s19;
	s25 =	sand.u32 $0x380, s19;
	s23 =	sor.u32 $0x1200, s23;
	vm0 =	veq.s32 v48, $0x0;
	v36 =	vsel vm3, v5, v13;
	v33 =	vsel vm1, v4, v33;
	[tilespmem:s20+$0x9050] =	vst v41  }
0x3e3: {  	s24 =	sand.u32 $0x300, s24;
	s25 =	sadd.s32 s25, s23;
	v39 =	vsel vm3, v6, v15;
	v43 =	vsel vm3, v7, v16;
	v33 =	vsel vm0, v0, v33;
	[tilespmem:s20+$0x9060] =	vst v38  }
0x3e4: {  	s23 =	sadd.s32 s24, s23;
	v46 =	vsel vm3, v8, v18;
	v48 =	vsel vm3, v9, v19;
	v49 =	vsel vm3, v10, v21;
	[tilespmem:s25+$0x9070] =	vst v33  }
0x3e5: {  	v50 =	vsel vm3, v11, v22;
	v51 =	vsel vm3, v12, v17;
	v38 =	vsel vm2, v5, v13;
	[tilespmem:s20+$0x9070] =	vst v40;
	s20 =	smov.u32 s23  }
0x3e6: {  	v52 =	vsel vm2, v7, v16;
	v53 =	vsel vm2, v8, v18;
	v40 =	vsel vm2, v6, v15;
	[tilespmem:s17+$0x9010] =	vst v34  }
0x3e7: {  	v54 =	vsel vm2, v9, v19;
	v55 =	vsel vm2, v10, v21;
	v33 =	vsel vm2, v11, v22;
	[tilespmem:s17+$0x9020] =	vst v37  }
.Ltmp14:
0x3e8: {  	v47 =	vsel vm1, v2, v38;
	vm2 =	veq.s32 v20, $0x1;
	v34 =	vsel vm1, v3, v40;
	[tilespmem:s17+$0x9030] =	vst v42;
	(pc) =	sbr.rel @p0 .LBB2_31-.Ltmp14, $4  }
0x3e9: {  	v41 =	vsel vm2, v2, v36;
	v38 =	vsel vm2, v3, v39;
	v43 =	vsel vm2, v23, v43;
	[tilespmem:s17+$0x9040] =	vst v44  }
0x3ea: {  	v39 =	vsel vm2, v26, v46;
	v36 =	vsel vm2, v29, v48;
	v44 =	vsel vm2, v31, v49;
	[tilespmem:s17+$0x9050] =	vst v35  }
0x3eb: {  	v40 =	vsel vm2, v4, v51;
	v37 =	vsel vm1, v23, v52;
	v42 =	vsel vm2, v14, v50;
	[tilespmem:s17+$0x9060] =	vst v45;
	s17 =	smov.u32 s25  }
0x3ec: {  	s22 =	sadd.s32 $0x20, s22;
	v46 =	vsel vm1, v26, v53;
	v35 =	vsel vm1, v31, v55;
	v45 =	vsel vm1, v29, v54  }
0x3ed: {  	vm2 =	veq.s32 v20, $0x0;
	v2 =	vsel vm0, v1, v47  }
0x3ee: {  	v1 =	vsel vm2, v1, v41;
	[tilespmem:s17+$0x9000] =	vst v2  }
0x3ef: {  	v2 =	vsel vm2, v24, v38;
	[tilespmem:s20+$0x9000] =	vst v1  }
0x3f0: {  	v0 =	vsel vm2, v0, v40;
	[tilespmem:s20+$0x9010] =	vst v2  }
0x3f1: {  	v1 =	vsel vm2, v25, v43;
	[tilespmem:s20+$0x9070] =	vst v0  }
0x3f2: {  	v2 =	vsel vm2, v27, v39;
	[tilespmem:s20+$0x9020] =	vst v1  }
0x3f3: {  	v0 =	vsel vm0, v25, v37;
	[tilespmem:s20+$0x9030] =	vst v2  }
0x3f4: {  	v1 =	vsel vm2, v28, v36;
	[tilespmem:s17+$0x9020] =	vst v0  }
0x3f5: {  	v2 =	vsel vm2, v30, v44;
	[tilespmem:s20+$0x9040] =	vst v1  }
0x3f6: {  	v0 =	vsel vm0, v28, v45;
	[tilespmem:s20+$0x9050] =	vst v2  }
0x3f7: {  	v1 =	vsel vm2, v32, v42;
	[tilespmem:s17+$0x9040] =	vst v0  }
0x3f8: {  	[tilespmem:s20+$0x9060] =	vst v1;
	v1 =	vsel vm0, v24, v34  }
0x3f9: {  	[tilespmem:s17+$0x9010] =	vst v1;
	v1 =	vsel vm0, v27, v46  }
0x3fa: {  	v2 =	vsel vm0, v30, v35;
	[tilespmem:s17+$0x9030] =	vst v1;
	v1 =	vsel vm1, v14, v33  }
0x3fb: {  	[tilespmem:s17+$0x9050] =	vst v2;
	v0 =	vsel vm0, v32, v1  }
0x3fc: {  	[tilespmem:s17+$0x9060] =	vst v0  }
0x3fd: {  	v1 =	vld [tilespmem:$0x280]  }
0x3fe: {  	v0 =	vld [tilespmem:$0x2F0]  }
0x3ff: {  	v2 =	vld [tilespmem:$0x680]  }
0x400: {  	v3 =	vld [tilespmem:$0x690]  }
0x401: {  	v5 =	vld [tilespmem:$0xA80]  }
0x402: {  	v6 =	vld [tilespmem:$0xA90]  }
0x403: {  	v7 =	vld [tilespmem:$0xAA0]  }
0x404: {  	v8 =	vld [tilespmem:$0xAB0]  }
0x405: {  	v9 =	vld [tilespmem:$0xAC0]  }
0x406: {  	v10 =	vld [tilespmem:$0xAD0]  }
0x407: {  	v11 =	vld [tilespmem:$0xAE0]  }
0x408: {  	v12 =	vld [tilespmem:$0xAF0]  }
0x409: {  	v13 =	vld [tilespmem:$0xE80]  }
0x40a: {  	v15 =	vld [tilespmem:$0xE90]  }
0x40b: {  	v16 =	vld [tilespmem:$0xEA0]  }
0x40c: {  	s28 =	simm.s32 $0x11210;
	v17 =	vld [tilespmem:$0xEF0]  }
0x40d: {  	v14 =	vld [tilespmem:s28+$0x0]  }
0x40e: {  	v20 =	vld [tilespmem:s28+$0xFFFFFFF0]  }
0x40f: {  	v18 =	vld [tilespmem:$0xEB0]  }
0x410: {  	v19 =	vld [tilespmem:$0xEC0]  }
0x411: {  	v21 =	vld [tilespmem:$0xED0]  }
0x412: {  	v22 =	vld [tilespmem:$0xEE0]  }
0x413: {  	v4 =	vld [tilespmem:$0x6F0];
	vm2 =	veq.s32 v14, $0x2  }
0x414: {  	v23 =	vld [tilespmem:$0x6A0];
	vm3 =	veq.s32 v20, $0x2;
	vm1 =	veq.s32 v14, $0x1;
	vm0 =	veq.s32 v14, $0x0  }
0x415: {  	v26 =	vld [tilespmem:$0x6B0];
	v24 =	vsel vm2, v12, v17;
	v28 =	vsel vm3, v5, v13;
	v30 =	vsel vm3, v6, v15  }
0x416: {  	v29 =	vld [tilespmem:$0x6C0];
	v56 =	vsel vm3, v7, v16;
	v58 =	vsel vm3, v8, v18;
	v59 =	vsel vm3, v9, v19  }
0x417: {  	v31 =	vld [tilespmem:$0x6D0];
	v60 =	vsel vm3, v10, v21;
	v61 =	vsel vm3, v11, v22;
	v62 =	vsel vm3, v12, v17  }
0x418: {  	v25 =	vld [tilespmem:$0x2A0];
	v63 =	vsel vm2, v5, v13;
	v48 =	vsel vm2, v6, v15;
	v49 =	vsel vm2, v7, v16  }
0x419: {  	v27 =	vld [tilespmem:$0x2B0];
	v50 =	vsel vm2, v8, v18;
	v51 =	vsel vm2, v9, v19;
	v14 =	vsel vm1, v4, v24  }
0x41a: {  	v52 =	vsel vm2, v10, v21;
	vm3 =	veq.s32 v20, $0x1;
	v57 =	vsel vm0, v0, v14;
	v14 =	vld [tilespmem:$0x6E0]  }
0x41b: {  	s18 =	simm.s32 $0x0;
	v33 =	vsel vm2, v11, v22;
	v24 =	vld [tilespmem:$0x290];
	v41 =	vsel vm3, v2, v28;
	v38 =	vsel vm3, v3, v30  }
0x41c: {  	s19 =	simm.s32 $0x80;
	s29 =	sand.u32 $0x6000, s18;
	v28 =	vld [tilespmem:$0x2C0];
	v43 =	vsel vm3, v23, v56;
	v39 =	vsel vm3, v26, v58;
	v36 =	vsel vm3, v29, v59  }
0x41d: {  	s30 =	simm.s32 $0x0;
	s31 =	sand.u32 $0x380, s19;
	s22 =	sor.u32 $0x1200, s29;
	v30 =	vld [tilespmem:$0x2D0];
	v44 =	vsel vm3, v31, v60;
	v40 =	vsel vm3, v4, v62;
	v47 =	vsel vm1, v2, v63  }
0x41e: {  	s20 =	sand.u32 $0x300, s30;
	s17 =	sadd.s32 s31, s22;
	v32 =	vld [tilespmem:$0x2E0];
	v34 =	vsel vm1, v3, v48;
	v37 =	vsel vm1, v23, v49;
	v46 =	vsel vm1, v26, v50  }
0x41f: {  	s21 =	simm.s32 $0x0;
	s20 =	sadd.s32 s20, s22;
	s22 =	simm.s32 $0x11230;
	v45 =	vsel vm1, v29, v51;
	v35 =	vsel vm1, v31, v52;
	[tilespmem:s17+$0x9470] =	vst v57;
	v42 =	vsel vm3, v14, v61  }
.LBB2_33:
0x420: {  	v48 =	vld [tilespmem:s22+$0x0];
	s21 =	sadd.s32 $0x2, s21;
	vm2 =	veq.s32 v20, $0x0;
	v47 =	vsel vm0, v1, v47;
	v33 =	vsel vm1, v14, v33  }
0x421: {  	v20 =	vld [tilespmem:s22+$0xFFFFFFF0];
	p0 =	slt.u32 s21, $0x1E;
	v41 =	vsel vm2, v1, v41;
	v38 =	vsel vm2, v24, v38;
	v43 =	vsel vm2, v25, v43;
	[tilespmem:s17+$0x9400] =	vst v47  }
0x422: {  	v39 =	vsel vm2, v27, v39;
	v36 =	vsel vm2, v28, v36;
	[tilespmem:s20+$0x9400] =	vst v41;
	v41 =	vsel vm2, v30, v44  }
0x423: {  	v34 =	vsel vm0, v24, v34;
	v40 =	vsel vm2, v0, v40;
	[tilespmem:s20+$0x9410] =	vst v38;
	v38 =	vsel vm2, v32, v42  }
0x424: {  	v37 =	vsel vm0, v25, v37;
	v44 =	vsel vm0, v28, v45;
	v42 =	vsel vm0, v27, v46;
	[tilespmem:s20+$0x9420] =	vst v43  }
0x425: {  	v35 =	vsel vm0, v30, v35;
	s18 =	sadd.s32 $0x800, s18;
	v45 =	vsel vm0, v32, v33;
	vm2 =	veq.s32 v48, $0x2;
	[tilespmem:s20+$0x9430] =	vst v39  }
0x426: {  	s19 =	sadd.s32 $0x100, s19;
	s23 =	sand.u32 $0x6000, s18;
	vm1 =	veq.s32 v48, $0x1;
	vm3 =	veq.s32 v20, $0x2;
	v33 =	vsel vm2, v12, v17;
	[tilespmem:s20+$0x9440] =	vst v36  }
0x427: {  	s24 =	sadd.s32 $0xFFFFFF80, s19;
	s25 =	sand.u32 $0x380, s19;
	s23 =	sor.u32 $0x1200, s23;
	vm0 =	veq.s32 v48, $0x0;
	v36 =	vsel vm3, v5, v13;
	v33 =	vsel vm1, v4, v33;
	[tilespmem:s20+$0x9450] =	vst v41  }
0x428: {  	s24 =	sand.u32 $0x300, s24;
	s25 =	sadd.s32 s25, s23;
	v39 =	vsel vm3, v6, v15;
	v43 =	vsel vm3, v7, v16;
	v33 =	vsel vm0, v0, v33;
	[tilespmem:s20+$0x9460] =	vst v38  }
0x429: {  	s23 =	sadd.s32 s24, s23;
	v46 =	vsel vm3, v8, v18;
	v48 =	vsel vm3, v9, v19;
	v49 =	vsel vm3, v10, v21;
	[tilespmem:s25+$0x9470] =	vst v33  }
0x42a: {  	v50 =	vsel vm3, v11, v22;
	v51 =	vsel vm3, v12, v17;
	v38 =	vsel vm2, v5, v13;
	[tilespmem:s20+$0x9470] =	vst v40;
	s20 =	smov.u32 s23  }
0x42b: {  	v52 =	vsel vm2, v7, v16;
	v53 =	vsel vm2, v8, v18;
	v40 =	vsel vm2, v6, v15;
	[tilespmem:s17+$0x9410] =	vst v34  }
0x42c: {  	v54 =	vsel vm2, v9, v19;
	v55 =	vsel vm2, v10, v21;
	v33 =	vsel vm2, v11, v22;
	[tilespmem:s17+$0x9420] =	vst v37  }
.Ltmp15:
0x42d: {  	v47 =	vsel vm1, v2, v38;
	vm2 =	veq.s32 v20, $0x1;
	v34 =	vsel vm1, v3, v40;
	[tilespmem:s17+$0x9430] =	vst v42;
	(pc) =	sbr.rel @p0 .LBB2_33-.Ltmp15, $4  }
0x42e: {  	v41 =	vsel vm2, v2, v36;
	v38 =	vsel vm2, v3, v39;
	v43 =	vsel vm2, v23, v43;
	[tilespmem:s17+$0x9440] =	vst v44  }
0x42f: {  	v39 =	vsel vm2, v26, v46;
	v36 =	vsel vm2, v29, v48;
	v44 =	vsel vm2, v31, v49;
	[tilespmem:s17+$0x9450] =	vst v35  }
0x430: {  	v40 =	vsel vm2, v4, v51;
	v37 =	vsel vm1, v23, v52;
	v42 =	vsel vm2, v14, v50;
	[tilespmem:s17+$0x9460] =	vst v45;
	s17 =	smov.u32 s25  }
0x431: {  	s22 =	sadd.s32 $0x20, s22;
	v46 =	vsel vm1, v26, v53;
	v35 =	vsel vm1, v31, v55;
	v45 =	vsel vm1, v29, v54  }
0x432: {  	vm2 =	veq.s32 v20, $0x0;
	v2 =	vsel vm0, v1, v47  }
0x433: {  	v1 =	vsel vm2, v1, v41;
	[tilespmem:s17+$0x9400] =	vst v2  }
0x434: {  	v2 =	vsel vm2, v24, v38;
	[tilespmem:s20+$0x9400] =	vst v1  }
0x435: {  	v0 =	vsel vm2, v0, v40;
	[tilespmem:s20+$0x9410] =	vst v2  }
0x436: {  	v1 =	vsel vm2, v25, v43;
	[tilespmem:s20+$0x9470] =	vst v0  }
0x437: {  	v2 =	vsel vm2, v27, v39;
	[tilespmem:s20+$0x9420] =	vst v1  }
0x438: {  	v0 =	vsel vm0, v25, v37;
	[tilespmem:s20+$0x9430] =	vst v2  }
0x439: {  	v1 =	vsel vm2, v28, v36;
	[tilespmem:s17+$0x9420] =	vst v0  }
0x43a: {  	v2 =	vsel vm2, v30, v44;
	[tilespmem:s20+$0x9440] =	vst v1  }
0x43b: {  	v0 =	vsel vm0, v28, v45;
	[tilespmem:s20+$0x9450] =	vst v2  }
0x43c: {  	v1 =	vsel vm2, v32, v42;
	[tilespmem:s17+$0x9440] =	vst v0  }
0x43d: {  	[tilespmem:s20+$0x9460] =	vst v1;
	v1 =	vsel vm0, v24, v34  }
0x43e: {  	[tilespmem:s17+$0x9410] =	vst v1;
	v1 =	vsel vm0, v27, v46  }
0x43f: {  	v2 =	vsel vm0, v30, v35;
	[tilespmem:s17+$0x9430] =	vst v1;
	v1 =	vsel vm1, v14, v33  }
0x440: {  	[tilespmem:s17+$0x9450] =	vst v2;
	v0 =	vsel vm0, v32, v1  }
0x441: {  	[tilespmem:s17+$0x9460] =	vst v0  }
0x442: {  	v1 =	vld [tilespmem:$0x300]  }
0x443: {  	v0 =	vld [tilespmem:$0x370]  }
0x444: {  	v2 =	vld [tilespmem:$0x700]  }
0x445: {  	v3 =	vld [tilespmem:$0x710]  }
0x446: {  	v5 =	vld [tilespmem:$0xB00]  }
0x447: {  	v6 =	vld [tilespmem:$0xB10]  }
0x448: {  	v7 =	vld [tilespmem:$0xB20]  }
0x449: {  	v8 =	vld [tilespmem:$0xB30]  }
0x44a: {  	v9 =	vld [tilespmem:$0xB40]  }
0x44b: {  	v10 =	vld [tilespmem:$0xB50]  }
0x44c: {  	v11 =	vld [tilespmem:$0xB60]  }
0x44d: {  	v13 =	vld [tilespmem:$0xB70]  }
0x44e: {  	v14 =	vld [tilespmem:$0xF00]  }
0x44f: {  	v15 =	vld [tilespmem:$0xF10]  }
0x450: {  	v16 =	vld [tilespmem:$0xF20]  }
0x451: {  	s30 =	simm.s32 $0x11210;
	v17 =	vld [tilespmem:$0xF70]  }
0x452: {  	v12 =	vld [tilespmem:s30+$0x0]  }
0x453: {  	v19 =	vld [tilespmem:s30+$0xFFFFFFF0]  }
0x454: {  	v18 =	vld [tilespmem:$0xF30]  }
0x455: {  	v20 =	vld [tilespmem:$0xF40]  }
0x456: {  	v21 =	vld [tilespmem:$0xF50]  }
0x457: {  	v22 =	vld [tilespmem:$0xF60]  }
0x458: {  	v4 =	vld [tilespmem:$0x770];
	vm2 =	veq.s32 v12, $0x2  }
0x459: {  	v24 =	vld [tilespmem:$0x720];
	vm3 =	veq.s32 v19, $0x2;
	vm1 =	veq.s32 v12, $0x1;
	vm0 =	veq.s32 v12, $0x0  }
0x45a: {  	v27 =	vld [tilespmem:$0x730];
	v23 =	vsel vm2, v13, v17;
	v28 =	vsel vm3, v5, v14;
	v30 =	vsel vm3, v6, v15  }
0x45b: {  	v29 =	vld [tilespmem:$0x740];
	v55 =	vsel vm3, v7, v16;
	v57 =	vsel vm3, v8, v18;
	v58 =	vsel vm3, v9, v20  }
0x45c: {  	v31 =	vld [tilespmem:$0x750];
	v59 =	vsel vm3, v10, v21;
	v60 =	vsel vm3, v11, v22;
	v61 =	vsel vm3, v13, v17  }
0x45d: {  	v25 =	vld [tilespmem:$0x320];
	v62 =	vsel vm2, v5, v14;
	v63 =	vsel vm2, v6, v15;
	v48 =	vsel vm2, v7, v16  }
0x45e: {  	v26 =	vld [tilespmem:$0x330];
	v49 =	vsel vm2, v8, v18;
	v50 =	vsel vm2, v9, v20;
	v12 =	vsel vm1, v4, v23  }
0x45f: {  	s18 =	simm.s32 $0x0;
	v51 =	vsel vm2, v10, v21;
	vm3 =	veq.s32 v19, $0x1;
	v56 =	vsel vm0, v0, v12;
	v12 =	vld [tilespmem:$0x760]  }
0x460: {  	s31 =	sand.u32 $0x7, s18;
	v33 =	vsel vm2, v11, v22;
	v23 =	vld [tilespmem:$0x310];
	v44 =	vsel vm3, v2, v28;
	v38 =	vsel vm3, v3, v30  }
0x461: {  	s17 =	sshll.u32 s31, $0x7;
	v28 =	vld [tilespmem:$0x340];
	v41 =	vsel vm3, v24, v55;
	v37 =	vsel vm3, v27, v57;
	v36 =	vsel vm3, v29, v58  }
0x462: {  	s19 =	simm.s32 $0x80;
	s22 =	simm.s32 $0x0;
	s17 =	sadd.s32 $0x80, s17;
	v30 =	vld [tilespmem:$0x350];
	v39 =	vsel vm3, v31, v59;
	v42 =	vsel vm3, v4, v61;
	v47 =	vsel vm1, v2, v62  }
0x463: {  	s23 =	simm.s32 $0x0;
	s21 =	sand.u32 $0x3, s18;
	v32 =	vld [tilespmem:$0x360];
	s17 =	sor.u32 $0x9800, s17;
	v34 =	vsel vm1, v3, v63;
	v40 =	vsel vm1, v24, v48;
	v46 =	vsel vm1, v27, v49  }
0x464: {  	s24 =	sshll.u32 s21, $0x8;
	s21 =	simm.s32 $0x11230;
	s20 =	simm.s32 $0x0;
	v45 =	vsel vm1, v29, v50;
	v35 =	vsel vm1, v31, v51;
	[tilespmem:s17+$0x1270] =	vst v56;
	v43 =	vsel vm3, v12, v60  }
.LBB2_35:
0x465: {  	v48 =	vld [tilespmem:s21+$0x0];
	s20 =	sadd.s32 $0x2, s20;
	s24 =	sadd.s32 s24, s18;
	vm2 =	veq.s32 v19, $0x0;
	v47 =	vsel vm0, v1, v47;
	v33 =	vsel vm1, v12, v33  }
0x466: {  	v19 =	vld [tilespmem:s21+$0xFFFFFFF0];
	p0 =	slt.u32 s20, $0x1E;
	v44 =	vsel vm2, v1, v44;
	s24 =	sor.u32 $0x9800, s24;
	v38 =	vsel vm2, v23, v38;
	v41 =	vsel vm2, v25, v41;
	[tilespmem:s17+$0x1200] =	vst v47  }
0x467: {  	v37 =	vsel vm2, v26, v37;
	v36 =	vsel vm2, v28, v36;
	v39 =	vsel vm2, v30, v39;
	[tilespmem:s24+$0x1200] =	vst v44  }
0x468: {  	v34 =	vsel vm0, v23, v34;
	v42 =	vsel vm2, v0, v42;
	[tilespmem:s24+$0x1210] =	vst v38;
	v38 =	vsel vm2, v32, v43  }
0x469: {  	v40 =	vsel vm0, v25, v40;
	s22 =	sadd.s32 $0x2, s22;
	v43 =	vsel vm0, v28, v45;
	[tilespmem:s24+$0x1220] =	vst v41;
	v41 =	vsel vm0, v26, v46  }
0x46a: {  	v35 =	vsel vm0, v30, v35;
	s25 =	sand.u32 $0x7, s22;
	v45 =	vsel vm0, v32, v33;
	vm2 =	veq.s32 v48, $0x2;
	[tilespmem:s24+$0x1230] =	vst v37  }
0x46b: {  	s19 =	sadd.s32 $0x800, s19;
	s25 =	sshll.u32 s25, $0x7;
	vm1 =	veq.s32 v48, $0x1;
	vm3 =	veq.s32 v19, $0x2;
	v33 =	vsel vm2, v13, v17;
	[tilespmem:s24+$0x1240] =	vst v36  }
0x46c: {  	s25 =	sadd.s32 s25, s19;
	vm0 =	veq.s32 v48, $0x0;
	v36 =	vsel vm3, v5, v14;
	v33 =	vsel vm1, v4, v33;
	[tilespmem:s24+$0x1250] =	vst v39  }
0x46d: {  	s25 =	sor.u32 $0x9800, s25;
	v37 =	vsel vm3, v6, v15;
	v39 =	vsel vm3, v7, v16;
	v33 =	vsel vm0, v0, v33;
	[tilespmem:s24+$0x1260] =	vst v38  }
0x46e: {  	v46 =	vsel vm3, v8, v18;
	v48 =	vsel vm3, v9, v20;
	v49 =	vsel vm3, v10, v21;
	[tilespmem:s25+$0x1270] =	vst v33  }
0x46f: {  	v50 =	vsel vm3, v11, v22;
	v51 =	vsel vm3, v13, v17;
	v38 =	vsel vm2, v5, v14;
	[tilespmem:s24+$0x1270] =	vst v42  }
0x470: {  	v52 =	vsel vm2, v7, v16;
	v53 =	vsel vm2, v8, v18;
	v42 =	vsel vm2, v6, v15;
	[tilespmem:s17+$0x1210] =	vst v34  }
0x471: {  	v54 =	vsel vm2, v9, v20;
	v55 =	vsel vm2, v10, v21;
	v33 =	vsel vm2, v11, v22;
	[tilespmem:s17+$0x1220] =	vst v40  }
.Ltmp16:
0x472: {  	v47 =	vsel vm1, v2, v38;
	vm2 =	veq.s32 v19, $0x1;
	v34 =	vsel vm1, v3, v42;
	[tilespmem:s17+$0x1230] =	vst v41;
	(pc) =	sbr.rel @p0 .LBB2_35-.Ltmp16, $4  }
0x473: {  	v44 =	vsel vm2, v2, v36;
	v38 =	vsel vm2, v3, v37;
	v41 =	vsel vm2, v24, v39;
	[tilespmem:s17+$0x1240] =	vst v43  }
0x474: {  	s23 =	sadd.s32 $0x1, s23;
	v37 =	vsel vm2, v27, v46;
	v36 =	vsel vm2, v29, v48;
	v39 =	vsel vm2, v31, v49;
	[tilespmem:s17+$0x1250] =	vst v35  }
0x475: {  	s24 =	sand.u32 $0x3, s23;
	v42 =	vsel vm2, v4, v51;
	v40 =	vsel vm1, v24, v52;
	v43 =	vsel vm2, v12, v50;
	[tilespmem:s17+$0x1260] =	vst v45;
	s17 =	smov.u32 s25  }
0x476: {  	s18 =	sadd.s32 $0x800, s18;
	s21 =	sadd.s32 $0x20, s21;
	s24 =	sshll.u32 s24, $0x8;
	v46 =	vsel vm1, v27, v53;
	v35 =	vsel vm1, v31, v55;
	v45 =	vsel vm1, v29, v54  }
0x477: {  	s18 =	sadd.s32 s24, s18;
	vm2 =	veq.s32 v19, $0x0;
	v2 =	vsel vm0, v1, v47  }
0x478: {  	v1 =	vsel vm2, v1, v44;
	s18 =	sor.u32 $0x9800, s18;
	[tilespmem:s17+$0x1200] =	vst v2  }
0x479: {  	v2 =	vsel vm2, v23, v38;
	[tilespmem:s18+$0x1200] =	vst v1  }
0x47a: {  	v0 =	vsel vm2, v0, v42;
	[tilespmem:s18+$0x1210] =	vst v2  }
0x47b: {  	v1 =	vsel vm2, v25, v41;
	[tilespmem:s18+$0x1270] =	vst v0  }
0x47c: {  	v2 =	vsel vm2, v26, v37;
	[tilespmem:s18+$0x1220] =	vst v1  }
0x47d: {  	v0 =	vsel vm0, v25, v40;
	[tilespmem:s18+$0x1230] =	vst v2  }
0x47e: {  	v1 =	vsel vm2, v28, v36;
	[tilespmem:s17+$0x1220] =	vst v0  }
0x47f: {  	v2 =	vsel vm2, v30, v39;
	[tilespmem:s18+$0x1240] =	vst v1  }
0x480: {  	v0 =	vsel vm0, v28, v45;
	[tilespmem:s18+$0x1250] =	vst v2  }
0x481: {  	v1 =	vsel vm2, v32, v43;
	[tilespmem:s17+$0x1240] =	vst v0  }
0x482: {  	[tilespmem:s18+$0x1260] =	vst v1;
	v1 =	vsel vm0, v23, v34  }
0x483: {  	[tilespmem:s17+$0x1210] =	vst v1;
	v1 =	vsel vm0, v26, v46  }
0x484: {  	v2 =	vsel vm0, v30, v35;
	[tilespmem:s17+$0x1230] =	vst v1;
	v1 =	vsel vm1, v12, v33  }
0x485: {  	[tilespmem:s17+$0x1250] =	vst v2;
	v0 =	vsel vm0, v32, v1  }
0x486: {  	[tilespmem:s17+$0x1260] =	vst v0  }
0x487: {  	v1 =	vld [tilespmem:$0x380]  }
0x488: {  	v0 =	vld [tilespmem:$0x3F0]  }
0x489: {  	v2 =	vld [tilespmem:$0x780]  }
0x48a: {  	v3 =	vld [tilespmem:$0x790]  }
0x48b: {  	v5 =	vld [tilespmem:$0xB80]  }
0x48c: {  	v6 =	vld [tilespmem:$0xB90]  }
0x48d: {  	v7 =	vld [tilespmem:$0xBA0]  }
0x48e: {  	v8 =	vld [tilespmem:$0xBB0]  }
0x48f: {  	v9 =	vld [tilespmem:$0xBC0]  }
0x490: {  	v10 =	vld [tilespmem:$0xBD0]  }
0x491: {  	v11 =	vld [tilespmem:$0xBE0]  }
0x492: {  	v12 =	vld [tilespmem:$0xBF0]  }
0x493: {  	v13 =	vld [tilespmem:$0xF80]  }
0x494: {  	v15 =	vld [tilespmem:$0xF90]  }
0x495: {  	v16 =	vld [tilespmem:$0xFA0]  }
0x496: {  	s29 =	simm.s32 $0x11210;
	v17 =	vld [tilespmem:$0xFF0]  }
0x497: {  	v14 =	vld [tilespmem:s29+$0x0]  }
0x498: {  	v20 =	vld [tilespmem:s29+$0xFFFFFFF0]  }
0x499: {  	v18 =	vld [tilespmem:$0xFB0]  }
0x49a: {  	v19 =	vld [tilespmem:$0xFC0]  }
0x49b: {  	v21 =	vld [tilespmem:$0xFD0]  }
0x49c: {  	v22 =	vld [tilespmem:$0xFE0]  }
0x49d: {  	v4 =	vld [tilespmem:$0x7F0];
	vm2 =	veq.s32 v14, $0x2  }
0x49e: {  	v23 =	vld [tilespmem:$0x7A0];
	vm3 =	veq.s32 v20, $0x2;
	vm1 =	veq.s32 v14, $0x1;
	vm0 =	veq.s32 v14, $0x0  }
0x49f: {  	v26 =	vld [tilespmem:$0x7B0];
	v24 =	vsel vm2, v12, v17;
	v28 =	vsel vm3, v5, v13;
	v30 =	vsel vm3, v6, v15  }
0x4a0: {  	v29 =	vld [tilespmem:$0x7C0];
	v56 =	vsel vm3, v7, v16;
	v58 =	vsel vm3, v8, v18;
	v59 =	vsel vm3, v9, v19  }
0x4a1: {  	v31 =	vld [tilespmem:$0x7D0];
	v60 =	vsel vm3, v10, v21;
	v61 =	vsel vm3, v11, v22;
	v62 =	vsel vm3, v12, v17  }
0x4a2: {  	v25 =	vld [tilespmem:$0x3A0];
	v63 =	vsel vm2, v5, v13;
	v48 =	vsel vm2, v6, v15;
	v49 =	vsel vm2, v7, v16  }
0x4a3: {  	v27 =	vld [tilespmem:$0x3B0];
	v50 =	vsel vm2, v8, v18;
	v51 =	vsel vm2, v9, v19;
	v14 =	vsel vm1, v4, v24  }
0x4a4: {  	v52 =	vsel vm2, v10, v21;
	vm3 =	veq.s32 v20, $0x1;
	v57 =	vsel vm0, v0, v14;
	v14 =	vld [tilespmem:$0x7E0]  }
0x4a5: {  	v33 =	vsel vm2, v11, v22;
	v24 =	vld [tilespmem:$0x390];
	v42 =	vsel vm3, v2, v28;
	v39 =	vsel vm3, v3, v30  }
0x4a6: {  	s19 =	simm.s32 $0x80;
	s20 =	simm.s32 $0x0;
	v28 =	vld [tilespmem:$0x3C0];
	v44 =	vsel vm3, v23, v56;
	v40 =	vsel vm3, v26, v58;
	v37 =	vsel vm3, v29, v59  }
0x4a7: {  	s30 =	simm.s32 $0x0;
	s31 =	sor.u32 s19, s20;
	v30 =	vld [tilespmem:$0x3D0];
	v43 =	vsel vm3, v31, v60;
	v38 =	vsel vm3, v4, v62;
	v47 =	vsel vm1, v2, v63  }
0x4a8: {  	s22 =	sor.u32 s30, s20;
	s17 =	sor.u32 $0x9C00, s31;
	v32 =	vld [tilespmem:$0x3E0];
	v34 =	vsel vm1, v3, v48;
	v36 =	vsel vm1, v23, v49;
	v46 =	vsel vm1, v26, v50  }
0x4a9: {  	s21 =	simm.s32 $0x0;
	s18 =	sor.u32 $0x9C00, s22;
	s22 =	simm.s32 $0x11230;
	v45 =	vsel vm1, v29, v51;
	v35 =	vsel vm1, v31, v52;
	[tilespmem:s17+$0x1270] =	vst v57;
	v41 =	vsel vm3, v14, v61  }
.LBB2_37:
0x4aa: {  	v48 =	vld [tilespmem:s22+$0x0];
	s21 =	sadd.s32 $0x2, s21;
	vm2 =	veq.s32 v20, $0x0;
	v47 =	vsel vm0, v1, v47;
	v33 =	vsel vm1, v14, v33  }
0x4ab: {  	v20 =	vld [tilespmem:s22+$0xFFFFFFF0];
	p0 =	slt.u32 s21, $0x1E;
	v42 =	vsel vm2, v1, v42;
	v39 =	vsel vm2, v24, v39;
	v44 =	vsel vm2, v25, v44;
	[tilespmem:s17+$0x1200] =	vst v47  }
0x4ac: {  	v40 =	vsel vm2, v27, v40;
	v37 =	vsel vm2, v28, v37;
	[tilespmem:s18+$0x1200] =	vst v42;
	v42 =	vsel vm2, v30, v43  }
0x4ad: {  	v34 =	vsel vm0, v24, v34;
	v38 =	vsel vm2, v0, v38;
	[tilespmem:s18+$0x1210] =	vst v39;
	v39 =	vsel vm2, v32, v41  }
0x4ae: {  	v36 =	vsel vm0, v25, v36;
	v43 =	vsel vm0, v28, v45;
	v41 =	vsel vm0, v27, v46;
	[tilespmem:s18+$0x1220] =	vst v44  }
0x4af: {  	v35 =	vsel vm0, v30, v35;
	v45 =	vsel vm0, v32, v33;
	vm2 =	veq.s32 v48, $0x2;
	[tilespmem:s18+$0x1230] =	vst v40  }
0x4b0: {  	s19 =	sadd.s32 $0x100, s19;
	s20 =	sadd.s32 $0x800, s20;
	vm1 =	veq.s32 v48, $0x1;
	vm3 =	veq.s32 v20, $0x2;
	v33 =	vsel vm2, v12, v17;
	[tilespmem:s18+$0x1240] =	vst v37  }
0x4b1: {  	s23 =	sadd.s32 $0xFFFFFF80, s19;
	s24 =	sor.u32 s19, s20;
	vm0 =	veq.s32 v48, $0x0;
	v37 =	vsel vm3, v5, v13;
	v33 =	vsel vm1, v4, v33;
	[tilespmem:s18+$0x1250] =	vst v42  }
0x4b2: {  	s23 =	sor.u32 s23, s20;
	s24 =	sor.u32 $0x9C00, s24;
	v40 =	vsel vm3, v6, v15;
	v44 =	vsel vm3, v7, v16;
	v33 =	vsel vm0, v0, v33;
	[tilespmem:s18+$0x1260] =	vst v39  }
0x4b3: {  	s23 =	sor.u32 $0x9C00, s23;
	v46 =	vsel vm3, v8, v18;
	v48 =	vsel vm3, v9, v19;
	v49 =	vsel vm3, v10, v21;
	[tilespmem:s24+$0x1270] =	vst v33  }
0x4b4: {  	v50 =	vsel vm3, v11, v22;
	v51 =	vsel vm3, v12, v17;
	v39 =	vsel vm2, v5, v13;
	[tilespmem:s18+$0x1270] =	vst v38;
	s18 =	smov.u32 s23  }
0x4b5: {  	v52 =	vsel vm2, v7, v16;
	v53 =	vsel vm2, v8, v18;
	v38 =	vsel vm2, v6, v15;
	[tilespmem:s17+$0x1210] =	vst v34  }
0x4b6: {  	v54 =	vsel vm2, v9, v19;
	v55 =	vsel vm2, v10, v21;
	v33 =	vsel vm2, v11, v22;
	[tilespmem:s17+$0x1220] =	vst v36  }
.Ltmp17:
0x4b7: {  	v47 =	vsel vm1, v2, v39;
	vm2 =	veq.s32 v20, $0x1;
	v34 =	vsel vm1, v3, v38;
	[tilespmem:s17+$0x1230] =	vst v41;
	(pc) =	sbr.rel @p0 .LBB2_37-.Ltmp17, $4  }
0x4b8: {  	v42 =	vsel vm2, v2, v37;
	v39 =	vsel vm2, v3, v40;
	v44 =	vsel vm2, v23, v44;
	[tilespmem:s17+$0x1240] =	vst v43  }
0x4b9: {  	v40 =	vsel vm2, v26, v46;
	v37 =	vsel vm2, v29, v48;
	v43 =	vsel vm2, v31, v49;
	[tilespmem:s17+$0x1250] =	vst v35  }
0x4ba: {  	v38 =	vsel vm2, v4, v51;
	v36 =	vsel vm1, v23, v52;
	v41 =	vsel vm2, v14, v50;
	[tilespmem:s17+$0x1260] =	vst v45;
	s17 =	smov.u32 s24  }
0x4bb: {  	s22 =	sadd.s32 $0x20, s22;
	v46 =	vsel vm1, v26, v53;
	v35 =	vsel vm1, v31, v55;
	v45 =	vsel vm1, v29, v54  }
0x4bc: {  	v2 =	vsel vm0, v1, v47  }
0x4bd: {  	v57 =	vsel vm0, v24, v34;
	[tilespmem:s17+$0x1200] =	vst v2  }
0x4be: {  	v58 =	vsel vm0, v25, v36;
	[tilespmem:s17+$0x1210] =	vst v57  }
0x4bf: {  	v59 =	vsel vm0, v27, v46;
	[tilespmem:s17+$0x1220] =	vst v58  }
0x4c0: {  	v60 =	vsel vm0, v28, v45;
	[tilespmem:s17+$0x1230] =	vst v59  }
0x4c1: {  	vm2 =	veq.s32 v20, $0x0;
	v62 =	vsel vm0, v30, v35;
	[tilespmem:s17+$0x1240] =	vst v60  }
0x4c2: {  	v50 =	vsel vm2, v1, v42;
	[tilespmem:s17+$0x1250] =	vst v62  }
0x4c3: {  	v51 =	vsel vm2, v24, v39;
	[tilespmem:s18+$0x1200] =	vst v50  }
0x4c4: {  	v52 =	vsel vm2, v25, v44;
	[tilespmem:s18+$0x1210] =	vst v51  }
0x4c5: {  	v53 =	vsel vm2, v27, v40;
	[tilespmem:s18+$0x1220] =	vst v52  }
0x4c6: {  	s15 =	sadd.s32 $0x1, s15;
	v54 =	vsel vm2, v28, v37;
	[tilespmem:s18+$0x1230] =	vst v53  }
0x4c7: {  	v55 =	vsel vm2, v30, v43;
	p0 =	sne.s32 s15, $0x8;
	[tilespmem:s18+$0x1240] =	vst v54  }
.Ltmp18:
0x4c8: {  	v56 =	vsel vm2, v32, v41;
	[tilespmem:s18+$0x1250] =	vst v55;
	(pc) =	sbr.rel @p0 .LBB2_2-.Ltmp18, $4  }
0x4c9: {  	v61 =	vsel vm1, v14, v33;
	v0 =	vsel vm2, v0, v38;
	[tilespmem:s18+$0x1260] =	vst v56  }
0x4ca: {  	s16 =	sshll.u32 s16, $0xC;
	v63 =	vsel vm0, v32, v61;
	[tilespmem:s18+$0x1270] =	vst v0  }
0x4cb: {  	s14 =	sadd.s32 $0x40, s14;
	s16 =	sadd.s32 s16, s5;
	[tilespmem:s17+$0x1260] =	vst v63  }
0x4cc: {  	[hbm4b:s16+s2] =	stream.linear.scatter [tilespmem:s10], [sflag:$0x2], $0x8000, $0x38;
	[tilespmem:$0x11400] =	vst v63  }
0x4cd: {  	s13 =	sadd.s32 $0x1, s13  }
0x4ce: {  	_ =	swait.ge [sflag:s11], $0x8000;
	p0 =	sne.s32 s13, s6  }
.Ltmp19:
0x4cf: {  	[sflag:s11] =	ssyncset.done $0x0;
	(pc) =	sbr.rel @p0 .LBB2_1-.Ltmp19, $4  }
0x4d0: {  	[sflag:s11] =	ssyncadd.s32 $0xFFFF8000  }
0x4d1: {  	_ =	swait.ge [sflag:s12], $0x8000  }
0x4d2: {  	[sflag:s12] =	ssyncset.done $0x0  }
0x4d3: {  	[sflag:s12] =	ssyncadd.s32 $0xFFFF8000  }
0x4d4: {  	_ =	sfence.sel $0x180000  }
0x4d5: {  	[bflag:$0x0] =	sbarrier.arrive $0xFFFF  }
0x4d6: {  	p0 =	sne.s32 s1, $0x0;
	_ =	strace $0x90000047  }
0x4d7: {  	s0 =	sadd.s32 @!p0 $0x100000, s0;
	[bflag:$0x2] =	sbarrier.arrive $0xFFFF  }
0x4d8: {  	[sflag:s0] =	ssyncadd.tile.s32 @!p0 $0x1;
	_ =	shalt  }
.Lfunc_end2:
_tile_overlayer_lowered:
.L_overlay_start_2:
0x4d9: {  	(tag) =	ssettag $0x2  }
0x4da: {  	s0 =	rddreg [dreg:$0x0];
	s2 =	stileid.u32  }
0x4db: {  	s1 =	rddreg [dreg:$0x1];
	p0 =	sne.s32 s2, $0x0  }
0x4dc: {  	s3 =	rddreg [dreg:$0x2];
	[bflag:$0x3] =	sbarrier.arrive $0xFFFF;
	s2 =	simm.s32 @!p0 $0x1C03  }
0x4dd: {  	[timem:s3], [sflag:s2] =	dma.local @!p0 [hbm:s0], s1  }
0x4de: {  	s0 =	simm.s32 @!p0 $0x3  }
0x4df: {  	_ =	swait.ge @!p0 [sflag:s0], s1  }
0x4e0: {  	s1 =	ssub.s32 @!p0 $0x0, s1;
	[sflag:s0] =	ssyncset.done @!p0 $0x0  }
0x4e1: {  	[sflag:s0] =	ssyncadd.s32 @!p0 s1  }
0x4e2: {  	[bflag:$0x3] =	sbarrier.arrive $0xFFFF  }
0x4e3: {  	_ =	shalt  }

</sc_bundles>
